<compile_context>
chip_gen: v7x
topology: tpu7x:2x2x1
jax: 0.10.2.dev20260603
libtpu: 0.0.44.dev20260713+nightly
codegen_flags: <defaults>
</compile_context>

<pallas_src>
import jax
import jax.numpy as jnp
import numpy as np
from jax.experimental import pallas as pl

EMBED_DIM = 36
OUT_DIMS = [72, 144, 288, 576]
GROUP_NUMS = [1024, 512, 256, 128]
K_NEIGHBORS = 40
ALPHA = 1000.0
BETA = 100.0


def _index_points(points, idx):
    B = points.shape[0]
    bidx = jnp.arange(B).reshape((B,) + (1,) * (idx.ndim - 1))
    return points[bidx, idx]


def _square_distance(src, dst):
    dist = -2.0 * jnp.matmul(src, jnp.transpose(dst, (0, 2, 1)))
    dist = dist + jnp.sum(src ** 2, -1)[:, :, None]
    dist = dist + jnp.sum(dst ** 2, -1)[:, None, :]
    return dist


def _bn(xv, g, b, axes):
    m = jnp.mean(xv, axis=axes, keepdims=True)
    v = jnp.var(xv, axis=axes, keepdims=True)
    xh = (xv - m) / jnp.sqrt(v + 1e-5)
    shape = [1] * xv.ndim
    shape[1] = xv.shape[1]
    return xh * g.reshape(shape) + b.reshape(shape)


def _maxk_pallas(h):
    B, C, G, K = h.shape

    def body(h_ref, o_ref):
        o_ref[...] = jnp.max(h_ref[...], axis=-1)

    Cb, Gb = 72, 128
    return pl.pallas_call(
        body,
        grid=(B, C // Cb, G // Gb),
        in_specs=[pl.BlockSpec((1, Cb, Gb, K), lambda b, c, g: (b, c, g, 0))],
        out_specs=pl.BlockSpec((1, Cb, Gb), lambda b, c, g: (b, c, g)),
        out_shape=jax.ShapeDtypeStruct((B, C, G), h.dtype),
    )(h)


def kernel(xyz, x, params):
    feat = jnp.einsum('oc,bcn->bon', params['w0'], x)
    feat = jax.nn.relu(_bn(feat, params['g0'], params['b0'], (0, 2)))
    cur_xyz, cur_x = xyz, feat
    idx_key = jax.random.key(42)
    for i in range(4):
        B, N = cur_xyz.shape[0], cur_xyz.shape[1]
        G, C_out, K = GROUP_NUMS[i], OUT_DIMS[i], K_NEIGHBORS
        fps_idx = jax.random.randint(jax.random.fold_in(idx_key, i), (B, G), 0, N)
        pts_feat = jnp.transpose(cur_x, (0, 2, 1))
        lc_xyz = _index_points(cur_xyz, fps_idx)
        lc_x = _index_points(pts_feat, fps_idx)
        sqrd = _square_distance(lc_xyz, cur_xyz)
        _, knn_idx = jax.lax.top_k(-sqrd, K)
        knn_xyz = _index_points(cur_xyz, knn_idx)
        knn_x = _index_points(pts_feat, knn_idx)
        mean_xyz = lc_xyz[:, :, None, :]
        std_xyz = jnp.std(knn_xyz - mean_xyz, ddof=1)
        knn_xyz_n = (knn_xyz - mean_xyz) / (std_xyz + 1e-5)
        knn_xc = jnp.concatenate([knn_x, jnp.repeat(lc_x[:, :, None, :], K, axis=2)], axis=-1)
        knn_xyz_p = jnp.transpose(knn_xyz_n, (0, 3, 1, 2))
        h = jnp.transpose(knn_xc, (0, 3, 1, 2))
        fd = C_out // 6
        feat_range = jnp.arange(fd, dtype=jnp.float32)
        dim_embed = jnp.power(ALPHA, feat_range / fd)
        div_embed = BETA * knn_xyz_p[..., None] / dim_embed
        pe = jnp.concatenate([jnp.sin(div_embed), jnp.cos(div_embed)], -1)
        pe = jnp.transpose(pe, (0, 1, 4, 2, 3)).reshape(B, C_out, G, K)
        h = h + pe
        y = jnp.einsum('oc,bcgk->bogk', params['w1_%d' % i], h) + params['b1_%d' % i][None, :, None, None]
        y = jax.nn.relu(_bn(y, params['g1_%d' % i], params['be1_%d' % i], (0, 2, 3)))
        y = jnp.einsum('oc,bcgk->bogk', params['w2_%d' % i], y) + params['b2_%d' % i][None, :, None, None]
        y = _bn(y, params['g2_%d' % i], params['be2_%d' % i], (0, 2, 3))
        h = jax.nn.relu(y + h)
        cur_x = _maxk_pallas(h)
        cur_xyz = lc_xyz
    return cur_xyz, cur_x

# --- scband reference (transcript-rebuilt; emitter-appended) ---
"""Pipeline reference for scband-enc-p-38585986187437 (READ-ONLY COPY).

The authoritative reference and input builder live on the scoring server;
editing this copy changes nothing except your own understanding.
"""

import jax, jax.numpy as jnp
import numpy as np

EMBED_DIM = 36
OUT_DIMS = [72, 144, 288, 576]
GROUP_NUMS = [1024, 512, 256, 128]
K_NEIGHBORS = 40
ALPHA = 1000.0
BETA = 100.0


def index_points(points, idx):
    B = points.shape[0]
    bidx = jnp.arange(B).reshape((B,) + (1,) * (idx.ndim - 1))
    return points[bidx, idx]


def square_distance(src, dst):
    dist = -2.0 * jnp.matmul(src, jnp.transpose(dst, (0, 2, 1)))
    dist = dist + jnp.sum(src ** 2, -1)[:, :, None]
    dist = dist + jnp.sum(dst ** 2, -1)[:, None, :]
    return dist


def bn(xv, g, b, axes):
    m = jnp.mean(xv, axis=axes, keepdims=True)
    v = jnp.var(xv, axis=axes, keepdims=True)
    xh = (xv - m) / jnp.sqrt(v + 1e-5)
    shape = [1] * xv.ndim
    shape[1] = xv.shape[1]
    return xh * g.reshape(shape) + b.reshape(shape)


def forward(xyz, x, params):
    feat = jnp.einsum('oc,bcn->bon', params['w0'], x)
    feat = jax.nn.relu(bn(feat, params['g0'], params['b0'], (0, 2)))
    cur_xyz, cur_x = xyz, feat
    idx_key = jax.random.key(42)
    for i in range(4):
        B, N = cur_xyz.shape[0], cur_xyz.shape[1]
        G, C_out, K = GROUP_NUMS[i], OUT_DIMS[i], K_NEIGHBORS
        fps_idx = jax.random.randint(jax.random.fold_in(idx_key, i), (B, G), 0, N)
        pts_feat = jnp.transpose(cur_x, (0, 2, 1))
        lc_xyz = index_points(cur_xyz, fps_idx)
        lc_x = index_points(pts_feat, fps_idx)
        sqrd = square_distance(lc_xyz, cur_xyz)
        _, knn_idx = jax.lax.top_k(-sqrd, K)
        knn_xyz = index_points(cur_xyz, knn_idx)
        knn_x = index_points(pts_feat, knn_idx)
        mean_xyz = lc_xyz[:, :, None, :]
        std_xyz = jnp.std(knn_xyz - mean_xyz, ddof=1)
        knn_xyz_n = (knn_xyz - mean_xyz) / (std_xyz + 1e-5)
        knn_xc = jnp.concatenate([knn_x, jnp.repeat(lc_x[:, :, None, :], K, axis=2)], axis=-1)
        knn_xyz_p = jnp.transpose(knn_xyz_n, (0, 3, 1, 2))
        h = jnp.transpose(knn_xc, (0, 3, 1, 2))
        fd = C_out // 6
        feat_range = jnp.arange(fd, dtype=jnp.float32)
        dim_embed = jnp.power(ALPHA, feat_range / fd)
        div_embed = BETA * knn_xyz_p[..., None] / dim_embed
        pe = jnp.concatenate([jnp.sin(div_embed), jnp.cos(div_embed)], -1)
        pe = jnp.transpose(pe, (0, 1, 4, 2, 3)).reshape(B, C_out, G, K)
        h = h + pe
        y = jnp.einsum('oc,bcgk->bogk', params['w1_%d' % i], h) + params['b1_%d' % i][None, :, None, None]
        y = jax.nn.relu(bn(y, params['g1_%d' % i], params['be1_%d' % i], (0, 2, 3)))
        y = jnp.einsum('oc,bcgk->bogk', params['w2_%d' % i], y) + params['b2_%d' % i][None, :, None, None]
        y = bn(y, params['g2_%d' % i], params['be2_%d' % i], (0, 2, 3))
        h = jax.nn.relu(y + h)
        cur_x = jnp.max(h, axis=-1)
        cur_xyz = lc_xyz
    return cur_xyz, cur_x


def setup_inputs(seed: int = 0):
    key = jax.random.key(seed)
    ks = jax.random.split(key, 16)
    B, N = 8, 2048
    xyz = jax.random.normal(ks[0], (B, N, 3), jnp.float32)
    x = jax.random.normal(ks[1], (B, 3, N), jnp.float32)
    params = {}
    params['w0'] = jax.random.normal(ks[2], (EMBED_DIM, 3), jnp.float32) * 0.1
    params['g0'] = jnp.ones((EMBED_DIM,), jnp.float32)
    params['b0'] = jnp.zeros((EMBED_DIM,), jnp.float32)
    for i, C in enumerate(OUT_DIMS):
        hd = C // 2
        params['w1_%d' % i] = jax.random.normal(ks[3 + 3 * i], (hd, C), jnp.float32) * (1.0 / np.sqrt(C))
        params['b1_%d' % i] = jnp.zeros((hd,), jnp.float32)
        params['g1_%d' % i] = jnp.ones((hd,), jnp.float32)
        params['be1_%d' % i] = jnp.zeros((hd,), jnp.float32)
        params['w2_%d' % i] = jax.random.normal(ks[4 + 3 * i], (C, hd), jnp.float32) * (1.0 / np.sqrt(hd))
        params['b2_%d' % i] = jnp.zeros((C,), jnp.float32)
        params['g2_%d' % i] = jnp.ones((C,), jnp.float32)
        params['be2_%d' % i] = jnp.zeros((C,), jnp.float32)
    return {'xyz': xyz, 'x': x, 'params': params}


def reference(xyz, x, params):
    return forward(xyz, x, params)

if __name__ == "__main__":
    import jax
    _d = setup_inputs()
    print(jax.jit(kernel)(*tuple(_d.values())))

</pallas_src>

<mosaic_0001>
module attributes {stable_mosaic.version = 14 : i64} {
  func.func @body(%arg0: i32, %arg1: i32, %arg2: i32, %arg3: memref<1x72x128x40xf32, #tpu.memory_space<vmem>>, %arg4: memref<1x72x128xf32, #tpu.memory_space<vmem>>) attributes {dimension_semantics = [#tpu.dimension_semantics<arbitrary>, #tpu.dimension_semantics<arbitrary>, #tpu.dimension_semantics<arbitrary>], iteration_bounds = array<i64: 8, 1, 8>, scalar_prefetch = 0 : i64, scratch_operands = 0 : i64, tpu.core_type = #tpu.core_type<tc>, window_params = [{transform_indices = @transform_0, window_bounds = array<i64: 1, 72, 128, 40>}, {transform_indices = @transform_1, window_bounds = array<i64: 1, 72, 128>}]} {
    %get3A = arith.constant 0 : index
    %get3A_0 = arith.constant 0 : index
    %get3A_1 = arith.constant 0 : index
    %get3A_2 = arith.constant 0 : index
    %get3A_3 = vector.load %arg3[%get3A, %get3A_0, %get3A_1, %get3A_2] : memref<1x72x128x40xf32, #tpu.memory_space<vmem>>, vector<1x72x128x40xf32>
    %reduce_max3A = arith.constant dense<0xFF800000> : vector<1x72x128xf32>
    %reduce_max3A_4 = vector.multi_reduction <maximumf>, %get3A_3, %reduce_max3A [3] : vector<1x72x128x40xf32> to vector<1x72x128xf32>
    %swap3A = arith.constant 0 : index
    %swap3A_5 = arith.constant 0 : index
    %swap3A_6 = arith.constant 0 : index
    %swap3A_7 = vector.load %arg4[%swap3A, %swap3A_5, %swap3A_6] : memref<1x72x128xf32, #tpu.memory_space<vmem>>, vector<1x72x128xf32>
    tpu.vector_store %arg4[%swap3A, %swap3A_5, %swap3A_6], %reduce_max3A_4 {strides = array<i32>} : memref<1x72x128xf32, #tpu.memory_space<vmem>>, vector<1x72x128xf32>,
    return
  }
  func.func @transform_0(%arg0: i32, %arg1: i32, %arg2: i32) -> (i32, i32, i32, i32) {
    %c0_i32 = arith.constant 0 : i32
    %c0_i32_0 = arith.constant 0 : i32
    return %arg0, %arg1, %arg2, %c0_i32 : i32, i32, i32, i32
  }
  func.func @transform_1(%arg0: i32, %arg1: i32, %arg2: i32) -> (i32, i32, i32) {
    %c0_i32 = arith.constant 0 : i32
    return %arg0, %arg1, %arg2 : i32, i32, i32
  }
}

module attributes {stable_mosaic.version = 14 : i64} {
  func.func @body(%arg0: i32, %arg1: i32, %arg2: i32, %arg3: memref<1x72x128x40xf32, #tpu.memory_space<vmem>>, %arg4: memref<1x72x128xf32, #tpu.memory_space<vmem>>) attributes {dimension_semantics = [#tpu.dimension_semantics<arbitrary>, #tpu.dimension_semantics<arbitrary>, #tpu.dimension_semantics<arbitrary>], iteration_bounds = array<i64: 8, 2, 4>, scalar_prefetch = 0 : i64, scratch_operands = 0 : i64, tpu.core_type = #tpu.core_type<tc>, window_params = [{transform_indices = @transform_0, window_bounds = array<i64: 1, 72, 128, 40>}, {transform_indices = @transform_1, window_bounds = array<i64: 1, 72, 128>}]} {
    %get3A = arith.constant 0 : index
    %get3A_0 = arith.constant 0 : index
    %get3A_1 = arith.constant 0 : index
    %get3A_2 = arith.constant 0 : index
    %get3A_3 = vector.load %arg3[%get3A, %get3A_0, %get3A_1, %get3A_2] : memref<1x72x128x40xf32, #tpu.memory_space<vmem>>, vector<1x72x128x40xf32>
    %reduce_max3A = arith.constant dense<0xFF800000> : vector<1x72x128xf32>
    %reduce_max3A_4 = vector.multi_reduction <maximumf>, %get3A_3, %reduce_max3A [3] : vector<1x72x128x40xf32> to vector<1x72x128xf32>
    %swap3A = arith.constant 0 : index
    %swap3A_5 = arith.constant 0 : index
    %swap3A_6 = arith.constant 0 : index
    %swap3A_7 = vector.load %arg4[%swap3A, %swap3A_5, %swap3A_6] : memref<1x72x128xf32, #tpu.memory_space<vmem>>, vector<1x72x128xf32>
    tpu.vector_store %arg4[%swap3A, %swap3A_5, %swap3A_6], %reduce_max3A_4 {strides = array<i32>} : memref<1x72x128xf32, #tpu.memory_space<vmem>>, vector<1x72x128xf32>,
    return
  }
  func.func @transform_0(%arg0: i32, %arg1: i32, %arg2: i32) -> (i32, i32, i32, i32) {
    %c0_i32 = arith.constant 0 : i32
    %c0_i32_0 = arith.constant 0 : i32
    return %arg0, %arg1, %arg2, %c0_i32 : i32, i32, i32, i32
  }
  func.func @transform_1(%arg0: i32, %arg1: i32, %arg2: i32) -> (i32, i32, i32) {
    %c0_i32 = arith.constant 0 : i32
    return %arg0, %arg1, %arg2 : i32, i32, i32
  }
}

module attributes {stable_mosaic.version = 14 : i64} {
  func.func @body(%arg0: i32, %arg1: i32, %arg2: i32, %arg3: memref<1x72x128x40xf32, #tpu.memory_space<vmem>>, %arg4: memref<1x72x128xf32, #tpu.memory_space<vmem>>) attributes {dimension_semantics = [#tpu.dimension_semantics<arbitrary>, #tpu.dimension_semantics<arbitrary>, #tpu.dimension_semantics<arbitrary>], iteration_bounds = array<i64: 8, 4, 2>, scalar_prefetch = 0 : i64, scratch_operands = 0 : i64, tpu.core_type = #tpu.core_type<tc>, window_params = [{transform_indices = @transform_0, window_bounds = array<i64: 1, 72, 128, 40>}, {transform_indices = @transform_1, window_bounds = array<i64: 1, 72, 128>}]} {
    %get3A = arith.constant 0 : index
    %get3A_0 = arith.constant 0 : index
    %get3A_1 = arith.constant 0 : index
    %get3A_2 = arith.constant 0 : index
    %get3A_3 = vector.load %arg3[%get3A, %get3A_0, %get3A_1, %get3A_2] : memref<1x72x128x40xf32, #tpu.memory_space<vmem>>, vector<1x72x128x40xf32>
    %reduce_max3A = arith.constant dense<0xFF800000> : vector<1x72x128xf32>
    %reduce_max3A_4 = vector.multi_reduction <maximumf>, %get3A_3, %reduce_max3A [3] : vector<1x72x128x40xf32> to vector<1x72x128xf32>
    %swap3A = arith.constant 0 : index
    %swap3A_5 = arith.constant 0 : index
    %swap3A_6 = arith.constant 0 : index
    %swap3A_7 = vector.load %arg4[%swap3A, %swap3A_5, %swap3A_6] : memref<1x72x128xf32, #tpu.memory_space<vmem>>, vector<1x72x128xf32>
    tpu.vector_store %arg4[%swap3A, %swap3A_5, %swap3A_6], %reduce_max3A_4 {strides = array<i32>} : memref<1x72x128xf32, #tpu.memory_space<vmem>>, vector<1x72x128xf32>,
    return
  }
  func.func @transform_0(%arg0: i32, %arg1: i32, %arg2: i32) -> (i32, i32, i32, i32) {
    %c0_i32 = arith.constant 0 : i32
    %c0_i32_0 = arith.constant 0 : i32
    return %arg0, %arg1, %arg2, %c0_i32 : i32, i32, i32, i32
  }
  func.func @transform_1(%arg0: i32, %arg1: i32, %arg2: i32) -> (i32, i32, i32) {
    %c0_i32 = arith.constant 0 : i32
    return %arg0, %arg1, %arg2 : i32, i32, i32
  }
}

module attributes {stable_mosaic.version = 14 : i64} {
  func.func @body(%arg0: i32, %arg1: i32, %arg2: i32, %arg3: memref<1x72x128x40xf32, #tpu.memory_space<vmem>>, %arg4: memref<1x72x128xf32, #tpu.memory_space<vmem>>) attributes {dimension_semantics = [#tpu.dimension_semantics<arbitrary>, #tpu.dimension_semantics<arbitrary>, #tpu.dimension_semantics<arbitrary>], iteration_bounds = array<i64: 8, 8, 1>, scalar_prefetch = 0 : i64, scratch_operands = 0 : i64, tpu.core_type = #tpu.core_type<tc>, window_params = [{transform_indices = @transform_0, window_bounds = array<i64: 1, 72, 128, 40>}, {transform_indices = @transform_1, window_bounds = array<i64: 1, 72, 128>}]} {
    %get3A = arith.constant 0 : index
    %get3A_0 = arith.constant 0 : index
    %get3A_1 = arith.constant 0 : index
    %get3A_2 = arith.constant 0 : index
    %get3A_3 = vector.load %arg3[%get3A, %get3A_0, %get3A_1, %get3A_2] : memref<1x72x128x40xf32, #tpu.memory_space<vmem>>, vector<1x72x128x40xf32>
    %reduce_max3A = arith.constant dense<0xFF800000> : vector<1x72x128xf32>
    %reduce_max3A_4 = vector.multi_reduction <maximumf>, %get3A_3, %reduce_max3A [3] : vector<1x72x128x40xf32> to vector<1x72x128xf32>
    %swap3A = arith.constant 0 : index
    %swap3A_5 = arith.constant 0 : index
    %swap3A_6 = arith.constant 0 : index
    %swap3A_7 = vector.load %arg4[%swap3A, %swap3A_5, %swap3A_6] : memref<1x72x128xf32, #tpu.memory_space<vmem>>, vector<1x72x128xf32>
    tpu.vector_store %arg4[%swap3A, %swap3A_5, %swap3A_6], %reduce_max3A_4 {strides = array<i32>} : memref<1x72x128xf32, #tpu.memory_space<vmem>>, vector<1x72x128xf32>,
    return
  }
  func.func @transform_0(%arg0: i32, %arg1: i32, %arg2: i32) -> (i32, i32, i32, i32) {
    %c0_i32 = arith.constant 0 : i32
    %c0_i32_0 = arith.constant 0 : i32
    return %arg0, %arg1, %arg2, %c0_i32 : i32, i32, i32, i32
  }
  func.func @transform_1(%arg0: i32, %arg1: i32, %arg2: i32) -> (i32, i32, i32) {
    %c0_i32 = arith.constant 0 : i32
    return %arg0, %arg1, %arg2 : i32, i32, i32
  }
}

</mosaic_0001>

<sc_bundles>
// kernel: gather_offload_async_start.1
scs
__scs_entry_jumppad:
0x0: {  	(pc) =	sbr.rel $0x88, $3  }
0x1: {  	(tag) =	ssettag $0x0;
	lr =	simm.s32 $0x1  }
0x2: {  	[smem:$0x3F7C] =	sst lr;
	_ =	strace $0xD0000000  }
0x3: {  	_ = 	snop  }
0x4: {  	_ = 	snop  }
0x5: {  	_ = 	snop  }
0x6: {  	_ = 	snop  }
0x7: {  	_ = 	snop  }
__scs_overlays_trampoline_lowered:
0x8: {  	[smem:$0x3F8B] =	sst s0  }
0x9: {  	[smem:$0x3F8C] =	sst s1  }
0xa: {  	[smem:$0x3F8D] =	sst s2  }
0xb: {  	[smem:$0x3F8E] =	sst s3  }
0xc: {  	[smem:$0x3F8F] =	sst s4  }
0xd: {  	[smem:$0x3F90] =	sst s5  }
0xe: {  	[smem:$0x3F91] =	sst s6  }
0xf: {  	[smem:$0x3F92] =	sst s7  }
0x10: {  	[smem:$0x3F93] =	sst s8  }
0x11: {  	[smem:$0x3F94] =	sst s9;
	s0 =	simm.s32 @!p0 $0x0  }
0x12: {  	s1 =	sld [smem:$0x3F7A];
	s0 =	simm.s32 @p0 $0x1  }
0x13: {  	[smem:$0x3F95] =	sst s0;
	s0 =	simm.s32 @!p1 $0x0  }
0x14: {  	s2 =	sld [smem:$0x3F79];
	s0 =	simm.s32 @p1 $0x1  }
0x15: {  	[smem:$0x3F96] =	sst s0;
	s0 =	simm.s32 @!p2 $0x0  }
0x16: {  	s3 =	sld [smem:$0x3FDB];
	s0 =	simm.s32 @p2 $0x1  }
0x17: {  	s4 =	simm.s32 $0x1BF5;
	[smem:$0x3F98] =	sst s0  }
0x18: {  	s0 =	sld [smem:$0x3F7B];
	_ =	swait.ge [sflag:s4], $0x0  }
0x19: {  	s7 =	sld [smem:$0x3F7C]  }
0x1a: {  	s8 =	sadd.s32 $0xFFFFE003, lr  }
0x1b: {  	s9 =	sadd.s32 $0xFFFFFEF7, lr;
	s5 =	simm.s32 $0xFFFFFFFF;
	p2 =	slt.u32 s8, $0xFFFFF086  }
0x1c: {  	p1 =	slt.u32 s9, $0xF7A;
	s5 =	simm.s32 @!p2 $0x0  }
0x1d: {  	s5 =	simm.s32 @p1 $0x1;
	p0 =	seq.s32 s7, s2  }
0x1e: {  	s7 =	smul.u32 @!p0 $0xF7A, s2;
	p2 =	seq.s32 @!p0 s5, $0x0  }
0x1f: {  	s9 =	smul.u32 $0xF7A, s1;
	s8 =	simm.s32 @!p0 $0x1BF5;
	p2 =	por !p2, p0  }
0x20: {  	[sflag:s8] =	ssyncset.s32 @!p0 $0xFFFFF086;
	s6 =	sadd.s32 @!p0 s3, s7;
	s7 =	simm.s32 @!p0 $0x108  }
0x21: {  	s3 =	sadd.s32 s3, s9;
	s6 =	sadd.s32 @!p0 $0x88, s6;
	s7 =	simm.s32 @p2 $0x1082  }
0x22: {  	[simem:s7], [sflag:s8] =	dma.local @!p0 [hbm:s6], $0xF7A  }
0x23: {  	s9 =	sor.u32 $0xD0000000, s2;
	s6 =	simm.s32 $0x108;
	_ =	swait.ge @!p0 [sflag:s8], $0x0  }
0x24: {  	s3 =	sadd.s32 $0x88, s3;
	s6 =	simm.s32 @!p1 $0x1082;
	[sflag:s4] =	ssyncset.s32 $0xFFFFF086  }
0x25: {  	[simem:s6], [sflag:s4] =	dma.local [hbm:s3], $0xF7A  }
0x26: {  	[smem:$0x3F7C] =	sst s1;
	(tag) =	ssettag s2;
	_ =	strace s9  }
0x27: {  	s1 =	sld [smem:$0x3F8C]  }
0x28: {  	s2 =	sld [smem:$0x3F8D]  }
0x29: {  	s4 =	sld [smem:$0x3F8F]  }
0x2a: {  	p0 =	seq.s32 s5, $0x0;
	s5 =	sld [smem:$0x3F90]  }
0x2b: {  	s6 =	sld [smem:$0x3F91]  }
0x2c: {  	s7 =	sld [smem:$0x3F92]  }
0x2d: {  	s3 =	simm.s32 $0x108;
	s8 =	sld [smem:$0x3F93]  }
0x2e: {  	s3 =	simm.s32 @!p0 $0x1082;
	s9 =	sld [smem:$0x3F94]  }
0x2f: {  	lr =	sadd.s32 s0, s3;
	s0 =	sld [smem:$0x3F8B]  }
0x30: {  	s3 =	sld [smem:$0x3F8E]  }
0x31: {  	[smem:$0x3F97] =	sst s10  }
0x32: {  	s10 =	sld [smem:$0x3F95];
	_ =	sdelay $0x3  }
0x33: {  	p0 =	seq.s32 s10, $0x1;
	s10 =	sld [smem:$0x3F97];
	_ =	sdelay $0x3  }
0x34: {  	[smem:$0x3F97] =	sst s10  }
0x35: {  	s10 =	sld [smem:$0x3F96];
	_ =	sdelay $0x3  }
0x36: {  	p1 =	seq.s32 s10, $0x1;
	s10 =	sld [smem:$0x3F97];
	_ =	sdelay $0x3  }
0x37: {  	[smem:$0x3F97] =	sst s10  }
0x38: {  	s10 =	sld [smem:$0x3F98]  }
0x39: {  	_ = 	snop;
	(pc) =	sbr.ind lr, $3  }
0x3a: {  	_ = 	snop  }
0x3b: {  	_ = 	snop  }
0x3c: {  	p2 =	seq.s32 s10, $0x1;
	s10 =	sld [smem:$0x3F97]  }
0x3d: {  	_ =	shalt  }
0x3e: {  	_ =	shalt  }
0x3f: {  	_ =	shalt  }
0x40: {  	_ =	shalt  }
0x41: {  	_ =	shalt  }
0x42: {  	_ =	shalt  }
0x43: {  	_ =	shalt  }
0x44: {  	_ =	shalt  }
0x45: {  	_ =	shalt  }
0x46: {  	_ =	shalt  }
0x47: {  	_ =	shalt  }
0x48: {  	_ =	shalt  }
0x49: {  	_ =	shalt  }
0x4a: {  	_ =	shalt  }
0x4b: {  	_ =	shalt  }
0x4c: {  	_ =	shalt  }
0x4d: {  	_ =	shalt  }
0x4e: {  	_ =	shalt  }
0x4f: {  	_ =	shalt  }
0x50: {  	_ =	shalt  }
0x51: {  	_ =	shalt  }
0x52: {  	_ =	shalt  }
0x53: {  	_ =	shalt  }
0x54: {  	_ =	shalt  }
0x55: {  	_ =	shalt  }
0x56: {  	_ =	shalt  }
0x57: {  	_ =	shalt  }
0x58: {  	_ =	shalt  }
0x59: {  	_ =	shalt  }
0x5a: {  	_ =	shalt  }
0x5b: {  	_ =	shalt  }
0x5c: {  	_ =	shalt  }
0x5d: {  	_ =	shalt  }
0x5e: {  	_ =	shalt  }
0x5f: {  	_ =	shalt  }
0x60: {  	_ =	shalt  }
0x61: {  	_ =	shalt  }
0x62: {  	_ =	shalt  }
0x63: {  	_ =	shalt  }
0x64: {  	_ =	shalt  }
0x65: {  	_ =	shalt  }
0x66: {  	_ =	shalt  }
0x67: {  	_ =	shalt  }
0x68: {  	_ =	shalt  }
0x69: {  	_ =	shalt  }
0x6a: {  	_ =	shalt  }
0x6b: {  	_ =	shalt  }
0x6c: {  	_ =	shalt  }
0x6d: {  	_ =	shalt  }
0x6e: {  	_ =	shalt  }
0x6f: {  	_ =	shalt  }
0x70: {  	_ =	shalt  }
0x71: {  	_ =	shalt  }
0x72: {  	_ =	shalt  }
0x73: {  	_ =	shalt  }
0x74: {  	_ =	shalt  }
0x75: {  	_ =	shalt  }
0x76: {  	_ =	shalt  }
0x77: {  	_ =	shalt  }
0x78: {  	_ =	shalt  }
0x79: {  	_ =	shalt  }
0x7a: {  	_ =	shalt  }
0x7b: {  	_ =	shalt  }
0x7c: {  	_ =	shalt  }
0x7d: {  	_ =	shalt  }
0x7e: {  	_ =	shalt  }
0x7f: {  	_ =	shalt  }
0x80: {  	_ =	shalt  }
0x81: {  	_ =	shalt  }
0x82: {  	_ =	shalt  }
0x83: {  	_ =	shalt  }
0x84: {  	_ =	shalt  }
0x85: {  	_ =	shalt  }
0x86: {  	_ =	shalt  }
0x87: {  	_ =	shalt  }
.Lfunc_end0:
.L_simem_size_0:
called_computation.14_lowered:
.L_overlay_start_0:
0x88: {  	s2 =	sld [smem:$0x3FD9]  }
0x89: {  	s3 =	sld [smem:$0x3FFE];
	_ =	sdelay $0x1  }
0x8a: {  	s1 =	srdreg.scid  }
0x8b: {  	s0 =	sand.u32 $0x1, s1  }
0x8c: {  	s16 =	sshll.u32 s0, $0xA;
	s2 =	sadd.s32 s3, s2  }
0x8d: {  	s2 =	sadd.s32 s2, s16  }
0x8e: {  	[smem:$0x3FA3] =	sst s2  }
0x8f: {  	_ = 	snop  }
0x90: {  	(tm) =	ssettm $0x1  }
0x91: {  	s17 =	sld [smem:$0x3FFB];
	_ =	sdelay $0x3  }
0x92: {  	_ =	strace s17  }
0x93: {  	s2 =	sld [smem:$0x3FFC];
	_ =	sdelay $0x3  }
0x94: {  	_ =	strace s2  }
0x95: {  	s2 =	sld [smem:$0x3FFD];
	_ =	sdelay $0x3  }
0x96: {  	_ =	strace s2  }
0x97: {  	_ =	strace $0x8FFFFFFF  }
0x98: {  	s18 =	sld [smem:$0x3FDB];
	_ =	sdelay $0x1  }
0x99: {  	s19 =	simm.s32 $_scs_section_size  }
0x9a: {  	s4 =	simm.s32 $_size__tile_overlayer_lowered;
	s5 =	simm.s32 $_tile_overlayer_lowered  }
0x9b: {  	s22 =	simm.s32 $0x1BFF;
	s21 =	sshll.u32 s5, $0x1;
	s2 =	sadd.s32 s19, s18  }
0x9c: {  	s6 =	simm.s32 $0x0;
	s20 =	sshll.u32 s4, $0x1;
	s4 =	sadd.s32 s21, s2  }
0x9d: {  	[timem:s6], [sflag:s22] =	dma.local [hbm:s4], s20  }
0x9e: {  	_ =	swait.ge [sflag:s22], s20  }
0x9f: {  	s3 =	ssub.s32 $0x0, s20;
	[sflag:s22] =	ssyncset.done $0x0  }
0xa0: {  	[sflag:s22] =	ssyncadd.s32 s3;
	_ =	sdelay $0x1  }
0xa1: {  	s23 =	simm.s32 $0x1B8B  }
0xa2: {  	_ =	swait.ge [sflag:s23], $0x1  }
0xa3: {  	[sflag:s23] =	ssyncset.done $0x0  }
0xa4: {  	s25 =	simm.s32 $0x1B8E;
	s24 =	sld [smem:$0x3FFE];
	[sflag:s23] =	ssyncadd.s32 $0xFFFFFFFF  }
0xa5: {  	s26 =	simm.s32 $execute0_lowered;
	[smem:$0x3FD2] =	sst s25  }
0xa6: {  	s4 =	sshll.u32 s26, $0x1;
	_ =	strace $0x8000004C;
	[dreg:$0x1] =	wrdreg $0xFFFFFFFF  }
0xa7: {  	s28 =	simm.s32 $_size_execute0_lowered;
	s2 =	sadd.s32 s2, s4;
	[dreg:$0x0] =	wrdreg $0x0  }
0xa8: {  	s4 =	sshll.u32 s28, $0x1;
	[dreg:$0x2] =	wrdreg s2  }
0xa9: {  	[dreg:$0x3] =	wrdreg s4  }
0xaa: {  	[dreg:$0x4] =	wrdreg $0xC0  }
0xab: {  	_ =	task [dreg:s6], $0x5FFFF  }
0xac: {  	[dreg:$0x1] =	wrdreg $0xFFFFFFFF  }
0xad: {  	[dreg:$0x0] =	wrdreg $0x60  }
0xae: {  	[dreg:$0x2] =	wrdreg s24  }
0xaf: {  	[dreg:$0x3] =	wrdreg $0xB  }
0xb0: {  	_ =	task.clear_ibuf [dreg:s6], $0x4FFFF;
	_ =	strace $0x9000004C  }
0xb1: {  	s29 =	simm.s32 $0xB;
	_ =	strace $0x8000004E  }
0xb2: {  	_ =	swait.ge [sflag:s29], $0x1  }
0xb3: {  	[sflag:s29] =	ssyncadd.s32 $0xFFFFFFFF  }
0xb4: {  	_ =	strace $0x9000004E  }
0xb5: {  	_ =	sfence  }
0xb6: {  	s30 =	sld [smem:$0x0];
	_ =	sdelay $0x2  }
0xb7: {  	s31 =	sshll.u32 s1, $0xD;
	s1 =	sshrl.u32 s1, $0x2  }
0xb8: {  	s3 =	sand.u32 $0x4000, s31;
	s1 =	sadd.s32 s1, s30  }
0xb9: {  	s0 =	sor.u32 s3, s0;
	s1 =	sshll.u32 s1, $0x11  }
0xba: {  	s0 =	sor.u32 s1, s0  }
0xbb: {  	s0 =	sadd.s32 $0x8F2B, s0  }
0xbc: {  	[sflag:s0] =	ssyncadd.remote.s32 $0x1  }
0xbd: {  	_ =	sfence.sel $0xFFFF  }
0xbe: {  	[dreg:$0x0] =	wrdreg $0xFFFFFFFF;
	(pc) =	sbr.abs _section_cstart, $3  }
0xbf: {  	[dreg:$0x1] =	wrdreg $0xFFFFFFFF  }
0xc0: {  	_ =	task.clear_ibuf [dreg:s6], $0x2FFFF;
	_ =	strace $0x9FFFFFFF  }
0xc1: {  	(tm) =	ssettm $0x7FFFFFFF  }
tec
execute0_lowered:
.L_overlay_start_1:
0x0: {  	(tag) =	ssettag $0x1  }
0x1: {  	s7 =	rddreg [dreg:$0x0]  }
0x2: {  	s0 =	rddreg [dreg:$0x1];
	_ =	strace $0x8000004D  }
0x3: {  	s1 =	srdreg.scid;
	s4 =	simm.s32 $0x1;
	s9 =	simm.s32 $0x3  }
0x4: {  	s12 =	simm.s32 $0x0;
	s10 =	simm.s32 $0x0;
	s5 =	sshll.u32 s1, $0x4  }
.Ltmp0:
0x5: {  	s1 =	stileid.u32;
	s5 =	sand.u32 $0x10, s5;
	(pc) =	sbr.rel .LBB2_1-.Ltmp0, $4  }
0x6: {  	s2 =	sadd.s32 $0x40400, s7;
	s3 =	sadd.s32 $0x4A0800, s7;
	s6 =	sor.u32 s1, s5  }
0x7: {  	[sflag:s4] =	ssyncpa.u1 $0x0;
	s5 =	simm.s32 $0x2;
	s6 =	sshll.u32 s6, $0x7  }
0x8: {  	s7 =	sadd.s32 $0x400, s7;
	[sflag:s5] =	ssyncpa.u1 $0x0;
	s8 =	sadd.s32 $0x80, s6  }
0x9: {  	vm0 =	vmmov $0xff;
	vm1 =	vcmask $0x3F20;
	[sflag:s9] =	ssyncpa.u1 $0x0;
	s9 =	simm.s32 $0x80;
	s11 =	smov.u32 s6  }
.LBB2_9:
0xa: {  	p0 =	seq.s32 s10, $0x2  }
.Ltmp1:
0xb: {  	_ = 	snop;
	(pc) =	sbr.rel @p0 .LBB2_11-.Ltmp1, $1  }
0xc: {  	_ =	sdelay $0x3  }
.LBB2_10:
0xd: {  	s12 =	sadd.s32 $0x80, s11  }
0xe: {  	s13 =	smov.u32 s6;
	p0 =	slt.s32 s12, s8  }
0xf: {  	s13 =	smov.u32 @p0 s12  }
0x10: {  	s10 =	sadd.s32 $0x1, s10;
	s12 =	smov.u32 s11;
	s11 =	smov.u32 s13  }
.LBB2_1:
0x11: {  	p0 =	sne.s32 s10, $0x0  }
.Ltmp2:
0x12: {  	_ = 	snop;
	(pc) =	sbr.rel @!p0 .LBB2_2-.Ltmp2, $1  }
0x13: {  	_ =	sdelay $0x3  }
0x14: {  	s13 =	sand.u32 $0x1, s10  }
0x15: {  	p0 =	seq.s32 s13, $0x0  }
.Ltmp3:
0x16: {  	_ = 	snop;
	(pc) =	sbr.rel @p0 .LBB2_9-.Ltmp3, $1  }
0x17: {  	_ =	sdelay $0x3  }
0x18: {  	_ =	swait.ge [sflag:s5], $0x80  }
0x19: {  	[sflag:s5] =	ssyncset.done $0x0  }
0x1a: {  	s13 =	simm.s32 $0x0;
	[sflag:s5] =	ssyncadd.s32 $0xFFFFFF80  }
0x1b: {  	v0 =	vld.msk [tilespmem:s13+$0x80 ss:$0x1], $0xffff;
	_ =	sdelay $0x4  }
0x1c: {  	v1 =	vshll.u32 v0, $0x4  }
0x1d: {  	vm2 =	veq.s32 v0, $0x80000000;
	v0 =	vshll.u32 v0, $0x11;
	v1 =	vand.u32 $0x1FF80, v1  }
0x1e: {  	v0 =	vand.u32 $0xE0000, v0;
	v1 =	vsel vm2, $0xFFFFFF80, v1  }
0x1f: {  	v0 =	vsel vm2, $0xFFFE0000, v0;
	v2 =	vand.u32 $0xFFFFFC00, v1  }
0x20: {  	v1 =	vand.u32 $0x380, v1;
	v0 =	vadd.s32 v0, v2  }
0x21: {  	v0 =	vor.u32 v1, v0  }
0x22: {  	v0 =	vshrl.u32 v0, $0x3;
	_ =	sdelay $0x3  }
0x23: {  	s13 =	simm.s32 $0x4100  }
0x24: {  	[tilespmem:s13], [sflag:$0x1] =	stream.indirect_vreg.gather [hbm:s2], $0x80, v0, vm0, $0x38;
	[tilespmem:$0x8100] =	vst v63  }
0x25: {  	s14 =	simm.s32 $0x4500;
	s31 =	simm.s32 $0x10  }
0x26: {  	[tilespmem:s14], [sflag:$0x1] =	stream.indirect_vreg.gather [hbm:s2], $0x80, v0, vm1, $0x38;
	[tilespmem:$0x8100] =	vst v63  }
0x27: {  	s14 =	simm.s32 $0x80;
	v0 =	vld.msk [tilespmem:s31+$0x80 ss:$0x1], $0xffff  }
.LBB2_5:
0x28: {  	p0 =	sne.s32 s14, $0x1C0;
	_ =	sdelay $0x4  }
0x29: {  	v1 =	vshll.u32 v0, $0x4  }
0x2a: {  	vm2 =	veq.s32 v0, $0x80000000;
	v0 =	vshll.u32 v0, $0x11;
	v1 =	vand.u32 $0x1FF80, v1  }
0x2b: {  	v0 =	vand.u32 $0xE0000, v0;
	v1 =	vsel vm2, $0xFFFFFF80, v1  }
0x2c: {  	v0 =	vsel vm2, $0xFFFE0000, v0;
	v2 =	vand.u32 $0xFFFFFC00, v1  }
0x2d: {  	v1 =	vand.u32 $0x380, v1;
	v0 =	vadd.s32 v0, v2  }
0x2e: {  	v0 =	vor.u32 v1, v0  }
0x2f: {  	v0 =	vshrl.u32 v0, $0x3;
	_ =	sdelay $0x3  }
.Ltmp4:
0x30: {  	s13 =	sadd.s32 $0x800, s13;
	(pc) =	sbr.rel @p0 .LBB2_5-.Ltmp4, $4  }
0x31: {  	[tilespmem:s13], [sflag:$0x1] =	stream.indirect_vreg.gather [hbm:s2], $0x80, v0, vm0, $0x38;
	[tilespmem:$0x8100] =	vst v63  }
0x32: {  	s15 =	sshra.s32 s14, $0x2;
	s16 =	sadd.s32 $0x400, s13  }
0x33: {  	[tilespmem:s16], [sflag:$0x1] =	stream.indirect_vreg.gather [hbm:s2], $0x80, v0, vm1, $0x38;
	[tilespmem:$0x8100] =	vst v63  }
0x34: {  	s14 =	sadd.s32 $0x40, s14;
	v0 =	vld.msk [tilespmem:s15+$0x80 ss:$0x1], $0xffff  }
0x35: {  	_ =	sdelay $0x3  }
0x36: {  	v1 =	vshll.u32 v0, $0x4  }
0x37: {  	vm2 =	veq.s32 v0, $0x80000000;
	v63 =	vshll.u32 v0, $0x11;
	v1 =	vand.u32 $0x1FF80, v1  }
0x38: {  	v0 =	vand.u32 $0xE0000, v63;
	v1 =	vsel vm2, $0xFFFFFF80, v1  }
0x39: {  	v0 =	vsel vm2, $0xFFFE0000, v0;
	v2 =	vand.u32 $0xFFFFFC00, v1  }
0x3a: {  	v1 =	vand.u32 $0x380, v1;
	v0 =	vadd.s32 v0, v2  }
0x3b: {  	v0 =	vor.u32 v1, v0  }
0x3c: {  	v0 =	vshrl.u32 v0, $0x3;
	_ =	sdelay $0x3  }
0x3d: {  	s13 =	sadd.s32 $0x800, s13  }
0x3e: {  	[tilespmem:s13], [sflag:$0x1] =	stream.indirect_vreg.gather [hbm:s2], $0x80, v0, vm0, $0x38;
	[tilespmem:$0x8100] =	vst v63  }
0x3f: {  	s13 =	sadd.s32 $0x400, s13  }
0x40: {  	[tilespmem:s13], [sflag:$0x1] =	stream.indirect_vreg.gather [hbm:s2], $0x80, v0, vm1, $0x38;
	[tilespmem:$0x8100] =	vst v63  }
0x41: {  	s12 =	sshll.u32 s12, $0x4;
	s14 =	simm.s32 $0x80;
	_ =	swait.ge [sflag:s4], $0x4000  }
0x42: {  	s15 =	simm.s32 $0x4500;
	s12 =	sadd.s32 s12, s7;
	[sflag:s4] =	ssyncset.done $0x0  }
0x43: {  	s16 =	sadd.s32 $0x0, s12;
	s13 =	simm.s32 $0x4100;
	[sflag:s4] =	ssyncadd.s32 $0xFFFFC000  }
.LBB2_7:
0x44: {  	[hbm:s16] =	stream.linear.scatter [tilespmem:s13], [sflag:$0x3], $0x400, $0x38;
	[tilespmem:$0x8100] =	vst v63  }
0x45: {  	s16 =	smov.u32 s14;
	s13 =	smov.u32 s15;
	p0 =	sne.s32 s14, $0x780  }
.Ltmp5:
0x46: {  	s14 =	sadd.s32 $0x80, s14;
	(pc) =	sbr.rel @p0 .LBB2_7-.Ltmp5, $2  }
0x47: {  	_ =	sdelay $0x2  }
0x48: {  	s15 =	sadd.s32 $0x400, s15;
	s16 =	sadd.s32 s16, s12  }
.Ltmp6:
0x49: {  	(pc) =	sbr.rel .LBB2_9-.Ltmp6, $2  }
0x4a: {  	_ =	sdelay $0x2  }
0x4b: {  	[hbm:s16] =	stream.linear.scatter [tilespmem:s13], [sflag:$0x3], $0x400, $0x38;
	[tilespmem:$0x8100] =	vst v63  }
.LBB2_2:
.Ltmp7:
0x4c: {  	(pc) =	sbr.rel .LBB2_10-.Ltmp7, $4  }
0x4d: {  	_ = 	snop  }
0x4e: {  	s12 =	sshrl.u32 s11, $0x3  }
0x4f: {  	s13 =	sand.u32 $0x7, s11;
	s12 =	sadd.s32 s3, s12  }
0x50: {  	[tilespmem:s9], [sflag:$0x2] =	stream.linear.gather [hbm4b:s12+s13], $0x80, $0x38;
	[tilespmem:$0x8100] =	vst v63  }
.LBB2_11:
0x51: {  	s2 =	simm.s32 $0x3  }
0x52: {  	_ =	swait.ge [sflag:s2], $0x4000  }
0x53: {  	[sflag:s2] =	ssyncset.done $0x0  }
0x54: {  	[sflag:s2] =	ssyncadd.s32 $0xFFFFC000  }
0x55: {  	_ =	sfence.sel $0x180000  }
0x56: {  	s3 =	simm.s32 $0x2;
	[bflag:$0x0] =	sbarrier.arrive $0xFFFF  }
0x57: {  	[sflag:s3] =	ssyncpa.u1 $0x1  }
0x58: {  	s31 =	simm.s32 $0x1;
	[sflag:s2] =	ssyncpa.u1 $0x1  }
0x59: {  	[sflag:s31] =	ssyncpa.u1 $0x1  }
0x5a: {  	p0 =	sne.s32 s1, $0x0;
	_ =	strace $0x9000004D  }
0x5b: {  	s0 =	sadd.s32 @!p0 $0x100000, s0;
	[bflag:$0x2] =	sbarrier.arrive $0xFFFF  }
0x5c: {  	[sflag:s0] =	ssyncadd.tile.s32 @!p0 $0x1;
	_ =	shalt  }
.Lfunc_end2:
_tile_overlayer_lowered:
.L_overlay_start_2:
0x5d: {  	(tag) =	ssettag $0x2  }
0x5e: {  	s0 =	rddreg [dreg:$0x0];
	s2 =	stileid.u32  }
0x5f: {  	s1 =	rddreg [dreg:$0x1];
	p0 =	sne.s32 s2, $0x0  }
0x60: {  	s3 =	rddreg [dreg:$0x2];
	[bflag:$0x3] =	sbarrier.arrive $0xFFFF;
	s2 =	simm.s32 @!p0 $0x1C01  }
0x61: {  	[timem:s3], [sflag:s2] =	dma.local @!p0 [hbm:s0], s1  }
0x62: {  	s0 =	simm.s32 @!p0 $0x1  }
0x63: {  	_ =	swait.ge @!p0 [sflag:s0], s1  }
0x64: {  	s1 =	ssub.s32 @!p0 $0x0, s1;
	[sflag:s0] =	ssyncset.done @!p0 $0x0  }
0x65: {  	[sflag:s0] =	ssyncadd.s32 @!p0 s1  }
0x66: {  	[bflag:$0x3] =	sbarrier.arrive $0xFFFF  }
0x67: {  	_ =	shalt  }

// kernel: gather_offload_async_start.2
scs
__scs_entry_jumppad:
0x0: {  	(pc) =	sbr.rel $0x88, $3  }
0x1: {  	(tag) =	ssettag $0x0;
	lr =	simm.s32 $0x1  }
0x2: {  	[smem:$0x3F7C] =	sst lr;
	_ =	strace $0xD0000000  }
0x3: {  	_ = 	snop  }
0x4: {  	_ = 	snop  }
0x5: {  	_ = 	snop  }
0x6: {  	_ = 	snop  }
0x7: {  	_ = 	snop  }
__scs_overlays_trampoline_lowered:
0x8: {  	[smem:$0x3F8B] =	sst s0  }
0x9: {  	[smem:$0x3F8C] =	sst s1  }
0xa: {  	[smem:$0x3F8D] =	sst s2  }
0xb: {  	[smem:$0x3F8E] =	sst s3  }
0xc: {  	[smem:$0x3F8F] =	sst s4  }
0xd: {  	[smem:$0x3F90] =	sst s5  }
0xe: {  	[smem:$0x3F91] =	sst s6  }
0xf: {  	[smem:$0x3F92] =	sst s7  }
0x10: {  	[smem:$0x3F93] =	sst s8  }
0x11: {  	[smem:$0x3F94] =	sst s9;
	s0 =	simm.s32 @!p0 $0x0  }
0x12: {  	s1 =	sld [smem:$0x3F7A];
	s0 =	simm.s32 @p0 $0x1  }
0x13: {  	[smem:$0x3F95] =	sst s0;
	s0 =	simm.s32 @!p1 $0x0  }
0x14: {  	s2 =	sld [smem:$0x3F79];
	s0 =	simm.s32 @p1 $0x1  }
0x15: {  	[smem:$0x3F96] =	sst s0;
	s0 =	simm.s32 @!p2 $0x0  }
0x16: {  	s3 =	sld [smem:$0x3FDB];
	s0 =	simm.s32 @p2 $0x1  }
0x17: {  	s4 =	simm.s32 $0x1BF5;
	[smem:$0x3F98] =	sst s0  }
0x18: {  	s0 =	sld [smem:$0x3F7B];
	_ =	swait.ge [sflag:s4], $0x0  }
0x19: {  	s7 =	sld [smem:$0x3F7C]  }
0x1a: {  	s8 =	sadd.s32 $0xFFFFE003, lr  }
0x1b: {  	s9 =	sadd.s32 $0xFFFFFEF7, lr;
	s5 =	simm.s32 $0xFFFFFFFF;
	p2 =	slt.u32 s8, $0xFFFFF086  }
0x1c: {  	p1 =	slt.u32 s9, $0xF7A;
	s5 =	simm.s32 @!p2 $0x0  }
0x1d: {  	s5 =	simm.s32 @p1 $0x1;
	p0 =	seq.s32 s7, s2  }
0x1e: {  	s7 =	smul.u32 @!p0 $0xF7A, s2;
	p2 =	seq.s32 @!p0 s5, $0x0  }
0x1f: {  	s9 =	smul.u32 $0xF7A, s1;
	s8 =	simm.s32 @!p0 $0x1BF5;
	p2 =	por !p2, p0  }
0x20: {  	[sflag:s8] =	ssyncset.s32 @!p0 $0xFFFFF086;
	s6 =	sadd.s32 @!p0 s3, s7;
	s7 =	simm.s32 @!p0 $0x108  }
0x21: {  	s3 =	sadd.s32 s3, s9;
	s6 =	sadd.s32 @!p0 $0x88, s6;
	s7 =	simm.s32 @p2 $0x1082  }
0x22: {  	[simem:s7], [sflag:s8] =	dma.local @!p0 [hbm:s6], $0xF7A  }
0x23: {  	s9 =	sor.u32 $0xD0000000, s2;
	s6 =	simm.s32 $0x108;
	_ =	swait.ge @!p0 [sflag:s8], $0x0  }
0x24: {  	s3 =	sadd.s32 $0x88, s3;
	s6 =	simm.s32 @!p1 $0x1082;
	[sflag:s4] =	ssyncset.s32 $0xFFFFF086  }
0x25: {  	[simem:s6], [sflag:s4] =	dma.local [hbm:s3], $0xF7A  }
0x26: {  	[smem:$0x3F7C] =	sst s1;
	(tag) =	ssettag s2;
	_ =	strace s9  }
0x27: {  	s1 =	sld [smem:$0x3F8C]  }
0x28: {  	s2 =	sld [smem:$0x3F8D]  }
0x29: {  	s4 =	sld [smem:$0x3F8F]  }
0x2a: {  	p0 =	seq.s32 s5, $0x0;
	s5 =	sld [smem:$0x3F90]  }
0x2b: {  	s6 =	sld [smem:$0x3F91]  }
0x2c: {  	s7 =	sld [smem:$0x3F92]  }
0x2d: {  	s3 =	simm.s32 $0x108;
	s8 =	sld [smem:$0x3F93]  }
0x2e: {  	s3 =	simm.s32 @!p0 $0x1082;
	s9 =	sld [smem:$0x3F94]  }
0x2f: {  	lr =	sadd.s32 s0, s3;
	s0 =	sld [smem:$0x3F8B]  }
0x30: {  	s3 =	sld [smem:$0x3F8E]  }
0x31: {  	[smem:$0x3F97] =	sst s10  }
0x32: {  	s10 =	sld [smem:$0x3F95];
	_ =	sdelay $0x3  }
0x33: {  	p0 =	seq.s32 s10, $0x1;
	s10 =	sld [smem:$0x3F97];
	_ =	sdelay $0x3  }
0x34: {  	[smem:$0x3F97] =	sst s10  }
0x35: {  	s10 =	sld [smem:$0x3F96];
	_ =	sdelay $0x3  }
0x36: {  	p1 =	seq.s32 s10, $0x1;
	s10 =	sld [smem:$0x3F97];
	_ =	sdelay $0x3  }
0x37: {  	[smem:$0x3F97] =	sst s10  }
0x38: {  	s10 =	sld [smem:$0x3F98]  }
0x39: {  	_ = 	snop;
	(pc) =	sbr.ind lr, $3  }
0x3a: {  	_ = 	snop  }
0x3b: {  	_ = 	snop  }
0x3c: {  	p2 =	seq.s32 s10, $0x1;
	s10 =	sld [smem:$0x3F97]  }
0x3d: {  	_ =	shalt  }
0x3e: {  	_ =	shalt  }
0x3f: {  	_ =	shalt  }
0x40: {  	_ =	shalt  }
0x41: {  	_ =	shalt  }
0x42: {  	_ =	shalt  }
0x43: {  	_ =	shalt  }
0x44: {  	_ =	shalt  }
0x45: {  	_ =	shalt  }
0x46: {  	_ =	shalt  }
0x47: {  	_ =	shalt  }
0x48: {  	_ =	shalt  }
0x49: {  	_ =	shalt  }
0x4a: {  	_ =	shalt  }
0x4b: {  	_ =	shalt  }
0x4c: {  	_ =	shalt  }
0x4d: {  	_ =	shalt  }
0x4e: {  	_ =	shalt  }
0x4f: {  	_ =	shalt  }
0x50: {  	_ =	shalt  }
0x51: {  	_ =	shalt  }
0x52: {  	_ =	shalt  }
0x53: {  	_ =	shalt  }
0x54: {  	_ =	shalt  }
0x55: {  	_ =	shalt  }
0x56: {  	_ =	shalt  }
0x57: {  	_ =	shalt  }
0x58: {  	_ =	shalt  }
0x59: {  	_ =	shalt  }
0x5a: {  	_ =	shalt  }
0x5b: {  	_ =	shalt  }
0x5c: {  	_ =	shalt  }
0x5d: {  	_ =	shalt  }
0x5e: {  	_ =	shalt  }
0x5f: {  	_ =	shalt  }
0x60: {  	_ =	shalt  }
0x61: {  	_ =	shalt  }
0x62: {  	_ =	shalt  }
0x63: {  	_ =	shalt  }
0x64: {  	_ =	shalt  }
0x65: {  	_ =	shalt  }
0x66: {  	_ =	shalt  }
0x67: {  	_ =	shalt  }
0x68: {  	_ =	shalt  }
0x69: {  	_ =	shalt  }
0x6a: {  	_ =	shalt  }
0x6b: {  	_ =	shalt  }
0x6c: {  	_ =	shalt  }
0x6d: {  	_ =	shalt  }
0x6e: {  	_ =	shalt  }
0x6f: {  	_ =	shalt  }
0x70: {  	_ =	shalt  }
0x71: {  	_ =	shalt  }
0x72: {  	_ =	shalt  }
0x73: {  	_ =	shalt  }
0x74: {  	_ =	shalt  }
0x75: {  	_ =	shalt  }
0x76: {  	_ =	shalt  }
0x77: {  	_ =	shalt  }
0x78: {  	_ =	shalt  }
0x79: {  	_ =	shalt  }
0x7a: {  	_ =	shalt  }
0x7b: {  	_ =	shalt  }
0x7c: {  	_ =	shalt  }
0x7d: {  	_ =	shalt  }
0x7e: {  	_ =	shalt  }
0x7f: {  	_ =	shalt  }
0x80: {  	_ =	shalt  }
0x81: {  	_ =	shalt  }
0x82: {  	_ =	shalt  }
0x83: {  	_ =	shalt  }
0x84: {  	_ =	shalt  }
0x85: {  	_ =	shalt  }
0x86: {  	_ =	shalt  }
0x87: {  	_ =	shalt  }
.Lfunc_end0:
.L_simem_size_0:
called_computation.15_lowered:
.L_overlay_start_0:
0x88: {  	s2 =	sld [smem:$0x3FD9]  }
0x89: {  	s3 =	sld [smem:$0x3FFE];
	_ =	sdelay $0x1  }
0x8a: {  	s1 =	srdreg.scid  }
0x8b: {  	s0 =	sand.u32 $0x1, s1  }
0x8c: {  	s16 =	sshll.u32 s0, $0xA;
	s2 =	sadd.s32 s3, s2  }
0x8d: {  	s2 =	sadd.s32 s2, s16  }
0x8e: {  	[smem:$0x3FA3] =	sst s2  }
0x8f: {  	_ = 	snop  }
0x90: {  	(tm) =	ssettm $0x1  }
0x91: {  	s17 =	sld [smem:$0x3FFB];
	_ =	sdelay $0x3  }
0x92: {  	_ =	strace s17  }
0x93: {  	s2 =	sld [smem:$0x3FFC];
	_ =	sdelay $0x3  }
0x94: {  	_ =	strace s2  }
0x95: {  	s2 =	sld [smem:$0x3FFD];
	_ =	sdelay $0x3  }
0x96: {  	_ =	strace s2  }
0x97: {  	_ =	strace $0x8FFFFFFF  }
0x98: {  	s18 =	sld [smem:$0x3FDB];
	_ =	sdelay $0x1  }
0x99: {  	s19 =	simm.s32 $_scs_section_size  }
0x9a: {  	s4 =	simm.s32 $_size__tile_overlayer_lowered;
	s5 =	simm.s32 $_tile_overlayer_lowered  }
0x9b: {  	s22 =	simm.s32 $0x1BFF;
	s21 =	sshll.u32 s5, $0x1;
	s2 =	sadd.s32 s19, s18  }
0x9c: {  	s6 =	simm.s32 $0x0;
	s20 =	sshll.u32 s4, $0x1;
	s4 =	sadd.s32 s21, s2  }
0x9d: {  	[timem:s6], [sflag:s22] =	dma.local [hbm:s4], s20  }
0x9e: {  	_ =	swait.ge [sflag:s22], s20  }
0x9f: {  	s3 =	ssub.s32 $0x0, s20;
	[sflag:s22] =	ssyncset.done $0x0  }
0xa0: {  	[sflag:s22] =	ssyncadd.s32 s3;
	_ =	sdelay $0x1  }
0xa1: {  	s23 =	simm.s32 $0x1B8B  }
0xa2: {  	_ =	swait.ge [sflag:s23], $0x1  }
0xa3: {  	[sflag:s23] =	ssyncset.done $0x0  }
0xa4: {  	s25 =	simm.s32 $0x1B8E;
	s24 =	sld [smem:$0x3FFE];
	[sflag:s23] =	ssyncadd.s32 $0xFFFFFFFF  }
0xa5: {  	s26 =	simm.s32 $execute0_lowered;
	[smem:$0x3FD2] =	sst s25  }
0xa6: {  	s4 =	sshll.u32 s26, $0x1;
	_ =	strace $0x8000005B;
	[dreg:$0x1] =	wrdreg $0xFFFFFFFF  }
0xa7: {  	s28 =	simm.s32 $_size_execute0_lowered;
	s2 =	sadd.s32 s2, s4;
	[dreg:$0x0] =	wrdreg $0x0  }
0xa8: {  	s4 =	sshll.u32 s28, $0x1;
	[dreg:$0x2] =	wrdreg s2  }
0xa9: {  	[dreg:$0x3] =	wrdreg s4  }
0xaa: {  	[dreg:$0x4] =	wrdreg $0xC0  }
0xab: {  	_ =	task [dreg:s6], $0x5FFFF  }
0xac: {  	[dreg:$0x1] =	wrdreg $0xFFFFFFFF  }
0xad: {  	[dreg:$0x0] =	wrdreg $0x60  }
0xae: {  	[dreg:$0x2] =	wrdreg s24  }
0xaf: {  	[dreg:$0x3] =	wrdreg $0xB  }
0xb0: {  	_ =	task.clear_ibuf [dreg:s6], $0x4FFFF;
	_ =	strace $0x9000005B  }
0xb1: {  	s29 =	simm.s32 $0xB;
	_ =	strace $0x8000005D  }
0xb2: {  	_ =	swait.ge [sflag:s29], $0x1  }
0xb3: {  	[sflag:s29] =	ssyncadd.s32 $0xFFFFFFFF  }
0xb4: {  	_ =	strace $0x9000005D  }
0xb5: {  	_ =	sfence  }
0xb6: {  	s30 =	sld [smem:$0x0];
	_ =	sdelay $0x2  }
0xb7: {  	s31 =	sshll.u32 s1, $0xD;
	s1 =	sshrl.u32 s1, $0x2  }
0xb8: {  	s3 =	sand.u32 $0x4000, s31;
	s1 =	sadd.s32 s1, s30  }
0xb9: {  	s0 =	sor.u32 s3, s0;
	s1 =	sshll.u32 s1, $0x11  }
0xba: {  	s0 =	sor.u32 s1, s0  }
0xbb: {  	s0 =	sadd.s32 $0x8F2B, s0  }
0xbc: {  	[sflag:s0] =	ssyncadd.remote.s32 $0x1  }
0xbd: {  	_ =	sfence.sel $0xFFFF  }
0xbe: {  	[dreg:$0x0] =	wrdreg $0xFFFFFFFF;
	(pc) =	sbr.abs _section_cstart, $3  }
0xbf: {  	[dreg:$0x1] =	wrdreg $0xFFFFFFFF  }
0xc0: {  	_ =	task.clear_ibuf [dreg:s6], $0x2FFFF;
	_ =	strace $0x9FFFFFFF  }
0xc1: {  	(tm) =	ssettm $0x7FFFFFFF  }
tec
execute0_lowered:
.L_overlay_start_1:
0x0: {  	(tag) =	ssettag $0x1  }
0x1: {  	s7 =	rddreg [dreg:$0x0]  }
0x2: {  	s0 =	rddreg [dreg:$0x1];
	_ =	strace $0x8000005C  }
0x3: {  	s1 =	srdreg.scid;
	s4 =	simm.s32 $0x1;
	s9 =	simm.s32 $0x3  }
0x4: {  	s12 =	simm.s32 $0x0;
	s10 =	simm.s32 $0x0;
	s5 =	sshll.u32 s1, $0x4  }
.Ltmp0:
0x5: {  	s1 =	stileid.u32;
	s5 =	sand.u32 $0x10, s5;
	(pc) =	sbr.rel .LBB2_1-.Ltmp0, $4  }
0x6: {  	s2 =	sadd.s32 $0x400, s7;
	s3 =	sadd.s32 $0x30400, s7;
	s6 =	sor.u32 s1, s5  }
0x7: {  	[sflag:s4] =	ssyncpa.u1 $0x0;
	s5 =	simm.s32 $0x2;
	s6 =	sshll.u32 s6, $0x6  }
0x8: {  	s7 =	sadd.s32 $0x10400, s7;
	[sflag:s5] =	ssyncpa.u1 $0x0;
	s8 =	sadd.s32 $0x40, s6  }
0x9: {  	vm0 =	vmmov $0xff;
	vm1 =	vcmask $0x3F20;
	[sflag:s9] =	ssyncpa.u1 $0x0;
	s9 =	simm.s32 $0x40;
	s11 =	smov.u32 s6  }
.LBB2_9:
0xa: {  	p0 =	seq.s32 s10, $0x2  }
.Ltmp1:
0xb: {  	_ = 	snop;
	(pc) =	sbr.rel @p0 .LBB2_11-.Ltmp1, $1  }
0xc: {  	_ =	sdelay $0x3  }
.LBB2_10:
0xd: {  	s12 =	sadd.s32 $0x40, s11  }
0xe: {  	s13 =	smov.u32 s6;
	p0 =	slt.s32 s12, s8  }
0xf: {  	s13 =	smov.u32 @p0 s12  }
0x10: {  	s10 =	sadd.s32 $0x1, s10;
	s12 =	smov.u32 s11;
	s11 =	smov.u32 s13  }
.LBB2_1:
0x11: {  	p0 =	sne.s32 s10, $0x0  }
.Ltmp2:
0x12: {  	_ = 	snop;
	(pc) =	sbr.rel @!p0 .LBB2_2-.Ltmp2, $1  }
0x13: {  	_ =	sdelay $0x3  }
0x14: {  	s13 =	sand.u32 $0x1, s10  }
0x15: {  	p0 =	seq.s32 s13, $0x0  }
.Ltmp3:
0x16: {  	_ = 	snop;
	(pc) =	sbr.rel @p0 .LBB2_9-.Ltmp3, $1  }
0x17: {  	_ =	sdelay $0x3  }
0x18: {  	_ =	swait.ge [sflag:s5], $0x40  }
0x19: {  	[sflag:s5] =	ssyncset.done $0x0  }
0x1a: {  	s13 =	simm.s32 $0x0;
	[sflag:s5] =	ssyncadd.s32 $0xFFFFFFC0  }
0x1b: {  	v0 =	vld.msk [tilespmem:s13+$0x40 ss:$0x1], $0xffff;
	_ =	sdelay $0x4  }
0x1c: {  	v1 =	vshll.u32 v0, $0x4  }
0x1d: {  	vm2 =	veq.s32 v0, $0x80000000;
	v0 =	vshll.u32 v0, $0x10;
	v1 =	vand.u32 $0xFF80, v1  }
0x1e: {  	v0 =	vand.u32 $0x70000, v0;
	v1 =	vsel vm2, $0xFFFFFF80, v1  }
0x1f: {  	v0 =	vsel vm2, $0xFFFF0000, v0;
	v2 =	vand.u32 $0xFFFFFC00, v1  }
0x20: {  	v1 =	vand.u32 $0x380, v1;
	v0 =	vadd.s32 v0, v2  }
0x21: {  	v0 =	vor.u32 v1, v0  }
0x22: {  	v0 =	vshrl.u32 v0, $0x3;
	_ =	sdelay $0x3  }
0x23: {  	s13 =	simm.s32 $0x2080  }
0x24: {  	[tilespmem:s13], [sflag:$0x1] =	stream.indirect_vreg.gather [hbm:s2], $0x80, v0, vm0, $0x38;
	[tilespmem:$0x4080] =	vst v63  }
0x25: {  	s14 =	simm.s32 $0x2480;
	s31 =	simm.s32 $0x10  }
0x26: {  	[tilespmem:s14], [sflag:$0x1] =	stream.indirect_vreg.gather [hbm:s2], $0x80, v0, vm1, $0x38;
	[tilespmem:$0x4080] =	vst v63  }
0x27: {  	s14 =	simm.s32 $0x80;
	v0 =	vld.msk [tilespmem:s31+$0x40 ss:$0x1], $0xffff  }
.LBB2_5:
0x28: {  	p0 =	sne.s32 s14, $0xC0;
	_ =	sdelay $0x4  }
0x29: {  	v1 =	vshll.u32 v0, $0x4  }
0x2a: {  	vm2 =	veq.s32 v0, $0x80000000;
	v0 =	vshll.u32 v0, $0x10;
	v1 =	vand.u32 $0xFF80, v1  }
0x2b: {  	v0 =	vand.u32 $0x70000, v0;
	v1 =	vsel vm2, $0xFFFFFF80, v1  }
0x2c: {  	v0 =	vsel vm2, $0xFFFF0000, v0;
	v2 =	vand.u32 $0xFFFFFC00, v1  }
0x2d: {  	v1 =	vand.u32 $0x380, v1;
	v0 =	vadd.s32 v0, v2  }
0x2e: {  	v0 =	vor.u32 v1, v0  }
0x2f: {  	v0 =	vshrl.u32 v0, $0x3;
	_ =	sdelay $0x3  }
.Ltmp4:
0x30: {  	s13 =	sadd.s32 $0x800, s13;
	(pc) =	sbr.rel @p0 .LBB2_5-.Ltmp4, $4  }
0x31: {  	[tilespmem:s13], [sflag:$0x1] =	stream.indirect_vreg.gather [hbm:s2], $0x80, v0, vm0, $0x38;
	[tilespmem:$0x4080] =	vst v63  }
0x32: {  	s15 =	sshra.s32 s14, $0x2;
	s16 =	sadd.s32 $0x400, s13  }
0x33: {  	[tilespmem:s16], [sflag:$0x1] =	stream.indirect_vreg.gather [hbm:s2], $0x80, v0, vm1, $0x38;
	[tilespmem:$0x4080] =	vst v63  }
0x34: {  	s14 =	sadd.s32 $0x40, s14;
	v0 =	vld.msk [tilespmem:s15+$0x40 ss:$0x1], $0xffff  }
0x35: {  	_ =	sdelay $0x3  }
0x36: {  	v1 =	vshll.u32 v0, $0x4  }
0x37: {  	vm2 =	veq.s32 v0, $0x80000000;
	v63 =	vshll.u32 v0, $0x10;
	v1 =	vand.u32 $0xFF80, v1  }
0x38: {  	v0 =	vand.u32 $0x70000, v63;
	v1 =	vsel vm2, $0xFFFFFF80, v1  }
0x39: {  	v0 =	vsel vm2, $0xFFFF0000, v0;
	v2 =	vand.u32 $0xFFFFFC00, v1  }
0x3a: {  	v1 =	vand.u32 $0x380, v1;
	v0 =	vadd.s32 v0, v2  }
0x3b: {  	v0 =	vor.u32 v1, v0  }
0x3c: {  	v0 =	vshrl.u32 v0, $0x3;
	_ =	sdelay $0x3  }
0x3d: {  	s13 =	sadd.s32 $0x800, s13  }
0x3e: {  	[tilespmem:s13], [sflag:$0x1] =	stream.indirect_vreg.gather [hbm:s2], $0x80, v0, vm0, $0x38;
	[tilespmem:$0x4080] =	vst v63  }
0x3f: {  	s13 =	sadd.s32 $0x400, s13  }
0x40: {  	[tilespmem:s13], [sflag:$0x1] =	stream.indirect_vreg.gather [hbm:s2], $0x80, v0, vm1, $0x38;
	[tilespmem:$0x4080] =	vst v63  }
0x41: {  	s12 =	sshll.u32 s12, $0x4;
	s14 =	simm.s32 $0x80;
	_ =	swait.ge [sflag:s4], $0x2000  }
0x42: {  	s15 =	simm.s32 $0x2480;
	s12 =	sadd.s32 s12, s7;
	[sflag:s4] =	ssyncset.done $0x0  }
0x43: {  	s16 =	sadd.s32 $0x0, s12;
	s13 =	simm.s32 $0x2080;
	[sflag:s4] =	ssyncadd.s32 $0xFFFFE000  }
.LBB2_7:
0x44: {  	[hbm:s16] =	stream.linear.scatter [tilespmem:s13], [sflag:$0x3], $0x400, $0x38;
	[tilespmem:$0x4080] =	vst v63  }
0x45: {  	s16 =	smov.u32 s14;
	s13 =	smov.u32 s15;
	p0 =	sne.s32 s14, $0x380  }
.Ltmp5:
0x46: {  	s14 =	sadd.s32 $0x80, s14;
	(pc) =	sbr.rel @p0 .LBB2_7-.Ltmp5, $2  }
0x47: {  	_ =	sdelay $0x2  }
0x48: {  	s15 =	sadd.s32 $0x400, s15;
	s16 =	sadd.s32 s16, s12  }
.Ltmp6:
0x49: {  	(pc) =	sbr.rel .LBB2_9-.Ltmp6, $2  }
0x4a: {  	_ =	sdelay $0x2  }
0x4b: {  	[hbm:s16] =	stream.linear.scatter [tilespmem:s13], [sflag:$0x3], $0x400, $0x38;
	[tilespmem:$0x4080] =	vst v63  }
.LBB2_2:
.Ltmp7:
0x4c: {  	(pc) =	sbr.rel .LBB2_10-.Ltmp7, $4  }
0x4d: {  	_ = 	snop  }
0x4e: {  	s12 =	sshrl.u32 s11, $0x3  }
0x4f: {  	s13 =	sand.u32 $0x7, s11;
	s12 =	sadd.s32 s3, s12  }
0x50: {  	[tilespmem:s9], [sflag:$0x2] =	stream.linear.gather [hbm4b:s12+s13], $0x40, $0x38;
	[tilespmem:$0x4080] =	vst v63  }
.LBB2_11:
0x51: {  	s2 =	simm.s32 $0x3  }
0x52: {  	_ =	swait.ge [sflag:s2], $0x2000  }
0x53: {  	[sflag:s2] =	ssyncset.done $0x0  }
0x54: {  	[sflag:s2] =	ssyncadd.s32 $0xFFFFE000  }
0x55: {  	_ =	sfence.sel $0x180000  }
0x56: {  	s3 =	simm.s32 $0x2;
	[bflag:$0x0] =	sbarrier.arrive $0xFFFF  }
0x57: {  	[sflag:s3] =	ssyncpa.u1 $0x1  }
0x58: {  	s31 =	simm.s32 $0x1;
	[sflag:s2] =	ssyncpa.u1 $0x1  }
0x59: {  	[sflag:s31] =	ssyncpa.u1 $0x1  }
0x5a: {  	p0 =	sne.s32 s1, $0x0;
	_ =	strace $0x9000005C  }
0x5b: {  	s0 =	sadd.s32 @!p0 $0x100000, s0;
	[bflag:$0x2] =	sbarrier.arrive $0xFFFF  }
0x5c: {  	[sflag:s0] =	ssyncadd.tile.s32 @!p0 $0x1;
	_ =	shalt  }
.Lfunc_end2:
_tile_overlayer_lowered:
.L_overlay_start_2:
0x5d: {  	(tag) =	ssettag $0x2  }
0x5e: {  	s0 =	rddreg [dreg:$0x0];
	s2 =	stileid.u32  }
0x5f: {  	s1 =	rddreg [dreg:$0x1];
	p0 =	sne.s32 s2, $0x0  }
0x60: {  	s3 =	rddreg [dreg:$0x2];
	[bflag:$0x3] =	sbarrier.arrive $0xFFFF;
	s2 =	simm.s32 @!p0 $0x1C01  }
0x61: {  	[timem:s3], [sflag:s2] =	dma.local @!p0 [hbm:s0], s1  }
0x62: {  	s0 =	simm.s32 @!p0 $0x1  }
0x63: {  	_ =	swait.ge @!p0 [sflag:s0], s1  }
0x64: {  	s1 =	ssub.s32 @!p0 $0x0, s1;
	[sflag:s0] =	ssyncset.done @!p0 $0x0  }
0x65: {  	[sflag:s0] =	ssyncadd.s32 @!p0 s1  }
0x66: {  	[bflag:$0x3] =	sbarrier.arrive $0xFFFF  }
0x67: {  	_ =	shalt  }

// kernel: gather_offload_async_start.3
scs
__scs_entry_jumppad:
0x0: {  	(pc) =	sbr.rel $0x88, $3  }
0x1: {  	(tag) =	ssettag $0x0;
	lr =	simm.s32 $0x1  }
0x2: {  	[smem:$0x3F7C] =	sst lr;
	_ =	strace $0xD0000000  }
0x3: {  	_ = 	snop  }
0x4: {  	_ = 	snop  }
0x5: {  	_ = 	snop  }
0x6: {  	_ = 	snop  }
0x7: {  	_ = 	snop  }
__scs_overlays_trampoline_lowered:
0x8: {  	[smem:$0x3F8B] =	sst s0  }
0x9: {  	[smem:$0x3F8C] =	sst s1  }
0xa: {  	[smem:$0x3F8D] =	sst s2  }
0xb: {  	[smem:$0x3F8E] =	sst s3  }
0xc: {  	[smem:$0x3F8F] =	sst s4  }
0xd: {  	[smem:$0x3F90] =	sst s5  }
0xe: {  	[smem:$0x3F91] =	sst s6  }
0xf: {  	[smem:$0x3F92] =	sst s7  }
0x10: {  	[smem:$0x3F93] =	sst s8  }
0x11: {  	[smem:$0x3F94] =	sst s9;
	s0 =	simm.s32 @!p0 $0x0  }
0x12: {  	s1 =	sld [smem:$0x3F7A];
	s0 =	simm.s32 @p0 $0x1  }
0x13: {  	[smem:$0x3F95] =	sst s0;
	s0 =	simm.s32 @!p1 $0x0  }
0x14: {  	s2 =	sld [smem:$0x3F79];
	s0 =	simm.s32 @p1 $0x1  }
0x15: {  	[smem:$0x3F96] =	sst s0;
	s0 =	simm.s32 @!p2 $0x0  }
0x16: {  	s3 =	sld [smem:$0x3FDB];
	s0 =	simm.s32 @p2 $0x1  }
0x17: {  	s4 =	simm.s32 $0x1BF5;
	[smem:$0x3F98] =	sst s0  }
0x18: {  	s0 =	sld [smem:$0x3F7B];
	_ =	swait.ge [sflag:s4], $0x0  }
0x19: {  	s7 =	sld [smem:$0x3F7C]  }
0x1a: {  	s8 =	sadd.s32 $0xFFFFE003, lr  }
0x1b: {  	s9 =	sadd.s32 $0xFFFFFEF7, lr;
	s5 =	simm.s32 $0xFFFFFFFF;
	p2 =	slt.u32 s8, $0xFFFFF086  }
0x1c: {  	p1 =	slt.u32 s9, $0xF7A;
	s5 =	simm.s32 @!p2 $0x0  }
0x1d: {  	s5 =	simm.s32 @p1 $0x1;
	p0 =	seq.s32 s7, s2  }
0x1e: {  	s7 =	smul.u32 @!p0 $0xF7A, s2;
	p2 =	seq.s32 @!p0 s5, $0x0  }
0x1f: {  	s9 =	smul.u32 $0xF7A, s1;
	s8 =	simm.s32 @!p0 $0x1BF5;
	p2 =	por !p2, p0  }
0x20: {  	[sflag:s8] =	ssyncset.s32 @!p0 $0xFFFFF086;
	s6 =	sadd.s32 @!p0 s3, s7;
	s7 =	simm.s32 @!p0 $0x108  }
0x21: {  	s3 =	sadd.s32 s3, s9;
	s6 =	sadd.s32 @!p0 $0x88, s6;
	s7 =	simm.s32 @p2 $0x1082  }
0x22: {  	[simem:s7], [sflag:s8] =	dma.local @!p0 [hbm:s6], $0xF7A  }
0x23: {  	s9 =	sor.u32 $0xD0000000, s2;
	s6 =	simm.s32 $0x108;
	_ =	swait.ge @!p0 [sflag:s8], $0x0  }
0x24: {  	s3 =	sadd.s32 $0x88, s3;
	s6 =	simm.s32 @!p1 $0x1082;
	[sflag:s4] =	ssyncset.s32 $0xFFFFF086  }
0x25: {  	[simem:s6], [sflag:s4] =	dma.local [hbm:s3], $0xF7A  }
0x26: {  	[smem:$0x3F7C] =	sst s1;
	(tag) =	ssettag s2;
	_ =	strace s9  }
0x27: {  	s1 =	sld [smem:$0x3F8C]  }
0x28: {  	s2 =	sld [smem:$0x3F8D]  }
0x29: {  	s4 =	sld [smem:$0x3F8F]  }
0x2a: {  	p0 =	seq.s32 s5, $0x0;
	s5 =	sld [smem:$0x3F90]  }
0x2b: {  	s6 =	sld [smem:$0x3F91]  }
0x2c: {  	s7 =	sld [smem:$0x3F92]  }
0x2d: {  	s3 =	simm.s32 $0x108;
	s8 =	sld [smem:$0x3F93]  }
0x2e: {  	s3 =	simm.s32 @!p0 $0x1082;
	s9 =	sld [smem:$0x3F94]  }
0x2f: {  	lr =	sadd.s32 s0, s3;
	s0 =	sld [smem:$0x3F8B]  }
0x30: {  	s3 =	sld [smem:$0x3F8E]  }
0x31: {  	[smem:$0x3F97] =	sst s10  }
0x32: {  	s10 =	sld [smem:$0x3F95];
	_ =	sdelay $0x3  }
0x33: {  	p0 =	seq.s32 s10, $0x1;
	s10 =	sld [smem:$0x3F97];
	_ =	sdelay $0x3  }
0x34: {  	[smem:$0x3F97] =	sst s10  }
0x35: {  	s10 =	sld [smem:$0x3F96];
	_ =	sdelay $0x3  }
0x36: {  	p1 =	seq.s32 s10, $0x1;
	s10 =	sld [smem:$0x3F97];
	_ =	sdelay $0x3  }
0x37: {  	[smem:$0x3F97] =	sst s10  }
0x38: {  	s10 =	sld [smem:$0x3F98]  }
0x39: {  	_ = 	snop;
	(pc) =	sbr.ind lr, $3  }
0x3a: {  	_ = 	snop  }
0x3b: {  	_ = 	snop  }
0x3c: {  	p2 =	seq.s32 s10, $0x1;
	s10 =	sld [smem:$0x3F97]  }
0x3d: {  	_ =	shalt  }
0x3e: {  	_ =	shalt  }
0x3f: {  	_ =	shalt  }
0x40: {  	_ =	shalt  }
0x41: {  	_ =	shalt  }
0x42: {  	_ =	shalt  }
0x43: {  	_ =	shalt  }
0x44: {  	_ =	shalt  }
0x45: {  	_ =	shalt  }
0x46: {  	_ =	shalt  }
0x47: {  	_ =	shalt  }
0x48: {  	_ =	shalt  }
0x49: {  	_ =	shalt  }
0x4a: {  	_ =	shalt  }
0x4b: {  	_ =	shalt  }
0x4c: {  	_ =	shalt  }
0x4d: {  	_ =	shalt  }
0x4e: {  	_ =	shalt  }
0x4f: {  	_ =	shalt  }
0x50: {  	_ =	shalt  }
0x51: {  	_ =	shalt  }
0x52: {  	_ =	shalt  }
0x53: {  	_ =	shalt  }
0x54: {  	_ =	shalt  }
0x55: {  	_ =	shalt  }
0x56: {  	_ =	shalt  }
0x57: {  	_ =	shalt  }
0x58: {  	_ =	shalt  }
0x59: {  	_ =	shalt  }
0x5a: {  	_ =	shalt  }
0x5b: {  	_ =	shalt  }
0x5c: {  	_ =	shalt  }
0x5d: {  	_ =	shalt  }
0x5e: {  	_ =	shalt  }
0x5f: {  	_ =	shalt  }
0x60: {  	_ =	shalt  }
0x61: {  	_ =	shalt  }
0x62: {  	_ =	shalt  }
0x63: {  	_ =	shalt  }
0x64: {  	_ =	shalt  }
0x65: {  	_ =	shalt  }
0x66: {  	_ =	shalt  }
0x67: {  	_ =	shalt  }
0x68: {  	_ =	shalt  }
0x69: {  	_ =	shalt  }
0x6a: {  	_ =	shalt  }
0x6b: {  	_ =	shalt  }
0x6c: {  	_ =	shalt  }
0x6d: {  	_ =	shalt  }
0x6e: {  	_ =	shalt  }
0x6f: {  	_ =	shalt  }
0x70: {  	_ =	shalt  }
0x71: {  	_ =	shalt  }
0x72: {  	_ =	shalt  }
0x73: {  	_ =	shalt  }
0x74: {  	_ =	shalt  }
0x75: {  	_ =	shalt  }
0x76: {  	_ =	shalt  }
0x77: {  	_ =	shalt  }
0x78: {  	_ =	shalt  }
0x79: {  	_ =	shalt  }
0x7a: {  	_ =	shalt  }
0x7b: {  	_ =	shalt  }
0x7c: {  	_ =	shalt  }
0x7d: {  	_ =	shalt  }
0x7e: {  	_ =	shalt  }
0x7f: {  	_ =	shalt  }
0x80: {  	_ =	shalt  }
0x81: {  	_ =	shalt  }
0x82: {  	_ =	shalt  }
0x83: {  	_ =	shalt  }
0x84: {  	_ =	shalt  }
0x85: {  	_ =	shalt  }
0x86: {  	_ =	shalt  }
0x87: {  	_ =	shalt  }
.Lfunc_end0:
.L_simem_size_0:
called_computation.16_lowered:
.L_overlay_start_0:
0x88: {  	s2 =	sld [smem:$0x3FD9]  }
0x89: {  	s3 =	sld [smem:$0x3FFE];
	_ =	sdelay $0x1  }
0x8a: {  	s1 =	srdreg.scid  }
0x8b: {  	s0 =	sand.u32 $0x1, s1  }
0x8c: {  	s17 =	sshll.u32 s0, $0xA;
	s2 =	sadd.s32 s3, s2  }
0x8d: {  	s2 =	sadd.s32 s2, s17  }
0x8e: {  	[smem:$0x3FA3] =	sst s2  }
0x8f: {  	_ = 	snop  }
0x90: {  	(tm) =	ssettm $0x1  }
0x91: {  	s18 =	sld [smem:$0x3FFB];
	_ =	sdelay $0x3  }
0x92: {  	_ =	strace s18  }
0x93: {  	s2 =	sld [smem:$0x3FFC];
	_ =	sdelay $0x3  }
0x94: {  	_ =	strace s2  }
0x95: {  	s2 =	sld [smem:$0x3FFD];
	_ =	sdelay $0x3  }
0x96: {  	_ =	strace s2  }
0x97: {  	_ =	strace $0x8FFFFFFF  }
0x98: {  	s19 =	sld [smem:$0x3FDB];
	_ =	sdelay $0x1  }
0x99: {  	s20 =	simm.s32 $_scs_section_size  }
0x9a: {  	s4 =	simm.s32 $_size__tile_overlayer_lowered;
	s5 =	simm.s32 $_tile_overlayer_lowered  }
0x9b: {  	s6 =	simm.s32 $0x1BFF;
	s21 =	sshll.u32 s5, $0x1;
	s3 =	sadd.s32 s20, s19  }
0x9c: {  	s22 =	simm.s32 $0x0;
	s4 =	sshll.u32 s4, $0x1;
	s5 =	sadd.s32 s21, s3  }
0x9d: {  	[timem:s22], [sflag:s6] =	dma.local [hbm:s5], s4  }
0x9e: {  	_ =	swait.ge [sflag:s6], s4  }
0x9f: {  	s4 =	ssub.s32 $0x0, s4;
	[sflag:s6] =	ssyncset.done $0x0  }
0xa0: {  	[sflag:s6] =	ssyncadd.s32 s4;
	_ =	sdelay $0x1  }
0xa1: {  	s23 =	simm.s32 $0x1B8B  }
0xa2: {  	_ =	swait.ge [sflag:s23], $0x1  }
0xa3: {  	[sflag:s23] =	ssyncset.done $0x0  }
0xa4: {  	[sflag:s23] =	ssyncadd.s32 $0xFFFFFFFF  }
0xa5: {  	s4 =	sld [smem:$0x0]  }
0xa6: {  	s5 =	sand.u32 $0xFFFFFFFE, s1  }
0xa7: {  	p0 =	sne.s32 s1, s5  }
0xa8: {  	s5 =	sshll.u32 @p0 s5, $0xE  }
0xa9: {  	s5 =	sadd.s32 @p0 $0x11B8D, s5;
	s6 =	sshll.u32 @p0 s4, $0x11  }
0xaa: {  	s5 =	sor.u32 @p0 s6, s5  }
0xab: {  	[sflag:s5] =	ssyncadd.remote.s32 @p0 $0x1;
	_ =	sdelay $0x1  }
0xac: {  	s5 =	simm.s32 @p0 $0x1B8D  }
0xad: {  	_ =	swait.eq @p0 [sflag:s5], $0x1  }
0xae: {  	[sflag:s5] =	ssyncadd.s32 @p0 $0xFFFFFFFF  }
0xaf: {  	s6 =	sshll.u32 @!p0 s1, $0xE  }
0xb0: {  	s6 =	sor.u32 @!p0 $0x4000, s6;
	s5 =	simm.s32 @!p0 $0x1B8D  }
0xb1: {  	s4 =	sshll.u32 @!p0 s4, $0x11;
	s6 =	sadd.s32 @!p0 $0x11B8D, s6;
	_ =	swait.eq @!p0 [sflag:s5], $0x1  }
0xb2: {  	s4 =	sor.u32 @!p0 s4, s6;
	[sflag:s5] =	ssyncadd.s32 @!p0 $0xFFFFFFFF  }
0xb3: {  	s25 =	simm.s32 $0x1B8E;
	s24 =	sld [smem:$0x3FFE];
	[sflag:s4] =	ssyncadd.remote.s32 @!p0 $0x1  }
0xb4: {  	s26 =	simm.s32 $execute0_lowered;
	[smem:$0x3FD2] =	sst s25  }
0xb5: {  	s5 =	sshll.u32 s26, $0x1;
	_ =	strace $0x8000004F;
	[dreg:$0x1] =	wrdreg $0xFFFFFFFF  }
0xb6: {  	s28 =	simm.s32 $_size_execute0_lowered;
	s3 =	sadd.s32 s3, s5;
	[dreg:$0x0] =	wrdreg $0x0  }
0xb7: {  	s5 =	sshll.u32 s28, $0x1;
	[dreg:$0x2] =	wrdreg s3  }
0xb8: {  	[dreg:$0x3] =	wrdreg s5  }
0xb9: {  	[dreg:$0x4] =	wrdreg $0xC0  }
0xba: {  	_ =	task [dreg:s22], $0x5FFFF  }
0xbb: {  	[dreg:$0x1] =	wrdreg $0xFFFFFFFF  }
0xbc: {  	[dreg:$0x0] =	wrdreg $0x60  }
0xbd: {  	[dreg:$0x2] =	wrdreg s24  }
0xbe: {  	[dreg:$0x3] =	wrdreg $0xC  }
0xbf: {  	_ =	task.clear_ibuf [dreg:s22], $0x4FFFF;
	_ =	strace $0x9000004F  }
0xc0: {  	s29 =	simm.s32 $0xC;
	_ =	strace $0x80000051  }
0xc1: {  	_ =	swait.ge [sflag:s29], $0x1  }
0xc2: {  	[sflag:s29] =	ssyncadd.s32 $0xFFFFFFFF  }
0xc3: {  	_ =	strace $0x90000051  }
0xc4: {  	_ =	sfence  }
0xc5: {  	s30 =	sld [smem:$0x0];
	_ =	sdelay $0x2  }
0xc6: {  	s31 =	sshll.u32 s1, $0xD;
	s1 =	sshrl.u32 s1, $0x2  }
0xc7: {  	s4 =	sand.u32 $0x4000, s31;
	s1 =	sadd.s32 s1, s30  }
0xc8: {  	s0 =	sor.u32 s4, s0;
	s1 =	sshll.u32 s1, $0x11  }
0xc9: {  	s0 =	sor.u32 s1, s0  }
0xca: {  	s0 =	sadd.s32 $0x8F2B, s0  }
0xcb: {  	[sflag:s0] =	ssyncadd.remote.s32 $0x1  }
0xcc: {  	_ =	sfence.sel $0xFFFF  }
0xcd: {  	[dreg:$0x0] =	wrdreg $0xFFFFFFFF;
	(pc) =	sbr.abs _section_cstart, $3  }
0xce: {  	[dreg:$0x1] =	wrdreg $0xFFFFFFFF  }
0xcf: {  	_ =	task.clear_ibuf [dreg:s22], $0x2FFFF;
	_ =	strace $0x9FFFFFFF  }
0xd0: {  	(tm) =	ssettm $0x7FFFFFFF  }
0xd1: {  	_ =	shalt  }
tec
execute0_lowered:
.L_overlay_start_1:
0x0: {  	(tag) =	ssettag $0x1  }
0x1: {  	s2 =	rddreg [dreg:$0x0]  }
0x2: {  	s0 =	rddreg [dreg:$0x1]  }
0x3: {  	s1 =	srdreg.scid;
	_ =	strace $0x80000050;
	s4 =	simm.s32 $0x1  }
0x4: {  	s9 =	simm.s32 $0x3;
	s12 =	simm.s32 $0x0;
	s5 =	sshll.u32 s1, $0x4  }
.Ltmp0:
0x5: {  	s1 =	stileid.u32;
	s5 =	sand.u32 $0x10, s5;
	(pc) =	sbr.rel .LBB2_1-.Ltmp0, $4  }
0x6: {  	s10 =	simm.s32 $0x0;
	s3 =	sadd.s32 $0x460800, s2;
	s6 =	sor.u32 s1, s5  }
0x7: {  	[sflag:s4] =	ssyncpa.u1 $0x0;
	s5 =	simm.s32 $0x2;
	s6 =	sshll.u32 s6, $0x8  }
0x8: {  	s7 =	sadd.s32 $0x10400, s2;
	[sflag:s5] =	ssyncpa.u1 $0x0;
	s8 =	sadd.s32 $0x100, s6  }
0x9: {  	vm0 =	vmmov $0xff;
	vm1 =	vcmask $0x3F20;
	[sflag:s9] =	ssyncpa.u1 $0x0;
	s9 =	simm.s32 $0x100;
	s11 =	smov.u32 s6  }
.LBB2_9:
0xa: {  	p0 =	seq.s32 s10, $0x2  }
.Ltmp1:
0xb: {  	_ = 	snop;
	(pc) =	sbr.rel @p0 .LBB2_11-.Ltmp1, $1  }
0xc: {  	_ =	sdelay $0x3  }
.LBB2_10:
0xd: {  	s12 =	sadd.s32 $0x100, s11  }
0xe: {  	s13 =	smov.u32 s6;
	p0 =	slt.s32 s12, s8  }
0xf: {  	s13 =	smov.u32 @p0 s12  }
0x10: {  	s10 =	sadd.s32 $0x1, s10;
	s12 =	smov.u32 s11;
	s11 =	smov.u32 s13  }
.LBB2_1:
0x11: {  	p0 =	sne.s32 s10, $0x0  }
.Ltmp2:
0x12: {  	_ = 	snop;
	(pc) =	sbr.rel @!p0 .LBB2_2-.Ltmp2, $1  }
0x13: {  	_ =	sdelay $0x3  }
0x14: {  	s13 =	sand.u32 $0x1, s10  }
0x15: {  	p0 =	seq.s32 s13, $0x0  }
.Ltmp3:
0x16: {  	_ = 	snop;
	(pc) =	sbr.rel @p0 .LBB2_9-.Ltmp3, $1  }
0x17: {  	_ =	sdelay $0x3  }
0x18: {  	_ =	swait.ge [sflag:s5], $0x100  }
0x19: {  	[sflag:s5] =	ssyncset.done $0x0  }
0x1a: {  	s13 =	simm.s32 $0x0;
	[sflag:s5] =	ssyncadd.s32 $0xFFFFFF00  }
0x1b: {  	v0 =	vld.msk [tilespmem:s13+$0x100 ss:$0x1], $0xffff;
	_ =	sdelay $0x4  }
0x1c: {  	v1 =	vshll.u32 v0, $0x4  }
0x1d: {  	vm2 =	veq.s32 v0, $0x80000000;
	v0 =	vshll.u32 v0, $0x12;
	v1 =	vand.u32 $0x3FF80, v1  }
0x1e: {  	v0 =	vand.u32 $0x1C0000, v0;
	v1 =	vsel vm2, $0xFFFFFF80, v1  }
0x1f: {  	v0 =	vsel vm2, $0xFFFC0000, v0;
	v2 =	vand.u32 $0xFFFFFC00, v1  }
0x20: {  	v1 =	vand.u32 $0x380, v1;
	v0 =	vadd.s32 v0, v2  }
0x21: {  	v0 =	vor.u32 v1, v0  }
0x22: {  	v0 =	vshrl.u32 v0, $0x3;
	_ =	sdelay $0x3  }
0x23: {  	s13 =	simm.s32 $0x8200  }
0x24: {  	[tilespmem:s13], [sflag:$0x1] =	stream.indirect_vreg.gather [hbm:s3], $0x80, v0, vm0, $0x38;
	[tilespmem:$0x10200] =	vst v63  }
0x25: {  	s14 =	simm.s32 $0x8600;
	s31 =	simm.s32 $0x10  }
0x26: {  	[tilespmem:s14], [sflag:$0x1] =	stream.indirect_vreg.gather [hbm:s3], $0x80, v0, vm1, $0x38;
	[tilespmem:$0x10200] =	vst v63  }
0x27: {  	s14 =	simm.s32 $0x80;
	v0 =	vld.msk [tilespmem:s31+$0x100 ss:$0x1], $0xffff  }
.LBB2_5:
0x28: {  	p0 =	sne.s32 s14, $0x3C0;
	_ =	sdelay $0x4  }
0x29: {  	v1 =	vshll.u32 v0, $0x4  }
0x2a: {  	vm2 =	veq.s32 v0, $0x80000000;
	v0 =	vshll.u32 v0, $0x12;
	v1 =	vand.u32 $0x3FF80, v1  }
0x2b: {  	v0 =	vand.u32 $0x1C0000, v0;
	v1 =	vsel vm2, $0xFFFFFF80, v1  }
0x2c: {  	v0 =	vsel vm2, $0xFFFC0000, v0;
	v2 =	vand.u32 $0xFFFFFC00, v1  }
0x2d: {  	v1 =	vand.u32 $0x380, v1;
	v0 =	vadd.s32 v0, v2  }
0x2e: {  	v0 =	vor.u32 v1, v0  }
0x2f: {  	v0 =	vshrl.u32 v0, $0x3;
	_ =	sdelay $0x3  }
.Ltmp4:
0x30: {  	s13 =	sadd.s32 $0x800, s13;
	(pc) =	sbr.rel @p0 .LBB2_5-.Ltmp4, $4  }
0x31: {  	[tilespmem:s13], [sflag:$0x1] =	stream.indirect_vreg.gather [hbm:s3], $0x80, v0, vm0, $0x38;
	[tilespmem:$0x10200] =	vst v63  }
0x32: {  	s15 =	sshra.s32 s14, $0x2;
	s16 =	sadd.s32 $0x400, s13  }
0x33: {  	[tilespmem:s16], [sflag:$0x1] =	stream.indirect_vreg.gather [hbm:s3], $0x80, v0, vm1, $0x38;
	[tilespmem:$0x10200] =	vst v63  }
0x34: {  	s14 =	sadd.s32 $0x40, s14;
	v0 =	vld.msk [tilespmem:s15+$0x100 ss:$0x1], $0xffff  }
0x35: {  	_ =	sdelay $0x3  }
0x36: {  	v1 =	vshll.u32 v0, $0x4  }
0x37: {  	vm2 =	veq.s32 v0, $0x80000000;
	v63 =	vshll.u32 v0, $0x12;
	v1 =	vand.u32 $0x3FF80, v1  }
0x38: {  	v0 =	vand.u32 $0x1C0000, v63;
	v1 =	vsel vm2, $0xFFFFFF80, v1  }
0x39: {  	v0 =	vsel vm2, $0xFFFC0000, v0;
	v2 =	vand.u32 $0xFFFFFC00, v1  }
0x3a: {  	v1 =	vand.u32 $0x380, v1;
	v0 =	vadd.s32 v0, v2  }
0x3b: {  	v0 =	vor.u32 v1, v0  }
0x3c: {  	v0 =	vshrl.u32 v0, $0x3;
	_ =	sdelay $0x3  }
0x3d: {  	s13 =	sadd.s32 $0x800, s13  }
0x3e: {  	[tilespmem:s13], [sflag:$0x1] =	stream.indirect_vreg.gather [hbm:s3], $0x80, v0, vm0, $0x38;
	[tilespmem:$0x10200] =	vst v63  }
0x3f: {  	s13 =	sadd.s32 $0x400, s13  }
0x40: {  	[tilespmem:s13], [sflag:$0x1] =	stream.indirect_vreg.gather [hbm:s3], $0x80, v0, vm1, $0x38;
	[tilespmem:$0x10200] =	vst v63  }
0x41: {  	s12 =	sshll.u32 s12, $0x4;
	s14 =	simm.s32 $0x80;
	_ =	swait.ge [sflag:s4], $0x8000  }
0x42: {  	s15 =	simm.s32 $0x8600;
	s12 =	sadd.s32 s12, s7;
	[sflag:s4] =	ssyncset.done $0x0  }
0x43: {  	s16 =	sadd.s32 $0x0, s12;
	s13 =	simm.s32 $0x8200;
	[sflag:s4] =	ssyncadd.s32 $0xFFFF8000  }
.LBB2_7:
0x44: {  	[hbm:s16] =	stream.linear.scatter [tilespmem:s13], [sflag:$0x3], $0x400, $0x38;
	[tilespmem:$0x10200] =	vst v63  }
0x45: {  	s16 =	smov.u32 s14;
	s13 =	smov.u32 s15;
	p0 =	sne.s32 s14, $0xF80  }
.Ltmp5:
0x46: {  	s14 =	sadd.s32 $0x80, s14;
	(pc) =	sbr.rel @p0 .LBB2_7-.Ltmp5, $2  }
0x47: {  	_ =	sdelay $0x2  }
0x48: {  	s15 =	sadd.s32 $0x400, s15;
	s16 =	sadd.s32 s16, s12  }
.Ltmp6:
0x49: {  	(pc) =	sbr.rel .LBB2_9-.Ltmp6, $2  }
0x4a: {  	_ =	sdelay $0x2  }
0x4b: {  	[hbm:s16] =	stream.linear.scatter [tilespmem:s13], [sflag:$0x3], $0x400, $0x38;
	[tilespmem:$0x10200] =	vst v63  }
.LBB2_2:
.Ltmp7:
0x4c: {  	(pc) =	sbr.rel .LBB2_10-.Ltmp7, $4  }
0x4d: {  	_ = 	snop  }
0x4e: {  	s12 =	sshrl.u32 s11, $0x3  }
0x4f: {  	s13 =	sand.u32 $0x7, s11;
	s12 =	sadd.s32 s2, s12  }
0x50: {  	[tilespmem:s9], [sflag:$0x2] =	stream.linear.gather [hbm4b:s12+s13], $0x100, $0x38;
	[tilespmem:$0x10200] =	vst v63  }
.LBB2_11:
0x51: {  	s2 =	simm.s32 $0x3  }
0x52: {  	_ =	swait.ge [sflag:s2], $0x8000  }
0x53: {  	[sflag:s2] =	ssyncset.done $0x0  }
0x54: {  	[sflag:s2] =	ssyncadd.s32 $0xFFFF8000  }
0x55: {  	_ =	sfence.sel $0x180000  }
0x56: {  	s3 =	simm.s32 $0x2;
	[bflag:$0x0] =	sbarrier.arrive $0xFFFF  }
0x57: {  	[sflag:s3] =	ssyncpa.u1 $0x1  }
0x58: {  	s31 =	simm.s32 $0x1;
	[sflag:s2] =	ssyncpa.u1 $0x1  }
0x59: {  	[sflag:s31] =	ssyncpa.u1 $0x1  }
0x5a: {  	p0 =	sne.s32 s1, $0x0;
	_ =	strace $0x90000050  }
0x5b: {  	s0 =	sadd.s32 @!p0 $0x100000, s0;
	[bflag:$0x2] =	sbarrier.arrive $0xFFFF  }
0x5c: {  	[sflag:s0] =	ssyncadd.tile.s32 @!p0 $0x1;
	_ =	shalt  }
.Lfunc_end2:
_tile_overlayer_lowered:
.L_overlay_start_2:
0x5d: {  	(tag) =	ssettag $0x2  }
0x5e: {  	s0 =	rddreg [dreg:$0x0];
	s2 =	stileid.u32  }
0x5f: {  	s1 =	rddreg [dreg:$0x1];
	p0 =	sne.s32 s2, $0x0  }
0x60: {  	s3 =	rddreg [dreg:$0x2];
	[bflag:$0x3] =	sbarrier.arrive $0xFFFF;
	s2 =	simm.s32 @!p0 $0x1C01  }
0x61: {  	[timem:s3], [sflag:s2] =	dma.local @!p0 [hbm:s0], s1  }
0x62: {  	s0 =	simm.s32 @!p0 $0x1  }
0x63: {  	_ =	swait.ge @!p0 [sflag:s0], s1  }
0x64: {  	s1 =	ssub.s32 @!p0 $0x0, s1;
	[sflag:s0] =	ssyncset.done @!p0 $0x0  }
0x65: {  	[sflag:s0] =	ssyncadd.s32 @!p0 s1  }
0x66: {  	[bflag:$0x3] =	sbarrier.arrive $0xFFFF  }
0x67: {  	_ =	shalt  }

// kernel: gather_offload_async_start.4
scs
__scs_entry_jumppad:
0x0: {  	(pc) =	sbr.rel $0x88, $3  }
0x1: {  	(tag) =	ssettag $0x0;
	lr =	simm.s32 $0x1  }
0x2: {  	[smem:$0x3F7C] =	sst lr;
	_ =	strace $0xD0000000  }
0x3: {  	_ = 	snop  }
0x4: {  	_ = 	snop  }
0x5: {  	_ = 	snop  }
0x6: {  	_ = 	snop  }
0x7: {  	_ = 	snop  }
__scs_overlays_trampoline_lowered:
0x8: {  	[smem:$0x3F8B] =	sst s0  }
0x9: {  	[smem:$0x3F8C] =	sst s1  }
0xa: {  	[smem:$0x3F8D] =	sst s2  }
0xb: {  	[smem:$0x3F8E] =	sst s3  }
0xc: {  	[smem:$0x3F8F] =	sst s4  }
0xd: {  	[smem:$0x3F90] =	sst s5  }
0xe: {  	[smem:$0x3F91] =	sst s6  }
0xf: {  	[smem:$0x3F92] =	sst s7  }
0x10: {  	[smem:$0x3F93] =	sst s8  }
0x11: {  	[smem:$0x3F94] =	sst s9;
	s0 =	simm.s32 @!p0 $0x0  }
0x12: {  	s1 =	sld [smem:$0x3F7A];
	s0 =	simm.s32 @p0 $0x1  }
0x13: {  	[smem:$0x3F95] =	sst s0;
	s0 =	simm.s32 @!p1 $0x0  }
0x14: {  	s2 =	sld [smem:$0x3F79];
	s0 =	simm.s32 @p1 $0x1  }
0x15: {  	[smem:$0x3F96] =	sst s0;
	s0 =	simm.s32 @!p2 $0x0  }
0x16: {  	s3 =	sld [smem:$0x3FDB];
	s0 =	simm.s32 @p2 $0x1  }
0x17: {  	s4 =	simm.s32 $0x1BF5;
	[smem:$0x3F98] =	sst s0  }
0x18: {  	s0 =	sld [smem:$0x3F7B];
	_ =	swait.ge [sflag:s4], $0x0  }
0x19: {  	s7 =	sld [smem:$0x3F7C]  }
0x1a: {  	s8 =	sadd.s32 $0xFFFFE003, lr  }
0x1b: {  	s9 =	sadd.s32 $0xFFFFFEF7, lr;
	s5 =	simm.s32 $0xFFFFFFFF;
	p2 =	slt.u32 s8, $0xFFFFF086  }
0x1c: {  	p1 =	slt.u32 s9, $0xF7A;
	s5 =	simm.s32 @!p2 $0x0  }
0x1d: {  	s5 =	simm.s32 @p1 $0x1;
	p0 =	seq.s32 s7, s2  }
0x1e: {  	s7 =	smul.u32 @!p0 $0xF7A, s2;
	p2 =	seq.s32 @!p0 s5, $0x0  }
0x1f: {  	s9 =	smul.u32 $0xF7A, s1;
	s8 =	simm.s32 @!p0 $0x1BF5;
	p2 =	por !p2, p0  }
0x20: {  	[sflag:s8] =	ssyncset.s32 @!p0 $0xFFFFF086;
	s6 =	sadd.s32 @!p0 s3, s7;
	s7 =	simm.s32 @!p0 $0x108  }
0x21: {  	s3 =	sadd.s32 s3, s9;
	s6 =	sadd.s32 @!p0 $0x88, s6;
	s7 =	simm.s32 @p2 $0x1082  }
0x22: {  	[simem:s7], [sflag:s8] =	dma.local @!p0 [hbm:s6], $0xF7A  }
0x23: {  	s9 =	sor.u32 $0xD0000000, s2;
	s6 =	simm.s32 $0x108;
	_ =	swait.ge @!p0 [sflag:s8], $0x0  }
0x24: {  	s3 =	sadd.s32 $0x88, s3;
	s6 =	simm.s32 @!p1 $0x1082;
	[sflag:s4] =	ssyncset.s32 $0xFFFFF086  }
0x25: {  	[simem:s6], [sflag:s4] =	dma.local [hbm:s3], $0xF7A  }
0x26: {  	[smem:$0x3F7C] =	sst s1;
	(tag) =	ssettag s2;
	_ =	strace s9  }
0x27: {  	s1 =	sld [smem:$0x3F8C]  }
0x28: {  	s2 =	sld [smem:$0x3F8D]  }
0x29: {  	s4 =	sld [smem:$0x3F8F]  }
0x2a: {  	p0 =	seq.s32 s5, $0x0;
	s5 =	sld [smem:$0x3F90]  }
0x2b: {  	s6 =	sld [smem:$0x3F91]  }
0x2c: {  	s7 =	sld [smem:$0x3F92]  }
0x2d: {  	s3 =	simm.s32 $0x108;
	s8 =	sld [smem:$0x3F93]  }
0x2e: {  	s3 =	simm.s32 @!p0 $0x1082;
	s9 =	sld [smem:$0x3F94]  }
0x2f: {  	lr =	sadd.s32 s0, s3;
	s0 =	sld [smem:$0x3F8B]  }
0x30: {  	s3 =	sld [smem:$0x3F8E]  }
0x31: {  	[smem:$0x3F97] =	sst s10  }
0x32: {  	s10 =	sld [smem:$0x3F95];
	_ =	sdelay $0x3  }
0x33: {  	p0 =	seq.s32 s10, $0x1;
	s10 =	sld [smem:$0x3F97];
	_ =	sdelay $0x3  }
0x34: {  	[smem:$0x3F97] =	sst s10  }
0x35: {  	s10 =	sld [smem:$0x3F96];
	_ =	sdelay $0x3  }
0x36: {  	p1 =	seq.s32 s10, $0x1;
	s10 =	sld [smem:$0x3F97];
	_ =	sdelay $0x3  }
0x37: {  	[smem:$0x3F97] =	sst s10  }
0x38: {  	s10 =	sld [smem:$0x3F98]  }
0x39: {  	_ = 	snop;
	(pc) =	sbr.ind lr, $3  }
0x3a: {  	_ = 	snop  }
0x3b: {  	_ = 	snop  }
0x3c: {  	p2 =	seq.s32 s10, $0x1;
	s10 =	sld [smem:$0x3F97]  }
0x3d: {  	_ =	shalt  }
0x3e: {  	_ =	shalt  }
0x3f: {  	_ =	shalt  }
0x40: {  	_ =	shalt  }
0x41: {  	_ =	shalt  }
0x42: {  	_ =	shalt  }
0x43: {  	_ =	shalt  }
0x44: {  	_ =	shalt  }
0x45: {  	_ =	shalt  }
0x46: {  	_ =	shalt  }
0x47: {  	_ =	shalt  }
0x48: {  	_ =	shalt  }
0x49: {  	_ =	shalt  }
0x4a: {  	_ =	shalt  }
0x4b: {  	_ =	shalt  }
0x4c: {  	_ =	shalt  }
0x4d: {  	_ =	shalt  }
0x4e: {  	_ =	shalt  }
0x4f: {  	_ =	shalt  }
0x50: {  	_ =	shalt  }
0x51: {  	_ =	shalt  }
0x52: {  	_ =	shalt  }
0x53: {  	_ =	shalt  }
0x54: {  	_ =	shalt  }
0x55: {  	_ =	shalt  }
0x56: {  	_ =	shalt  }
0x57: {  	_ =	shalt  }
0x58: {  	_ =	shalt  }
0x59: {  	_ =	shalt  }
0x5a: {  	_ =	shalt  }
0x5b: {  	_ =	shalt  }
0x5c: {  	_ =	shalt  }
0x5d: {  	_ =	shalt  }
0x5e: {  	_ =	shalt  }
0x5f: {  	_ =	shalt  }
0x60: {  	_ =	shalt  }
0x61: {  	_ =	shalt  }
0x62: {  	_ =	shalt  }
0x63: {  	_ =	shalt  }
0x64: {  	_ =	shalt  }
0x65: {  	_ =	shalt  }
0x66: {  	_ =	shalt  }
0x67: {  	_ =	shalt  }
0x68: {  	_ =	shalt  }
0x69: {  	_ =	shalt  }
0x6a: {  	_ =	shalt  }
0x6b: {  	_ =	shalt  }
0x6c: {  	_ =	shalt  }
0x6d: {  	_ =	shalt  }
0x6e: {  	_ =	shalt  }
0x6f: {  	_ =	shalt  }
0x70: {  	_ =	shalt  }
0x71: {  	_ =	shalt  }
0x72: {  	_ =	shalt  }
0x73: {  	_ =	shalt  }
0x74: {  	_ =	shalt  }
0x75: {  	_ =	shalt  }
0x76: {  	_ =	shalt  }
0x77: {  	_ =	shalt  }
0x78: {  	_ =	shalt  }
0x79: {  	_ =	shalt  }
0x7a: {  	_ =	shalt  }
0x7b: {  	_ =	shalt  }
0x7c: {  	_ =	shalt  }
0x7d: {  	_ =	shalt  }
0x7e: {  	_ =	shalt  }
0x7f: {  	_ =	shalt  }
0x80: {  	_ =	shalt  }
0x81: {  	_ =	shalt  }
0x82: {  	_ =	shalt  }
0x83: {  	_ =	shalt  }
0x84: {  	_ =	shalt  }
0x85: {  	_ =	shalt  }
0x86: {  	_ =	shalt  }
0x87: {  	_ =	shalt  }
.Lfunc_end0:
.L_simem_size_0:
called_computation.17_lowered:
.L_overlay_start_0:
0x88: {  	s2 =	sld [smem:$0x3FD9]  }
0x89: {  	s3 =	sld [smem:$0x3FFE];
	_ =	sdelay $0x1  }
0x8a: {  	s1 =	srdreg.scid  }
0x8b: {  	s0 =	sand.u32 $0x1, s1  }
0x8c: {  	s15 =	sshll.u32 s0, $0xA;
	s2 =	sadd.s32 s3, s2  }
0x8d: {  	s2 =	sadd.s32 s2, s15  }
0x8e: {  	[smem:$0x3FA3] =	sst s2  }
0x8f: {  	_ = 	snop  }
0x90: {  	s2 =	sld [smem:$0x3FD0];
	_ =	sdelay $0x2  }
0x91: {  	s16 =	simm.s32 $0xD;
	s4 =	simm.s32 $0x10  }
0x92: {  	[smem:s4], [sflag:s16] =	dma.local [hbm:s2], $0x1  }
0x93: {  	_ =	swait.eq [sflag:s16], $0x1  }
0x94: {  	[sflag:s16] =	ssyncset.done $0x0  }
0x95: {  	[sflag:s16] =	ssyncadd.s32 $0xFFFFFFFF  }
0x96: {  	s17 =	sld [smem:$0x11];
	(tm) =	ssettm $0x1  }
0x97: {  	s18 =	sld [smem:$0x3FFB];
	_ =	sdelay $0x3  }
0x98: {  	_ =	strace s18  }
0x99: {  	s2 =	sld [smem:$0x3FFC];
	_ =	sdelay $0x3  }
0x9a: {  	_ =	strace s2  }
0x9b: {  	s2 =	sld [smem:$0x3FFD];
	_ =	sdelay $0x3  }
0x9c: {  	_ =	strace s2  }
0x9d: {  	_ =	strace $0x8FFFFFFF  }
0x9e: {  	s19 =	sld [smem:$0x3FDB];
	_ =	sdelay $0x1  }
0x9f: {  	s20 =	simm.s32 $_scs_section_size  }
0xa0: {  	s5 =	simm.s32 $_size__tile_overlayer_lowered;
	s6 =	simm.s32 $_tile_overlayer_lowered  }
0xa1: {  	s7 =	simm.s32 $0x1BFF;
	s21 =	sshll.u32 s6, $0x1;
	s4 =	sadd.s32 s20, s19  }
0xa2: {  	s22 =	simm.s32 $0x0;
	s5 =	sshll.u32 s5, $0x1;
	s6 =	sadd.s32 s21, s4  }
0xa3: {  	[timem:s22], [sflag:s7] =	dma.local [hbm:s6], s5  }
0xa4: {  	_ =	swait.ge [sflag:s7], s5  }
0xa5: {  	s5 =	ssub.s32 $0x0, s5;
	[sflag:s7] =	ssyncset.done $0x0  }
0xa6: {  	[sflag:s7] =	ssyncadd.s32 s5;
	_ =	sdelay $0x1  }
0xa7: {  	s23 =	simm.s32 $0x1B8B  }
0xa8: {  	_ =	swait.ge [sflag:s23], $0x1  }
0xa9: {  	[sflag:s23] =	ssyncset.done $0x0  }
0xaa: {  	[sflag:s23] =	ssyncadd.s32 $0xFFFFFFFF  }
0xab: {  	s5 =	sld [smem:$0x0]  }
0xac: {  	s6 =	sand.u32 $0xFFFFFFFE, s1  }
0xad: {  	p0 =	sne.s32 s1, s6  }
0xae: {  	s6 =	sshll.u32 @p0 s6, $0xE  }
0xaf: {  	s6 =	sadd.s32 @p0 $0x11B8D, s6;
	s7 =	sshll.u32 @p0 s5, $0x11  }
0xb0: {  	s6 =	sor.u32 @p0 s7, s6  }
0xb1: {  	[sflag:s6] =	ssyncadd.remote.s32 @p0 $0x1;
	_ =	sdelay $0x1  }
0xb2: {  	s6 =	simm.s32 @p0 $0x1B8D  }
0xb3: {  	_ =	swait.eq @p0 [sflag:s6], $0x1  }
0xb4: {  	[sflag:s6] =	ssyncadd.s32 @p0 $0xFFFFFFFF  }
0xb5: {  	s7 =	sshll.u32 @!p0 s1, $0xE  }
0xb6: {  	s7 =	sor.u32 @!p0 $0x4000, s7;
	s6 =	simm.s32 @!p0 $0x1B8D  }
0xb7: {  	s5 =	sshll.u32 @!p0 s5, $0x11;
	s7 =	sadd.s32 @!p0 $0x11B8D, s7;
	_ =	swait.eq @!p0 [sflag:s6], $0x1  }
0xb8: {  	s5 =	sor.u32 @!p0 s5, s7;
	[sflag:s6] =	ssyncadd.s32 @!p0 $0xFFFFFFFF  }
0xb9: {  	s25 =	simm.s32 $0x1B8E;
	s24 =	sld [smem:$0x3FFE];
	[sflag:s5] =	ssyncadd.remote.s32 @!p0 $0x1  }
0xba: {  	s26 =	simm.s32 $execute0_lowered;
	[smem:$0x3FD2] =	sst s25  }
0xbb: {  	s6 =	sshll.u32 s26, $0x1;
	_ =	strace $0x8000005E;
	[dreg:$0x1] =	wrdreg $0xFFFFFFFF  }
0xbc: {  	s28 =	simm.s32 $_size_execute0_lowered;
	s4 =	sadd.s32 s4, s6;
	[dreg:$0x0] =	wrdreg $0x0  }
0xbd: {  	s6 =	sshll.u32 s28, $0x1;
	[dreg:$0x2] =	wrdreg s4  }
0xbe: {  	[dreg:$0x3] =	wrdreg s6  }
0xbf: {  	[dreg:$0x4] =	wrdreg $0xC0  }
0xc0: {  	_ =	task [dreg:s22], $0x5FFFF  }
0xc1: {  	[dreg:$0x1] =	wrdreg $0xFFFFFFFF  }
0xc2: {  	[dreg:$0x0] =	wrdreg $0x60  }
0xc3: {  	[dreg:$0x2] =	wrdreg s24  }
0xc4: {  	[dreg:$0x3] =	wrdreg s17  }
0xc5: {  	[dreg:$0x4] =	wrdreg $0xC  }
0xc6: {  	_ =	task.clear_ibuf [dreg:s22], $0x5FFFF;
	_ =	strace $0x9000005E  }
0xc7: {  	s29 =	simm.s32 $0xC;
	_ =	strace $0x80000060  }
0xc8: {  	_ =	swait.ge [sflag:s29], $0x1  }
0xc9: {  	[sflag:s29] =	ssyncadd.s32 $0xFFFFFFFF  }
0xca: {  	_ =	strace $0x90000060  }
0xcb: {  	_ =	sfence  }
0xcc: {  	s30 =	sld [smem:$0x0];
	_ =	sdelay $0x2  }
0xcd: {  	s31 =	sshll.u32 s1, $0xD;
	s1 =	sshrl.u32 s1, $0x2  }
0xce: {  	s4 =	sand.u32 $0x4000, s31;
	s1 =	sadd.s32 s1, s30  }
0xcf: {  	s0 =	sor.u32 s4, s0;
	s1 =	sshll.u32 s1, $0x11  }
0xd0: {  	s0 =	sor.u32 s1, s0  }
0xd1: {  	s0 =	sadd.s32 $0x8F2B, s0  }
0xd2: {  	[sflag:s0] =	ssyncadd.remote.s32 $0x1  }
0xd3: {  	_ =	sfence.sel $0xFFFF  }
0xd4: {  	[dreg:$0x0] =	wrdreg $0xFFFFFFFF;
	(pc) =	sbr.abs _section_cstart, $3  }
0xd5: {  	[dreg:$0x1] =	wrdreg $0xFFFFFFFF  }
0xd6: {  	_ =	task.clear_ibuf [dreg:s22], $0x2FFFF;
	_ =	strace $0x9FFFFFFF  }
0xd7: {  	(tm) =	ssettm $0x7FFFFFFF  }
tec
execute0_lowered:
.L_overlay_start_1:
0x0: {  	(tag) =	ssettag $0x1  }
0x1: {  	s7 =	rddreg [dreg:$0x0]  }
0x2: {  	s2 =	rddreg [dreg:$0x1]  }
0x3: {  	s0 =	rddreg [dreg:$0x2]  }
0x4: {  	s1 =	srdreg.scid;
	_ =	strace $0x8000005F;
	s4 =	simm.s32 $0x1  }
0x5: {  	s9 =	simm.s32 $0x3;
	s12 =	simm.s32 $0x0;
	s5 =	sshll.u32 s1, $0x4  }
.Ltmp0:
0x6: {  	s1 =	stileid.u32;
	s5 =	sand.u32 $0x10, s5;
	(pc) =	sbr.rel .LBB2_1-.Ltmp0, $4  }
0x7: {  	s10 =	simm.s32 $0x0;
	s3 =	sadd.s32 $0x305800, s7;
	s6 =	sor.u32 s1, s5  }
0x8: {  	[sflag:s4] =	ssyncpa.u1 $0x0;
	s5 =	simm.s32 $0x2;
	s6 =	sshll.u32 s6, $0x7  }
0x9: {  	s7 =	sadd.s32 $0x4A0800, s7;
	[sflag:s5] =	ssyncpa.u1 $0x0;
	s8 =	sadd.s32 $0x80, s6  }
0xa: {  	vm0 =	vmmov $0xff;
	vm1 =	vcmask $0x3F20;
	[sflag:s9] =	ssyncpa.u1 $0x0;
	s9 =	simm.s32 $0x80;
	s11 =	smov.u32 s6  }
.LBB2_9:
0xb: {  	p0 =	seq.s32 s10, $0x2  }
.Ltmp1:
0xc: {  	_ = 	snop;
	(pc) =	sbr.rel @p0 .LBB2_11-.Ltmp1, $1  }
0xd: {  	_ =	sdelay $0x3  }
.LBB2_10:
0xe: {  	s12 =	sadd.s32 $0x80, s11  }
0xf: {  	s13 =	smov.u32 s6;
	p0 =	slt.s32 s12, s8  }
0x10: {  	s13 =	smov.u32 @p0 s12  }
0x11: {  	s10 =	sadd.s32 $0x1, s10;
	s12 =	smov.u32 s11;
	s11 =	smov.u32 s13  }
.LBB2_1:
0x12: {  	p0 =	sne.s32 s10, $0x0  }
.Ltmp2:
0x13: {  	_ = 	snop;
	(pc) =	sbr.rel @!p0 .LBB2_2-.Ltmp2, $1  }
0x14: {  	_ =	sdelay $0x3  }
0x15: {  	s13 =	sand.u32 $0x1, s10  }
0x16: {  	p0 =	seq.s32 s13, $0x0  }
.Ltmp3:
0x17: {  	_ = 	snop;
	(pc) =	sbr.rel @p0 .LBB2_9-.Ltmp3, $1  }
0x18: {  	_ =	sdelay $0x3  }
0x19: {  	_ =	swait.ge [sflag:s5], $0x80  }
0x1a: {  	[sflag:s5] =	ssyncset.done $0x0  }
0x1b: {  	s13 =	simm.s32 $0x0;
	[sflag:s5] =	ssyncadd.s32 $0xFFFFFF80  }
0x1c: {  	v0 =	vld.msk [tilespmem:s13+$0x80 ss:$0x1], $0xffff;
	_ =	sdelay $0x4  }
0x1d: {  	v1 =	vshll.u32 v0, $0x4  }
0x1e: {  	vm2 =	veq.s32 v0, $0x80000000;
	v0 =	vshll.u32 v0, $0x11;
	v1 =	vand.u32 $0x1FF80, v1  }
0x1f: {  	v0 =	vand.u32 $0xE0000, v0;
	v1 =	vsel vm2, $0xFFFFFF80, v1  }
0x20: {  	v0 =	vsel vm2, $0xFFFE0000, v0;
	v2 =	vand.u32 $0xFFFFFC00, v1  }
0x21: {  	v1 =	vand.u32 $0x380, v1;
	v0 =	vadd.s32 v0, v2  }
0x22: {  	v0 =	vor.u32 v1, v0  }
0x23: {  	v0 =	vshrl.u32 v0, $0x3;
	_ =	sdelay $0x3  }
0x24: {  	s13 =	simm.s32 $0x4100  }
0x25: {  	[tilespmem:s13], [sflag:$0x1] =	stream.indirect_vreg.gather [hbm:s3], $0x80, v0, vm0, $0x38;
	[tilespmem:$0x8100] =	vst v63  }
0x26: {  	s14 =	simm.s32 $0x4500;
	s31 =	simm.s32 $0x10  }
0x27: {  	[tilespmem:s14], [sflag:$0x1] =	stream.indirect_vreg.gather [hbm:s3], $0x80, v0, vm1, $0x38;
	[tilespmem:$0x8100] =	vst v63  }
0x28: {  	s14 =	simm.s32 $0x80;
	v0 =	vld.msk [tilespmem:s31+$0x80 ss:$0x1], $0xffff  }
.LBB2_5:
0x29: {  	p0 =	sne.s32 s14, $0x1C0;
	_ =	sdelay $0x4  }
0x2a: {  	v1 =	vshll.u32 v0, $0x4  }
0x2b: {  	vm2 =	veq.s32 v0, $0x80000000;
	v0 =	vshll.u32 v0, $0x11;
	v1 =	vand.u32 $0x1FF80, v1  }
0x2c: {  	v0 =	vand.u32 $0xE0000, v0;
	v1 =	vsel vm2, $0xFFFFFF80, v1  }
0x2d: {  	v0 =	vsel vm2, $0xFFFE0000, v0;
	v2 =	vand.u32 $0xFFFFFC00, v1  }
0x2e: {  	v1 =	vand.u32 $0x380, v1;
	v0 =	vadd.s32 v0, v2  }
0x2f: {  	v0 =	vor.u32 v1, v0  }
0x30: {  	v0 =	vshrl.u32 v0, $0x3;
	_ =	sdelay $0x3  }
.Ltmp4:
0x31: {  	s13 =	sadd.s32 $0x800, s13;
	(pc) =	sbr.rel @p0 .LBB2_5-.Ltmp4, $4  }
0x32: {  	[tilespmem:s13], [sflag:$0x1] =	stream.indirect_vreg.gather [hbm:s3], $0x80, v0, vm0, $0x38;
	[tilespmem:$0x8100] =	vst v63  }
0x33: {  	s15 =	sshra.s32 s14, $0x2;
	s16 =	sadd.s32 $0x400, s13  }
0x34: {  	[tilespmem:s16], [sflag:$0x1] =	stream.indirect_vreg.gather [hbm:s3], $0x80, v0, vm1, $0x38;
	[tilespmem:$0x8100] =	vst v63  }
0x35: {  	s14 =	sadd.s32 $0x40, s14;
	v0 =	vld.msk [tilespmem:s15+$0x80 ss:$0x1], $0xffff  }
0x36: {  	_ =	sdelay $0x3  }
0x37: {  	v1 =	vshll.u32 v0, $0x4  }
0x38: {  	vm2 =	veq.s32 v0, $0x80000000;
	v63 =	vshll.u32 v0, $0x11;
	v1 =	vand.u32 $0x1FF80, v1  }
0x39: {  	v0 =	vand.u32 $0xE0000, v63;
	v1 =	vsel vm2, $0xFFFFFF80, v1  }
0x3a: {  	v0 =	vsel vm2, $0xFFFE0000, v0;
	v2 =	vand.u32 $0xFFFFFC00, v1  }
0x3b: {  	v1 =	vand.u32 $0x380, v1;
	v0 =	vadd.s32 v0, v2  }
0x3c: {  	v0 =	vor.u32 v1, v0  }
0x3d: {  	v0 =	vshrl.u32 v0, $0x3;
	_ =	sdelay $0x3  }
0x3e: {  	s13 =	sadd.s32 $0x800, s13  }
0x3f: {  	[tilespmem:s13], [sflag:$0x1] =	stream.indirect_vreg.gather [hbm:s3], $0x80, v0, vm0, $0x38;
	[tilespmem:$0x8100] =	vst v63  }
0x40: {  	s13 =	sadd.s32 $0x400, s13  }
0x41: {  	[tilespmem:s13], [sflag:$0x1] =	stream.indirect_vreg.gather [hbm:s3], $0x80, v0, vm1, $0x38;
	[tilespmem:$0x8100] =	vst v63  }
0x42: {  	s12 =	sshll.u32 s12, $0x4;
	s14 =	simm.s32 $0x80;
	_ =	swait.ge [sflag:s4], $0x4000  }
0x43: {  	s15 =	simm.s32 $0x4500;
	s12 =	sadd.s32 s12, s2;
	[sflag:s4] =	ssyncset.done $0x0  }
0x44: {  	s16 =	sadd.s32 $0x0, s12;
	s13 =	simm.s32 $0x4100;
	[sflag:s4] =	ssyncadd.s32 $0xFFFFC000  }
.LBB2_7:
0x45: {  	[hbm:s16] =	stream.linear.scatter [tilespmem:s13], [sflag:$0x3], $0x400, $0x38;
	[tilespmem:$0x8100] =	vst v63  }
0x46: {  	s16 =	smov.u32 s14;
	s13 =	smov.u32 s15;
	p0 =	sne.s32 s14, $0x780  }
.Ltmp5:
0x47: {  	s14 =	sadd.s32 $0x80, s14;
	(pc) =	sbr.rel @p0 .LBB2_7-.Ltmp5, $2  }
0x48: {  	_ =	sdelay $0x2  }
0x49: {  	s15 =	sadd.s32 $0x400, s15;
	s16 =	sadd.s32 s16, s12  }
.Ltmp6:
0x4a: {  	(pc) =	sbr.rel .LBB2_9-.Ltmp6, $2  }
0x4b: {  	_ =	sdelay $0x2  }
0x4c: {  	[hbm:s16] =	stream.linear.scatter [tilespmem:s13], [sflag:$0x3], $0x400, $0x38;
	[tilespmem:$0x8100] =	vst v63  }
.LBB2_2:
.Ltmp7:
0x4d: {  	(pc) =	sbr.rel .LBB2_10-.Ltmp7, $4  }
0x4e: {  	_ = 	snop  }
0x4f: {  	s12 =	sshrl.u32 s11, $0x3  }
0x50: {  	s13 =	sand.u32 $0x7, s11;
	s12 =	sadd.s32 s7, s12  }
0x51: {  	[tilespmem:s9], [sflag:$0x2] =	stream.linear.gather [hbm4b:s12+s13], $0x80, $0x38;
	[tilespmem:$0x8100] =	vst v63  }
.LBB2_11:
0x52: {  	s2 =	simm.s32 $0x3  }
0x53: {  	_ =	swait.ge [sflag:s2], $0x4000  }
0x54: {  	[sflag:s2] =	ssyncset.done $0x0  }
0x55: {  	[sflag:s2] =	ssyncadd.s32 $0xFFFFC000  }
0x56: {  	_ =	sfence.sel $0x180000  }
0x57: {  	s3 =	simm.s32 $0x2;
	[bflag:$0x0] =	sbarrier.arrive $0xFFFF  }
0x58: {  	[sflag:s3] =	ssyncpa.u1 $0x1  }
0x59: {  	s31 =	simm.s32 $0x1;
	[sflag:s2] =	ssyncpa.u1 $0x1  }
0x5a: {  	[sflag:s31] =	ssyncpa.u1 $0x1  }
0x5b: {  	p0 =	sne.s32 s1, $0x0;
	_ =	strace $0x9000005F  }
0x5c: {  	s0 =	sadd.s32 @!p0 $0x100000, s0;
	[bflag:$0x2] =	sbarrier.arrive $0xFFFF  }
0x5d: {  	[sflag:s0] =	ssyncadd.tile.s32 @!p0 $0x1;
	_ =	shalt  }
.Lfunc_end2:
_tile_overlayer_lowered:
.L_overlay_start_2:
0x5e: {  	(tag) =	ssettag $0x2  }
0x5f: {  	s0 =	rddreg [dreg:$0x0];
	s2 =	stileid.u32  }
0x60: {  	s1 =	rddreg [dreg:$0x1];
	p0 =	sne.s32 s2, $0x0  }
0x61: {  	s3 =	rddreg [dreg:$0x2];
	[bflag:$0x3] =	sbarrier.arrive $0xFFFF;
	s2 =	simm.s32 @!p0 $0x1C01  }
0x62: {  	[timem:s3], [sflag:s2] =	dma.local @!p0 [hbm:s0], s1  }
0x63: {  	s0 =	simm.s32 @!p0 $0x1  }
0x64: {  	_ =	swait.ge @!p0 [sflag:s0], s1  }
0x65: {  	s1 =	ssub.s32 @!p0 $0x0, s1;
	[sflag:s0] =	ssyncset.done @!p0 $0x0  }
0x66: {  	[sflag:s0] =	ssyncadd.s32 @!p0 s1  }
0x67: {  	[bflag:$0x3] =	sbarrier.arrive $0xFFFF  }
0x68: {  	_ =	shalt  }

// kernel: gather_offload_async_start.5
scs
__scs_entry_jumppad:
0x0: {  	(pc) =	sbr.rel $0x88, $3  }
0x1: {  	(tag) =	ssettag $0x0;
	lr =	simm.s32 $0x1  }
0x2: {  	[smem:$0x3F7C] =	sst lr;
	_ =	strace $0xD0000000  }
0x3: {  	_ = 	snop  }
0x4: {  	_ = 	snop  }
0x5: {  	_ = 	snop  }
0x6: {  	_ = 	snop  }
0x7: {  	_ = 	snop  }
__scs_overlays_trampoline_lowered:
0x8: {  	[smem:$0x3F8B] =	sst s0  }
0x9: {  	[smem:$0x3F8C] =	sst s1  }
0xa: {  	[smem:$0x3F8D] =	sst s2  }
0xb: {  	[smem:$0x3F8E] =	sst s3  }
0xc: {  	[smem:$0x3F8F] =	sst s4  }
0xd: {  	[smem:$0x3F90] =	sst s5  }
0xe: {  	[smem:$0x3F91] =	sst s6  }
0xf: {  	[smem:$0x3F92] =	sst s7  }
0x10: {  	[smem:$0x3F93] =	sst s8  }
0x11: {  	[smem:$0x3F94] =	sst s9;
	s0 =	simm.s32 @!p0 $0x0  }
0x12: {  	s1 =	sld [smem:$0x3F7A];
	s0 =	simm.s32 @p0 $0x1  }
0x13: {  	[smem:$0x3F95] =	sst s0;
	s0 =	simm.s32 @!p1 $0x0  }
0x14: {  	s2 =	sld [smem:$0x3F79];
	s0 =	simm.s32 @p1 $0x1  }
0x15: {  	[smem:$0x3F96] =	sst s0;
	s0 =	simm.s32 @!p2 $0x0  }
0x16: {  	s3 =	sld [smem:$0x3FDB];
	s0 =	simm.s32 @p2 $0x1  }
0x17: {  	s4 =	simm.s32 $0x1BF5;
	[smem:$0x3F98] =	sst s0  }
0x18: {  	s0 =	sld [smem:$0x3F7B];
	_ =	swait.ge [sflag:s4], $0x0  }
0x19: {  	s7 =	sld [smem:$0x3F7C]  }
0x1a: {  	s8 =	sadd.s32 $0xFFFFE003, lr  }
0x1b: {  	s9 =	sadd.s32 $0xFFFFFEF7, lr;
	s5 =	simm.s32 $0xFFFFFFFF;
	p2 =	slt.u32 s8, $0xFFFFF086  }
0x1c: {  	p1 =	slt.u32 s9, $0xF7A;
	s5 =	simm.s32 @!p2 $0x0  }
0x1d: {  	s5 =	simm.s32 @p1 $0x1;
	p0 =	seq.s32 s7, s2  }
0x1e: {  	s7 =	smul.u32 @!p0 $0xF7A, s2;
	p2 =	seq.s32 @!p0 s5, $0x0  }
0x1f: {  	s9 =	smul.u32 $0xF7A, s1;
	s8 =	simm.s32 @!p0 $0x1BF5;
	p2 =	por !p2, p0  }
0x20: {  	[sflag:s8] =	ssyncset.s32 @!p0 $0xFFFFF086;
	s6 =	sadd.s32 @!p0 s3, s7;
	s7 =	simm.s32 @!p0 $0x108  }
0x21: {  	s3 =	sadd.s32 s3, s9;
	s6 =	sadd.s32 @!p0 $0x88, s6;
	s7 =	simm.s32 @p2 $0x1082  }
0x22: {  	[simem:s7], [sflag:s8] =	dma.local @!p0 [hbm:s6], $0xF7A  }
0x23: {  	s9 =	sor.u32 $0xD0000000, s2;
	s6 =	simm.s32 $0x108;
	_ =	swait.ge @!p0 [sflag:s8], $0x0  }
0x24: {  	s3 =	sadd.s32 $0x88, s3;
	s6 =	simm.s32 @!p1 $0x1082;
	[sflag:s4] =	ssyncset.s32 $0xFFFFF086  }
0x25: {  	[simem:s6], [sflag:s4] =	dma.local [hbm:s3], $0xF7A  }
0x26: {  	[smem:$0x3F7C] =	sst s1;
	(tag) =	ssettag s2;
	_ =	strace s9  }
0x27: {  	s1 =	sld [smem:$0x3F8C]  }
0x28: {  	s2 =	sld [smem:$0x3F8D]  }
0x29: {  	s4 =	sld [smem:$0x3F8F]  }
0x2a: {  	p0 =	seq.s32 s5, $0x0;
	s5 =	sld [smem:$0x3F90]  }
0x2b: {  	s6 =	sld [smem:$0x3F91]  }
0x2c: {  	s7 =	sld [smem:$0x3F92]  }
0x2d: {  	s3 =	simm.s32 $0x108;
	s8 =	sld [smem:$0x3F93]  }
0x2e: {  	s3 =	simm.s32 @!p0 $0x1082;
	s9 =	sld [smem:$0x3F94]  }
0x2f: {  	lr =	sadd.s32 s0, s3;
	s0 =	sld [smem:$0x3F8B]  }
0x30: {  	s3 =	sld [smem:$0x3F8E]  }
0x31: {  	[smem:$0x3F97] =	sst s10  }
0x32: {  	s10 =	sld [smem:$0x3F95];
	_ =	sdelay $0x3  }
0x33: {  	p0 =	seq.s32 s10, $0x1;
	s10 =	sld [smem:$0x3F97];
	_ =	sdelay $0x3  }
0x34: {  	[smem:$0x3F97] =	sst s10  }
0x35: {  	s10 =	sld [smem:$0x3F96];
	_ =	sdelay $0x3  }
0x36: {  	p1 =	seq.s32 s10, $0x1;
	s10 =	sld [smem:$0x3F97];
	_ =	sdelay $0x3  }
0x37: {  	[smem:$0x3F97] =	sst s10  }
0x38: {  	s10 =	sld [smem:$0x3F98]  }
0x39: {  	_ = 	snop;
	(pc) =	sbr.ind lr, $3  }
0x3a: {  	_ = 	snop  }
0x3b: {  	_ = 	snop  }
0x3c: {  	p2 =	seq.s32 s10, $0x1;
	s10 =	sld [smem:$0x3F97]  }
0x3d: {  	_ =	shalt  }
0x3e: {  	_ =	shalt  }
0x3f: {  	_ =	shalt  }
0x40: {  	_ =	shalt  }
0x41: {  	_ =	shalt  }
0x42: {  	_ =	shalt  }
0x43: {  	_ =	shalt  }
0x44: {  	_ =	shalt  }
0x45: {  	_ =	shalt  }
0x46: {  	_ =	shalt  }
0x47: {  	_ =	shalt  }
0x48: {  	_ =	shalt  }
0x49: {  	_ =	shalt  }
0x4a: {  	_ =	shalt  }
0x4b: {  	_ =	shalt  }
0x4c: {  	_ =	shalt  }
0x4d: {  	_ =	shalt  }
0x4e: {  	_ =	shalt  }
0x4f: {  	_ =	shalt  }
0x50: {  	_ =	shalt  }
0x51: {  	_ =	shalt  }
0x52: {  	_ =	shalt  }
0x53: {  	_ =	shalt  }
0x54: {  	_ =	shalt  }
0x55: {  	_ =	shalt  }
0x56: {  	_ =	shalt  }
0x57: {  	_ =	shalt  }
0x58: {  	_ =	shalt  }
0x59: {  	_ =	shalt  }
0x5a: {  	_ =	shalt  }
0x5b: {  	_ =	shalt  }
0x5c: {  	_ =	shalt  }
0x5d: {  	_ =	shalt  }
0x5e: {  	_ =	shalt  }
0x5f: {  	_ =	shalt  }
0x60: {  	_ =	shalt  }
0x61: {  	_ =	shalt  }
0x62: {  	_ =	shalt  }
0x63: {  	_ =	shalt  }
0x64: {  	_ =	shalt  }
0x65: {  	_ =	shalt  }
0x66: {  	_ =	shalt  }
0x67: {  	_ =	shalt  }
0x68: {  	_ =	shalt  }
0x69: {  	_ =	shalt  }
0x6a: {  	_ =	shalt  }
0x6b: {  	_ =	shalt  }
0x6c: {  	_ =	shalt  }
0x6d: {  	_ =	shalt  }
0x6e: {  	_ =	shalt  }
0x6f: {  	_ =	shalt  }
0x70: {  	_ =	shalt  }
0x71: {  	_ =	shalt  }
0x72: {  	_ =	shalt  }
0x73: {  	_ =	shalt  }
0x74: {  	_ =	shalt  }
0x75: {  	_ =	shalt  }
0x76: {  	_ =	shalt  }
0x77: {  	_ =	shalt  }
0x78: {  	_ =	shalt  }
0x79: {  	_ =	shalt  }
0x7a: {  	_ =	shalt  }
0x7b: {  	_ =	shalt  }
0x7c: {  	_ =	shalt  }
0x7d: {  	_ =	shalt  }
0x7e: {  	_ =	shalt  }
0x7f: {  	_ =	shalt  }
0x80: {  	_ =	shalt  }
0x81: {  	_ =	shalt  }
0x82: {  	_ =	shalt  }
0x83: {  	_ =	shalt  }
0x84: {  	_ =	shalt  }
0x85: {  	_ =	shalt  }
0x86: {  	_ =	shalt  }
0x87: {  	_ =	shalt  }
.Lfunc_end0:
.L_simem_size_0:
called_computation.18_lowered:
.L_overlay_start_0:
0x88: {  	s2 =	sld [smem:$0x3FD9]  }
0x89: {  	s3 =	sld [smem:$0x3FFE];
	_ =	sdelay $0x1  }
0x8a: {  	s1 =	srdreg.scid  }
0x8b: {  	s0 =	sand.u32 $0x1, s1  }
0x8c: {  	s14 =	sshll.u32 s0, $0xA;
	s2 =	sadd.s32 s3, s2  }
0x8d: {  	s2 =	sadd.s32 s2, s14  }
0x8e: {  	[smem:$0x3FA3] =	sst s2  }
0x8f: {  	_ = 	snop  }
0x90: {  	s2 =	sld [smem:$0x3FD0];
	_ =	sdelay $0x2  }
0x91: {  	s15 =	simm.s32 $0xD;
	s4 =	simm.s32 $0x10  }
0x92: {  	[smem:s4], [sflag:s15] =	dma.local [hbm:s2], $0x1  }
0x93: {  	_ =	swait.eq [sflag:s15], $0x1  }
0x94: {  	[sflag:s15] =	ssyncset.done $0x0  }
0x95: {  	[sflag:s15] =	ssyncadd.s32 $0xFFFFFFFF  }
0x96: {  	s16 =	sld [smem:$0x11];
	(tm) =	ssettm $0x1  }
0x97: {  	s17 =	sld [smem:$0x3FFB];
	_ =	sdelay $0x3  }
0x98: {  	_ =	strace s17  }
0x99: {  	s3 =	sld [smem:$0x3FFC];
	_ =	sdelay $0x3  }
0x9a: {  	_ =	strace s3  }
0x9b: {  	s3 =	sld [smem:$0x3FFD];
	_ =	sdelay $0x3  }
0x9c: {  	_ =	strace s3  }
0x9d: {  	_ =	strace $0x8FFFFFFF  }
0x9e: {  	s18 =	sld [smem:$0x3FDB];
	_ =	sdelay $0x1  }
0x9f: {  	s19 =	simm.s32 $_scs_section_size  }
0xa0: {  	s5 =	simm.s32 $_size__tile_overlayer_lowered;
	s6 =	simm.s32 $_tile_overlayer_lowered  }
0xa1: {  	s22 =	simm.s32 $0x1BFF;
	s21 =	sshll.u32 s6, $0x1;
	s3 =	sadd.s32 s19, s18  }
0xa2: {  	s7 =	simm.s32 $0x0;
	s20 =	sshll.u32 s5, $0x1;
	s5 =	sadd.s32 s21, s3  }
0xa3: {  	[timem:s7], [sflag:s22] =	dma.local [hbm:s5], s20  }
0xa4: {  	_ =	swait.ge [sflag:s22], s20  }
0xa5: {  	s4 =	ssub.s32 $0x0, s20;
	[sflag:s22] =	ssyncset.done $0x0  }
0xa6: {  	[sflag:s22] =	ssyncadd.s32 s4;
	_ =	sdelay $0x1  }
0xa7: {  	s23 =	simm.s32 $0x1B8B  }
0xa8: {  	_ =	swait.ge [sflag:s23], $0x1  }
0xa9: {  	[sflag:s23] =	ssyncset.done $0x0  }
0xaa: {  	s25 =	simm.s32 $0x1B8E;
	s24 =	sld [smem:$0x3FFE];
	[sflag:s23] =	ssyncadd.s32 $0xFFFFFFFF  }
0xab: {  	s26 =	simm.s32 $execute0_lowered;
	[smem:$0x3FD2] =	sst s25  }
0xac: {  	s5 =	sshll.u32 s26, $0x1;
	_ =	strace $0x8000006A;
	[dreg:$0x1] =	wrdreg $0xFFFFFFFF  }
0xad: {  	s28 =	simm.s32 $_size_execute0_lowered;
	s3 =	sadd.s32 s3, s5;
	[dreg:$0x0] =	wrdreg $0x0  }
0xae: {  	s5 =	sshll.u32 s28, $0x1;
	[dreg:$0x2] =	wrdreg s3  }
0xaf: {  	[dreg:$0x3] =	wrdreg s5  }
0xb0: {  	[dreg:$0x4] =	wrdreg $0xC0  }
0xb1: {  	_ =	task [dreg:s7], $0x5FFFF  }
0xb2: {  	[dreg:$0x1] =	wrdreg $0xFFFFFFFF  }
0xb3: {  	[dreg:$0x0] =	wrdreg $0x60  }
0xb4: {  	[dreg:$0x2] =	wrdreg s24  }
0xb5: {  	[dreg:$0x3] =	wrdreg s16  }
0xb6: {  	[dreg:$0x4] =	wrdreg $0xB  }
0xb7: {  	_ =	task.clear_ibuf [dreg:s7], $0x5FFFF;
	_ =	strace $0x9000006A  }
0xb8: {  	s29 =	simm.s32 $0xB;
	_ =	strace $0x8000006C  }
0xb9: {  	_ =	swait.ge [sflag:s29], $0x1  }
0xba: {  	[sflag:s29] =	ssyncadd.s32 $0xFFFFFFFF  }
0xbb: {  	_ =	strace $0x9000006C  }
0xbc: {  	_ =	sfence  }
0xbd: {  	s30 =	sld [smem:$0x0];
	_ =	sdelay $0x2  }
0xbe: {  	s31 =	sshll.u32 s1, $0xD;
	s1 =	sshrl.u32 s1, $0x2  }
0xbf: {  	s3 =	sand.u32 $0x4000, s31;
	s1 =	sadd.s32 s1, s30  }
0xc0: {  	s0 =	sor.u32 s3, s0;
	s1 =	sshll.u32 s1, $0x11  }
0xc1: {  	s0 =	sor.u32 s1, s0  }
0xc2: {  	s0 =	sadd.s32 $0x8F2B, s0  }
0xc3: {  	[sflag:s0] =	ssyncadd.remote.s32 $0x1  }
0xc4: {  	_ =	sfence.sel $0xFFFF  }
0xc5: {  	[dreg:$0x0] =	wrdreg $0xFFFFFFFF;
	(pc) =	sbr.abs _section_cstart, $3  }
0xc6: {  	[dreg:$0x1] =	wrdreg $0xFFFFFFFF  }
0xc7: {  	_ =	task.clear_ibuf [dreg:s7], $0x2FFFF;
	_ =	strace $0x9FFFFFFF  }
0xc8: {  	(tm) =	ssettm $0x7FFFFFFF  }
0xc9: {  	_ =	shalt  }
tec
execute0_lowered:
.L_overlay_start_1:
0x0: {  	(tag) =	ssettag $0x1  }
0x1: {  	s7 =	rddreg [dreg:$0x0]  }
0x2: {  	s2 =	rddreg [dreg:$0x1]  }
0x3: {  	s0 =	rddreg [dreg:$0x2]  }
0x4: {  	s1 =	srdreg.scid;
	_ =	strace $0x8000006B;
	s4 =	simm.s32 $0x1  }
0x5: {  	s9 =	simm.s32 $0x3;
	s12 =	simm.s32 $0x0;
	s5 =	sshll.u32 s1, $0x4  }
.Ltmp0:
0x6: {  	s1 =	stileid.u32;
	s5 =	sand.u32 $0x10, s5;
	(pc) =	sbr.rel .LBB2_1-.Ltmp0, $4  }
0x7: {  	s10 =	simm.s32 $0x0;
	s3 =	sadd.s32 $0x303400, s7;
	s6 =	sor.u32 s1, s5  }
0x8: {  	[sflag:s4] =	ssyncpa.u1 $0x0;
	s5 =	simm.s32 $0x2;
	s6 =	sshll.u32 s6, $0x6  }
0x9: {  	s7 =	sadd.s32 $0x30400, s7;
	[sflag:s5] =	ssyncpa.u1 $0x0;
	s8 =	sadd.s32 $0x40, s6  }
0xa: {  	vm0 =	vmmov $0xff;
	vm1 =	vcmask $0x3F20;
	[sflag:s9] =	ssyncpa.u1 $0x0;
	s9 =	simm.s32 $0x40;
	s11 =	smov.u32 s6  }
.LBB2_10:
0xb: {  	[hbm:s16] =	stream.linear.scatter [tilespmem:s13], [sflag:$0x3], $0x800, $0x38;
	[tilespmem:$0x8080] =	vst v63  }
.LBB2_11:
0xc: {  	p0 =	seq.s32 s10, $0x2  }
.Ltmp1:
0xd: {  	_ = 	snop;
	(pc) =	sbr.rel @p0 .LBB2_13-.Ltmp1, $1  }
0xe: {  	_ =	sdelay $0x3  }
.LBB2_12:
0xf: {  	s12 =	sadd.s32 $0x40, s11  }
0x10: {  	s13 =	smov.u32 s6;
	p0 =	slt.s32 s12, s8  }
0x11: {  	s13 =	smov.u32 @p0 s12  }
0x12: {  	s10 =	sadd.s32 $0x1, s10;
	s12 =	smov.u32 s11;
	s11 =	smov.u32 s13  }
.LBB2_1:
0x13: {  	p0 =	sne.s32 s10, $0x0  }
.Ltmp2:
0x14: {  	_ = 	snop;
	(pc) =	sbr.rel @!p0 .LBB2_2-.Ltmp2, $1  }
0x15: {  	_ =	sdelay $0x3  }
0x16: {  	s13 =	sand.u32 $0x1, s10  }
0x17: {  	p0 =	seq.s32 s13, $0x0  }
.Ltmp3:
0x18: {  	_ = 	snop;
	(pc) =	sbr.rel @p0 .LBB2_11-.Ltmp3, $1  }
0x19: {  	_ =	sdelay $0x3  }
0x1a: {  	_ =	swait.ge [sflag:s5], $0x40  }
0x1b: {  	[sflag:s5] =	ssyncset.done $0x0  }
0x1c: {  	s13 =	simm.s32 $0x0;
	[sflag:s5] =	ssyncadd.s32 $0xFFFFFFC0  }
.LBB2_5:
0x1d: {  	s14 =	sshll.u32 s13, $0x4  }
0x1e: {  	s14 =	sand.u32 $0x3FFFFFF0, s14  }
0x1f: {  	v0 =	vld.msk [tilespmem:s14+$0x40 ss:$0x1], $0xffff;
	_ =	sdelay $0x4  }
0x20: {  	v1 =	vshrl.u32 v0, $0x3  }
0x21: {  	vm2 =	veq.s32 v0, $0x80000000;
	v1 =	vand.u32 $0x1FF, v1  }
0x22: {  	v0 =	vshll.u32 v0, $0x11;
	v1 =	vsel vm2, $0xFFFFFFFF, v1  }
0x23: {  	v0 =	vand.u32 $0xE0000, v0;
	v2 =	vshll.u32 v1, $0x8  }
0x24: {  	v0 =	vsel vm2, $0xFFFE0000, v0;
	v1 =	vshll.u32 v1, $0x7;
	v2 =	vand.u32 $0xFFFFF800, v2  }
0x25: {  	s31 =	sshll.u32 s13, $0xC;
	v1 =	vand.u32 $0x380, v1;
	v0 =	vadd.s32 v0, v2  }
0x26: {  	s14 =	sand.u32 $0x3FFFF000, s31;
	v0 =	vor.u32 v1, v0  }
0x27: {  	p0 =	por $0x1, $0x1;
	s15 =	simm.s32 $0x0;
	s14 =	sadd.s32 $0x4080, s14;
	v0 =	vshrl.u32 v0, $0x3  }
.LBB2_6:
0x28: {  	_ =	sdelay $0x1  }
0x29: {  	s15 =	sshra.s32 s15, $0x2;
	p1 =	por p0, p0  }
.Ltmp4:
0x2a: {  	s15 =	sadd.s32 s15, s14;
	(pc) =	sbr.rel @p1 .LBB2_6-.Ltmp4, $4  }
0x2b: {  	[tilespmem:s15], [sflag:$0x1] =	stream.indirect_vreg.gather [hbm:s3], $0x80, v0, vm0, $0x38;
	[tilespmem:$0x8080] =	vst v63  }
0x2c: {  	s15 =	sadd.s32 $0x800, s15  }
0x2d: {  	[tilespmem:s15], [sflag:$0x1] =	stream.indirect_vreg.gather [hbm:s3], $0x80, v0, vm1, $0x38;
	[tilespmem:$0x8080] =	vst v63  }
0x2e: {  	p0 =	por $0x0, $0x0;
	v0 =	vadd.s32 $0x80, v0;
	s15 =	simm.s32 $0x1000  }
0x2f: {  	s13 =	sadd.s32 $0x1, s13  }
0x30: {  	p0 =	sne.s32 s13, $0x4  }
.Ltmp5:
0x31: {  	_ = 	snop;
	(pc) =	sbr.rel @p0 .LBB2_5-.Ltmp5, $1  }
0x32: {  	_ =	sdelay $0x3  }
0x33: {  	s13 =	sshll.u32 s12, $0x5  }
0x34: {  	_ =	swait.ge [sflag:s4], $0x4000;
	s31 =	sshll.u32 s12, $0x4;
	s13 =	sand.u32 $0xFFFFFF00, s13  }
0x35: {  	s14 =	simm.s32 $0x100;
	s12 =	sand.u32 $0x70, s31;
	s13 =	sadd.s32 s13, s2  }
0x36: {  	s15 =	simm.s32 $0x4880;
	[sflag:s4] =	ssyncset.done $0x0;
	s12 =	sadd.s32 s12, s13  }
0x37: {  	[sflag:s4] =	ssyncadd.s32 $0xFFFFC000;
	s13 =	simm.s32 $0x4080;
	s16 =	sadd.s32 $0x0, s12  }
.LBB2_9:
0x38: {  	[hbm:s16] =	stream.linear.scatter [tilespmem:s13], [sflag:$0x3], $0x800, $0x38;
	[tilespmem:$0x8080] =	vst v63  }
0x39: {  	s16 =	smov.u32 s14;
	s13 =	smov.u32 s15;
	p0 =	sne.s32 s14, $0x700  }
.Ltmp6:
0x3a: {  	s14 =	sadd.s32 $0x100, s14;
	(pc) =	sbr.rel @p0 .LBB2_9-.Ltmp6, $2  }
0x3b: {  	_ =	sdelay $0x2  }
0x3c: {  	s15 =	sadd.s32 $0x800, s15;
	s16 =	sadd.s32 s16, s12  }
.Ltmp7:
0x3d: {  	_ = 	snop;
	(pc) =	sbr.rel .LBB2_10-.Ltmp7, $1  }
0x3e: {  	_ =	sdelay $0x3  }
.LBB2_2:
.Ltmp8:
0x3f: {  	(pc) =	sbr.rel .LBB2_12-.Ltmp8, $4  }
0x40: {  	_ = 	snop  }
0x41: {  	s12 =	sshrl.u32 s11, $0x3  }
0x42: {  	s13 =	sand.u32 $0x7, s11;
	s12 =	sadd.s32 s7, s12  }
0x43: {  	[tilespmem:s9], [sflag:$0x2] =	stream.linear.gather [hbm4b:s12+s13], $0x40, $0x38;
	[tilespmem:$0x8080] =	vst v63  }
.LBB2_13:
0x44: {  	s2 =	simm.s32 $0x3  }
0x45: {  	_ =	swait.ge [sflag:s2], $0x4000  }
0x46: {  	[sflag:s2] =	ssyncset.done $0x0  }
0x47: {  	[sflag:s2] =	ssyncadd.s32 $0xFFFFC000  }
0x48: {  	_ =	sfence.sel $0x180000  }
0x49: {  	s3 =	simm.s32 $0x2;
	[bflag:$0x0] =	sbarrier.arrive $0xFFFF  }
0x4a: {  	[sflag:s3] =	ssyncpa.u1 $0x1  }
0x4b: {  	s31 =	simm.s32 $0x1;
	[sflag:s2] =	ssyncpa.u1 $0x1  }
0x4c: {  	[sflag:s31] =	ssyncpa.u1 $0x1  }
0x4d: {  	p0 =	sne.s32 s1, $0x0;
	_ =	strace $0x9000006B  }
0x4e: {  	s0 =	sadd.s32 @!p0 $0x100000, s0;
	[bflag:$0x2] =	sbarrier.arrive $0xFFFF  }
0x4f: {  	[sflag:s0] =	ssyncadd.tile.s32 @!p0 $0x1;
	_ =	shalt  }
.Lfunc_end2:
_tile_overlayer_lowered:
.L_overlay_start_2:
0x50: {  	(tag) =	ssettag $0x2  }
0x51: {  	s0 =	rddreg [dreg:$0x0];
	s2 =	stileid.u32  }
0x52: {  	s1 =	rddreg [dreg:$0x1];
	p0 =	sne.s32 s2, $0x0  }
0x53: {  	s3 =	rddreg [dreg:$0x2];
	[bflag:$0x3] =	sbarrier.arrive $0xFFFF;
	s2 =	simm.s32 @!p0 $0x1C01  }
0x54: {  	[timem:s3], [sflag:s2] =	dma.local @!p0 [hbm:s0], s1  }
0x55: {  	s0 =	simm.s32 @!p0 $0x1  }
0x56: {  	_ =	swait.ge @!p0 [sflag:s0], s1  }
0x57: {  	s1 =	ssub.s32 @!p0 $0x0, s1;
	[sflag:s0] =	ssyncset.done @!p0 $0x0  }
0x58: {  	[sflag:s0] =	ssyncadd.s32 @!p0 s1  }
0x59: {  	[bflag:$0x3] =	sbarrier.arrive $0xFFFF  }
0x5a: {  	_ =	shalt  }

// kernel: gather_offload_async_start
scs
__scs_entry_jumppad:
0x0: {  	(pc) =	sbr.rel $0x88, $3  }
0x1: {  	(tag) =	ssettag $0x0;
	lr =	simm.s32 $0x1  }
0x2: {  	[smem:$0x3F7C] =	sst lr;
	_ =	strace $0xD0000000  }
0x3: {  	_ = 	snop  }
0x4: {  	_ = 	snop  }
0x5: {  	_ = 	snop  }
0x6: {  	_ = 	snop  }
0x7: {  	_ = 	snop  }
__scs_overlays_trampoline_lowered:
0x8: {  	[smem:$0x3F8B] =	sst s0  }
0x9: {  	[smem:$0x3F8C] =	sst s1  }
0xa: {  	[smem:$0x3F8D] =	sst s2  }
0xb: {  	[smem:$0x3F8E] =	sst s3  }
0xc: {  	[smem:$0x3F8F] =	sst s4  }
0xd: {  	[smem:$0x3F90] =	sst s5  }
0xe: {  	[smem:$0x3F91] =	sst s6  }
0xf: {  	[smem:$0x3F92] =	sst s7  }
0x10: {  	[smem:$0x3F93] =	sst s8  }
0x11: {  	[smem:$0x3F94] =	sst s9;
	s0 =	simm.s32 @!p0 $0x0  }
0x12: {  	s1 =	sld [smem:$0x3F7A];
	s0 =	simm.s32 @p0 $0x1  }
0x13: {  	[smem:$0x3F95] =	sst s0;
	s0 =	simm.s32 @!p1 $0x0  }
0x14: {  	s2 =	sld [smem:$0x3F79];
	s0 =	simm.s32 @p1 $0x1  }
0x15: {  	[smem:$0x3F96] =	sst s0;
	s0 =	simm.s32 @!p2 $0x0  }
0x16: {  	s3 =	sld [smem:$0x3FDB];
	s0 =	simm.s32 @p2 $0x1  }
0x17: {  	s4 =	simm.s32 $0x1BF5;
	[smem:$0x3F98] =	sst s0  }
0x18: {  	s0 =	sld [smem:$0x3F7B];
	_ =	swait.ge [sflag:s4], $0x0  }
0x19: {  	s7 =	sld [smem:$0x3F7C]  }
0x1a: {  	s8 =	sadd.s32 $0xFFFFE003, lr  }
0x1b: {  	s9 =	sadd.s32 $0xFFFFFEF7, lr;
	s5 =	simm.s32 $0xFFFFFFFF;
	p2 =	slt.u32 s8, $0xFFFFF086  }
0x1c: {  	p1 =	slt.u32 s9, $0xF7A;
	s5 =	simm.s32 @!p2 $0x0  }
0x1d: {  	s5 =	simm.s32 @p1 $0x1;
	p0 =	seq.s32 s7, s2  }
0x1e: {  	s7 =	smul.u32 @!p0 $0xF7A, s2;
	p2 =	seq.s32 @!p0 s5, $0x0  }
0x1f: {  	s9 =	smul.u32 $0xF7A, s1;
	s8 =	simm.s32 @!p0 $0x1BF5;
	p2 =	por !p2, p0  }
0x20: {  	[sflag:s8] =	ssyncset.s32 @!p0 $0xFFFFF086;
	s6 =	sadd.s32 @!p0 s3, s7;
	s7 =	simm.s32 @!p0 $0x108  }
0x21: {  	s3 =	sadd.s32 s3, s9;
	s6 =	sadd.s32 @!p0 $0x88, s6;
	s7 =	simm.s32 @p2 $0x1082  }
0x22: {  	[simem:s7], [sflag:s8] =	dma.local @!p0 [hbm:s6], $0xF7A  }
0x23: {  	s9 =	sor.u32 $0xD0000000, s2;
	s6 =	simm.s32 $0x108;
	_ =	swait.ge @!p0 [sflag:s8], $0x0  }
0x24: {  	s3 =	sadd.s32 $0x88, s3;
	s6 =	simm.s32 @!p1 $0x1082;
	[sflag:s4] =	ssyncset.s32 $0xFFFFF086  }
0x25: {  	[simem:s6], [sflag:s4] =	dma.local [hbm:s3], $0xF7A  }
0x26: {  	[smem:$0x3F7C] =	sst s1;
	(tag) =	ssettag s2;
	_ =	strace s9  }
0x27: {  	s1 =	sld [smem:$0x3F8C]  }
0x28: {  	s2 =	sld [smem:$0x3F8D]  }
0x29: {  	s4 =	sld [smem:$0x3F8F]  }
0x2a: {  	p0 =	seq.s32 s5, $0x0;
	s5 =	sld [smem:$0x3F90]  }
0x2b: {  	s6 =	sld [smem:$0x3F91]  }
0x2c: {  	s7 =	sld [smem:$0x3F92]  }
0x2d: {  	s3 =	simm.s32 $0x108;
	s8 =	sld [smem:$0x3F93]  }
0x2e: {  	s3 =	simm.s32 @!p0 $0x1082;
	s9 =	sld [smem:$0x3F94]  }
0x2f: {  	lr =	sadd.s32 s0, s3;
	s0 =	sld [smem:$0x3F8B]  }
0x30: {  	s3 =	sld [smem:$0x3F8E]  }
0x31: {  	[smem:$0x3F97] =	sst s10  }
0x32: {  	s10 =	sld [smem:$0x3F95];
	_ =	sdelay $0x3  }
0x33: {  	p0 =	seq.s32 s10, $0x1;
	s10 =	sld [smem:$0x3F97];
	_ =	sdelay $0x3  }
0x34: {  	[smem:$0x3F97] =	sst s10  }
0x35: {  	s10 =	sld [smem:$0x3F96];
	_ =	sdelay $0x3  }
0x36: {  	p1 =	seq.s32 s10, $0x1;
	s10 =	sld [smem:$0x3F97];
	_ =	sdelay $0x3  }
0x37: {  	[smem:$0x3F97] =	sst s10  }
0x38: {  	s10 =	sld [smem:$0x3F98]  }
0x39: {  	_ = 	snop;
	(pc) =	sbr.ind lr, $3  }
0x3a: {  	_ = 	snop  }
0x3b: {  	_ = 	snop  }
0x3c: {  	p2 =	seq.s32 s10, $0x1;
	s10 =	sld [smem:$0x3F97]  }
0x3d: {  	_ =	shalt  }
0x3e: {  	_ =	shalt  }
0x3f: {  	_ =	shalt  }
0x40: {  	_ =	shalt  }
0x41: {  	_ =	shalt  }
0x42: {  	_ =	shalt  }
0x43: {  	_ =	shalt  }
0x44: {  	_ =	shalt  }
0x45: {  	_ =	shalt  }
0x46: {  	_ =	shalt  }
0x47: {  	_ =	shalt  }
0x48: {  	_ =	shalt  }
0x49: {  	_ =	shalt  }
0x4a: {  	_ =	shalt  }
0x4b: {  	_ =	shalt  }
0x4c: {  	_ =	shalt  }
0x4d: {  	_ =	shalt  }
0x4e: {  	_ =	shalt  }
0x4f: {  	_ =	shalt  }
0x50: {  	_ =	shalt  }
0x51: {  	_ =	shalt  }
0x52: {  	_ =	shalt  }
0x53: {  	_ =	shalt  }
0x54: {  	_ =	shalt  }
0x55: {  	_ =	shalt  }
0x56: {  	_ =	shalt  }
0x57: {  	_ =	shalt  }
0x58: {  	_ =	shalt  }
0x59: {  	_ =	shalt  }
0x5a: {  	_ =	shalt  }
0x5b: {  	_ =	shalt  }
0x5c: {  	_ =	shalt  }
0x5d: {  	_ =	shalt  }
0x5e: {  	_ =	shalt  }
0x5f: {  	_ =	shalt  }
0x60: {  	_ =	shalt  }
0x61: {  	_ =	shalt  }
0x62: {  	_ =	shalt  }
0x63: {  	_ =	shalt  }
0x64: {  	_ =	shalt  }
0x65: {  	_ =	shalt  }
0x66: {  	_ =	shalt  }
0x67: {  	_ =	shalt  }
0x68: {  	_ =	shalt  }
0x69: {  	_ =	shalt  }
0x6a: {  	_ =	shalt  }
0x6b: {  	_ =	shalt  }
0x6c: {  	_ =	shalt  }
0x6d: {  	_ =	shalt  }
0x6e: {  	_ =	shalt  }
0x6f: {  	_ =	shalt  }
0x70: {  	_ =	shalt  }
0x71: {  	_ =	shalt  }
0x72: {  	_ =	shalt  }
0x73: {  	_ =	shalt  }
0x74: {  	_ =	shalt  }
0x75: {  	_ =	shalt  }
0x76: {  	_ =	shalt  }
0x77: {  	_ =	shalt  }
0x78: {  	_ =	shalt  }
0x79: {  	_ =	shalt  }
0x7a: {  	_ =	shalt  }
0x7b: {  	_ =	shalt  }
0x7c: {  	_ =	shalt  }
0x7d: {  	_ =	shalt  }
0x7e: {  	_ =	shalt  }
0x7f: {  	_ =	shalt  }
0x80: {  	_ =	shalt  }
0x81: {  	_ =	shalt  }
0x82: {  	_ =	shalt  }
0x83: {  	_ =	shalt  }
0x84: {  	_ =	shalt  }
0x85: {  	_ =	shalt  }
0x86: {  	_ =	shalt  }
0x87: {  	_ =	shalt  }
.Lfunc_end0:
.L_simem_size_0:
called_computation.13_lowered:
.L_overlay_start_0:
0x88: {  	s2 =	sld [smem:$0x3FD9]  }
0x89: {  	s3 =	sld [smem:$0x3FFE];
	_ =	sdelay $0x1  }
0x8a: {  	s1 =	srdreg.scid  }
0x8b: {  	s0 =	sand.u32 $0x1, s1  }
0x8c: {  	s16 =	sshll.u32 s0, $0xA;
	s2 =	sadd.s32 s3, s2  }
0x8d: {  	s2 =	sadd.s32 s2, s16  }
0x8e: {  	[smem:$0x3FA3] =	sst s2  }
0x8f: {  	_ = 	snop  }
0x90: {  	(tm) =	ssettm $0x1  }
0x91: {  	s17 =	sld [smem:$0x3FFB];
	_ =	sdelay $0x3  }
0x92: {  	_ =	strace s17  }
0x93: {  	s2 =	sld [smem:$0x3FFC];
	_ =	sdelay $0x3  }
0x94: {  	_ =	strace s2  }
0x95: {  	s2 =	sld [smem:$0x3FFD];
	_ =	sdelay $0x3  }
0x96: {  	_ =	strace s2  }
0x97: {  	_ =	strace $0x8FFFFFFF  }
0x98: {  	s18 =	sld [smem:$0x3FDB];
	_ =	sdelay $0x1  }
0x99: {  	s19 =	simm.s32 $_scs_section_size  }
0x9a: {  	s4 =	simm.s32 $_size__tile_overlayer_lowered;
	s5 =	simm.s32 $_tile_overlayer_lowered  }
0x9b: {  	s22 =	simm.s32 $0x1BFF;
	s21 =	sshll.u32 s5, $0x1;
	s2 =	sadd.s32 s19, s18  }
0x9c: {  	s6 =	simm.s32 $0x0;
	s20 =	sshll.u32 s4, $0x1;
	s4 =	sadd.s32 s21, s2  }
0x9d: {  	[timem:s6], [sflag:s22] =	dma.local [hbm:s4], s20  }
0x9e: {  	_ =	swait.ge [sflag:s22], s20  }
0x9f: {  	s3 =	ssub.s32 $0x0, s20;
	[sflag:s22] =	ssyncset.done $0x0  }
0xa0: {  	[sflag:s22] =	ssyncadd.s32 s3;
	_ =	sdelay $0x1  }
0xa1: {  	s23 =	simm.s32 $0x1B8B  }
0xa2: {  	_ =	swait.ge [sflag:s23], $0x1  }
0xa3: {  	[sflag:s23] =	ssyncset.done $0x0  }
0xa4: {  	s25 =	simm.s32 $0x1B8E;
	s24 =	sld [smem:$0x3FFE];
	[sflag:s23] =	ssyncadd.s32 $0xFFFFFFFF  }
0xa5: {  	s26 =	simm.s32 $execute0_lowered;
	[smem:$0x3FD2] =	sst s25  }
0xa6: {  	s4 =	sshll.u32 s26, $0x1;
	_ =	strace $0x80000046;
	[dreg:$0x1] =	wrdreg $0xFFFFFFFF  }
0xa7: {  	s28 =	simm.s32 $_size_execute0_lowered;
	s2 =	sadd.s32 s2, s4;
	[dreg:$0x0] =	wrdreg $0x0  }
0xa8: {  	s4 =	sshll.u32 s28, $0x1;
	[dreg:$0x2] =	wrdreg s2  }
0xa9: {  	[dreg:$0x3] =	wrdreg s4  }
0xaa: {  	[dreg:$0x4] =	wrdreg $0xC0  }
0xab: {  	_ =	task [dreg:s6], $0x5FFFF  }
0xac: {  	[dreg:$0x1] =	wrdreg $0xFFFFFFFF  }
0xad: {  	[dreg:$0x0] =	wrdreg $0x60  }
0xae: {  	[dreg:$0x2] =	wrdreg s24  }
0xaf: {  	[dreg:$0x3] =	wrdreg $0x9  }
0xb0: {  	_ =	task.clear_ibuf [dreg:s6], $0x4FFFF;
	_ =	strace $0x90000046  }
0xb1: {  	s29 =	simm.s32 $0x9;
	_ =	strace $0x80000048  }
0xb2: {  	_ =	swait.ge [sflag:s29], $0x1  }
0xb3: {  	[sflag:s29] =	ssyncadd.s32 $0xFFFFFFFF  }
0xb4: {  	_ =	strace $0x90000048  }
0xb5: {  	_ =	sfence  }
0xb6: {  	s30 =	sld [smem:$0x0];
	_ =	sdelay $0x2  }
0xb7: {  	s31 =	sshll.u32 s1, $0xD;
	s1 =	sshrl.u32 s1, $0x2  }
0xb8: {  	s3 =	sand.u32 $0x4000, s31;
	s1 =	sadd.s32 s1, s30  }
0xb9: {  	s0 =	sor.u32 s3, s0;
	s1 =	sshll.u32 s1, $0x11  }
0xba: {  	s0 =	sor.u32 s1, s0  }
0xbb: {  	s0 =	sadd.s32 $0x8F2B, s0  }
0xbc: {  	[sflag:s0] =	ssyncadd.remote.s32 $0x1  }
0xbd: {  	_ =	sfence.sel $0xFFFF  }
0xbe: {  	[dreg:$0x0] =	wrdreg $0xFFFFFFFF;
	(pc) =	sbr.abs _section_cstart, $3  }
0xbf: {  	[dreg:$0x1] =	wrdreg $0xFFFFFFFF  }
0xc0: {  	_ =	task.clear_ibuf [dreg:s6], $0x2FFFF;
	_ =	strace $0x9FFFFFFF  }
0xc1: {  	(tm) =	ssettm $0x7FFFFFFF  }
tec
execute0_lowered:
.L_overlay_start_1:
0x0: {  	(tag) =	ssettag $0x1  }
0x1: {  	s2 =	rddreg [dreg:$0x0]  }
0x2: {  	s0 =	rddreg [dreg:$0x1]  }
0x3: {  	s1 =	srdreg.scid;
	_ =	strace $0x80000047;
	s4 =	simm.s32 $0x1  }
0x4: {  	s9 =	simm.s32 $0x3;
	s12 =	simm.s32 $0x0;
	s5 =	sshll.u32 s1, $0x4  }
.Ltmp0:
0x5: {  	s1 =	stileid.u32;
	s5 =	sand.u32 $0x10, s5;
	(pc) =	sbr.rel .LBB2_1-.Ltmp0, $4  }
0x6: {  	s10 =	simm.s32 $0x0;
	s3 =	sadd.s32 $0x400, s2;
	s6 =	sor.u32 s1, s5  }
0x7: {  	[sflag:s4] =	ssyncpa.u1 $0x0;
	s5 =	simm.s32 $0x2;
	s6 =	sshll.u32 s6, $0x8  }
0x8: {  	s7 =	sadd.s32 $0x40400, s2;
	[sflag:s5] =	ssyncpa.u1 $0x0;
	s8 =	sadd.s32 $0x100, s6  }
0x9: {  	vm0 =	vmmov $0xff;
	vm1 =	vcmask $0x3F20;
	[sflag:s9] =	ssyncpa.u1 $0x0;
	s9 =	simm.s32 $0x100;
	s11 =	smov.u32 s6  }
.LBB2_9:
0xa: {  	p0 =	seq.s32 s10, $0x2  }
.Ltmp1:
0xb: {  	_ = 	snop;
	(pc) =	sbr.rel @p0 .LBB2_11-.Ltmp1, $1  }
0xc: {  	_ =	sdelay $0x3  }
.LBB2_10:
0xd: {  	s12 =	sadd.s32 $0x100, s11  }
0xe: {  	s13 =	smov.u32 s6;
	p0 =	slt.s32 s12, s8  }
0xf: {  	s13 =	smov.u32 @p0 s12  }
0x10: {  	s10 =	sadd.s32 $0x1, s10;
	s12 =	smov.u32 s11;
	s11 =	smov.u32 s13  }
.LBB2_1:
0x11: {  	p0 =	sne.s32 s10, $0x0  }
.Ltmp2:
0x12: {  	_ = 	snop;
	(pc) =	sbr.rel @!p0 .LBB2_2-.Ltmp2, $1  }
0x13: {  	_ =	sdelay $0x3  }
0x14: {  	s13 =	sand.u32 $0x1, s10  }
0x15: {  	p0 =	seq.s32 s13, $0x0  }
.Ltmp3:
0x16: {  	_ = 	snop;
	(pc) =	sbr.rel @p0 .LBB2_9-.Ltmp3, $1  }
0x17: {  	_ =	sdelay $0x3  }
0x18: {  	_ =	swait.ge [sflag:s5], $0x100  }
0x19: {  	[sflag:s5] =	ssyncset.done $0x0  }
0x1a: {  	s13 =	simm.s32 $0x0;
	[sflag:s5] =	ssyncadd.s32 $0xFFFFFF00  }
0x1b: {  	v0 =	vld.msk [tilespmem:s13+$0x100 ss:$0x1], $0xffff;
	_ =	sdelay $0x4  }
0x1c: {  	v1 =	vshll.u32 v0, $0x4  }
0x1d: {  	vm2 =	veq.s32 v0, $0x80000000;
	v0 =	vshll.u32 v0, $0x12;
	v1 =	vand.u32 $0x3FF80, v1  }
0x1e: {  	v0 =	vand.u32 $0x1C0000, v0;
	v1 =	vsel vm2, $0xFFFFFF80, v1  }
0x1f: {  	v0 =	vsel vm2, $0xFFFC0000, v0;
	v2 =	vand.u32 $0xFFFFFC00, v1  }
0x20: {  	v1 =	vand.u32 $0x380, v1;
	v0 =	vadd.s32 v0, v2  }
0x21: {  	v0 =	vor.u32 v1, v0  }
0x22: {  	v0 =	vshrl.u32 v0, $0x3;
	_ =	sdelay $0x3  }
0x23: {  	s13 =	simm.s32 $0x8200  }
0x24: {  	[tilespmem:s13], [sflag:$0x1] =	stream.indirect_vreg.gather [hbm:s3], $0x80, v0, vm0, $0x38;
	[tilespmem:$0x10200] =	vst v63  }
0x25: {  	s14 =	simm.s32 $0x8600;
	s31 =	simm.s32 $0x10  }
0x26: {  	[tilespmem:s14], [sflag:$0x1] =	stream.indirect_vreg.gather [hbm:s3], $0x80, v0, vm1, $0x38;
	[tilespmem:$0x10200] =	vst v63  }
0x27: {  	s14 =	simm.s32 $0x80;
	v0 =	vld.msk [tilespmem:s31+$0x100 ss:$0x1], $0xffff  }
.LBB2_5:
0x28: {  	p0 =	sne.s32 s14, $0x3C0;
	_ =	sdelay $0x4  }
0x29: {  	v1 =	vshll.u32 v0, $0x4  }
0x2a: {  	vm2 =	veq.s32 v0, $0x80000000;
	v0 =	vshll.u32 v0, $0x12;
	v1 =	vand.u32 $0x3FF80, v1  }
0x2b: {  	v0 =	vand.u32 $0x1C0000, v0;
	v1 =	vsel vm2, $0xFFFFFF80, v1  }
0x2c: {  	v0 =	vsel vm2, $0xFFFC0000, v0;
	v2 =	vand.u32 $0xFFFFFC00, v1  }
0x2d: {  	v1 =	vand.u32 $0x380, v1;
	v0 =	vadd.s32 v0, v2  }
0x2e: {  	v0 =	vor.u32 v1, v0  }
0x2f: {  	v0 =	vshrl.u32 v0, $0x3;
	_ =	sdelay $0x3  }
.Ltmp4:
0x30: {  	s13 =	sadd.s32 $0x800, s13;
	(pc) =	sbr.rel @p0 .LBB2_5-.Ltmp4, $4  }
0x31: {  	[tilespmem:s13], [sflag:$0x1] =	stream.indirect_vreg.gather [hbm:s3], $0x80, v0, vm0, $0x38;
	[tilespmem:$0x10200] =	vst v63  }
0x32: {  	s15 =	sshra.s32 s14, $0x2;
	s16 =	sadd.s32 $0x400, s13  }
0x33: {  	[tilespmem:s16], [sflag:$0x1] =	stream.indirect_vreg.gather [hbm:s3], $0x80, v0, vm1, $0x38;
	[tilespmem:$0x10200] =	vst v63  }
0x34: {  	s14 =	sadd.s32 $0x40, s14;
	v0 =	vld.msk [tilespmem:s15+$0x100 ss:$0x1], $0xffff  }
0x35: {  	_ =	sdelay $0x3  }
0x36: {  	v1 =	vshll.u32 v0, $0x4  }
0x37: {  	vm2 =	veq.s32 v0, $0x80000000;
	v63 =	vshll.u32 v0, $0x12;
	v1 =	vand.u32 $0x3FF80, v1  }
0x38: {  	v0 =	vand.u32 $0x1C0000, v63;
	v1 =	vsel vm2, $0xFFFFFF80, v1  }
0x39: {  	v0 =	vsel vm2, $0xFFFC0000, v0;
	v2 =	vand.u32 $0xFFFFFC00, v1  }
0x3a: {  	v1 =	vand.u32 $0x380, v1;
	v0 =	vadd.s32 v0, v2  }
0x3b: {  	v0 =	vor.u32 v1, v0  }
0x3c: {  	v0 =	vshrl.u32 v0, $0x3;
	_ =	sdelay $0x3  }
0x3d: {  	s13 =	sadd.s32 $0x800, s13  }
0x3e: {  	[tilespmem:s13], [sflag:$0x1] =	stream.indirect_vreg.gather [hbm:s3], $0x80, v0, vm0, $0x38;
	[tilespmem:$0x10200] =	vst v63  }
0x3f: {  	s13 =	sadd.s32 $0x400, s13  }
0x40: {  	[tilespmem:s13], [sflag:$0x1] =	stream.indirect_vreg.gather [hbm:s3], $0x80, v0, vm1, $0x38;
	[tilespmem:$0x10200] =	vst v63  }
0x41: {  	s12 =	sshll.u32 s12, $0x4;
	s14 =	simm.s32 $0x80;
	_ =	swait.ge [sflag:s4], $0x8000  }
0x42: {  	s15 =	simm.s32 $0x8600;
	s12 =	sadd.s32 s12, s7;
	[sflag:s4] =	ssyncset.done $0x0  }
0x43: {  	s16 =	sadd.s32 $0x0, s12;
	s13 =	simm.s32 $0x8200;
	[sflag:s4] =	ssyncadd.s32 $0xFFFF8000  }
.LBB2_7:
0x44: {  	[hbm:s16] =	stream.linear.scatter [tilespmem:s13], [sflag:$0x3], $0x400, $0x38;
	[tilespmem:$0x10200] =	vst v63  }
0x45: {  	s16 =	smov.u32 s14;
	s13 =	smov.u32 s15;
	p0 =	sne.s32 s14, $0xF80  }
.Ltmp5:
0x46: {  	s14 =	sadd.s32 $0x80, s14;
	(pc) =	sbr.rel @p0 .LBB2_7-.Ltmp5, $2  }
0x47: {  	_ =	sdelay $0x2  }
0x48: {  	s15 =	sadd.s32 $0x400, s15;
	s16 =	sadd.s32 s16, s12  }
.Ltmp6:
0x49: {  	(pc) =	sbr.rel .LBB2_9-.Ltmp6, $2  }
0x4a: {  	_ =	sdelay $0x2  }
0x4b: {  	[hbm:s16] =	stream.linear.scatter [tilespmem:s13], [sflag:$0x3], $0x400, $0x38;
	[tilespmem:$0x10200] =	vst v63  }
.LBB2_2:
.Ltmp7:
0x4c: {  	(pc) =	sbr.rel .LBB2_10-.Ltmp7, $4  }
0x4d: {  	_ = 	snop  }
0x4e: {  	s12 =	sshrl.u32 s11, $0x3  }
0x4f: {  	s13 =	sand.u32 $0x7, s11;
	s12 =	sadd.s32 s2, s12  }
0x50: {  	[tilespmem:s9], [sflag:$0x2] =	stream.linear.gather [hbm4b:s12+s13], $0x100, $0x38;
	[tilespmem:$0x10200] =	vst v63  }
.LBB2_11:
0x51: {  	s2 =	simm.s32 $0x3  }
0x52: {  	_ =	swait.ge [sflag:s2], $0x8000  }
0x53: {  	[sflag:s2] =	ssyncset.done $0x0  }
0x54: {  	[sflag:s2] =	ssyncadd.s32 $0xFFFF8000  }
0x55: {  	_ =	sfence.sel $0x180000  }
0x56: {  	s3 =	simm.s32 $0x2;
	[bflag:$0x0] =	sbarrier.arrive $0xFFFF  }
0x57: {  	[sflag:s3] =	ssyncpa.u1 $0x1  }
0x58: {  	s31 =	simm.s32 $0x1;
	[sflag:s2] =	ssyncpa.u1 $0x1  }
0x59: {  	[sflag:s31] =	ssyncpa.u1 $0x1  }
0x5a: {  	p0 =	sne.s32 s1, $0x0;
	_ =	strace $0x90000047  }
0x5b: {  	s0 =	sadd.s32 @!p0 $0x100000, s0;
	[bflag:$0x2] =	sbarrier.arrive $0xFFFF  }
0x5c: {  	[sflag:s0] =	ssyncadd.tile.s32 @!p0 $0x1;
	_ =	shalt  }
.Lfunc_end2:
_tile_overlayer_lowered:
.L_overlay_start_2:
0x5d: {  	(tag) =	ssettag $0x2  }
0x5e: {  	s0 =	rddreg [dreg:$0x0];
	s2 =	stileid.u32  }
0x5f: {  	s1 =	rddreg [dreg:$0x1];
	p0 =	sne.s32 s2, $0x0  }
0x60: {  	s3 =	rddreg [dreg:$0x2];
	[bflag:$0x3] =	sbarrier.arrive $0xFFFF;
	s2 =	simm.s32 @!p0 $0x1C01  }
0x61: {  	[timem:s3], [sflag:s2] =	dma.local @!p0 [hbm:s0], s1  }
0x62: {  	s0 =	simm.s32 @!p0 $0x1  }
0x63: {  	_ =	swait.ge @!p0 [sflag:s0], s1  }
0x64: {  	s1 =	ssub.s32 @!p0 $0x0, s1;
	[sflag:s0] =	ssyncset.done @!p0 $0x0  }
0x65: {  	[sflag:s0] =	ssyncadd.s32 @!p0 s1  }
0x66: {  	[bflag:$0x3] =	sbarrier.arrive $0xFFFF  }
0x67: {  	_ =	shalt  }

// kernel: sparse-core-data-format-call.1.cloned.1.call-start
scs
called_computation.1_lowered:
.L_overlay_start_0:
0x0: {  	s2 =	sld [smem:$0x3FD9]  }
0x1: {  	s3 =	sld [smem:$0x3FFE];
	_ =	sdelay $0x1  }
0x2: {  	s1 =	srdreg.scid  }
0x3: {  	s0 =	sand.u32 $0x1, s1  }
0x4: {  	s18 =	sshll.u32 s0, $0xA;
	s2 =	sadd.s32 s3, s2  }
0x5: {  	s2 =	sadd.s32 s2, s18  }
0x6: {  	[smem:$0x3FA3] =	sst s2  }
0x7: {  	_ = 	snop  }
0x8: {  	(tm) =	ssettm $0x1  }
0x9: {  	s19 =	sld [smem:$0x3FFB];
	_ =	sdelay $0x3  }
0xa: {  	_ =	strace s19  }
0xb: {  	s2 =	sld [smem:$0x3FFC];
	_ =	sdelay $0x3  }
0xc: {  	_ =	strace s2  }
0xd: {  	s2 =	sld [smem:$0x3FFD];
	_ =	sdelay $0x3  }
0xe: {  	_ =	strace s2  }
0xf: {  	_ =	strace $0x8FFFFFFF  }
0x10: {  	s20 =	sld [smem:$0x3FDB];
	_ =	sdelay $0x1  }
0x11: {  	s21 =	simm.s32 $_scs_section_size  }
0x12: {  	s4 =	simm.s32 $_size__tile_overlayer_lowered;
	s5 =	simm.s32 $_tile_overlayer_lowered  }
0x13: {  	s6 =	simm.s32 $0x1BFF;
	s22 =	sshll.u32 s5, $0x1;
	s3 =	sadd.s32 s21, s20  }
0x14: {  	s23 =	simm.s32 $0x0;
	s4 =	sshll.u32 s4, $0x1;
	s5 =	sadd.s32 s22, s3  }
0x15: {  	[timem:s23], [sflag:s6] =	dma.local [hbm:s5], s4  }
0x16: {  	_ =	swait.ge [sflag:s6], s4  }
0x17: {  	s4 =	ssub.s32 $0x0, s4;
	[sflag:s6] =	ssyncset.done $0x0  }
0x18: {  	[sflag:s6] =	ssyncadd.s32 s4;
	_ =	sdelay $0x1  }
0x19: {  	s24 =	simm.s32 $0x1B8B  }
0x1a: {  	_ =	swait.ge [sflag:s24], $0x1  }
0x1b: {  	[sflag:s24] =	ssyncset.done $0x0  }
0x1c: {  	[sflag:s24] =	ssyncadd.s32 $0xFFFFFFFF  }
0x1d: {  	s4 =	sld [smem:$0x0]  }
0x1e: {  	s5 =	sand.u32 $0xFFFFFFFE, s1  }
0x1f: {  	p0 =	sne.s32 s1, s5  }
0x20: {  	s5 =	sshll.u32 @p0 s5, $0xE  }
0x21: {  	s5 =	sadd.s32 @p0 $0x11B8D, s5;
	s6 =	sshll.u32 @p0 s4, $0x11  }
0x22: {  	s5 =	sor.u32 @p0 s6, s5  }
0x23: {  	[sflag:s5] =	ssyncadd.remote.s32 @p0 $0x1;
	_ =	sdelay $0x1  }
0x24: {  	s5 =	simm.s32 @p0 $0x1B8D  }
0x25: {  	_ =	swait.eq @p0 [sflag:s5], $0x1  }
0x26: {  	[sflag:s5] =	ssyncadd.s32 @p0 $0xFFFFFFFF  }
0x27: {  	s6 =	sshll.u32 @!p0 s1, $0xE  }
0x28: {  	s6 =	sor.u32 @!p0 $0x4000, s6;
	s5 =	simm.s32 @!p0 $0x1B8D  }
0x29: {  	s4 =	sshll.u32 @!p0 s4, $0x11;
	s6 =	sadd.s32 @!p0 $0x11B8D, s6;
	_ =	swait.eq @!p0 [sflag:s5], $0x1  }
0x2a: {  	s4 =	sor.u32 @!p0 s4, s6;
	[sflag:s5] =	ssyncadd.s32 @!p0 $0xFFFFFFFF  }
0x2b: {  	s26 =	simm.s32 $0x1B8E;
	s25 =	sld [smem:$0x3FFE];
	[sflag:s4] =	ssyncadd.remote.s32 @!p0 $0x1  }
0x2c: {  	s27 =	simm.s32 $execute0_lowered;
	[smem:$0x3FD2] =	sst s26  }
0x2d: {  	s5 =	sshll.u32 s27, $0x1;
	_ =	strace $0x80000079;
	[dreg:$0x1] =	wrdreg $0xFFFFFFFF  }
0x2e: {  	s28 =	simm.s32 $_size_execute0_lowered;
	s3 =	sadd.s32 s3, s5;
	[dreg:$0x0] =	wrdreg $0x0  }
0x2f: {  	s5 =	sshll.u32 s28, $0x1;
	[dreg:$0x2] =	wrdreg s3  }
0x30: {  	[dreg:$0x3] =	wrdreg s5  }
0x31: {  	[dreg:$0x4] =	wrdreg $0xC0  }
0x32: {  	_ =	task [dreg:s23], $0x5FFFF  }
0x33: {  	[dreg:$0x1] =	wrdreg $0xFFFFFFFF  }
0x34: {  	[dreg:$0x0] =	wrdreg $0x60  }
0x35: {  	[dreg:$0x2] =	wrdreg s25  }
0x36: {  	[dreg:$0x3] =	wrdreg $0xA  }
0x37: {  	_ =	task.clear_ibuf [dreg:s23], $0x4FFFF;
	_ =	strace $0x90000079  }
0x38: {  	s29 =	simm.s32 $0xA;
	_ =	strace $0x8000007B  }
0x39: {  	_ =	swait.ge [sflag:s29], $0x1  }
0x3a: {  	[sflag:s29] =	ssyncadd.s32 $0xFFFFFFFF  }
0x3b: {  	_ =	strace $0x9000007B  }
0x3c: {  	_ =	sfence  }
0x3d: {  	s30 =	sld [smem:$0x0];
	_ =	sdelay $0x2  }
0x3e: {  	s31 =	sshll.u32 s1, $0xD;
	s1 =	sshrl.u32 s1, $0x2  }
0x3f: {  	s4 =	sand.u32 $0x4000, s31;
	s1 =	sadd.s32 s1, s30  }
0x40: {  	s0 =	sor.u32 s4, s0;
	s1 =	sshll.u32 s1, $0x11  }
0x41: {  	s0 =	sor.u32 s1, s0  }
0x42: {  	s0 =	sadd.s32 $0x8F2B, s0  }
0x43: {  	[sflag:s0] =	ssyncadd.remote.s32 $0x1  }
0x44: {  	_ =	sfence.sel $0xFFFF  }
0x45: {  	[dreg:$0x0] =	wrdreg $0xFFFFFFFF;
	(pc) =	sbr.abs _section_cstart, $3  }
0x46: {  	[dreg:$0x1] =	wrdreg $0xFFFFFFFF  }
0x47: {  	_ =	task.clear_ibuf [dreg:s23], $0x2FFFF;
	_ =	strace $0x9FFFFFFF  }
0x48: {  	(tm) =	ssettm $0x7FFFFFFF  }
0x49: {  	_ =	shalt  }
tec
execute0_lowered:
.L_overlay_start_1:
0x0: {  	(tag) =	ssettag $0x1  }
0x1: {  	s0 =	rddreg [dreg:$0x0]  }
0x2: {  	s1 =	srdreg.scid;
	_ =	strace $0x8000007A;
	s28 =	stileid.u32  }
0x3: {  	s30 =	simm.s32 $0x1;
	s31 =	simm.s32 $0x2;
	s21 =	simm.s32 $0x0  }
0x4: {  	p0 =	por $0x0, $0x0;
	s19 =	simm.s32 $0x0;
	s20 =	simm.s32 $0x0  }
0x5: {  	s22 =	simm.s32 $0x0;
	s10 =	simm.s32 $0x0;
	s11 =	simm.s32 $0x0  }
0x6: {  	s13 =	simm.s32 $0x0;
	s14 =	simm.s32 $0x0;
	s15 =	simm.s32 $0x0  }
0x7: {  	s16 =	simm.s32 $0x0;
	s12 =	simm.s32 $0x0;
	s2 =	sadd.s32 $0x300A00, s0  }
.Ltmp0:
0x8: {  	s1 =	sshll.u32 s1, $0x4;
	s0 =	sadd.s32 $0x4E0A00, s0;
	(pc) =	sbr.rel .LBB1_1-.Ltmp0, $4  }
0x9: {  	s8 =	sand.u32 $0x7, s28;
	[dreg:$0x4] =	wrdreg s2;
	s29 =	sand.u32 $0x10, s1  }
0xa: {  	[sflag:s30] =	ssyncpa.u1 $0x0;
	[dreg:$0x5] =	wrdreg s0;
	s0 =	sor.u32 s28, s29  }
0xb: {  	[sflag:s31] =	ssyncpa.u1 $0x0;
	[dreg:$0x6] =	wrdreg s8;
	s9 =	sshrl.u32 s0, $0x3  }
0xc: {  	s18 =	smov.u32 s8;
	s17 =	smov.u32 s9;
	[dreg:$0x7] =	wrdreg s9  }
.LBB1_18:
0xd: {  	s13 =	rddreg [dreg:$0xb]  }
0xe: {  	s11 =	rddreg [dreg:$0x9]  }
0xf: {  	s10 =	rddreg [dreg:$0x8]  }
0x10: {  	s21 =	rddreg [dreg:$0x16]  }
0x11: {  	s22 =	rddreg [dreg:$0x1a]  }
0x12: {  	s5 =	rddreg [dreg:$0x17]  }
0x13: {  	s25 =	rddreg [dreg:$0x15]  }
0x14: {  	s14 =	rddreg [dreg:$0xc]  }
0x15: {  	s6 =	rddreg [dreg:$0x5]  }
0x16: {  	s8 =	rddreg [dreg:$0x6]  }
0x17: {  	s9 =	rddreg [dreg:$0x7]  }
0x18: {  	s12 =	rddreg [dreg:$0xa]  }
0x19: {  	s15 =	rddreg [dreg:$0xd]  }
0x1a: {  	s16 =	rddreg [dreg:$0xe]  }
0x1b: {  	s17 =	rddreg [dreg:$0xf]  }
0x1c: {  	s18 =	rddreg [dreg:$0x10]  }
0x1d: {  	s19 =	rddreg [dreg:$0x11]  }
0x1e: {  	s31 =	simm.s32 $0x4000;
	s20 =	rddreg [dreg:$0x12];
	s0 =	sshll.u32 s13, $0x7  }
0x1f: {  	s2 =	sshll.u32 s11, $0x3;
	p1 =	sgt.s32 s11, $0x40;
	s3 =	smov.u32 s11  }
0x20: {  	s4 =	smov.u32 s10;
	s26 =	smul.u32 $0x90000, s14;
	s27 =	sshll.u32 s10, $0xB  }
0x21: {  	s28 =	sshrl.u32 s11, $0x3;
	s29 =	sand.u32 $0x7, s11;
	s1 =	sand.u32 $0x3C00, s0  }
0x22: {  	s2 =	sand.u32 $0x3C00, s2;
	s3 =	simm.s32 @!p1 $0x40;
	p1 =	sgt.s32 s10, $0xA0  }
0x23: {  	s0 =	sand.u32 $0x380, s0;
	s1 =	sadd.s32 s1, s2;
	s2 =	sadd.s32 s21, s3  }
0x24: {  	s4 =	simm.s32 @!p1 $0xA0;
	s3 =	smul.u32 $0x2080, s22;
	s21 =	rddreg [dreg:$0x13]  }
0x25: {  	s22 =	rddreg [dreg:$0x14];
	s4 =	sadd.s32 s5, s4;
	s23 =	sadd.s32 $0xFFFFFFC0, s2  }
0x26: {  	s2 =	ssub.s32 $0x80, s2;
	s0 =	sor.u32 s0, s1;
	p1 =	sgt.s32 s23, $0x3F  }
0x27: {  	s5 =	sand.u32 $0xF, s28;
	s24 =	sadd.s32 $0xFFFFFF60, s4;
	s2 =	simm.s32 @p1 $0x0  }
0x28: {  	s1 =	ssub.s32 $0x120, s4;
	p1 =	sgt.s32 s24, $0x7F;
	s2 =	smul.u32 s2, s25  }
0x29: {  	s0 =	sshrl.u32 s0, $0x3;
	s4 =	sadd.s32 s6, s26;
	s1 =	simm.s32 @p1 $0x0  }
0x2a: {  	s3 =	sor.u32 $0x4000, s3;
	s1 =	smul.u32 s1, s2;
	s2 =	sadd.s32 s27, s4  }
0x2b: {  	s0 =	sand.u32 $0x7F0, s0;
	s4 =	sshll.u32 s29, $0x12;
	s2 =	sadd.s32 s5, s2  }
0x2c: {  	s30 =	sor.u32 $0x40, s4;
	s1 =	sand.u32 $0x3FFFFFFF, s1;
	s0 =	sadd.s32 s0, s2  }
0x2d: {  	[hbm4b:s0+s30] =	stream.strided.scatter [tilespmem:s3], [sflag:$0x2], s1, s31, s30, $0x18;
	[tilespmem:$0x8100] =	vst v63  }
.LBB1_19:
0x2e: {  	p1 =	slt.u32 s12, $0x2;
	s0 =	smov.u32 s22  }
0x2f: {  	s2 =	smov.u32 s21;
	s12 =	sadd.s32 $0x1, s12;
	p0 =	por !p0, !p0  }
0x30: {  	p2 =	sgt.s32 @!p1 s22, $0x7;
	s1 =	sshra.s32 @!p1 s22, $0x1F;
	s3 =	sshra.s32 @!p1 s21, $0x1F  }
0x31: {  	s4 =	sshra.s32 @!p1 s19, $0x1F;
	p2 =	por !p2, p1;
	s1 =	sand.u32 @!p1 s1, s22  }
0x32: {  	s4 =	sand.u32 @!p1 s4, s19;
	s0 =	simm.s32 @p2 $0x7;
	p2 =	sgt.s32 @!p1 s21, $0xA0  }
0x33: {  	s22 =	smov.u32 s14;
	s0 =	ssub.s32 @!p1 s0, s1;
	p2 =	por !p2, p1  }
0x34: {  	s1 =	sadd.s32 @!p1 $0xFFFFFFF9, s0;
	s2 =	simm.s32 @p2 $0xA0;
	s0 =	ssub.s32 @!p1 $0x8, s0  }
0x35: {  	p3 =	sgt.s32 @!p1 s1, $0x0;
	s1 =	sand.u32 @!p1 s3, s21;
	s3 =	sshra.s32 @!p1 s20, $0x1F  }
0x36: {  	p2 =	por !p3, p1;
	s1 =	ssub.s32 @!p1 s2, s1;
	p3 =	sgt.s32 @!p1 s20, $0x7F  }
0x37: {  	s3 =	sand.u32 @!p1 s3, s20;
	s0 =	simm.s32 @!p2 $0x0;
	s2 =	sadd.s32 @!p1 $0xFFFFFF60, s1  }
0x38: {  	p3 =	por !p3, p1;
	p2 =	sgt.s32 @!p1 s2, $0x7F;
	s2 =	smov.u32 s20  }
0x39: {  	s1 =	ssub.s32 @!p1 $0x120, s1;
	s2 =	simm.s32 @p3 $0x7F;
	p3 =	sgt.s32 @!p1 s19, $0x40  }
0x3a: {  	s2 =	ssub.s32 @!p1 s2, s3;
	p3 =	por !p3, p1;
	s3 =	smov.u32 s19  }
0x3b: {  	p2 =	por !p2, p1;
	s5 =	sadd.s32 @!p1 $0xFFFFFF81, s2;
	s3 =	simm.s32 @p3 $0x40  }
0x3c: {  	s2 =	ssub.s32 @!p1 $0x80, s2;
	p3 =	sgt.s32 @!p1 s5, $0x0;
	s3 =	ssub.s32 @!p1 s3, s4  }
0x3d: {  	s5 =	smov.u32 s16;
	p3 =	por !p3, p1;
	s4 =	sadd.s32 @!p1 $0xFFFFFFC0, s3  }
0x3e: {  	s3 =	ssub.s32 @!p1 $0x80, s3;
	s2 =	simm.s32 @!p3 $0x0;
	p3 =	sgt.s32 @!p1 s4, $0x3F  }
0x3f: {  	p3 =	por !p3, p1;
	s0 =	smul.u32 @!p1 s0, s2;
	s2 =	sadd.s32 $0x80, s15  }
0x40: {  	s4 =	sadd.s32 $0x40, s16;
	s3 =	simm.s32 @!p3 $0x0;
	p3 =	sgt.s32 s2, $0x11F  }
0x41: {  	s1 =	simm.s32 @!p2 $0x0;
	s0 =	smul.u32 @!p1 s3, s0;
	s5 =	smov.u32 @p3 s4  }
0x42: {  	s3 =	sadd.s32 $0x4, s17;
	s4 =	smov.u32 s17;
	p2 =	sgt.s32 s5, $0x27  }
0x43: {  	s2 =	simm.s32 @p3 $0x0;
	s0 =	smul.u32 @!p1 s1, s0;
	s4 =	smov.u32 @p2 s3  }
0x44: {  	s1 =	sadd.s32 $0x8, s18;
	s3 =	smov.u32 s18;
	p3 =	sgt.s32 s4, $0x7F  }
0x45: {  	s14 =	smov.u32 s18;
	s21 =	smov.u32 s10;
	s3 =	smov.u32 @p3 s1  }
0x46: {  	s10 =	smov.u32 s15;
	s5 =	simm.s32 @p2 $0x0;
	p2 =	sgt.s32 s3, $0x7  }
0x47: {  	s20 =	smov.u32 s13;
	s3 =	smov.u32 @p2 s8;
	p2 =	sne.s32 s12, $0x62  }
.Ltmp1:
0x48: {  	s13 =	smov.u32 s17;
	s19 =	smov.u32 s11;
	(pc) =	sbr.rel @!p2 .LBB1_20-.Ltmp1, $4  }
0x49: {  	s11 =	smov.u32 s16;
	s0 =	sand.u32 @!p1 $0x3FFFFFFF, s0;
	s1 =	simm.s32 @!p1 $0x2  }
0x4a: {  	s15 =	smov.u32 s2;
	s16 =	smov.u32 s5;
	_ =	swait.ge @!p1 [sflag:s1], s0  }
0x4b: {  	s4 =	smov.u32 @p3 s9;
	s0 =	ssub.s32 @!p1 $0x0, s0;
	[sflag:s1] =	ssyncset.done @!p1 $0x0  }
0x4c: {  	s17 =	smov.u32 s4;
	[sflag:s1] =	ssyncadd.s32 @!p1 s0;
	s18 =	smov.u32 s3  }
.LBB1_1:
0x4d: {  	p1 =	sgt.u32 s12, $0x5F  }
.Ltmp2:
0x4e: {  	_ = 	snop;
	(pc) =	sbr.rel @p1 .LBB1_3-.Ltmp2, $1  }
0x4f: {  	_ =	sdelay $0x3  }
0x50: {  	s0 =	sshrl.u32 s16, $0x3  }
0x51: {  	s1 =	sshll.u32 s15, $0x3;
	s0 =	smul.u32 $0xC00, s0  }
0x52: {  	s2 =	sshll.u32 s16, $0x7;
	s1 =	sand.u32 $0xFFFFFC00, s1  }
0x53: {  	s24 =	sand.u32 $0x380, s2;
	s0 =	sadd.s32 s0, s1  }
0x54: {  	s25 =	sand.u32 $0x7F, s15;
	p1 =	sgt.s32 s18, $0x7;
	s0 =	sor.u32 s24, s0  }
0x55: {  	s3 =	smov.u32 s18;
	s4 =	sshra.s32 s18, $0x1F;
	s1 =	sor.u32 s25, s0  }
0x56: {  	s5 =	sxor.u32 $0xFFFFFFFF, s12;
	s28 =	sshra.s32 s17, $0x1F;
	s2 =	smulhi.u32 $0xAAAAAAAB, s1  }
0x57: {  	s6 =	sshra.s32 s16, $0x1F;
	s3 =	simm.s32 @!p1 $0x7;
	s4 =	sand.u32 s4, s18  }
0x58: {  	s31 =	sshra.s32 s15, $0x1F;
	s3 =	ssub.s32 s3, s4;
	s2 =	sshrl.u32 s2, $0x8  }
0x59: {  	s26 =	sshll.u32 s5, $0xD;
	s27 =	sadd.s32 $0xFFFFFFF9, s3;
	s2 =	smul.u32 $0x180, s2  }
0x5a: {  	s5 =	sand.u32 s28, s17;
	s6 =	sand.u32 s6, s16;
	p1 =	sgt.s32 s27, $0x0  }
0x5b: {  	s0 =	smulhi.u32 $0xAAAAAAAB, s0;
	s1 =	ssub.s32 s1, s2;
	s2 =	ssub.s32 $0x8, s3  }
0x5c: {  	s3 =	smov.u32 s17;
	s2 =	simm.s32 @p1 $0x0;
	p1 =	sgt.s32 s17, $0x7F  }
0x5d: {  	s24 =	smul.u32 $0x3C000, s18;
	s0 =	sshrl.u32 s0, $0x8;
	s3 =	simm.s32 @!p1 $0x7F  }
0x5e: {  	p1 =	sgt.s32 s16, $0xFFFFFFE8;
	s3 =	ssub.s32 s3, s5;
	s5 =	smov.u32 s16  }
0x5f: {  	s29 =	smulhi.u32 $0x6666667, s0;
	s7 =	sadd.s32 $0xFFFFFF81, s3;
	s5 =	simm.s32 @!p1 $0xFFFFFFE8  }
0x60: {  	s3 =	ssub.s32 $0x80, s3;
	p1 =	sgt.s32 s7, $0x0;
	s5 =	ssub.s32 s5, s6  }
0x61: {  	s6 =	smul.u32 $0x28, s29;
	s3 =	simm.s32 @p1 $0x0;
	s30 =	sadd.s32 $0x18, s5  }
0x62: {  	s2 =	smul.u32 s2, s3;
	p1 =	sgt.s32 s30, $0x3F;
	s3 =	ssub.s32 $0x28, s5  }
0x63: {  	s5 =	smov.u32 s15;
	s3 =	simm.s32 @p1 $0x0;
	p1 =	sgt.s32 s15, $0x100  }
0x64: {  	s25 =	smul.u32 $0x780, s17;
	s7 =	sand.u32 s31, s15;
	s5 =	simm.s32 @!p1 $0x100  }
0x65: {  	s28 =	sand.u32 $0x7, s1;
	s0 =	ssub.s32 s0, s6;
	s23 =	ssub.s32 s5, s7  }
0x66: {  	s2 =	smul.u32 s3, s2;
	s3 =	sand.u32 $0x2000, s26;
	s5 =	sadd.s32 $0xFFFFFF00, s23  }
0x67: {  	s26 =	rddreg [dreg:$0x4];
	s4 =	ssub.s32 $0x180, s23;
	p1 =	sgt.s32 s5, $0x7F  }
0x68: {  	s0 =	smul.u32 $0x30, s0;
	s6 =	sadd.s32 s26, s24;
	s4 =	simm.s32 @p1 $0x0  }
0x69: {  	s1 =	sshrl.u32 s1, $0x3;
	s27 =	sadd.s32 s25, s6;
	s2 =	smul.u32 s4, s2  }
0x6a: {  	s29 =	sshll.u32 s28, $0x12;
	s31 =	simm.s32 $0xC00;
	s0 =	sadd.s32 s0, s27  }
0x6b: {  	s30 =	sor.u32 $0x400, s29;
	s0 =	sadd.s32 s1, s0;
	s2 =	sand.u32 $0x3FFFFFFF, s2  }
0x6c: {  	[tilespmem:s3], [sflag:$0x1] =	stream.strided.gather [hbm4b:s0+s30], s2, s31, s30, $0x38;
	[tilespmem:$0x8100] =	vst v63  }
.LBB1_3:
0x6d: {  	p1 =	seq.s32 s12, $0x0  }
0x6e: {  	p2 =	seq.s32 @!p1 s12, $0x61  }
0x6f: {  	p1 =	por p1, p2  }
.Ltmp3:
0x70: {  	_ = 	snop;
	(pc) =	sbr.rel @p1 .LBB1_19-.Ltmp3, $1  }
0x71: {  	_ =	sdelay $0x3  }
0x72: {  	[dreg:$0x14] =	wrdreg s22  }
0x73: {  	[dreg:$0x13] =	wrdreg s21  }
0x74: {  	[dreg:$0x12] =	wrdreg s20  }
0x75: {  	[dreg:$0x11] =	wrdreg s19  }
0x76: {  	[dreg:$0x10] =	wrdreg s18  }
0x77: {  	[dreg:$0xf] =	wrdreg s17  }
0x78: {  	[dreg:$0xe] =	wrdreg s16;
	p1 =	sgt.s32 s14, $0x7;
	s0 =	smov.u32 s14  }
0x79: {  	s1 =	sshra.s32 s14, $0x1F;
	s2 =	sshra.s32 s13, $0x1F;
	s22 =	ssub.s32 $0x0, s11  }
0x7a: {  	s23 =	sshra.s32 s11, $0x1F;
	p2 =	sgt.s32 s11, $0xFFFFFFE8;
	s4 =	smov.u32 s11  }
0x7b: {  	s26 =	ssub.s32 $0x0, s10;
	s27 =	sshra.s32 s10, $0x1F;
	s0 =	simm.s32 @!p1 $0x7  }
0x7c: {  	s1 =	sand.u32 s1, s14;
	p1 =	sgt.s32 s13, $0x7F;
	s2 =	sand.u32 s2, s13  }
0x7d: {  	s4 =	simm.s32 @!p2 $0xFFFFFFE8;
	s0 =	ssub.s32 s0, s1;
	s1 =	smov.u32 s13  }
0x7e: {  	s3 =	sadd.s32 $0xFFFFFFF9, s0;
	s1 =	simm.s32 @!p1 $0x7F;
	s0 =	ssub.s32 $0x8, s0  }
0x7f: {  	p1 =	sgt.s32 s3, $0x0;
	s1 =	ssub.s32 s1, s2;
	s2 =	sand.u32 s22, s23  }
0x80: {  	s3 =	smov.u32 s10;
	s5 =	sadd.s32 $0xFFFFFF81, s1;
	s1 =	ssub.s32 $0x80, s1  }
0x81: {  	[dreg:$0x16] =	wrdreg s2;
	s2 =	sadd.s32 s2, s4;
	s0 =	simm.s32 @p1 $0x0  }
0x82: {  	p2 =	sgt.s32 s5, $0x0;
	s24 =	sadd.s32 $0x18, s2;
	s2 =	ssub.s32 $0x28, s2  }
0x83: {  	s1 =	simm.s32 @p2 $0x0;
	p1 =	sgt.s32 s24, $0x3F;
	p2 =	sgt.s32 s10, $0x100  }
0x84: {  	s25 =	smul.u32 s0, s1;
	s0 =	sand.u32 s26, s27;
	s3 =	simm.s32 @!p2 $0x100  }
0x85: {  	s2 =	simm.s32 @p1 $0x0;
	[dreg:$0x17] =	wrdreg s0;
	s0 =	sadd.s32 s0, s3  }
0x86: {  	[dreg:$0xd] =	wrdreg s15;
	s28 =	smul.u32 s2, s25;
	s29 =	sadd.s32 $0xFFFFFF00, s0  }
0x87: {  	s0 =	ssub.s32 $0x180, s0;
	s2 =	sadd.s32 $0x1, s14;
	p1 =	sgt.s32 s29, $0x7F  }
0x88: {  	s3 =	sadd.s32 $0x1, s13;
	s0 =	simm.s32 @p1 $0x0;
	p1 =	slt.s32 s2, $0x8  }
0x89: {  	[dreg:$0x8] =	wrdreg s10;
	s2 =	simm.s32 @!p1 $0x8;
	p1 =	slt.s32 s3, $0x80  }
0x8a: {  	s1 =	sadd.s32 $0x40, s11;
	s2 =	ssub.s32 s2, s14;
	s3 =	simm.s32 @!p1 $0x80  }
0x8b: {  	p2 =	slt.s32 s1, $0x28;
	s3 =	ssub.s32 s3, s13;
	p1 =	slt.s32 s2, $0x1  }
0x8c: {  	[dreg:$0xc] =	wrdreg s14;
	s1 =	simm.s32 @!p2 $0x28;
	p2 =	slt.s32 @!p1 s3, $0x1  }
0x8d: {  	[dreg:$0xb] =	wrdreg s13;
	s6 =	ssub.s32 s1, s11;
	p2 =	por p1, p2  }
0x8e: {  	[dreg:$0x9] =	wrdreg s11;
	p3 =	slt.s32 @!p2 s6, $0x1  }
0x8f: {  	[dreg:$0x15] =	wrdreg s25;
	s0 =	smul.u32 s0, s28;
	p2 =	por p2, p3  }
.Ltmp4:
0x90: {  	[dreg:$0x18] =	wrdreg s2;
	(pc) =	sbr.rel @p2 .LBB1_18-.Ltmp4, $4  }
0x91: {  	s30 =	simm.s32 $0x1;
	s0 =	sand.u32 $0x3FFFFFFF, s0;
	[dreg:$0x19] =	wrdreg s3  }
0x92: {  	s31 =	sand.u32 $0x1, s12;
	_ =	swait.ge [sflag:s30], s0  }
0x93: {  	s0 =	ssub.s32 $0x0, s0;
	[dreg:$0xa] =	wrdreg s12;
	[sflag:s30] =	ssyncset.done $0x0  }
0x94: {  	[dreg:$0x1a] =	wrdreg s31;
	[sflag:s30] =	ssyncadd.s32 s0  }
0x95: {  	s0 =	simm.s32 $0x1  }
0x96: {  	s0 =	simm.s32 @!p0 $0x0  }
0x97: {  	s0 =	smul.u32 $0x8200, s0  }
0x98: {  	s3 =	rddreg [dreg:$0x8]  }
0x99: {  	s31 =	simm.s32 $0x0;
	[dreg:$0x1b] =	wrdreg s6;
	s1 =	sshrl.u32 s0, $0x2  }
0x9a: {  	[smem:$0x7FC] =	sst s31;
	s4 =	sadd.s32 $0x7CF0, s1  }
0x9b: {  	s15 =	sadd.s32 $0x78E0, s1;
	[dreg:$0x1c] =	wrdreg s4  }
0x9c: {  	s16 =	sadd.s32 $0x74D0, s1;
	[dreg:$0x1d] =	wrdreg s15  }
0x9d: {  	s17 =	sadd.s32 $0x70C0, s1;
	[dreg:$0x1e] =	wrdreg s16  }
0x9e: {  	s18 =	sadd.s32 $0x6CB0, s1;
	[dreg:$0x1f] =	wrdreg s17  }
0x9f: {  	s19 =	sadd.s32 $0x68A0, s1;
	[smem:$0x7ED] =	sst s18  }
0xa0: {  	s20 =	sadd.s32 $0x6490, s1;
	[smem:$0x7EE] =	sst s19  }
0xa1: {  	s21 =	sadd.s32 $0x6080, s1;
	[smem:$0x7EF] =	sst s20  }
0xa2: {  	s22 =	sadd.s32 $0x5C70, s1;
	[smem:$0x7F0] =	sst s21  }
0xa3: {  	s24 =	sadd.s32 $0x5860, s1;
	[smem:$0x7F1] =	sst s22  }
0xa4: {  	s25 =	sadd.s32 $0x5450, s1;
	[smem:$0x7F2] =	sst s24  }
0xa5: {  	s2 =	sadd.s32 $0x80, s3;
	s5 =	sadd.s32 $0x5040, s1;
	[smem:$0x7F3] =	sst s25  }
0xa6: {  	p2 =	slt.s32 s2, $0x120;
	s27 =	sadd.s32 $0x4C30, s1;
	[smem:$0x7F4] =	sst s5  }
0xa7: {  	s2 =	simm.s32 @!p2 $0x120;
	s28 =	sadd.s32 $0x4820, s1;
	[smem:$0x7F5] =	sst s27  }
0xa8: {  	s2 =	ssub.s32 s2, s3;
	s29 =	sadd.s32 $0x4410, s1;
	[smem:$0x7F6] =	sst s28  }
0xa9: {  	s2 =	sadd.s32 $0xF, s2;
	s1 =	sor.u32 $0x4000, s1;
	[smem:$0x7F7] =	sst s29  }
0xaa: {  	s23 =	sshrl.u32 s2, $0x8;
	[smem:$0x7F8] =	sst s1  }
0xab: {  	s7 =	sand.u32 $0xFFFFFFF0, s2;
	s1 =	rddreg [dreg:$0x1a];
	s26 =	smul.u32 $0x10400, s23  }
.Ltmp5:
0xac: {  	s13 =	sand.u32 @!p1 $0xFFFFFF00, s2;
	[smem:$0x7FD] =	sst s7;
	(pc) =	sbr.rel .LBB1_6-.Ltmp5, $4  }
0xad: {  	s1 =	sshll.u32 @!p1 s1, $0xD;
	[dreg:$0x3] =	wrdreg s13;
	s0 =	sadd.s32 s0, s26  }
0xae: {  	s30 =	sshll.u32 s23, $0xB;
	[smem:$0x7F9] =	sst s1;
	s0 =	sshra.s32 s0, $0x2  }
0xaf: {  	[smem:$0x7FB] =	sst s30;
	s0 =	sadd.s32 $0x4000, s0  }
0xb0: {  	p1 =	slt.s32 s2, $0x100;
	p2 =	sge.s32 s13, s7;
	[smem:$0x7FA] =	sst s0  }
.LBB1_17:
0xb1: {  	s1 =	sld [smem:$0x7FC]  }
0xb2: {  	s0 =	rddreg [dreg:$0x1c]  }
0xb3: {  	s15 =	rddreg [dreg:$0x1d]  }
0xb4: {  	s16 =	rddreg [dreg:$0x1e]  }
0xb5: {  	s17 =	rddreg [dreg:$0x1f]  }
0xb6: {  	s18 =	sld [smem:$0x7ED]  }
0xb7: {  	s19 =	sld [smem:$0x7EE]  }
0xb8: {  	s20 =	sld [smem:$0x7EF]  }
0xb9: {  	s21 =	sld [smem:$0x7F0]  }
0xba: {  	s22 =	sld [smem:$0x7F1]  }
0xbb: {  	s23 =	sld [smem:$0x7F2]  }
0xbc: {  	s24 =	sld [smem:$0x7F3]  }
0xbd: {  	s25 =	sld [smem:$0x7F4]  }
0xbe: {  	s26 =	sld [smem:$0x7F5]  }
0xbf: {  	s27 =	sld [smem:$0x7F6]  }
0xc0: {  	s28 =	rddreg [dreg:$0x18]  }
0xc1: {  	s29 =	sld [smem:$0x7F7]  }
0xc2: {  	s30 =	sld [smem:$0x7F8]  }
0xc3: {  	s31 =	sld [smem:$0x7FA];
	s0 =	sadd.s32 $0x2080, s0  }
0xc4: {  	[dreg:$0x1c] =	wrdreg s0;
	s0 =	sadd.s32 $0x2080, s15  }
0xc5: {  	[dreg:$0x1d] =	wrdreg s0;
	s0 =	sadd.s32 $0x2080, s16  }
0xc6: {  	s1 =	sadd.s32 $0x1, s1;
	[dreg:$0x1e] =	wrdreg s0  }
0xc7: {  	s0 =	sadd.s32 $0x2080, s17;
	[smem:$0x7FC] =	sst s1  }
0xc8: {  	[dreg:$0x1f] =	wrdreg s0;
	s0 =	sadd.s32 $0x2080, s18  }
0xc9: {  	[smem:$0x7ED] =	sst s0;
	s0 =	sadd.s32 $0x2080, s19  }
0xca: {  	[smem:$0x7EE] =	sst s0;
	s0 =	sadd.s32 $0x2080, s20  }
0xcb: {  	[smem:$0x7EF] =	sst s0;
	s0 =	sadd.s32 $0x2080, s21  }
0xcc: {  	[smem:$0x7F0] =	sst s0;
	s0 =	sadd.s32 $0x2080, s22  }
0xcd: {  	[smem:$0x7F1] =	sst s0;
	s0 =	sadd.s32 $0x2080, s23  }
0xce: {  	[smem:$0x7F2] =	sst s0;
	s0 =	sadd.s32 $0x2080, s24  }
0xcf: {  	[smem:$0x7F3] =	sst s0;
	s0 =	sadd.s32 $0x2080, s25  }
0xd0: {  	p3 =	sne.s32 s1, s28;
	[smem:$0x7F4] =	sst s0;
	s0 =	sadd.s32 $0x2080, s26  }
.Ltmp6:
0xd1: {  	[smem:$0x7F5] =	sst s0;
	s0 =	sadd.s32 $0x2080, s27;
	(pc) =	sbr.rel @!p3 .LBB1_18-.Ltmp6, $4  }
0xd2: {  	[smem:$0x7F6] =	sst s0;
	s0 =	sadd.s32 $0x2080, s29  }
0xd3: {  	[smem:$0x7F7] =	sst s0;
	s0 =	sadd.s32 $0x2080, s30  }
0xd4: {  	[smem:$0x7F8] =	sst s0;
	s0 =	sadd.s32 $0x2080, s31  }
0xd5: {  	[smem:$0x7FA] =	sst s0  }
.LBB1_6:
.Ltmp7:
0xd6: {  	(pc) =	sbr.rel .LBB1_7-.Ltmp7, $2  }
0xd7: {  	_ =	sdelay $0x2  }
0xd8: {  	s0 =	simm.s32 $0x0;
	s2 =	simm.s32 $0x0  }
.LBB1_16:
0xd9: {  	s2 =	sld [smem:$0x7E5];
	_ =	sdelay $0x2  }
0xda: {  	s0 =	rddreg [dreg:$0x19];
	s2 =	sadd.s32 $0x1, s2  }
0xdb: {  	p3 =	sne.s32 s2, s0  }
.Ltmp8:
0xdc: {  	_ = 	snop;
	(pc) =	sbr.rel @!p3 .LBB1_17-.Ltmp8, $2  }
0xdd: {  	s31 =	sld [smem:$0x7D9];
	_ =	sdelay $0x2  }
0xde: {  	s0 =	sadd.s32 $0x1, s31  }
.LBB1_7:
0xdf: {  	[smem:$0x7D9] =	sst s0  }
0xe0: {  	s1 =	rddreg [dreg:$0x1c]  }
0xe1: {  	s14 =	rddreg [dreg:$0x1d]  }
0xe2: {  	s15 =	rddreg [dreg:$0x1e]  }
0xe3: {  	s16 =	rddreg [dreg:$0x1f]  }
0xe4: {  	s17 =	sld [smem:$0x7ED]  }
0xe5: {  	s18 =	sld [smem:$0x7EE]  }
0xe6: {  	s19 =	sld [smem:$0x7EF]  }
0xe7: {  	s20 =	sld [smem:$0x7F0]  }
0xe8: {  	s21 =	sld [smem:$0x7F1]  }
0xe9: {  	s22 =	sld [smem:$0x7F2]  }
0xea: {  	s23 =	sld [smem:$0x7F3]  }
0xeb: {  	s24 =	sld [smem:$0x7FC]  }
0xec: {  	[smem:$0x7E5] =	sst s2  }
0xed: {  	s25 =	sld [smem:$0x7F4]  }
0xee: {  	s26 =	sld [smem:$0x7F5]  }
0xef: {  	s12 =	sand.u32 $0x7, s0;
	s27 =	sld [smem:$0x7F6]  }
0xf0: {  	s28 =	sld [smem:$0x7F7];
	s0 =	smul.u32 $0x104, s12  }
0xf1: {  	s29 =	sld [smem:$0x7F8]  }
0xf2: {  	s30 =	sld [smem:$0x7F9];
	s0 =	sshrl.u32 s0, $0x2  }
0xf3: {  	s31 =	sld [smem:$0x7FA];
	s1 =	sadd.s32 s0, s1  }
0xf4: {  	[smem:$0x7DA] =	sst s1;
	s1 =	sadd.s32 s0, s14  }
0xf5: {  	[smem:$0x7DB] =	sst s1;
	s1 =	sadd.s32 s0, s15  }
0xf6: {  	[smem:$0x7DC] =	sst s1;
	s1 =	sadd.s32 s0, s16  }
0xf7: {  	[smem:$0x7DD] =	sst s1;
	s1 =	sadd.s32 s0, s17  }
0xf8: {  	[smem:$0x7DE] =	sst s1;
	s1 =	sadd.s32 s0, s18  }
0xf9: {  	[smem:$0x7DF] =	sst s1;
	s1 =	sadd.s32 s0, s19  }
0xfa: {  	[smem:$0x7E0] =	sst s1;
	s1 =	sadd.s32 s0, s20  }
0xfb: {  	[smem:$0x7E1] =	sst s1;
	s1 =	sadd.s32 s0, s21  }
0xfc: {  	[smem:$0x7E2] =	sst s1;
	s1 =	sadd.s32 s0, s22  }
0xfd: {  	[smem:$0x7E3] =	sst s1;
	s1 =	sadd.s32 s0, s23  }
0xfe: {  	[smem:$0x7E4] =	sst s1;
	s1 =	sadd.s32 s24, s2;
	s2 =	sadd.s32 s0, s25  }
0xff: {  	[smem:$0x7E6] =	sst s2;
	s2 =	sadd.s32 s0, s26;
	s1 =	sshll.u32 s1, $0xF  }
0x100: {  	[smem:$0x7E7] =	sst s2;
	s2 =	sadd.s32 s0, s27;
	s1 =	sshra.s32 s1, $0x2  }
.Ltmp9:
0x101: {  	[smem:$0x7E8] =	sst s2;
	s2 =	sadd.s32 s0, s28;
	(pc) =	sbr.rel .LBB1_8-.Ltmp9, $4  }
0x102: {  	s8 =	sadd.s32 s1, s30;
	[smem:$0x7E9] =	sst s2  }
0x103: {  	s2 =	sadd.s32 s0, s29;
	[smem:$0x7EC] =	sst s8  }
0x104: {  	s9 =	simm.s32 $0x0;
	s0 =	sadd.s32 s0, s31;
	[smem:$0x7EA] =	sst s2  }
0x105: {  	s10 =	simm.s32 $0x0;
	s11 =	simm.s32 $0x0;
	[smem:$0x7EB] =	sst s0  }
.LBB1_15:
0x106: {  	s11 =	sadd.s32 $0x1, s11  }
0x107: {  	p3 =	sne.s32 s11, s6  }
.Ltmp10:
0x108: {  	_ = 	snop;
	(pc) =	sbr.rel @!p3 .LBB1_16-.Ltmp10, $2  }
0x109: {  	_ =	sdelay $0x2  }
0x10a: {  	s10 =	sadd.s32 $0x80, s10;
	s9 =	sadd.s32 $0x1, s9  }
.LBB1_8:
.Ltmp11:
0x10b: {  	(pc) =	sbr.rel @p1 .LBB1_12-.Ltmp11, $2  }
0x10c: {  	_ =	sdelay $0x2  }
0x10d: {  	s2 =	sand.u32 $0x7F, s9;
	s22 =	sshll.u32 s11, $0x7  }
0x10e: {  	s0 =	sand.u32 $0x380, s22  }
0x10f: {  	s23 =	sadd.s32 s0, s8  }
0x110: {  	v0 =	vmov s23  }
0x111: {  	s5 =	simm.s32 $0x700  }
0x112: {  	[smem:$0x7D8] =	sst s2;
	s1 =	sshll.u32 s2, $0x2;
	s2 =	sand.u32 $0x1C00, s5  }
0x113: {  	[smem:$0x7D6] =	sst s11;
	s2 =	sadd.s32 s22, s2  }
0x114: {  	[smem:$0x7D7] =	sst s9;
	s2 =	sand.u32 $0x1C00, s2  }
0x115: {  	v1 =	vld.idx.msk [tilespmem:v0+s2+$0x60 ss:$0x1], $0xffff  }
0x116: {  	s26 =	simm.s32 $0x480;
	s17 =	sld [smem:$0x7DB]  }
0x117: {  	s24 =	sshrl.u32 s1, $0x2;
	s1 =	sand.u32 $0x1C00, s26  }
0x118: {  	s1 =	sadd.s32 s22, s1  }
0x119: {  	s1 =	sand.u32 $0x1C00, s1;
	s15 =	sadd.s32 s24, s17  }
0x11a: {  	v2 =	vld.idx.msk [tilespmem:v0+s1+$0x10 ss:$0x1], $0xffff;
	[tilespmem:s15+$0x0 ss:$0x41] =	vst.msk $0xffff, v1  }
0x11b: {  	s3 =	simm.s32 $0x500;
	s26 =	sld [smem:$0x7E0]  }
0x11c: {  	s3 =	sand.u32 $0x1C00, s3  }
0x11d: {  	s6 =	sadd.s32 s22, s3  }
0x11e: {  	s2 =	sand.u32 $0x1C00, s6;
	s16 =	sadd.s32 s24, s26  }
0x11f: {  	s25 =	simm.s32 $0x780;
	v3 =	vld.idx.msk [tilespmem:v0+s2+$0x20 ss:$0x1], $0xffff;
	[tilespmem:s16+$0x0 ss:$0x41] =	vst.msk $0xffff, v2  }
0x120: {  	s4 =	simm.s32 $0x580;
	s0 =	sand.u32 $0x1C00, s25;
	s25 =	sld [smem:$0x7DF]  }
0x121: {  	s7 =	simm.s32 $0x680;
	s5 =	simm.s32 $0x600;
	s4 =	sand.u32 $0x1C00, s4  }
0x122: {  	s11 =	sadd.s32 $0x780, s10;
	s8 =	sand.u32 $0x1C00, s5;
	s4 =	sadd.s32 s22, s4  }
0x123: {  	s3 =	sadd.s32 s22, s8;
	s4 =	sand.u32 $0x1C00, s4;
	s18 =	sadd.s32 s24, s25  }
0x124: {  	s9 =	sand.u32 $0x1C00, s7;
	s14 =	sadd.s32 $0xFFFFF880, s11;
	s3 =	sand.u32 $0x1C00, s3;
	v4 =	vld.idx.msk [tilespmem:v0+s4+$0x30 ss:$0x1], $0xffff;
	[tilespmem:s18+$0x0 ss:$0x41] =	vst.msk $0xffff, v3  }
0x125: {  	s5 =	sand.u32 $0x1C00, s14;
	v5 =	vld.idx.msk [tilespmem:v0+s3+$0x40 ss:$0x1], $0xffff;
	s2 =	sadd.s32 $0xFFFFFC80, s11;
	s11 =	sld [smem:$0x7DE]  }
0x126: {  	s1 =	sadd.s32 s22, s9;
	v7 =	vld.idx.msk [tilespmem:v0+s5+$0x0 ss:$0x1], $0xffff  }
0x127: {  	v8 =	vld.idx.msk [tilespmem:v0+s5+$0x10 ss:$0x1], $0xffff;
	s1 =	sand.u32 $0x1C00, s1  }
0x128: {  	v6 =	vld.idx.msk [tilespmem:v0+s1+$0x50 ss:$0x1], $0xffff;
	s19 =	sadd.s32 s24, s11  }
0x129: {  	v1 =	vld.idx.msk [tilespmem:v0+s5+$0x20 ss:$0x1], $0xffff;
	[tilespmem:s19+$0x0 ss:$0x41] =	vst.msk $0xffff, v4  }
0x12a: {  	v2 =	vld.idx.msk [tilespmem:v0+s5+$0x30 ss:$0x1], $0xffff;
	[dreg:$0x2] =	wrdreg s10  }
0x12b: {  	s10 =	sld [smem:$0x7DD];
	_ =	sdelay $0x2  }
0x12c: {  	s1 =	sld [smem:$0x7EA];
	s20 =	sadd.s32 s24, s10  }
0x12d: {  	s8 =	sld [smem:$0x7E9];
	[tilespmem:s20+$0x0 ss:$0x41] =	vst.msk $0xffff, v5  }
0x12e: {  	s15 =	sld [smem:$0x7DC]  }
0x12f: {  	s19 =	sld [smem:$0x7E8]  }
0x130: {  	s1 =	sadd.s32 s24, s1;
	s7 =	sld [smem:$0x7E7]  }
0x131: {  	s6 =	sld [smem:$0x7E6];
	[tilespmem:s1+$0x0 ss:$0x41] =	vst.msk $0xffff, v7;
	s23 =	sadd.s32 s24, s15  }
0x132: {  	s12 =	simm.s32 $0x100;
	[tilespmem:s23+$0x0 ss:$0x41] =	vst.msk $0xffff, v6  }
0x133: {  	p3 =	sgt.s32 s13, $0x100;
	s0 =	sadd.s32 s22, s0;
	s31 =	sld [smem:$0x7E4]  }
0x134: {  	s14 =	sand.u32 $0x1C00, s0;
	s21 =	sadd.s32 s24, s8;
	s30 =	sld [smem:$0x7E3]  }
0x135: {  	s13 =	sand.u32 $0x1C00, s2;
	s18 =	sadd.s32 s24, s19;
	s29 =	sld [smem:$0x7E2];
	[tilespmem:s21+$0x0 ss:$0x41] =	vst.msk $0xffff, v8  }
.Ltmp12:
0x136: {  	s27 =	sadd.s32 s24, s7;
	s20 =	sld [smem:$0x7E1];
	(pc) =	sbr.rel @!p3 .LBB1_11-.Ltmp12, $4  }
0x137: {  	v3 =	vld.idx.msk [tilespmem:v0+s5+$0x40 ss:$0x1], $0xffff;
	s9 =	sadd.s32 s24, s6;
	s0 =	smov.u32 s6;
	s16 =	sld [smem:$0x7DA]  }
0x138: {  	v4 =	vld.idx.msk [tilespmem:v0+s5+$0x50 ss:$0x1], $0xffff;
	s1 =	smov.u32 s7;
	s7 =	smov.u32 s19;
	s21 =	simm.s32 $0xF80  }
0x139: {  	v5 =	vld.idx.msk [tilespmem:v0+s5+$0x60 ss:$0x1], $0xffff;
	s2 =	sld [smem:$0x7EA];
	s4 =	sadd.s32 s24, s31;
	s23 =	sadd.s32 s24, s30  }
0x13a: {  	v6 =	vld.idx.msk [tilespmem:v0+s5+$0x70 ss:$0x1], $0xffff;
	s3 =	sadd.s32 s24, s29;
	s28 =	sadd.s32 s24, s20;
	s5 =	sadd.s32 s24, s16  }
.LBB1_10:
0x13b: {  	s19 =	sadd.s32 $0xFFFFFD00, s21  }
0x13c: {  	s6 =	sadd.s32 $0xFFFFFF80, s21;
	s12 =	sadd.s32 $0x100, s12;
	s17 =	sadd.s32 $0x4100, s17  }
0x13d: {  	s16 =	sadd.s32 $0x4100, s16;
	s15 =	sadd.s32 $0x4100, s15;
	s10 =	sadd.s32 $0x4100, s10  }
0x13e: {  	s11 =	sadd.s32 $0x4100, s11;
	s25 =	sadd.s32 $0x4100, s25;
	s6 =	sand.u32 $0x1C00, s6  }
0x13f: {  	s26 =	sadd.s32 $0x4100, s26;
	s20 =	sadd.s32 $0x4100, s20;
	s6 =	sadd.s32 s22, s6;
	[tilespmem:s18+$0x0 ss:$0x41] =	vst.msk $0xffff, v1  }
0x140: {  	s29 =	sadd.s32 $0x4100, s29;
	s6 =	sand.u32 $0x1C00, s6;
	v1 =	vld.idx.msk [tilespmem:v0+s13+$0x0 ss:$0x1], $0xffff;
	s13 =	sadd.s32 $0xFFFFFD80, s21;
	[tilespmem:s27+$0x0 ss:$0x41] =	vst.msk $0xffff, v2  }
0x141: {  	s18 =	rddreg [dreg:$0x3];
	v2 =	vld.idx.msk [tilespmem:v0+s14+$0x70 ss:$0x1], $0xffff;
	s14 =	sadd.s32 $0xFFFFFE00, s21;
	[tilespmem:s9+$0x0 ss:$0x41] =	vst.msk $0xffff, v3;
	s9 =	sand.u32 $0x1C00, s19  }
0x142: {  	s19 =	sadd.s32 $0xFFFFFF00, s21;
	[tilespmem:s23+$0x0 ss:$0x41] =	vst.msk $0xffff, v5;
	s23 =	rddreg [dreg:$0x2];
	p3 =	slt.s32 s12, s18  }
0x143: {  	[tilespmem:s4+$0x0 ss:$0x41] =	vst.msk $0xffff, v4;
	s18 =	sadd.s32 $0xFFFFFE80, s21;
	s4 =	sand.u32 $0x1C00, s13;
	s13 =	sand.u32 $0x1C00, s14  }
0x144: {  	v3 =	vld.idx.msk [tilespmem:v0+s6+$0x60 ss:$0x1], $0xffff;
	s6 =	sadd.s32 s21, s23;
	s9 =	sadd.s32 s22, s9;
	s14 =	sand.u32 $0x1C00, s18  }
0x145: {  	[tilespmem:s3+$0x0 ss:$0x41] =	vst.msk $0xffff, v6;
	s18 =	sand.u32 $0x1C00, s19;
	s4 =	sadd.s32 s22, s4;
	s3 =	sand.u32 $0x1C00, s9  }
0x146: {  	s23 =	sadd.s32 s22, s13;
	s14 =	sadd.s32 s22, s14;
	s4 =	sand.u32 $0x1C00, s4;
	[tilespmem:s28+$0x0 ss:$0x41] =	vst.msk $0xffff, v1;
	v1 =	vld.idx.msk [tilespmem:v0+s3+$0x10 ss:$0x1], $0xffff  }
0x147: {  	s18 =	sadd.s32 s22, s18;
	s9 =	sand.u32 $0x1C00, s23;
	s23 =	sand.u32 $0x1C00, s14;
	[tilespmem:s5+$0x0 ss:$0x41] =	vst.msk $0xffff, v2;
	v2 =	vld.idx.msk [tilespmem:v0+s4+$0x20 ss:$0x1], $0xffff  }
0x148: {  	s19 =	sand.u32 $0x1C00, s21;
	s13 =	sadd.s32 $0xFFFFF880, s6;
	s18 =	sand.u32 $0x1C00, s18;
	v4 =	vld.idx.msk [tilespmem:v0+s23+$0x40 ss:$0x1], $0xffff  }
0x149: {  	s5 =	sadd.s32 $0xFFFFFC80, s6;
	s6 =	sadd.s32 s22, s19;
	s19 =	sadd.s32 s24, s17;
	v5 =	vld.idx.msk [tilespmem:v0+s18+$0x50 ss:$0x1], $0xffff  }
0x14a: {  	s30 =	sadd.s32 $0x4100, s30;
	s31 =	sadd.s32 $0x4100, s31;
	[tilespmem:s19+$0x0 ss:$0x41] =	vst.msk $0xffff, v3;
	s19 =	sand.u32 $0x1C00, s13;
	v3 =	vld.idx.msk [tilespmem:v0+s9+$0x30 ss:$0x1], $0xffff  }
0x14b: {  	s0 =	sadd.s32 $0x4100, s0;
	s1 =	sadd.s32 $0x4100, s1;
	s9 =	sadd.s32 s24, s26;
	v6 =	vld.idx.msk [tilespmem:v0+s19+$0x0 ss:$0x1], $0xffff  }
0x14c: {  	s7 =	sadd.s32 $0x4100, s7;
	s8 =	sadd.s32 $0x4100, s8;
	s18 =	sadd.s32 s24, s25;
	v7 =	vld.idx.msk [tilespmem:v0+s19+$0x10 ss:$0x1], $0xffff;
	[tilespmem:s9+$0x0 ss:$0x41] =	vst.msk $0xffff, v1  }
0x14d: {  	s2 =	sadd.s32 $0x4100, s2;
	s27 =	sadd.s32 s24, s1;
	s4 =	sadd.s32 s24, s10;
	v1 =	vld.idx.msk [tilespmem:v0+s19+$0x20 ss:$0x1], $0xffff;
	[tilespmem:s18+$0x0 ss:$0x41] =	vst.msk $0xffff, v2  }
.Ltmp13:
0x14e: {  	s21 =	sadd.s32 $0x800, s21;
	s23 =	sadd.s32 s24, s11;
	v2 =	vld.idx.msk [tilespmem:v0+s19+$0x30 ss:$0x1], $0xffff;
	[tilespmem:s4+$0x0 ss:$0x41] =	vst.msk $0xffff, v4;
	(pc) =	sbr.rel @p3 .LBB1_10-.Ltmp13, $4  }
0x14f: {  	s3 =	sadd.s32 s24, s29;
	s28 =	sadd.s32 s24, s20;
	v4 =	vld.idx.msk [tilespmem:v0+s19+$0x50 ss:$0x1], $0xffff;
	[tilespmem:s23+$0x0 ss:$0x41] =	vst.msk $0xffff, v3;
	s23 =	sadd.s32 s24, s15  }
0x150: {  	s13 =	sand.u32 $0x1C00, s5;
	s14 =	sand.u32 $0x1C00, s6;
	s5 =	sadd.s32 s24, s2;
	v3 =	vld.idx.msk [tilespmem:v0+s19+$0x40 ss:$0x1], $0xffff;
	[tilespmem:s23+$0x0 ss:$0x41] =	vst.msk $0xffff, v5  }
0x151: {  	s6 =	sadd.s32 s24, s8;
	s18 =	sadd.s32 s24, s7;
	s9 =	sadd.s32 s24, s0;
	[tilespmem:s5+$0x0 ss:$0x41] =	vst.msk $0xffff, v6;
	v5 =	vld.idx.msk [tilespmem:v0+s19+$0x60 ss:$0x1], $0xffff  }
0x152: {  	s4 =	sadd.s32 s24, s31;
	s23 =	sadd.s32 s24, s30;
	[tilespmem:s6+$0x0 ss:$0x41] =	vst.msk $0xffff, v7;
	v6 =	vld.idx.msk [tilespmem:v0+s19+$0x70 ss:$0x1], $0xffff;
	s5 =	sadd.s32 s24, s16  }
.LBB1_11:
0x153: {  	_ =	sdelay $0x2  }
0x154: {  	[tilespmem:s18+$0x0 ss:$0x41] =	vst.msk $0xffff, v1  }
0x155: {  	v62 =	vld.idx.msk [tilespmem:v0+s13+$0x0 ss:$0x1], $0xffff;
	[tilespmem:s27+$0x0 ss:$0x41] =	vst.msk $0xffff, v2  }
0x156: {  	v63 =	vld.idx.msk [tilespmem:v0+s14+$0x70 ss:$0x1], $0xffff;
	[tilespmem:s9+$0x0 ss:$0x41] =	vst.msk $0xffff, v3  }
0x157: {  	[tilespmem:s4+$0x0 ss:$0x41] =	vst.msk $0xffff, v4  }
0x158: {  	[tilespmem:s23+$0x0 ss:$0x41] =	vst.msk $0xffff, v5  }
0x159: {  	[tilespmem:s3+$0x0 ss:$0x41] =	vst.msk $0xffff, v6  }
0x15a: {  	[tilespmem:s28+$0x0 ss:$0x41] =	vst.msk $0xffff, v62  }
0x15b: {  	[tilespmem:s5+$0x0 ss:$0x41] =	vst.msk $0xffff, v63  }
0x15c: {  	s6 =	rddreg [dreg:$0x1b]  }
0x15d: {  	s7 =	sld [smem:$0x7FD]  }
0x15e: {  	s13 =	rddreg [dreg:$0x3]  }
0x15f: {  	s8 =	sld [smem:$0x7EC]  }
0x160: {  	s9 =	sld [smem:$0x7D7]  }
0x161: {  	s10 =	rddreg [dreg:$0x2]  }
0x162: {  	s11 =	sld [smem:$0x7D6]  }
0x163: {  	s2 =	sld [smem:$0x7D8]  }
.LBB1_12:
.Ltmp14:
0x164: {  	(pc) =	sbr.rel @p2 .LBB1_15-.Ltmp14, $1  }
0x165: {  	_ =	sdelay $0x3  }
0x166: {  	s0 =	sld [smem:$0x7EB];
	_ =	sdelay $0x2  }
0x167: {  	s0 =	sadd.s32 s2, s0;
	s2 =	sld [smem:$0x7FB]  }
0x168: {  	s1 =	sand.u32 $0x380, s22  }
0x169: {  	s3 =	smov.u32 s13;
	s1 =	sadd.s32 s1, s8  }
.LBB1_14:
0x16a: {  	s4 =	sand.u32 $0x1C00, s2  }
0x16b: {  	s4 =	sadd.s32 s22, s4  }
0x16c: {  	s4 =	sand.u32 $0x1C00, s4  }
0x16d: {  	s5 =	sand.u32 $0x70, s3;
	s4 =	sadd.s32 s4, s1  }
0x16e: {  	s3 =	sadd.s32 $0x10, s3;
	s4 =	sadd.s32 s5, s4  }
0x16f: {  	p3 =	slt.s32 s3, s7;
	v0 =	vld [tilespmem:s4+$0x0]  }
.Ltmp15:
0x170: {  	_ = 	snop;
	(pc) =	sbr.rel @p3 .LBB1_14-.Ltmp15, $2  }
0x171: {  	_ =	sdelay $0x2  }
0x172: {  	s2 =	sadd.s32 $0x80, s2;
	[tilespmem:s0+$0x0 ss:$0x41] =	vst.msk $0xffff, v0;
	s0 =	sadd.s32 $0x410, s0  }
.Ltmp16:
0x173: {  	_ = 	snop;
	(pc) =	sbr.rel .LBB1_15-.Ltmp16, $1  }
0x174: {  	_ =	sdelay $0x3  }
.LBB1_20:
0x175: {  	_ =	sfence.sel $0x180000  }
0x176: {  	s0 =	simm.s32 $0x1;
	[bflag:$0x0] =	sbarrier.arrive $0xFFFF  }
0x177: {  	s30 =	simm.s32 $0x2;
	[sflag:s0] =	ssyncpa.u1 $0x1  }
0x178: {  	[sflag:s30] =	ssyncpa.u1 $0x1  }
0x179: {  	_ =	strace $0x9000007A  }
0x17a: {  	s31 =	stileid.u32;
	[bflag:$0x2] =	sbarrier.arrive $0xFFFF  }
0x17b: {  	p0 =	sne.s32 s31, $0x0;
	s0 =	rddreg [dreg:$0x1]  }
0x17c: {  	s0 =	sadd.s32 @!p0 $0x100000, s0  }
0x17d: {  	[sflag:s0] =	ssyncadd.tile.s32 @!p0 $0x1;
	_ =	shalt  }
.Lfunc_end1:
_tile_overlayer_lowered:
.L_overlay_start_2:
0x17e: {  	(tag) =	ssettag $0x2  }
0x17f: {  	s0 =	rddreg [dreg:$0x0];
	s2 =	stileid.u32  }
0x180: {  	s1 =	rddreg [dreg:$0x1];
	p0 =	sne.s32 s2, $0x0  }
0x181: {  	s3 =	rddreg [dreg:$0x2];
	[bflag:$0x3] =	sbarrier.arrive $0xFFFF;
	s2 =	simm.s32 @!p0 $0x1C01  }
0x182: {  	[timem:s3], [sflag:s2] =	dma.local @!p0 [hbm:s0], s1  }
0x183: {  	s0 =	simm.s32 @!p0 $0x1  }
0x184: {  	_ =	swait.ge @!p0 [sflag:s0], s1  }
0x185: {  	s1 =	ssub.s32 @!p0 $0x0, s1;
	[sflag:s0] =	ssyncset.done @!p0 $0x0  }
0x186: {  	[sflag:s0] =	ssyncadd.s32 @!p0 s1  }
0x187: {  	[bflag:$0x3] =	sbarrier.arrive $0xFFFF  }
0x188: {  	_ =	shalt  }

// kernel: sparse-core-data-format-call.10.cloned.1.call-start
scs
called_computation.10_lowered:
.L_overlay_start_0:
0x0: {  	s2 =	sld [smem:$0x3FD9]  }
0x1: {  	s3 =	sld [smem:$0x3FFE];
	_ =	sdelay $0x1  }
0x2: {  	s1 =	srdreg.scid  }
0x3: {  	s0 =	sand.u32 $0x1, s1  }
0x4: {  	s18 =	sshll.u32 s0, $0xA;
	s2 =	sadd.s32 s3, s2  }
0x5: {  	s2 =	sadd.s32 s2, s18  }
0x6: {  	[smem:$0x3FA3] =	sst s2  }
0x7: {  	_ = 	snop  }
0x8: {  	(tm) =	ssettm $0x1  }
0x9: {  	s19 =	sld [smem:$0x3FFB];
	_ =	sdelay $0x3  }
0xa: {  	_ =	strace s19  }
0xb: {  	s2 =	sld [smem:$0x3FFC];
	_ =	sdelay $0x3  }
0xc: {  	_ =	strace s2  }
0xd: {  	s2 =	sld [smem:$0x3FFD];
	_ =	sdelay $0x3  }
0xe: {  	_ =	strace s2  }
0xf: {  	_ =	strace $0x8FFFFFFF  }
0x10: {  	s20 =	sld [smem:$0x3FDB];
	_ =	sdelay $0x1  }
0x11: {  	s21 =	simm.s32 $_scs_section_size  }
0x12: {  	s4 =	simm.s32 $_size__tile_overlayer_lowered;
	s5 =	simm.s32 $_tile_overlayer_lowered  }
0x13: {  	s6 =	simm.s32 $0x1BFF;
	s22 =	sshll.u32 s5, $0x1;
	s3 =	sadd.s32 s21, s20  }
0x14: {  	s23 =	simm.s32 $0x0;
	s4 =	sshll.u32 s4, $0x1;
	s5 =	sadd.s32 s22, s3  }
0x15: {  	[timem:s23], [sflag:s6] =	dma.local [hbm:s5], s4  }
0x16: {  	_ =	swait.ge [sflag:s6], s4  }
0x17: {  	s4 =	ssub.s32 $0x0, s4;
	[sflag:s6] =	ssyncset.done $0x0  }
0x18: {  	[sflag:s6] =	ssyncadd.s32 s4;
	_ =	sdelay $0x1  }
0x19: {  	s24 =	simm.s32 $0x1B8B  }
0x1a: {  	_ =	swait.ge [sflag:s24], $0x1  }
0x1b: {  	[sflag:s24] =	ssyncset.done $0x0  }
0x1c: {  	[sflag:s24] =	ssyncadd.s32 $0xFFFFFFFF  }
0x1d: {  	s4 =	sld [smem:$0x0]  }
0x1e: {  	s5 =	sand.u32 $0xFFFFFFFE, s1  }
0x1f: {  	p0 =	sne.s32 s1, s5  }
0x20: {  	s5 =	sshll.u32 @p0 s5, $0xE  }
0x21: {  	s5 =	sadd.s32 @p0 $0x11B8D, s5;
	s6 =	sshll.u32 @p0 s4, $0x11  }
0x22: {  	s5 =	sor.u32 @p0 s6, s5  }
0x23: {  	[sflag:s5] =	ssyncadd.remote.s32 @p0 $0x1;
	_ =	sdelay $0x1  }
0x24: {  	s5 =	simm.s32 @p0 $0x1B8D  }
0x25: {  	_ =	swait.eq @p0 [sflag:s5], $0x1  }
0x26: {  	[sflag:s5] =	ssyncadd.s32 @p0 $0xFFFFFFFF  }
0x27: {  	s6 =	sshll.u32 @!p0 s1, $0xE  }
0x28: {  	s6 =	sor.u32 @!p0 $0x4000, s6;
	s5 =	simm.s32 @!p0 $0x1B8D  }
0x29: {  	s4 =	sshll.u32 @!p0 s4, $0x11;
	s6 =	sadd.s32 @!p0 $0x11B8D, s6;
	_ =	swait.eq @!p0 [sflag:s5], $0x1  }
0x2a: {  	s4 =	sor.u32 @!p0 s4, s6;
	[sflag:s5] =	ssyncadd.s32 @!p0 $0xFFFFFFFF  }
0x2b: {  	s26 =	simm.s32 $0x1B8E;
	s25 =	sld [smem:$0x3FFE];
	[sflag:s4] =	ssyncadd.remote.s32 @!p0 $0x1  }
0x2c: {  	s27 =	simm.s32 $execute0_lowered;
	[smem:$0x3FD2] =	sst s26  }
0x2d: {  	s5 =	sshll.u32 s27, $0x1;
	_ =	strace $0x80000061;
	[dreg:$0x1] =	wrdreg $0xFFFFFFFF  }
0x2e: {  	s28 =	simm.s32 $_size_execute0_lowered;
	s3 =	sadd.s32 s3, s5;
	[dreg:$0x0] =	wrdreg $0x0  }
0x2f: {  	s5 =	sshll.u32 s28, $0x1;
	[dreg:$0x2] =	wrdreg s3  }
0x30: {  	[dreg:$0x3] =	wrdreg s5  }
0x31: {  	[dreg:$0x4] =	wrdreg $0xC0  }
0x32: {  	_ =	task [dreg:s23], $0x5FFFF  }
0x33: {  	[dreg:$0x1] =	wrdreg $0xFFFFFFFF  }
0x34: {  	[dreg:$0x0] =	wrdreg $0x60  }
0x35: {  	[dreg:$0x2] =	wrdreg s25  }
0x36: {  	[dreg:$0x3] =	wrdreg $0xA  }
0x37: {  	_ =	task.clear_ibuf [dreg:s23], $0x4FFFF;
	_ =	strace $0x90000061  }
0x38: {  	s29 =	simm.s32 $0xA;
	_ =	strace $0x80000063  }
0x39: {  	_ =	swait.ge [sflag:s29], $0x1  }
0x3a: {  	[sflag:s29] =	ssyncadd.s32 $0xFFFFFFFF  }
0x3b: {  	_ =	strace $0x90000063  }
0x3c: {  	_ =	sfence  }
0x3d: {  	s30 =	sld [smem:$0x0];
	_ =	sdelay $0x2  }
0x3e: {  	s31 =	sshll.u32 s1, $0xD;
	s1 =	sshrl.u32 s1, $0x2  }
0x3f: {  	s4 =	sand.u32 $0x4000, s31;
	s1 =	sadd.s32 s1, s30  }
0x40: {  	s0 =	sor.u32 s4, s0;
	s1 =	sshll.u32 s1, $0x11  }
0x41: {  	s0 =	sor.u32 s1, s0  }
0x42: {  	s0 =	sadd.s32 $0x8F2B, s0  }
0x43: {  	[sflag:s0] =	ssyncadd.remote.s32 $0x1  }
0x44: {  	_ =	sfence.sel $0xFFFF  }
0x45: {  	[dreg:$0x0] =	wrdreg $0xFFFFFFFF;
	(pc) =	sbr.abs _section_cstart, $3  }
0x46: {  	[dreg:$0x1] =	wrdreg $0xFFFFFFFF  }
0x47: {  	_ =	task.clear_ibuf [dreg:s23], $0x2FFFF;
	_ =	strace $0x9FFFFFFF  }
0x48: {  	(tm) =	ssettm $0x7FFFFFFF  }
0x49: {  	_ =	shalt  }
tec
execute0_lowered:
.L_overlay_start_1:
0x0: {  	(tag) =	ssettag $0x1  }
0x1: {  	s0 =	srdreg.scid  }
0x2: {  	s9 =	rddreg [dreg:$0x0];
	s6 =	simm.s32 $0x1;
	s5 =	simm.s32 $0x1  }
0x3: {  	s10 =	simm.s32 $0x2;
	s21 =	simm.s32 $0x0;
	s1 =	sshll.u32 s0, $0x4  }
0x4: {  	s11 =	simm.s32 $0x100;
	s0 =	stileid.u32;
	s1 =	sand.u32 $0x10, s1  }
0x5: {  	s12 =	simm.s32 $0x6000;
	s13 =	simm.s32 $0x80;
	s8 =	sor.u32 s0, s1  }
0x6: {  	s20 =	simm.s32 $0x0;
	s19 =	simm.s32 $0x0;
	s1 =	sshll.u32 s8, $0x4  }
0x7: {  	s22 =	simm.s32 $0x0;
	s23 =	simm.s32 $0x0;
	s2 =	sand.u32 $0x180, s1  }
0x8: {  	s14 =	simm.s32 $0x0;
	s15 =	simm.s32 $0x0;
	s4 =	ssub.s32 $0x200, s2  }
0x9: {  	s16 =	simm.s32 $0x0;
	s18 =	simm.s32 $0x0;
	s3 =	sand.u32 $0x180, s4  }
0xa: {  	s8 =	sshll.u32 s8, $0x7;
	s1 =	rddreg [dreg:$0x1];
	p0 =	sne.s32 s3, $0x0  }
.Ltmp0:
0xb: {  	s7 =	sshrl.u32 s4, $0x9;
	s6 =	simm.s32 @!p0 $0x0;
	(pc) =	sbr.rel .LBB1_1-.Ltmp0, $4  }
0xc: {  	_ =	strace $0x80000062;
	s8 =	sand.u32 $0xC00, s8;
	s6 =	sadd.s32 s6, s7  }
0xd: {  	[sflag:s5] =	ssyncpa.u1 $0x0;
	s4 =	sadd.s32 $0x770A00, s9;
	s6 =	smul.u32 $0x48, s6  }
0xe: {  	[sflag:s10] =	ssyncpa.u1 $0x0;
	s3 =	sadd.s32 $0x4A0A00, s9;
	s7 =	sand.u32 $0x7, s0  }
0xf: {  	s9 =	sadd.s32 $0x772A00, s9;
	s17 =	smov.u32 s7;
	s10 =	sor.u32 $0x1, s6  }
.LBB1_9:
0x10: {  	s24 =	sadd.s32 $0x2, s14  }
0x11: {  	s19 =	sadd.s32 $0x40, s15;
	s25 =	smov.u32 s15;
	p1 =	sgt.s32 s24, $0x2F  }
0x12: {  	s25 =	smov.u32 @p1 s19  }
0x13: {  	s19 =	simm.s32 $0x1;
	p2 =	sgt.s32 s25, $0x27  }
0x14: {  	s19 =	simm.s32 @!p2 $0x0  }
0x15: {  	s26 =	sadd.s32 s19, s16  }
0x16: {  	s27 =	smov.u32 s17;
	s19 =	sadd.s32 $0x8, s17;
	p3 =	sgt.s32 s26, $0x2  }
0x17: {  	p0 =	slt.u32 s18, $0x2;
	s27 =	smov.u32 @p3 s19  }
0x18: {  	s20 =	smov.u32 s14;
	s24 =	simm.s32 @p1 $0x0;
	p1 =	sgt.s32 s27, $0x7  }
0x19: {  	s21 =	simm.s32 @!p0 $0x2;
	s27 =	smov.u32 @p1 s7;
	p1 =	sne.s32 s18, s10  }
.Ltmp1:
0x1a: {  	s22 =	smov.u32 s16;
	_ =	swait.ge @!p0 [sflag:s21], $0x4000;
	(pc) =	sbr.rel @!p1 .LBB1_10-.Ltmp1, $4  }
0x1b: {  	s23 =	smov.u32 s17;
	[sflag:s21] =	ssyncset.done @!p0 $0x0;
	s14 =	smov.u32 s24  }
0x1c: {  	s25 =	simm.s32 @p2 $0x0;
	[sflag:s21] =	ssyncadd.s32 @!p0 $0xFFFFC000;
	s21 =	smov.u32 s2  }
0x1d: {  	s26 =	simm.s32 @p3 $0x0;
	s19 =	smov.u32 s15;
	s15 =	smov.u32 s25  }
0x1e: {  	s16 =	smov.u32 s26;
	s18 =	sadd.s32 $0x1, s18;
	s17 =	smov.u32 s27  }
.LBB1_1:
0x1f: {  	p0 =	sge.u32 s18, s6  }
.Ltmp2:
0x20: {  	_ = 	snop;
	(pc) =	sbr.rel @p0 .LBB1_3-.Ltmp2, $1  }
0x21: {  	_ =	sdelay $0x3  }
0x22: {  	s24 =	sshll.u32 s14, $0x9  }
0x23: {  	s25 =	sshll.u32 s14, $0x7;
	p0 =	sgt.s32 s17, $0x7;
	s26 =	sshra.s32 s17, $0x1F  }
0x24: {  	s28 =	sshra.s32 s16, $0x1F;
	p1 =	sgt.s32 s15, $0xFFFFFFE8;
	s29 =	smov.u32 s15  }
0x25: {  	s30 =	sshra.s32 s15, $0x1F;
	s31 =	sshra.s32 s14, $0x1F;
	s24 =	sand.u32 $0xFFFFF000, s24  }
0x26: {  	s25 =	sand.u32 $0x200, s25;
	s26 =	sand.u32 s26, s17;
	s24 =	sor.u32 s8, s24  }
0x27: {  	s28 =	sand.u32 s28, s16;
	s24 =	sor.u32 s25, s24;
	s25 =	smov.u32 s17  }
0x28: {  	s24 =	sshrl.u32 s24, $0x9;
	s25 =	simm.s32 @!p0 $0x7;
	p0 =	sgt.s32 s16, $0x2  }
0x29: {  	s27 =	smulhi.u32 $0x5555556, s24;
	s25 =	ssub.s32 s25, s26;
	s26 =	smov.u32 s16  }
0x2a: {  	s29 =	simm.s32 @!p1 $0xFFFFFFE8;
	s30 =	sand.u32 s30, s15;
	s26 =	simm.s32 @!p0 $0x2  }
0x2b: {  	s25 =	sadd.s32 $0xFFFFFFF9, s25;
	s27 =	smul.u32 $0x30, s27;
	s26 =	ssub.s32 s26, s28  }
0x2c: {  	p0 =	sgt.s32 s25, $0x0;
	s25 =	sshll.u32 s25, $0x7;
	s28 =	sadd.s32 $0xFFFFFFFE, s26  }
0x2d: {  	s26 =	ssub.s32 $0x3, s26;
	s25 =	ssub.s32 $0x80, s25;
	p1 =	sgt.s32 s28, $0x0  }
0x2e: {  	s28 =	ssub.s32 s29, s30;
	s25 =	simm.s32 @p0 $0x0;
	p0 =	sgt.s32 s14, $0x2E  }
0x2f: {  	s30 =	sand.u32 s31, s14;
	s26 =	simm.s32 @p1 $0x0;
	s29 =	sadd.s32 $0x18, s28  }
0x30: {  	s28 =	ssub.s32 $0x28, s28;
	p1 =	sgt.s32 s29, $0x3F;
	s25 =	smul.u32 s26, s25  }
0x31: {  	s31 =	smul.u32 $0x1E000, s16;
	s29 =	smov.u32 s14;
	s28 =	simm.s32 @p1 $0x0  }
0x32: {  	s29 =	simm.s32 @!p0 $0x2E;
	s25 =	smul.u32 s28, s25  }
0x33: {  	s24 =	ssub.s32 s24, s27;
	s26 =	ssub.s32 s29, s30;
	s30 =	smul.u32 $0x5A000, s17  }
0x34: {  	s28 =	sxor.u32 $0xFFFFFFFF, s18;
	s29 =	sadd.s32 $0xFFFFFFD2, s26;
	s26 =	ssub.s32 $0x30, s26  }
0x35: {  	p0 =	sgt.s32 s29, $0x1;
	s29 =	smul.u32 $0xC00, s15;
	s30 =	sadd.s32 s3, s30  }
0x36: {  	s26 =	simm.s32 @p0 $0x0;
	s27 =	sadd.s32 s31, s30;
	s31 =	sshll.u32 s14, $0x4  }
0x37: {  	s25 =	smul.u32 s26, s25;
	s30 =	sand.u32 $0x30, s31;
	s27 =	sadd.s32 s29, s27  }
0x38: {  	s24 =	sshll.u32 s24, $0x6;
	s28 =	sshll.u32 s28, $0xE;
	s26 =	sadd.s32 s30, s27  }
0x39: {  	s31 =	sand.u32 $0x4000, s28;
	s25 =	sand.u32 $0x3FFFFF80, s25;
	s24 =	sadd.s32 s24, s26  }
0x3a: {  	[tilespmem:s31], [sflag:$0x1] =	stream.strided.gather [hbm4b:s24+s11], s25, s12, s11, $0x38;
	[tilespmem:$0x10200] =	vst v63  }
.LBB1_3:
0x3b: {  	s24 =	sadd.s32 $0xFFFFFFFF, s18  }
0x3c: {  	p0 =	sge.u32 s24, s6  }
.Ltmp3:
0x3d: {  	_ = 	snop;
	(pc) =	sbr.rel @p0 .LBB1_9-.Ltmp3, $1  }
0x3e: {  	_ =	sdelay $0x3  }
0x3f: {  	p0 =	sgt.s32 s23, $0x7  }
0x40: {  	s24 =	smov.u32 s23;
	s25 =	sshra.s32 s23, $0x1F;
	s26 =	smov.u32 s22  }
0x41: {  	s27 =	sshra.s32 s22, $0x1F;
	p1 =	sgt.s32 s19, $0xFFFFFFE8;
	s29 =	sshra.s32 s20, $0x1F  }
0x42: {  	s24 =	simm.s32 @!p0 $0x7;
	p0 =	sgt.s32 s22, $0x2;
	s25 =	sand.u32 s25, s23  }
0x43: {  	s27 =	sand.u32 s27, s22;
	s26 =	simm.s32 @!p0 $0x2;
	s24 =	ssub.s32 s24, s25  }
0x44: {  	s28 =	ssub.s32 s26, s27;
	s24 =	sadd.s32 $0xFFFFFFF9, s24;
	s27 =	sshra.s32 s19, $0x1F  }
0x45: {  	s26 =	sadd.s32 $0xFFFFFFFE, s28;
	s25 =	ssub.s32 $0x3, s28;
	s27 =	sand.u32 s27, s19  }
0x46: {  	s28 =	smov.u32 s20;
	p0 =	sgt.s32 s26, $0x0;
	s26 =	smov.u32 s19  }
0x47: {  	s26 =	simm.s32 @!p1 $0xFFFFFFE8;
	p1 =	sgt.s32 s24, $0x0;
	s25 =	simm.s32 @p0 $0x0  }
0x48: {  	p0 =	sgt.s32 s20, $0x2E;
	s24 =	sshll.u32 s24, $0x7;
	s26 =	ssub.s32 s26, s27  }
0x49: {  	s28 =	simm.s32 @!p0 $0x2E;
	s24 =	ssub.s32 $0x80, s24;
	s27 =	sadd.s32 $0x18, s26  }
0x4a: {  	s24 =	simm.s32 @p1 $0x0;
	p0 =	sgt.s32 s27, $0x3F;
	s27 =	sand.u32 s29, s20  }
0x4b: {  	s26 =	ssub.s32 $0x28, s26;
	s24 =	smul.u32 s25, s24;
	s27 =	ssub.s32 s28, s27  }
0x4c: {  	s26 =	simm.s32 @p0 $0x0;
	s29 =	sadd.s32 $0xFFFFFFD2, s27  }
0x4d: {  	s25 =	ssub.s32 $0x30, s27;
	s24 =	smul.u32 s26, s24;
	p0 =	sgt.s32 s29, $0x1  }
0x4e: {  	s25 =	simm.s32 @p0 $0x0  }
0x4f: {  	s24 =	smul.u32 s25, s24;
	_ =	sdelay $0x1  }
0x50: {  	s30 =	sand.u32 $0x1, s18;
	s24 =	sand.u32 $0x3FFFFF80, s24  }
0x51: {  	s31 =	smul.u32 $0x10400, s30;
	_ =	swait.ge [sflag:s5], s24  }
0x52: {  	s24 =	ssub.s32 $0x0, s24;
	[sflag:s5] =	ssyncset.done $0x0  }
0x53: {  	[sflag:s5] =	ssyncadd.s32 s24;
	s24 =	sshrl.u32 s31, $0x2  }
0x54: {  	s26 =	sshll.u32 s30, $0xE;
	s27 =	simm.s32 $0x0;
	s25 =	sor.u32 $0x8000, s24  }
.LBB1_5:
0x55: {  	s28 =	sshll.u32 s27, $0x8  }
0x56: {  	s28 =	sand.u32 $0x3FFFFF00, s28  }
0x57: {  	s28 =	sadd.s32 s28, s26  }
0x58: {  	v0 =	vmov s28;
	_ =	sdelay $0x1  }
0x59: {  	p0 =	por $0x1, $0x1;
	s28 =	simm.s32 $0x0  }
.LBB1_6:
0x5a: {  	s29 =	sshll.u32 s28, $0x7  }
0x5b: {  	s29 =	sand.u32 $0x3FFFFF80, s29  }
0x5c: {  	s28 =	smul.u32 $0x8200, s28;
	v1 =	vld.idx.msk [tilespmem:v0+s29+$0x0 ss:$0x1], $0xffff  }
0x5d: {  	v2 =	vld.idx.msk [tilespmem:v0+s29+$0x10 ss:$0x1], $0xffff  }
0x5e: {  	s28 =	sshra.s32 s28, $0x2;
	v3 =	vld.idx.msk [tilespmem:v0+s29+$0x20 ss:$0x1], $0xffff  }
0x5f: {  	v4 =	vld.idx.msk [tilespmem:v0+s29+$0x30 ss:$0x1], $0xffff;
	s28 =	sadd.s32 s28, s25  }
0x60: {  	v5 =	vld.idx.msk [tilespmem:v0+s29+$0x40 ss:$0x1], $0xffff;
	s28 =	sadd.s32 s27, s28  }
0x61: {  	[tilespmem:s28+$0x0 ss:$0x41] =	vst.msk $0xffff, v1;
	v1 =	vld.idx.msk [tilespmem:v0+s29+$0x50 ss:$0x1], $0xffff  }
0x62: {  	[tilespmem:s28+$0x410 ss:$0x41] =	vst.msk $0xffff, v2;
	v2 =	vld.idx.msk [tilespmem:v0+s29+$0x60 ss:$0x1], $0xffff  }
0x63: {  	p1 =	por p0, p0;
	[tilespmem:s28+$0x820 ss:$0x41] =	vst.msk $0xffff, v3;
	v3 =	vld.idx.msk [tilespmem:v0+s29+$0x70 ss:$0x1], $0xffff  }
.Ltmp4:
0x64: {  	[tilespmem:s28+$0xC30 ss:$0x41] =	vst.msk $0xffff, v4;
	(pc) =	sbr.rel @p1 .LBB1_6-.Ltmp4, $4  }
0x65: {  	[tilespmem:s28+$0x1040 ss:$0x41] =	vst.msk $0xffff, v5  }
0x66: {  	[tilespmem:s28+$0x1450 ss:$0x41] =	vst.msk $0xffff, v1  }
0x67: {  	[tilespmem:s28+$0x1860 ss:$0x41] =	vst.msk $0xffff, v2  }
0x68: {  	p0 =	por $0x0, $0x0;
	[tilespmem:s28+$0x1C70 ss:$0x41] =	vst.msk $0xffff, v3;
	s28 =	simm.s32 $0x1  }
0x69: {  	s27 =	sadd.s32 $0x1, s27  }
0x6a: {  	p0 =	sne.s32 s27, $0x40  }
.Ltmp5:
0x6b: {  	_ = 	snop;
	(pc) =	sbr.rel @p0 .LBB1_5-.Ltmp5, $1  }
0x6c: {  	_ =	sdelay $0x3  }
0x6d: {  	s23 =	smul.u32 $0x120000, s23  }
0x6e: {  	s22 =	smul.u32 $0x60000, s22;
	s21 =	sshll.u32 s21, $0x4  }
0x6f: {  	s26 =	sand.u32 $0x1F80, s19;
	s20 =	sshll.u32 s20, $0xD;
	s28 =	sshrl.u32 s19, $0x3  }
0x70: {  	s30 =	sand.u32 $0x7, s19;
	s21 =	sadd.s32 s26, s21;
	s22 =	sadd.s32 s23, s22  }
0x71: {  	s19 =	sshll.u32 s30, $0x12;
	s23 =	sand.u32 $0xF, s28;
	s29 =	sadd.s32 s22, s20  }
0x72: {  	s21 =	sand.u32 $0x1F80, s21;
	s22 =	sadd.s32 s22, s9;
	s26 =	sadd.s32 s4, s29  }
.Ltmp6:
0x73: {  	s20 =	sadd.s32 s20, s22;
	s26 =	sadd.s32 s23, s26;
	(pc) =	sbr.rel .LBB1_9-.Ltmp6, $4  }
0x74: {  	s19 =	sor.u32 $0x40, s19;
	s20 =	sadd.s32 s23, s20;
	s26 =	sadd.s32 s21, s26  }
0x75: {  	[hbm4b:s26+s19] =	stream.strided.scatter [tilespmem:s25], [sflag:$0x2], $0x2000, s13, s19, $0x18;
	[tilespmem:$0x10200] =	vst v63  }
0x76: {  	s31 =	sadd.s32 $0xA080, s24;
	s20 =	sadd.s32 s21, s20  }
0x77: {  	[hbm4b:s20+s19] =	stream.strided.scatter [tilespmem:s31], [sflag:$0x2], $0x2000, s13, s19, $0x18;
	[tilespmem:$0x10200] =	vst v63  }
.LBB1_10:
0x78: {  	_ =	sfence.sel $0x180000  }
0x79: {  	s2 =	simm.s32 $0x1;
	[bflag:$0x0] =	sbarrier.arrive $0xFFFF  }
0x7a: {  	s31 =	simm.s32 $0x2;
	[sflag:s2] =	ssyncpa.u1 $0x1  }
0x7b: {  	[sflag:s31] =	ssyncpa.u1 $0x1  }
0x7c: {  	p0 =	sne.s32 s0, $0x0;
	_ =	strace $0x90000062  }
0x7d: {  	s0 =	sadd.s32 @!p0 $0x100000, s1;
	[bflag:$0x2] =	sbarrier.arrive $0xFFFF  }
0x7e: {  	[sflag:s0] =	ssyncadd.tile.s32 @!p0 $0x1;
	_ =	shalt  }
.Lfunc_end1:
_tile_overlayer_lowered:
.L_overlay_start_2:
0x7f: {  	(tag) =	ssettag $0x2  }
0x80: {  	s0 =	rddreg [dreg:$0x0];
	s2 =	stileid.u32  }
0x81: {  	s1 =	rddreg [dreg:$0x1];
	p0 =	sne.s32 s2, $0x0  }
0x82: {  	s3 =	rddreg [dreg:$0x2];
	[bflag:$0x3] =	sbarrier.arrive $0xFFFF;
	s2 =	simm.s32 @!p0 $0x1C01  }
0x83: {  	[timem:s3], [sflag:s2] =	dma.local @!p0 [hbm:s0], s1  }
0x84: {  	s0 =	simm.s32 @!p0 $0x1  }
0x85: {  	_ =	swait.ge @!p0 [sflag:s0], s1  }
0x86: {  	s1 =	ssub.s32 @!p0 $0x0, s1;
	[sflag:s0] =	ssyncset.done @!p0 $0x0  }
0x87: {  	[sflag:s0] =	ssyncadd.s32 @!p0 s1  }
0x88: {  	[bflag:$0x3] =	sbarrier.arrive $0xFFFF  }
0x89: {  	_ =	shalt  }

// kernel: sparse-core-data-format-call.11.cloned.1.call-start
scs
called_computation.11_lowered:
.L_overlay_start_0:
0x0: {  	s2 =	sld [smem:$0x3FD9]  }
0x1: {  	s3 =	sld [smem:$0x3FFE];
	_ =	sdelay $0x1  }
0x2: {  	s1 =	srdreg.scid  }
0x3: {  	s0 =	sand.u32 $0x1, s1  }
0x4: {  	s18 =	sshll.u32 s0, $0xA;
	s2 =	sadd.s32 s3, s2  }
0x5: {  	s2 =	sadd.s32 s2, s18  }
0x6: {  	[smem:$0x3FA3] =	sst s2  }
0x7: {  	_ = 	snop  }
0x8: {  	(tm) =	ssettm $0x1  }
0x9: {  	s19 =	sld [smem:$0x3FFB];
	_ =	sdelay $0x3  }
0xa: {  	_ =	strace s19  }
0xb: {  	s2 =	sld [smem:$0x3FFC];
	_ =	sdelay $0x3  }
0xc: {  	_ =	strace s2  }
0xd: {  	s2 =	sld [smem:$0x3FFD];
	_ =	sdelay $0x3  }
0xe: {  	_ =	strace s2  }
0xf: {  	_ =	strace $0x8FFFFFFF  }
0x10: {  	s20 =	sld [smem:$0x3FDB];
	_ =	sdelay $0x1  }
0x11: {  	s21 =	simm.s32 $_scs_section_size  }
0x12: {  	s4 =	simm.s32 $_size__tile_overlayer_lowered;
	s5 =	simm.s32 $_tile_overlayer_lowered  }
0x13: {  	s6 =	simm.s32 $0x1BFF;
	s22 =	sshll.u32 s5, $0x1;
	s3 =	sadd.s32 s21, s20  }
0x14: {  	s23 =	simm.s32 $0x0;
	s4 =	sshll.u32 s4, $0x1;
	s5 =	sadd.s32 s22, s3  }
0x15: {  	[timem:s23], [sflag:s6] =	dma.local [hbm:s5], s4  }
0x16: {  	_ =	swait.ge [sflag:s6], s4  }
0x17: {  	s4 =	ssub.s32 $0x0, s4;
	[sflag:s6] =	ssyncset.done $0x0  }
0x18: {  	[sflag:s6] =	ssyncadd.s32 s4;
	_ =	sdelay $0x1  }
0x19: {  	s24 =	simm.s32 $0x1B8B  }
0x1a: {  	_ =	swait.ge [sflag:s24], $0x1  }
0x1b: {  	[sflag:s24] =	ssyncset.done $0x0  }
0x1c: {  	[sflag:s24] =	ssyncadd.s32 $0xFFFFFFFF  }
0x1d: {  	s4 =	sld [smem:$0x0]  }
0x1e: {  	s5 =	sand.u32 $0xFFFFFFFE, s1  }
0x1f: {  	p0 =	sne.s32 s1, s5  }
0x20: {  	s5 =	sshll.u32 @p0 s5, $0xE  }
0x21: {  	s5 =	sadd.s32 @p0 $0x11B8D, s5;
	s6 =	sshll.u32 @p0 s4, $0x11  }
0x22: {  	s5 =	sor.u32 @p0 s6, s5  }
0x23: {  	[sflag:s5] =	ssyncadd.remote.s32 @p0 $0x1;
	_ =	sdelay $0x1  }
0x24: {  	s5 =	simm.s32 @p0 $0x1B8D  }
0x25: {  	_ =	swait.eq @p0 [sflag:s5], $0x1  }
0x26: {  	[sflag:s5] =	ssyncadd.s32 @p0 $0xFFFFFFFF  }
0x27: {  	s6 =	sshll.u32 @!p0 s1, $0xE  }
0x28: {  	s6 =	sor.u32 @!p0 $0x4000, s6;
	s5 =	simm.s32 @!p0 $0x1B8D  }
0x29: {  	s4 =	sshll.u32 @!p0 s4, $0x11;
	s6 =	sadd.s32 @!p0 $0x11B8D, s6;
	_ =	swait.eq @!p0 [sflag:s5], $0x1  }
0x2a: {  	s4 =	sor.u32 @!p0 s4, s6;
	[sflag:s5] =	ssyncadd.s32 @!p0 $0xFFFFFFFF  }
0x2b: {  	s26 =	simm.s32 $0x1B8E;
	s25 =	sld [smem:$0x3FFE];
	[sflag:s4] =	ssyncadd.remote.s32 @!p0 $0x1  }
0x2c: {  	s27 =	simm.s32 $execute0_lowered;
	[smem:$0x3FD2] =	sst s26  }
0x2d: {  	s5 =	sshll.u32 s27, $0x1;
	_ =	strace $0x8000006D;
	[dreg:$0x1] =	wrdreg $0xFFFFFFFF  }
0x2e: {  	s28 =	simm.s32 $_size_execute0_lowered;
	s3 =	sadd.s32 s3, s5;
	[dreg:$0x0] =	wrdreg $0x0  }
0x2f: {  	s5 =	sshll.u32 s28, $0x1;
	[dreg:$0x2] =	wrdreg s3  }
0x30: {  	[dreg:$0x3] =	wrdreg s5  }
0x31: {  	[dreg:$0x4] =	wrdreg $0xC0  }
0x32: {  	_ =	task [dreg:s23], $0x5FFFF  }
0x33: {  	[dreg:$0x1] =	wrdreg $0xFFFFFFFF  }
0x34: {  	[dreg:$0x0] =	wrdreg $0x60  }
0x35: {  	[dreg:$0x2] =	wrdreg s25  }
0x36: {  	[dreg:$0x3] =	wrdreg $0xA  }
0x37: {  	_ =	task.clear_ibuf [dreg:s23], $0x4FFFF;
	_ =	strace $0x9000006D  }
0x38: {  	s29 =	simm.s32 $0xA;
	_ =	strace $0x8000006F  }
0x39: {  	_ =	swait.ge [sflag:s29], $0x1  }
0x3a: {  	[sflag:s29] =	ssyncadd.s32 $0xFFFFFFFF  }
0x3b: {  	_ =	strace $0x9000006F  }
0x3c: {  	_ =	sfence  }
0x3d: {  	s30 =	sld [smem:$0x0];
	_ =	sdelay $0x2  }
0x3e: {  	s31 =	sshll.u32 s1, $0xD;
	s1 =	sshrl.u32 s1, $0x2  }
0x3f: {  	s4 =	sand.u32 $0x4000, s31;
	s1 =	sadd.s32 s1, s30  }
0x40: {  	s0 =	sor.u32 s4, s0;
	s1 =	sshll.u32 s1, $0x11  }
0x41: {  	s0 =	sor.u32 s1, s0  }
0x42: {  	s0 =	sadd.s32 $0x8F2B, s0  }
0x43: {  	[sflag:s0] =	ssyncadd.remote.s32 $0x1  }
0x44: {  	_ =	sfence.sel $0xFFFF  }
0x45: {  	[dreg:$0x0] =	wrdreg $0xFFFFFFFF;
	(pc) =	sbr.abs _section_cstart, $3  }
0x46: {  	[dreg:$0x1] =	wrdreg $0xFFFFFFFF  }
0x47: {  	_ =	task.clear_ibuf [dreg:s23], $0x2FFFF;
	_ =	strace $0x9FFFFFFF  }
0x48: {  	(tm) =	ssettm $0x7FFFFFFF  }
0x49: {  	_ =	shalt  }
tec
execute0_lowered:
.L_overlay_start_1:
0x0: {  	(tag) =	ssettag $0x1  }
0x1: {  	s3 =	rddreg [dreg:$0x0]  }
0x2: {  	s0 =	rddreg [dreg:$0x1]  }
0x3: {  	s1 =	srdreg.scid;
	_ =	strace $0x8000006E;
	s8 =	simm.s32 $0x2  }
0x4: {  	s7 =	simm.s32 $0x0;
	s15 =	simm.s32 $0x0;
	s9 =	simm.s32 $0x80  }
0x5: {  	s16 =	simm.s32 $0x0;
	s17 =	simm.s32 $0x0;
	s18 =	simm.s32 $0x0  }
0x6: {  	s10 =	simm.s32 $0x0;
	s11 =	simm.s32 $0x0;
	s4 =	sshll.u32 s1, $0x4  }
0x7: {  	s14 =	simm.s32 $0x0;
	s1 =	stileid.u32;
	s4 =	sand.u32 $0x10, s4  }
.Ltmp0:
0x8: {  	s2 =	sadd.s32 $0x323400, s3;
	s6 =	sor.u32 s1, s4;
	(pc) =	sbr.rel .LBB1_1-.Ltmp0, $4  }
0x9: {  	s3 =	sadd.s32 $0x5F3400, s3;
	s4 =	simm.s32 $0x1;
	s6 =	sshrl.u32 s6, $0x3  }
0xa: {  	s5 =	sand.u32 $0x7, s1;
	[sflag:s4] =	ssyncpa.u1 $0x0;
	p0 =	seq.s32 s6, $0x3  }
0xb: {  	s13 =	smov.u32 s5;
	[sflag:s8] =	ssyncpa.u1 $0x0;
	s7 =	simm.s32 @!p0 $0x3C  }
0xc: {  	s12 =	smov.u32 s6;
	p0 =	por $0x0, $0x0;
	s8 =	sor.u32 $0x1, s7  }
.LBB1_7:
0xd: {  	s19 =	sadd.s32 $0x8, s10  }
0xe: {  	s15 =	sadd.s32 $0x8, s11;
	s20 =	smov.u32 s11;
	p2 =	sgt.s32 s19, $0x5F  }
0xf: {  	s20 =	smov.u32 @p2 s15  }
0x10: {  	s21 =	smov.u32 s12;
	s15 =	sadd.s32 $0x4, s12;
	p3 =	sgt.s32 s20, $0x27  }
0x11: {  	s21 =	smov.u32 @p3 s15  }
0x12: {  	s22 =	smov.u32 s13;
	s15 =	sadd.s32 $0x8, s13;
	p4 =	sgt.s32 s21, $0x2  }
0x13: {  	p1 =	slt.u32 s14, $0x2;
	s22 =	smov.u32 @p4 s15  }
0x14: {  	s16 =	smov.u32 s11;
	s19 =	simm.s32 @p2 $0x0;
	p2 =	sgt.s32 s22, $0x7  }
0x15: {  	s23 =	simm.s32 @!p1 $0x2;
	s22 =	smov.u32 @p2 s5;
	p2 =	sne.s32 s14, s8  }
.Ltmp1:
0x16: {  	s17 =	smov.u32 s12;
	_ =	swait.ge @!p1 [sflag:s23], $0x4000;
	(pc) =	sbr.rel @!p2 .LBB1_8-.Ltmp1, $4  }
0x17: {  	s18 =	smov.u32 s13;
	[sflag:s23] =	ssyncset.done @!p1 $0x0;
	s20 =	simm.s32 @p3 $0x0  }
0x18: {  	p0 =	por !p0, !p0;
	[sflag:s23] =	ssyncadd.s32 @!p1 $0xFFFFC000;
	s11 =	smov.u32 s20  }
0x19: {  	s21 =	smov.u32 @p4 s6;
	s15 =	smov.u32 s10;
	s10 =	smov.u32 s19  }
0x1a: {  	s12 =	smov.u32 s21;
	s14 =	sadd.s32 $0x1, s14;
	s13 =	smov.u32 s22  }
.LBB1_1:
0x1b: {  	p1 =	sge.u32 s14, s7  }
0x1c: {  	s19 =	sshll.u32 @!p1 s10, $0x8;
	s20 =	sshll.u32 @!p1 s10, $0x7  }
0x1d: {  	s19 =	sand.u32 @!p1 $0xFFFFF800, s19;
	s20 =	sand.u32 @!p1 $0x300, s20  }
0x1e: {  	s21 =	smul.u32 @!p1 $0x5A000, s13;
	s19 =	sor.u32 @!p1 s20, s19  }
0x1f: {  	s22 =	smul.u32 @!p1 $0x1E000, s12;
	s19 =	sshrl.u32 @!p1 s19, $0x8  }
0x20: {  	s20 =	smulhi.u32 @!p1 $0x2AAAAAB, s19  }
0x21: {  	s31 =	sadd.s32 $0xFFFFFFFF, s14;
	s24 =	smul.u32 @!p1 $0xC00, s11  }
0x22: {  	s23 =	sxor.u32 @!p1 $0xFFFFFFFF, s14;
	s21 =	sadd.s32 @!p1 s2, s21;
	s20 =	smul.u32 @!p1 $0x60, s20  }
0x23: {  	s23 =	sshll.u32 @!p1 s23, $0xE;
	s21 =	sadd.s32 @!p1 s22, s21;
	s22 =	sshll.u32 @!p1 s10, $0x4  }
0x24: {  	s21 =	sadd.s32 @!p1 s24, s21;
	s19 =	ssub.s32 @!p1 s19, s20;
	s20 =	sand.u32 @!p1 $0x10, s22  }
0x25: {  	s22 =	sand.u32 @!p1 $0x4000, s23;
	s19 =	sshll.u32 @!p1 s19, $0x5;
	s20 =	sadd.s32 @!p1 s20, s21  }
0x26: {  	s21 =	simm.s32 @!p1 $0x6000;
	s19 =	sadd.s32 @!p1 s19, s20;
	s20 =	simm.s32 @!p1 $0x800  }
0x27: {  	[tilespmem:s22], [sflag:$0x1] =	stream.strided.gather @!p1 [hbm4b:s19+s20], $0x4000, s21, s20, $0x38;
	[tilespmem:$0x11000] =	vst v63  }
0x28: {  	p1 =	sge.u32 s31, s7  }
.Ltmp2:
0x29: {  	_ = 	snop;
	(pc) =	sbr.rel @p1 .LBB1_7-.Ltmp2, $1  }
0x2a: {  	_ =	sdelay $0x3  }
0x2b: {  	s19 =	simm.s32 $0x1;
	s22 =	sand.u32 $0x1, s14  }
0x2c: {  	_ =	swait.ge [sflag:s4], $0x4000;
	s19 =	simm.s32 @!p0 $0x0;
	s23 =	smul.u32 $0x12000, s22  }
0x2d: {  	s24 =	simm.s32 $0x0;
	[sflag:s4] =	ssyncset.done $0x0;
	s20 =	smul.u32 $0x12000, s19  }
0x2e: {  	s22 =	sshll.u32 s22, $0xE;
	s19 =	sshll.u32 s19, $0xE;
	[sflag:s4] =	ssyncadd.s32 $0xFFFFC000  }
0x2f: {  	s21 =	sor.u32 $0x410, s19;
	s31 =	sshrl.u32 s23, $0x2;
	s20 =	sshrl.u32 s20, $0x2  }
0x30: {  	s23 =	simm.s32 $0x0;
	s19 =	sor.u32 $0x8000, s31;
	s20 =	sor.u32 $0x8000, s20  }
.LBB1_3:
0x31: {  	s25 =	sshll.u32 s24, $0xB  }
0x32: {  	v2 =	vld [tilespmem:s21+$0xFFFFFBF0];
	v0 =	vmov s25  }
0x33: {  	v3 =	vld [tilespmem:s21+$0xFFFFFC00]  }
0x34: {  	s31 =	sand.u32 $0x300, s23;
	v4 =	vld [tilespmem:s21+$0xFFFFFC10]  }
0x35: {  	s26 =	sand.u32 $0x80, s23;
	v6 =	vld [tilespmem:s21+$0xFFFFFC20];
	s25 =	sadd.s32 s31, s22  }
0x36: {  	v7 =	vld [tilespmem:s21+$0xFFFFFC30];
	s25 =	sadd.s32 s26, s25  }
0x37: {  	v1 =	vld.idx.msk [tilespmem:v0+s25+$0x400 ss:$0x1], $0xffff;
	s25 =	sadd.s32 $0x0, s20  }
0x38: {  	v8 =	vld [tilespmem:s21+$0xFFFFFC40];
	[tilespmem:s25+$0x0 ss:$0x9] =	vst.msk $0xffff, v2  }
0x39: {  	v9 =	vld [tilespmem:s21+$0xFFFFFC50];
	[tilespmem:s25+$0x90 ss:$0x9] =	vst.msk $0xffff, v3  }
0x3a: {  	v5 =	vld [tilespmem:s21+$0xFFFFFC60];
	[tilespmem:s25+$0x120 ss:$0x9] =	vst.msk $0xffff, v4  }
0x3b: {  	v4 =	vld [tilespmem:s21+$0x0];
	[tilespmem:s25+$0x1B0 ss:$0x9] =	vst.msk $0xffff, v6  }
0x3c: {  	v3 =	vld [tilespmem:s21+$0x10];
	[tilespmem:s25+$0x240 ss:$0x9] =	vst.msk $0xffff, v7  }
0x3d: {  	[tilespmem:s25+$0x2D0 ss:$0x9] =	vst.msk $0xffff, v8;
	v2 =	vld [tilespmem:s21+$0x30]  }
0x3e: {  	s28 =	simm.s32 $0x80;
	s29 =	simm.s32 $0x4800;
	[tilespmem:s25+$0x480 ss:$0x9] =	vst.msk $0xffff, v1;
	v1 =	vld [tilespmem:s21+$0x20]  }
0x3f: {  	s27 =	smov.u32 s21;
	s30 =	sand.u32 $0x300, s28;
	s26 =	simm.s32 $0x2400;
	[tilespmem:s25+$0x360 ss:$0x9] =	vst.msk $0xffff, v9;
	v6 =	vld [tilespmem:s21+$0x40]  }
.LBB1_4:
0x40: {  	p1 =	sne.s32 s29, $0xFC00;
	s31 =	sand.u32 $0x80, s28;
	s30 =	sadd.s32 s30, s22;
	[tilespmem:s25+$0x3F0 ss:$0x9] =	vst.msk $0xffff, v5;
	v5 =	vld [tilespmem:s27+$0x50]  }
0x41: {  	s30 =	sadd.s32 s31, s30;
	[tilespmem:s25+$0x510 ss:$0x9] =	vst.msk $0xffff, v4;
	v4 =	vld [tilespmem:s27+$0x60]  }
0x42: {  	s27 =	sadd.s32 $0x80, s27;
	v7 =	vld.idx.msk [tilespmem:v0+s30+$0x400 ss:$0x1], $0xffff;
	[tilespmem:s25+$0x5A0 ss:$0x9] =	vst.msk $0xffff, v3  }
0x43: {  	v3 =	vld [tilespmem:s27+$0xFFFFFBF0];
	[tilespmem:s25+$0x630 ss:$0x9] =	vst.msk $0xffff, v1  }
0x44: {  	v1 =	vld [tilespmem:s27+$0xFFFFFC00];
	[tilespmem:s25+$0x6C0 ss:$0x9] =	vst.msk $0xffff, v2  }
0x45: {  	v2 =	vld [tilespmem:s27+$0xFFFFFC10];
	[tilespmem:s25+$0x750 ss:$0x9] =	vst.msk $0xffff, v6  }
0x46: {  	s30 =	sshra.s32 s26, $0x2;
	s26 =	smov.u32 s29;
	v6 =	vld [tilespmem:s27+$0xFFFFFC20];
	[tilespmem:s25+$0x7E0 ss:$0x9] =	vst.msk $0xffff, v5  }
0x47: {  	v8 =	vld [tilespmem:s27+$0xFFFFFC30];
	[tilespmem:s25+$0x870 ss:$0x9] =	vst.msk $0xffff, v4;
	s25 =	sadd.s32 s30, s20  }
0x48: {  	v9 =	vld [tilespmem:s27+$0xFFFFFC40];
	[tilespmem:s25+$0x480 ss:$0x9] =	vst.msk $0xffff, v7  }
0x49: {  	[tilespmem:s25+$0x0 ss:$0x9] =	vst.msk $0xffff, v3;
	v7 =	vld [tilespmem:s27+$0xFFFFFC50]  }
0x4a: {  	[tilespmem:s25+$0x90 ss:$0x9] =	vst.msk $0xffff, v1;
	v5 =	vld [tilespmem:s27+$0xFFFFFC60]  }
.Ltmp3:
0x4b: {  	[tilespmem:s25+$0x120 ss:$0x9] =	vst.msk $0xffff, v2;
	v4 =	vld [tilespmem:s27+$0x0];
	(pc) =	sbr.rel @p1 .LBB1_4-.Ltmp3, $4  }
0x4c: {  	[tilespmem:s25+$0x1B0 ss:$0x9] =	vst.msk $0xffff, v6;
	v3 =	vld [tilespmem:s27+$0x10]  }
0x4d: {  	[tilespmem:s25+$0x240 ss:$0x9] =	vst.msk $0xffff, v8;
	v1 =	vld [tilespmem:s27+$0x20]  }
0x4e: {  	s28 =	sadd.s32 $0x80, s28;
	[tilespmem:s25+$0x2D0 ss:$0x9] =	vst.msk $0xffff, v9;
	v2 =	vld [tilespmem:s27+$0x30]  }
0x4f: {  	s29 =	sadd.s32 $0x2400, s29;
	s30 =	sand.u32 $0x300, s28;
	[tilespmem:s25+$0x360 ss:$0x9] =	vst.msk $0xffff, v7;
	v6 =	vld [tilespmem:s27+$0x40]  }
0x50: {  	[tilespmem:s25+$0x3F0 ss:$0x9] =	vst.msk $0xffff, v5  }
0x51: {  	v47 =	vld [tilespmem:s27+$0x50];
	[tilespmem:s25+$0x510 ss:$0x9] =	vst.msk $0xffff, v4  }
0x52: {  	v48 =	vld [tilespmem:s27+$0x60];
	s31 =	sadd.s32 $0x80, s27;
	[tilespmem:s25+$0x5A0 ss:$0x9] =	vst.msk $0xffff, v3  }
0x53: {  	v49 =	vld [tilespmem:s31+$0xFFFFFBF0];
	[tilespmem:s25+$0x630 ss:$0x9] =	vst.msk $0xffff, v1  }
0x54: {  	v50 =	vld [tilespmem:s31+$0xFFFFFC00];
	[tilespmem:s25+$0x6C0 ss:$0x9] =	vst.msk $0xffff, v2  }
0x55: {  	v51 =	vld [tilespmem:s31+$0xFFFFFC10];
	[tilespmem:s25+$0x750 ss:$0x9] =	vst.msk $0xffff, v6  }
0x56: {  	s26 =	sshra.s32 s26, $0x2;
	v52 =	vld [tilespmem:s31+$0xFFFFFC20];
	[tilespmem:s25+$0x7E0 ss:$0x9] =	vst.msk $0xffff, v47  }
0x57: {  	s26 =	sadd.s32 s26, s20;
	v53 =	vld [tilespmem:s31+$0xFFFFFC30];
	[tilespmem:s25+$0x870 ss:$0x9] =	vst.msk $0xffff, v48  }
0x58: {  	v54 =	vld [tilespmem:s31+$0xFFFFFC40];
	[tilespmem:s26+$0x0 ss:$0x9] =	vst.msk $0xffff, v49  }
0x59: {  	v55 =	vld [tilespmem:s31+$0xFFFFFC50];
	[tilespmem:s26+$0x90 ss:$0x9] =	vst.msk $0xffff, v50  }
0x5a: {  	v56 =	vld [tilespmem:s31+$0xFFFFFC60];
	[tilespmem:s26+$0x120 ss:$0x9] =	vst.msk $0xffff, v51  }
0x5b: {  	v57 =	vld [tilespmem:s31+$0x0];
	[tilespmem:s26+$0x1B0 ss:$0x9] =	vst.msk $0xffff, v52  }
0x5c: {  	v58 =	vld [tilespmem:s31+$0x10];
	[tilespmem:s26+$0x240 ss:$0x9] =	vst.msk $0xffff, v53  }
0x5d: {  	v59 =	vld [tilespmem:s31+$0x20];
	[tilespmem:s26+$0x2D0 ss:$0x9] =	vst.msk $0xffff, v54  }
0x5e: {  	v60 =	vld [tilespmem:s31+$0x30];
	[tilespmem:s26+$0x360 ss:$0x9] =	vst.msk $0xffff, v55  }
0x5f: {  	v61 =	vld [tilespmem:s31+$0x40];
	[tilespmem:s26+$0x3F0 ss:$0x9] =	vst.msk $0xffff, v56  }
0x60: {  	s28 =	sand.u32 $0x80, s28;
	s29 =	sadd.s32 s30, s22;
	v62 =	vld [tilespmem:s31+$0x50];
	[tilespmem:s26+$0x510 ss:$0x9] =	vst.msk $0xffff, v57  }
0x61: {  	s24 =	sadd.s32 $0x1, s24;
	s28 =	sadd.s32 s28, s29;
	v63 =	vld [tilespmem:s31+$0x60];
	[tilespmem:s26+$0x5A0 ss:$0x9] =	vst.msk $0xffff, v58  }
0x62: {  	p1 =	sne.s32 s24, $0x8;
	v0 =	vld.idx.msk [tilespmem:v0+s28+$0x400 ss:$0x1], $0xffff;
	[tilespmem:s26+$0x630 ss:$0x9] =	vst.msk $0xffff, v59  }
.Ltmp4:
0x63: {  	[tilespmem:s26+$0x6C0 ss:$0x9] =	vst.msk $0xffff, v60;
	(pc) =	sbr.rel @p1 .LBB1_3-.Ltmp4, $4  }
0x64: {  	[tilespmem:s26+$0x750 ss:$0x9] =	vst.msk $0xffff, v61  }
0x65: {  	[tilespmem:s26+$0x7E0 ss:$0x9] =	vst.msk $0xffff, v62  }
0x66: {  	[tilespmem:s26+$0x870 ss:$0x9] =	vst.msk $0xffff, v63  }
0x67: {  	s21 =	sadd.s32 $0x800, s21;
	s20 =	sadd.s32 $0x1, s20;
	[tilespmem:s26+$0x480 ss:$0x9] =	vst.msk $0xffff, v0  }
0x68: {  	s18 =	smul.u32 $0x120000, s18  }
0x69: {  	s17 =	smul.u32 $0x60000, s17  }
0x6a: {  	s20 =	sand.u32 $0xF80, s16;
	s18 =	sadd.s32 s3, s18  }
.Ltmp5:
0x6b: {  	s15 =	sshll.u32 s15, $0xC;
	s17 =	sadd.s32 s17, s18;
	(pc) =	sbr.rel .LBB1_7-.Ltmp5, $4  }
0x6c: {  	s30 =	sshrl.u32 s16, $0x3;
	s31 =	sand.u32 $0x7, s16;
	s17 =	sadd.s32 s20, s17  }
0x6d: {  	s16 =	sshll.u32 s31, $0x12;
	s18 =	sand.u32 $0xF, s30;
	s15 =	sadd.s32 s15, s17  }
0x6e: {  	s16 =	sor.u32 $0x8, s16;
	s15 =	sadd.s32 s18, s15  }
0x6f: {  	[hbm4b:s15+s16] =	stream.strided.scatter [tilespmem:s19], [sflag:$0x2], $0x4000, s9, s16, $0x0;
	[tilespmem:$0x11000] =	vst v63  }
.LBB1_8:
0x70: {  	_ =	sfence.sel $0x180000  }
0x71: {  	s2 =	simm.s32 $0x1;
	[bflag:$0x0] =	sbarrier.arrive $0xFFFF  }
0x72: {  	s31 =	simm.s32 $0x2;
	[sflag:s2] =	ssyncpa.u1 $0x1  }
0x73: {  	[sflag:s31] =	ssyncpa.u1 $0x1  }
0x74: {  	p0 =	sne.s32 s1, $0x0;
	_ =	strace $0x9000006E  }
0x75: {  	s0 =	sadd.s32 @!p0 $0x100000, s0;
	[bflag:$0x2] =	sbarrier.arrive $0xFFFF  }
0x76: {  	[sflag:s0] =	ssyncadd.tile.s32 @!p0 $0x1;
	_ =	shalt  }
.Lfunc_end1:
_tile_overlayer_lowered:
.L_overlay_start_2:
0x77: {  	(tag) =	ssettag $0x2  }
0x78: {  	s0 =	rddreg [dreg:$0x0];
	s2 =	stileid.u32  }
0x79: {  	s1 =	rddreg [dreg:$0x1];
	p0 =	sne.s32 s2, $0x0  }
0x7a: {  	s3 =	rddreg [dreg:$0x2];
	[bflag:$0x3] =	sbarrier.arrive $0xFFFF;
	s2 =	simm.s32 @!p0 $0x1C01  }
0x7b: {  	[timem:s3], [sflag:s2] =	dma.local @!p0 [hbm:s0], s1  }
0x7c: {  	s0 =	simm.s32 @!p0 $0x1  }
0x7d: {  	_ =	swait.ge @!p0 [sflag:s0], s1  }
0x7e: {  	s1 =	ssub.s32 @!p0 $0x0, s1;
	[sflag:s0] =	ssyncset.done @!p0 $0x0  }
0x7f: {  	[sflag:s0] =	ssyncadd.s32 @!p0 s1  }
0x80: {  	[bflag:$0x3] =	sbarrier.arrive $0xFFFF  }
0x81: {  	_ =	shalt  }

// kernel: sparse-core-data-format-call.12.cloned.1.call-start
scs
called_computation.12_lowered:
.L_overlay_start_0:
0x0: {  	s2 =	sld [smem:$0x3FD9]  }
0x1: {  	s3 =	sld [smem:$0x3FFE];
	_ =	sdelay $0x1  }
0x2: {  	s1 =	srdreg.scid  }
0x3: {  	s0 =	sand.u32 $0x1, s1  }
0x4: {  	s18 =	sshll.u32 s0, $0xA;
	s2 =	sadd.s32 s3, s2  }
0x5: {  	s2 =	sadd.s32 s2, s18  }
0x6: {  	[smem:$0x3FA3] =	sst s2  }
0x7: {  	_ = 	snop  }
0x8: {  	(tm) =	ssettm $0x1  }
0x9: {  	s19 =	sld [smem:$0x3FFB];
	_ =	sdelay $0x3  }
0xa: {  	_ =	strace s19  }
0xb: {  	s2 =	sld [smem:$0x3FFC];
	_ =	sdelay $0x3  }
0xc: {  	_ =	strace s2  }
0xd: {  	s2 =	sld [smem:$0x3FFD];
	_ =	sdelay $0x3  }
0xe: {  	_ =	strace s2  }
0xf: {  	_ =	strace $0x8FFFFFFF  }
0x10: {  	s20 =	sld [smem:$0x3FDB];
	_ =	sdelay $0x1  }
0x11: {  	s21 =	simm.s32 $_scs_section_size  }
0x12: {  	s4 =	simm.s32 $_size__tile_overlayer_lowered;
	s5 =	simm.s32 $_tile_overlayer_lowered  }
0x13: {  	s6 =	simm.s32 $0x1BFF;
	s22 =	sshll.u32 s5, $0x1;
	s3 =	sadd.s32 s21, s20  }
0x14: {  	s23 =	simm.s32 $0x0;
	s4 =	sshll.u32 s4, $0x1;
	s5 =	sadd.s32 s22, s3  }
0x15: {  	[timem:s23], [sflag:s6] =	dma.local [hbm:s5], s4  }
0x16: {  	_ =	swait.ge [sflag:s6], s4  }
0x17: {  	s4 =	ssub.s32 $0x0, s4;
	[sflag:s6] =	ssyncset.done $0x0  }
0x18: {  	[sflag:s6] =	ssyncadd.s32 s4;
	_ =	sdelay $0x1  }
0x19: {  	s24 =	simm.s32 $0x1B8B  }
0x1a: {  	_ =	swait.ge [sflag:s24], $0x1  }
0x1b: {  	[sflag:s24] =	ssyncset.done $0x0  }
0x1c: {  	[sflag:s24] =	ssyncadd.s32 $0xFFFFFFFF  }
0x1d: {  	s4 =	sld [smem:$0x0]  }
0x1e: {  	s5 =	sand.u32 $0xFFFFFFFE, s1  }
0x1f: {  	p0 =	sne.s32 s1, s5  }
0x20: {  	s5 =	sshll.u32 @p0 s5, $0xE  }
0x21: {  	s5 =	sadd.s32 @p0 $0x11B8D, s5;
	s6 =	sshll.u32 @p0 s4, $0x11  }
0x22: {  	s5 =	sor.u32 @p0 s6, s5  }
0x23: {  	[sflag:s5] =	ssyncadd.remote.s32 @p0 $0x1;
	_ =	sdelay $0x1  }
0x24: {  	s5 =	simm.s32 @p0 $0x1B8D  }
0x25: {  	_ =	swait.eq @p0 [sflag:s5], $0x1  }
0x26: {  	[sflag:s5] =	ssyncadd.s32 @p0 $0xFFFFFFFF  }
0x27: {  	s6 =	sshll.u32 @!p0 s1, $0xE  }
0x28: {  	s6 =	sor.u32 @!p0 $0x4000, s6;
	s5 =	simm.s32 @!p0 $0x1B8D  }
0x29: {  	s4 =	sshll.u32 @!p0 s4, $0x11;
	s6 =	sadd.s32 @!p0 $0x11B8D, s6;
	_ =	swait.eq @!p0 [sflag:s5], $0x1  }
0x2a: {  	s4 =	sor.u32 @!p0 s4, s6;
	[sflag:s5] =	ssyncadd.s32 @!p0 $0xFFFFFFFF  }
0x2b: {  	s26 =	simm.s32 $0x1B8E;
	s25 =	sld [smem:$0x3FFE];
	[sflag:s4] =	ssyncadd.remote.s32 @!p0 $0x1  }
0x2c: {  	s27 =	simm.s32 $execute0_lowered;
	[smem:$0x3FD2] =	sst s26  }
0x2d: {  	s5 =	sshll.u32 s27, $0x1;
	_ =	strace $0x80000076;
	[dreg:$0x1] =	wrdreg $0xFFFFFFFF  }
0x2e: {  	s28 =	simm.s32 $_size_execute0_lowered;
	s3 =	sadd.s32 s3, s5;
	[dreg:$0x0] =	wrdreg $0x0  }
0x2f: {  	s5 =	sshll.u32 s28, $0x1;
	[dreg:$0x2] =	wrdreg s3  }
0x30: {  	[dreg:$0x3] =	wrdreg s5  }
0x31: {  	[dreg:$0x4] =	wrdreg $0xC0  }
0x32: {  	_ =	task [dreg:s23], $0x5FFFF  }
0x33: {  	[dreg:$0x1] =	wrdreg $0xFFFFFFFF  }
0x34: {  	[dreg:$0x0] =	wrdreg $0x60  }
0x35: {  	[dreg:$0x2] =	wrdreg s25  }
0x36: {  	[dreg:$0x3] =	wrdreg $0x9  }
0x37: {  	_ =	task.clear_ibuf [dreg:s23], $0x4FFFF;
	_ =	strace $0x90000076  }
0x38: {  	s29 =	simm.s32 $0x9;
	_ =	strace $0x80000078  }
0x39: {  	_ =	swait.ge [sflag:s29], $0x1  }
0x3a: {  	[sflag:s29] =	ssyncadd.s32 $0xFFFFFFFF  }
0x3b: {  	_ =	strace $0x90000078  }
0x3c: {  	_ =	sfence  }
0x3d: {  	s30 =	sld [smem:$0x0];
	_ =	sdelay $0x2  }
0x3e: {  	s31 =	sshll.u32 s1, $0xD;
	s1 =	sshrl.u32 s1, $0x2  }
0x3f: {  	s4 =	sand.u32 $0x4000, s31;
	s1 =	sadd.s32 s1, s30  }
0x40: {  	s0 =	sor.u32 s4, s0;
	s1 =	sshll.u32 s1, $0x11  }
0x41: {  	s0 =	sor.u32 s1, s0  }
0x42: {  	s0 =	sadd.s32 $0x8F2B, s0  }
0x43: {  	[sflag:s0] =	ssyncadd.remote.s32 $0x1  }
0x44: {  	_ =	sfence.sel $0xFFFF  }
0x45: {  	[dreg:$0x0] =	wrdreg $0xFFFFFFFF;
	(pc) =	sbr.abs _section_cstart, $3  }
0x46: {  	[dreg:$0x1] =	wrdreg $0xFFFFFFFF  }
0x47: {  	_ =	task.clear_ibuf [dreg:s23], $0x2FFFF;
	_ =	strace $0x9FFFFFFF  }
0x48: {  	(tm) =	ssettm $0x7FFFFFFF  }
0x49: {  	_ =	shalt  }
tec
execute0_lowered:
.L_overlay_start_1:
0x0: {  	(tag) =	ssettag $0x1  }
0x1: {  	s3 =	rddreg [dreg:$0x0]  }
0x2: {  	s0 =	rddreg [dreg:$0x1]  }
0x3: {  	s1 =	srdreg.scid;
	_ =	strace $0x80000077;
	s8 =	simm.s32 $0x2  }
0x4: {  	s7 =	simm.s32 $0x0;
	s15 =	simm.s32 $0x0;
	s9 =	simm.s32 $0x80  }
0x5: {  	s16 =	simm.s32 $0x0;
	s17 =	simm.s32 $0x0;
	s18 =	simm.s32 $0x0  }
0x6: {  	s10 =	simm.s32 $0x0;
	s11 =	simm.s32 $0x0;
	s4 =	sshll.u32 s1, $0x4  }
0x7: {  	s14 =	simm.s32 $0x0;
	s1 =	stileid.u32;
	s4 =	sand.u32 $0x10, s4  }
.Ltmp0:
0x8: {  	s2 =	sadd.s32 $0x30A00, s3;
	s6 =	sor.u32 s1, s4;
	(pc) =	sbr.rel .LBB1_1-.Ltmp0, $4  }
0x9: {  	s3 =	sadd.s32 $0x1F43400, s3;
	s4 =	simm.s32 $0x1;
	s6 =	sshrl.u32 s6, $0x3  }
0xa: {  	s5 =	sand.u32 $0x7, s1;
	[sflag:s4] =	ssyncpa.u1 $0x0;
	p0 =	seq.s32 s6, $0x3  }
0xb: {  	s13 =	smov.u32 s5;
	[sflag:s8] =	ssyncpa.u1 $0x0;
	s7 =	simm.s32 @!p0 $0x3C  }
0xc: {  	s12 =	smov.u32 s6;
	p0 =	por $0x0, $0x0;
	s8 =	sor.u32 $0x1, s7  }
.LBB1_7:
0xd: {  	s19 =	sadd.s32 $0x10, s10  }
0xe: {  	s15 =	sadd.s32 $0x8, s11;
	s20 =	smov.u32 s11;
	p2 =	sgt.s32 s19, $0xBF  }
0xf: {  	s20 =	smov.u32 @p2 s15  }
0x10: {  	s21 =	smov.u32 s12;
	s15 =	sadd.s32 $0x4, s12;
	p3 =	sgt.s32 s20, $0x27  }
0x11: {  	s21 =	smov.u32 @p3 s15  }
0x12: {  	s22 =	smov.u32 s13;
	s15 =	sadd.s32 $0x8, s13;
	p4 =	sgt.s32 s21, $0x2  }
0x13: {  	p1 =	slt.u32 s14, $0x2;
	s22 =	smov.u32 @p4 s15  }
0x14: {  	s16 =	smov.u32 s11;
	s19 =	simm.s32 @p2 $0x0;
	p2 =	sgt.s32 s22, $0x7  }
0x15: {  	s23 =	simm.s32 @!p1 $0x2;
	s22 =	smov.u32 @p2 s5;
	p2 =	sne.s32 s14, s8  }
.Ltmp1:
0x16: {  	s17 =	smov.u32 s12;
	_ =	swait.ge @!p1 [sflag:s23], $0x4000;
	(pc) =	sbr.rel @!p2 .LBB1_8-.Ltmp1, $4  }
0x17: {  	s18 =	smov.u32 s13;
	[sflag:s23] =	ssyncset.done @!p1 $0x0;
	s20 =	simm.s32 @p3 $0x0  }
0x18: {  	p0 =	por !p0, !p0;
	[sflag:s23] =	ssyncadd.s32 @!p1 $0xFFFFC000;
	s11 =	smov.u32 s20  }
0x19: {  	s21 =	smov.u32 @p4 s6;
	s15 =	smov.u32 s10;
	s10 =	smov.u32 s19  }
0x1a: {  	s12 =	smov.u32 s21;
	s14 =	sadd.s32 $0x1, s14;
	s13 =	smov.u32 s22  }
.LBB1_1:
0x1b: {  	p1 =	sge.u32 s14, s7  }
0x1c: {  	s19 =	sand.u32 @!p1 $0x1FFFFFF, s10;
	s21 =	smul.u32 @!p1 $0x5A000, s13  }
0x1d: {  	s20 =	smulhi.u32 @!p1 $0x1555556, s19  }
0x1e: {  	s22 =	smul.u32 @!p1 $0x1E000, s12  }
0x1f: {  	s31 =	sadd.s32 $0xFFFFFFFF, s14;
	s20 =	smul.u32 @!p1 $0xC0, s20  }
0x20: {  	s23 =	sxor.u32 @!p1 $0xFFFFFFFF, s14;
	s24 =	smul.u32 @!p1 $0xC00, s11;
	s21 =	sadd.s32 @!p1 s2, s21  }
0x21: {  	s21 =	sadd.s32 @!p1 s22, s21;
	s22 =	simm.s32 @!p1 $0x6000;
	s19 =	ssub.s32 @!p1 s19, s20  }
0x22: {  	s21 =	sadd.s32 @!p1 s24, s21;
	s20 =	sshll.u32 @!p1 s23, $0xE;
	s19 =	sshll.u32 @!p1 s19, $0x4  }
0x23: {  	s20 =	sand.u32 @!p1 $0x4000, s20;
	s19 =	sadd.s32 @!p1 s19, s21;
	s21 =	simm.s32 @!p1 $0x800  }
0x24: {  	[tilespmem:s20], [sflag:$0x1] =	stream.strided.gather @!p1 [hbm4b:s19+s21], $0x4000, s22, s21, $0x38;
	[tilespmem:$0x11000] =	vst v63  }
0x25: {  	p1 =	sge.u32 s31, s7  }
.Ltmp2:
0x26: {  	_ = 	snop;
	(pc) =	sbr.rel @p1 .LBB1_7-.Ltmp2, $1  }
0x27: {  	_ =	sdelay $0x3  }
0x28: {  	s19 =	simm.s32 $0x1;
	s21 =	sand.u32 $0x1, s14  }
0x29: {  	_ =	swait.ge [sflag:s4], $0x4000;
	s19 =	simm.s32 @!p0 $0x0;
	s22 =	smul.u32 $0x12000, s21  }
0x2a: {  	[sflag:s4] =	ssyncset.done $0x0;
	s20 =	smul.u32 $0x12000, s19  }
0x2b: {  	s19 =	sshll.u32 s19, $0xE;
	[sflag:s4] =	ssyncadd.s32 $0xFFFFC000  }
0x2c: {  	s21 =	sor.u32 $0x40, s19;
	s31 =	sshrl.u32 s22, $0x2;
	s20 =	sshrl.u32 s20, $0x2  }
0x2d: {  	s22 =	simm.s32 $0x0;
	s19 =	sor.u32 $0x8000, s31;
	s20 =	sor.u32 $0x8000, s20  }
.LBB1_3:
0x2e: {  	v0 =	vld [tilespmem:s21+$0x30]  }
0x2f: {  	v1 =	vld [tilespmem:s21+$0xFFFFFFD0]  }
0x30: {  	v5 =	vld [tilespmem:s21+$0xFFFFFFE0]  }
0x31: {  	v6 =	vld [tilespmem:s21+$0xFFFFFFF0]  }
0x32: {  	s23 =	sadd.s32 $0x0, s20;
	v2 =	vld [tilespmem:s21+$0x0]  }
0x33: {  	v3 =	vld [tilespmem:s21+$0x10];
	[tilespmem:s23+$0x3F0 ss:$0x9] =	vst.msk $0xffff, v0  }
0x34: {  	v4 =	vld [tilespmem:s21+$0x20];
	[tilespmem:s23+$0x90 ss:$0x9] =	vst.msk $0xffff, v1  }
0x35: {  	s24 =	sadd.s32 $0x80, s21;
	v0 =	vld [tilespmem:s21+$0xFFFFFFC0];
	[tilespmem:s23+$0x120 ss:$0x9] =	vst.msk $0xffff, v5  }
0x36: {  	s25 =	simm.s32 $0x1200;
	s26 =	simm.s32 $0x2400;
	v1 =	vld [tilespmem:s24+$0x30];
	[tilespmem:s23+$0x1B0 ss:$0x9] =	vst.msk $0xffff, v6  }
.LBB1_4:
0x37: {  	p1 =	sne.s32 s26, $0x10E00;
	v5 =	vld [tilespmem:s24+$0xFFFFFFD0];
	[tilespmem:s23+$0x240 ss:$0x9] =	vst.msk $0xffff, v2  }
0x38: {  	v6 =	vld [tilespmem:s24+$0xFFFFFFE0];
	[tilespmem:s23+$0x2D0 ss:$0x9] =	vst.msk $0xffff, v3  }
0x39: {  	s27 =	sshra.s32 s25, $0x2;
	s25 =	smov.u32 s26;
	v7 =	vld [tilespmem:s24+$0xFFFFFFF0];
	[tilespmem:s23+$0x360 ss:$0x9] =	vst.msk $0xffff, v4  }
.Ltmp3:
0x3a: {  	v2 =	vld [tilespmem:s24+$0x0];
	[tilespmem:s23+$0x0 ss:$0x9] =	vst.msk $0xffff, v0;
	s23 =	sadd.s32 s27, s20;
	(pc) =	sbr.rel @p1 .LBB1_4-.Ltmp3, $4  }
0x3b: {  	v3 =	vld [tilespmem:s24+$0x10];
	[tilespmem:s23+$0x3F0 ss:$0x9] =	vst.msk $0xffff, v1  }
0x3c: {  	[tilespmem:s23+$0x90 ss:$0x9] =	vst.msk $0xffff, v5;
	v4 =	vld [tilespmem:s24+$0x20]  }
0x3d: {  	v0 =	vld [tilespmem:s24+$0xFFFFFFC0];
	[tilespmem:s23+$0x120 ss:$0x9] =	vst.msk $0xffff, v6;
	s24 =	sadd.s32 $0x80, s24  }
0x3e: {  	s26 =	sadd.s32 $0x1200, s26;
	v1 =	vld [tilespmem:s24+$0x30];
	[tilespmem:s23+$0x1B0 ss:$0x9] =	vst.msk $0xffff, v7  }
0x3f: {  	v5 =	vld [tilespmem:s24+$0xFFFFFFD0];
	[tilespmem:s23+$0x240 ss:$0x9] =	vst.msk $0xffff, v2  }
0x40: {  	v58 =	vld [tilespmem:s24+$0xFFFFFFE0];
	[tilespmem:s23+$0x2D0 ss:$0x9] =	vst.msk $0xffff, v3  }
0x41: {  	s25 =	sshra.s32 s25, $0x2;
	v59 =	vld [tilespmem:s24+$0xFFFFFFF0];
	[tilespmem:s23+$0x360 ss:$0x9] =	vst.msk $0xffff, v4  }
0x42: {  	v60 =	vld [tilespmem:s24+$0x0];
	s25 =	sadd.s32 s25, s20;
	[tilespmem:s23+$0x0 ss:$0x9] =	vst.msk $0xffff, v0  }
0x43: {  	v61 =	vld [tilespmem:s24+$0x10];
	[tilespmem:s25+$0x3F0 ss:$0x9] =	vst.msk $0xffff, v1  }
0x44: {  	v62 =	vld [tilespmem:s24+$0x20];
	s22 =	sadd.s32 $0x1, s22;
	[tilespmem:s25+$0x90 ss:$0x9] =	vst.msk $0xffff, v5  }
0x45: {  	v63 =	vld [tilespmem:s24+$0xFFFFFFC0];
	p1 =	sne.s32 s22, $0x8;
	[tilespmem:s25+$0x120 ss:$0x9] =	vst.msk $0xffff, v58  }
.Ltmp4:
0x46: {  	[tilespmem:s25+$0x1B0 ss:$0x9] =	vst.msk $0xffff, v59;
	(pc) =	sbr.rel @p1 .LBB1_3-.Ltmp4, $4  }
0x47: {  	[tilespmem:s25+$0x240 ss:$0x9] =	vst.msk $0xffff, v60  }
0x48: {  	[tilespmem:s25+$0x2D0 ss:$0x9] =	vst.msk $0xffff, v61  }
0x49: {  	[tilespmem:s25+$0x360 ss:$0x9] =	vst.msk $0xffff, v62  }
0x4a: {  	s21 =	sadd.s32 $0x800, s21;
	s20 =	sadd.s32 $0x1, s20;
	[tilespmem:s25+$0x0 ss:$0x9] =	vst.msk $0xffff, v63  }
0x4b: {  	s18 =	smul.u32 $0x120000, s18  }
0x4c: {  	s17 =	smul.u32 $0x60000, s17  }
0x4d: {  	s20 =	sand.u32 $0x780, s16;
	s18 =	sadd.s32 s3, s18  }
.Ltmp5:
0x4e: {  	s15 =	sshll.u32 s15, $0xB;
	s17 =	sadd.s32 s17, s18;
	(pc) =	sbr.rel .LBB1_7-.Ltmp5, $4  }
0x4f: {  	s30 =	sshrl.u32 s16, $0x3;
	s31 =	sand.u32 $0x7, s16;
	s17 =	sadd.s32 s20, s17  }
0x50: {  	s16 =	sshll.u32 s31, $0x12;
	s18 =	sand.u32 $0xF, s30;
	s15 =	sadd.s32 s15, s17  }
0x51: {  	s16 =	sor.u32 $0x8, s16;
	s15 =	sadd.s32 s18, s15  }
0x52: {  	[hbm4b:s15+s16] =	stream.strided.scatter [tilespmem:s19], [sflag:$0x2], $0x4000, s9, s16, $0x0;
	[tilespmem:$0x11000] =	vst v63  }
.LBB1_8:
0x53: {  	_ =	sfence.sel $0x180000  }
0x54: {  	s2 =	simm.s32 $0x1;
	[bflag:$0x0] =	sbarrier.arrive $0xFFFF  }
0x55: {  	s31 =	simm.s32 $0x2;
	[sflag:s2] =	ssyncpa.u1 $0x1  }
0x56: {  	[sflag:s31] =	ssyncpa.u1 $0x1  }
0x57: {  	p0 =	sne.s32 s1, $0x0;
	_ =	strace $0x90000077  }
0x58: {  	s0 =	sadd.s32 @!p0 $0x100000, s0;
	[bflag:$0x2] =	sbarrier.arrive $0xFFFF  }
0x59: {  	[sflag:s0] =	ssyncadd.tile.s32 @!p0 $0x1;
	_ =	shalt  }
.Lfunc_end1:
_tile_overlayer_lowered:
.L_overlay_start_2:
0x5a: {  	(tag) =	ssettag $0x2  }
0x5b: {  	s0 =	rddreg [dreg:$0x0];
	s2 =	stileid.u32  }
0x5c: {  	s1 =	rddreg [dreg:$0x1];
	p0 =	sne.s32 s2, $0x0  }
0x5d: {  	s3 =	rddreg [dreg:$0x2];
	[bflag:$0x3] =	sbarrier.arrive $0xFFFF;
	s2 =	simm.s32 @!p0 $0x1C01  }
0x5e: {  	[timem:s3], [sflag:s2] =	dma.local @!p0 [hbm:s0], s1  }
0x5f: {  	s0 =	simm.s32 @!p0 $0x1  }
0x60: {  	_ =	swait.ge @!p0 [sflag:s0], s1  }
0x61: {  	s1 =	ssub.s32 @!p0 $0x0, s1;
	[sflag:s0] =	ssyncset.done @!p0 $0x0  }
0x62: {  	[sflag:s0] =	ssyncadd.s32 @!p0 s1  }
0x63: {  	[bflag:$0x3] =	sbarrier.arrive $0xFFFF  }
0x64: {  	_ =	shalt  }

// kernel: sparse-core-data-format-call.2.cloned.1.call-start
scs
called_computation.2_lowered:
.L_overlay_start_0:
0x0: {  	s1 =	sld [smem:$0x3FD9]  }
0x1: {  	s2 =	sld [smem:$0x3FFE];
	_ =	sdelay $0x1  }
0x2: {  	s3 =	srdreg.scid  }
0x3: {  	s0 =	sand.u32 $0x1, s3  }
0x4: {  	s17 =	sshll.u32 s0, $0xA;
	s1 =	sadd.s32 s2, s1  }
0x5: {  	s1 =	sadd.s32 s1, s17  }
0x6: {  	[smem:$0x3FA3] =	sst s1  }
0x7: {  	_ = 	snop  }
0x8: {  	(tm) =	ssettm $0x1  }
0x9: {  	s18 =	sld [smem:$0x3FFB];
	_ =	sdelay $0x3  }
0xa: {  	_ =	strace s18  }
0xb: {  	s1 =	sld [smem:$0x3FFC];
	_ =	sdelay $0x3  }
0xc: {  	_ =	strace s1  }
0xd: {  	s1 =	sld [smem:$0x3FFD];
	_ =	sdelay $0x3  }
0xe: {  	_ =	strace s1  }
0xf: {  	_ =	strace $0x8FFFFFFF  }
0x10: {  	s19 =	sld [smem:$0x3FDB];
	_ =	sdelay $0x1  }
0x11: {  	s20 =	simm.s32 $_scs_section_size  }
0x12: {  	s4 =	simm.s32 $_size__tile_overlayer_lowered;
	s5 =	simm.s32 $_tile_overlayer_lowered  }
0x13: {  	s23 =	simm.s32 $0x1BFF;
	s22 =	sshll.u32 s5, $0x1;
	s1 =	sadd.s32 s20, s19  }
0x14: {  	s6 =	simm.s32 $0x0;
	s21 =	sshll.u32 s4, $0x1;
	s4 =	sadd.s32 s22, s1  }
0x15: {  	[timem:s6], [sflag:s23] =	dma.local [hbm:s4], s21  }
0x16: {  	_ =	swait.ge [sflag:s23], s21  }
0x17: {  	s2 =	ssub.s32 $0x0, s21;
	[sflag:s23] =	ssyncset.done $0x0  }
0x18: {  	[sflag:s23] =	ssyncadd.s32 s2;
	_ =	sdelay $0x1  }
0x19: {  	s24 =	simm.s32 $0x1B8B  }
0x1a: {  	_ =	swait.ge [sflag:s24], $0x1  }
0x1b: {  	[sflag:s24] =	ssyncset.done $0x0  }
0x1c: {  	s26 =	simm.s32 $0x1B8E;
	s25 =	sld [smem:$0x3FFE];
	[sflag:s24] =	ssyncadd.s32 $0xFFFFFFFF  }
0x1d: {  	s27 =	simm.s32 $execute0_lowered;
	[smem:$0x3FD2] =	sst s26  }
0x1e: {  	s4 =	sshll.u32 s27, $0x1;
	_ =	strace $0x80000073;
	[dreg:$0x1] =	wrdreg $0xFFFFFFFF  }
0x1f: {  	s28 =	simm.s32 $_size_execute0_lowered;
	s1 =	sadd.s32 s1, s4;
	[dreg:$0x0] =	wrdreg $0x0  }
0x20: {  	s4 =	sshll.u32 s28, $0x1;
	[dreg:$0x2] =	wrdreg s1  }
0x21: {  	[dreg:$0x3] =	wrdreg s4  }
0x22: {  	[dreg:$0x4] =	wrdreg $0xC0  }
0x23: {  	_ =	task [dreg:s6], $0x5FFFF  }
0x24: {  	[dreg:$0x1] =	wrdreg $0xFFFFFFFF  }
0x25: {  	[dreg:$0x0] =	wrdreg $0x60  }
0x26: {  	[dreg:$0x2] =	wrdreg s25  }
0x27: {  	[dreg:$0x3] =	wrdreg $0xA  }
0x28: {  	_ =	task.clear_ibuf [dreg:s6], $0x4FFFF;
	_ =	strace $0x90000073  }
0x29: {  	s29 =	simm.s32 $0xA;
	_ =	strace $0x80000075  }
0x2a: {  	_ =	swait.ge [sflag:s29], $0x1  }
0x2b: {  	[sflag:s29] =	ssyncadd.s32 $0xFFFFFFFF  }
0x2c: {  	_ =	strace $0x90000075  }
0x2d: {  	_ =	sfence  }
0x2e: {  	s30 =	sld [smem:$0x0];
	_ =	sdelay $0x2  }
0x2f: {  	s31 =	sshll.u32 s3, $0xD;
	s3 =	sshrl.u32 s3, $0x2  }
0x30: {  	s2 =	sand.u32 $0x4000, s31;
	s1 =	sadd.s32 s3, s30  }
0x31: {  	s0 =	sor.u32 s2, s0;
	s1 =	sshll.u32 s1, $0x11  }
0x32: {  	s0 =	sor.u32 s1, s0  }
0x33: {  	s0 =	sadd.s32 $0x8F2B, s0  }
0x34: {  	[sflag:s0] =	ssyncadd.remote.s32 $0x1  }
0x35: {  	_ =	sfence.sel $0xFFFF  }
0x36: {  	[dreg:$0x0] =	wrdreg $0xFFFFFFFF;
	(pc) =	sbr.abs _section_cstart, $3  }
0x37: {  	[dreg:$0x1] =	wrdreg $0xFFFFFFFF  }
0x38: {  	_ =	task.clear_ibuf [dreg:s6], $0x2FFFF;
	_ =	strace $0x9FFFFFFF  }
0x39: {  	(tm) =	ssettm $0x7FFFFFFF  }
tec
execute0_lowered:
.L_overlay_start_1:
0x0: {  	(tag) =	ssettag $0x1  }
0x1: {  	s1 =	srdreg.scid  }
0x2: {  	s0 =	stileid.u32;
	s4 =	rddreg [dreg:$0x0];
	s1 =	sshll.u32 s1, $0x4  }
0x3: {  	s5 =	simm.s32 $0x1;
	s8 =	simm.s32 $0x2;
	s1 =	sor.u32 s0, s1  }
0x4: {  	s14 =	simm.s32 $0x0;
	s9 =	simm.s32 $0x80;
	s2 =	sand.u32 $0x18, s1  }
0x5: {  	s15 =	simm.s32 $0x0;
	s16 =	simm.s32 $0x0;
	s3 =	ssub.s32 $0x28, s2  }
0x6: {  	s10 =	simm.s32 $0x0;
	s7 =	sand.u32 $0x7, s0;
	s31 =	sand.u32 $0x18, s3  }
0x7: {  	s13 =	simm.s32 $0x0;
	s12 =	smov.u32 s7;
	p0 =	sne.s32 s31, $0x0  }
.Ltmp0:
0x8: {  	s6 =	sshrl.u32 s3, $0x5;
	s5 =	simm.s32 @!p0 $0x0;
	(pc) =	sbr.rel .LBB1_1-.Ltmp0, $4  }
0x9: {  	s1 =	rddreg [dreg:$0x1];
	_ =	strace $0x80000074;
	s6 =	sadd.s32 s5, s6  }
0xa: {  	s11 =	smov.u32 s2;
	s5 =	simm.s32 $0x1;
	s6 =	smul.u32 $0x24, s6  }
0xb: {  	s3 =	sadd.s32 $0x300A00, s4;
	s4 =	sadd.s32 $0x5D0A00, s4;
	[sflag:s5] =	ssyncpa.u1 $0x0  }
0xc: {  	p0 =	por $0x0, $0x0;
	[sflag:s8] =	ssyncpa.u1 $0x0;
	s8 =	sor.u32 $0x1, s6  }
.LBB1_7:
0xd: {  	s17 =	sadd.s32 $0x8, s10  }
0xe: {  	s14 =	sadd.s32 $0x20, s11;
	s18 =	smov.u32 s11;
	p2 =	sgt.s32 s17, $0x11F  }
0xf: {  	s18 =	smov.u32 @p2 s14  }
0x10: {  	s20 =	smov.u32 s12;
	s14 =	sadd.s32 $0x8, s12;
	p3 =	sgt.s32 s18, $0x27  }
0x11: {  	s20 =	smov.u32 @p3 s14  }
0x12: {  	s17 =	simm.s32 @p2 $0x0;
	p2 =	sgt.s32 s20, $0x7  }
0x13: {  	p1 =	slt.u32 s13, $0x2;
	s20 =	smov.u32 @p2 s7;
	p2 =	sne.s32 s13, s8  }
.Ltmp1:
0x14: {  	s19 =	simm.s32 @!p1 $0x2;
	(pc) =	sbr.rel @!p2 .LBB1_8-.Ltmp1, $4  }
0x15: {  	s15 =	smov.u32 s11;
	s16 =	smov.u32 s12;
	_ =	swait.ge @!p1 [sflag:s19], $0x4000  }
0x16: {  	p0 =	por !p0, !p0;
	[sflag:s19] =	ssyncset.done @!p1 $0x0;
	s18 =	smov.u32 @p3 s2  }
0x17: {  	s14 =	smov.u32 s10;
	[sflag:s19] =	ssyncadd.s32 @!p1 $0xFFFFC000;
	s10 =	smov.u32 s17  }
0x18: {  	s11 =	smov.u32 s18;
	s13 =	sadd.s32 $0x1, s13;
	s12 =	smov.u32 s20  }
.LBB1_1:
0x19: {  	p1 =	sge.u32 s13, s6  }
0x1a: {  	s17 =	sshll.u32 @!p1 s10, $0x8;
	s18 =	sshll.u32 @!p1 s10, $0x7  }
0x1b: {  	s17 =	sand.u32 @!p1 $0xFFFFF800, s17;
	s18 =	sand.u32 @!p1 $0x300, s18  }
0x1c: {  	s17 =	sor.u32 @!p1 s18, s17  }
0x1d: {  	s17 =	sshrl.u32 @!p1 s17, $0x8  }
0x1e: {  	s18 =	smulhi.u32 @!p1 $0xE38E39, s17  }
0x1f: {  	s19 =	smul.u32 @!p1 $0x5A000, s12  }
0x20: {  	s18 =	smul.u32 @!p1 $0x120, s18  }
0x21: {  	s31 =	sadd.s32 $0xFFFFFFFF, s13;
	s20 =	sxor.u32 @!p1 $0xFFFFFFFF, s13;
	s21 =	smul.u32 @!p1 $0x2400, s11  }
0x22: {  	s19 =	sadd.s32 @!p1 s3, s19;
	s17 =	ssub.s32 @!p1 s17, s18;
	s18 =	sshll.u32 @!p1 s10, $0x4  }
0x23: {  	s20 =	sshll.u32 @!p1 s20, $0xE;
	s19 =	sadd.s32 @!p1 s21, s19;
	s18 =	sand.u32 @!p1 $0x10, s18  }
0x24: {  	s20 =	sand.u32 @!p1 $0x4000, s20;
	s17 =	sshll.u32 @!p1 s17, $0x5;
	s18 =	sadd.s32 @!p1 s18, s19  }
0x25: {  	s19 =	simm.s32 @!p1 $0x12000;
	s17 =	sadd.s32 @!p1 s17, s18;
	s18 =	simm.s32 @!p1 $0x800  }
0x26: {  	[tilespmem:s20], [sflag:$0x1] =	stream.strided.gather @!p1 [hbm4b:s17+s18], $0x4000, s19, s18, $0x38;
	[tilespmem:$0x11000] =	vst v63  }
0x27: {  	p1 =	sge.u32 s31, s6  }
.Ltmp2:
0x28: {  	_ = 	snop;
	(pc) =	sbr.rel @p1 .LBB1_7-.Ltmp2, $1  }
0x29: {  	_ =	sdelay $0x3  }
0x2a: {  	s17 =	simm.s32 $0x1;
	s20 =	sand.u32 $0x1, s13  }
0x2b: {  	_ =	swait.ge [sflag:s5], $0x4000;
	s17 =	simm.s32 @!p0 $0x0;
	s21 =	smul.u32 $0x12000, s20  }
0x2c: {  	s22 =	simm.s32 $0x0;
	[sflag:s5] =	ssyncset.done $0x0;
	s18 =	smul.u32 $0x12000, s17  }
0x2d: {  	s20 =	sshll.u32 s20, $0xE;
	s17 =	sshll.u32 s17, $0xE;
	[sflag:s5] =	ssyncadd.s32 $0xFFFFC000  }
0x2e: {  	s19 =	sor.u32 $0x410, s17;
	s31 =	sshrl.u32 s21, $0x2;
	s18 =	sshrl.u32 s18, $0x2  }
0x2f: {  	s21 =	simm.s32 $0x0;
	s17 =	sor.u32 $0x8000, s31;
	s18 =	sor.u32 $0x8000, s18  }
.LBB1_3:
0x30: {  	s23 =	sshll.u32 s22, $0xB  }
0x31: {  	v2 =	vld [tilespmem:s19+$0xFFFFFBF0];
	v0 =	vmov s23  }
0x32: {  	v3 =	vld [tilespmem:s19+$0xFFFFFC00]  }
0x33: {  	s31 =	sand.u32 $0x300, s21;
	v4 =	vld [tilespmem:s19+$0xFFFFFC10]  }
0x34: {  	s24 =	sand.u32 $0x80, s21;
	v6 =	vld [tilespmem:s19+$0xFFFFFC20];
	s23 =	sadd.s32 s31, s20  }
0x35: {  	v7 =	vld [tilespmem:s19+$0xFFFFFC30];
	s23 =	sadd.s32 s24, s23  }
0x36: {  	v1 =	vld.idx.msk [tilespmem:v0+s23+$0x400 ss:$0x1], $0xffff;
	s23 =	sadd.s32 $0x0, s18  }
0x37: {  	v8 =	vld [tilespmem:s19+$0xFFFFFC40];
	[tilespmem:s23+$0x0 ss:$0x9] =	vst.msk $0xffff, v2  }
0x38: {  	v9 =	vld [tilespmem:s19+$0xFFFFFC50];
	[tilespmem:s23+$0x90 ss:$0x9] =	vst.msk $0xffff, v3  }
0x39: {  	v5 =	vld [tilespmem:s19+$0xFFFFFC60];
	[tilespmem:s23+$0x120 ss:$0x9] =	vst.msk $0xffff, v4  }
0x3a: {  	v4 =	vld [tilespmem:s19+$0x0];
	[tilespmem:s23+$0x1B0 ss:$0x9] =	vst.msk $0xffff, v6  }
0x3b: {  	v3 =	vld [tilespmem:s19+$0x10];
	[tilespmem:s23+$0x240 ss:$0x9] =	vst.msk $0xffff, v7  }
0x3c: {  	[tilespmem:s23+$0x2D0 ss:$0x9] =	vst.msk $0xffff, v8;
	v2 =	vld [tilespmem:s19+$0x30]  }
0x3d: {  	s26 =	simm.s32 $0x80;
	s27 =	simm.s32 $0x4800;
	[tilespmem:s23+$0x480 ss:$0x9] =	vst.msk $0xffff, v1;
	v1 =	vld [tilespmem:s19+$0x20]  }
0x3e: {  	s25 =	smov.u32 s19;
	s28 =	sand.u32 $0x300, s26;
	s24 =	simm.s32 $0x2400;
	[tilespmem:s23+$0x360 ss:$0x9] =	vst.msk $0xffff, v9;
	v6 =	vld [tilespmem:s19+$0x40]  }
.LBB1_4:
0x3f: {  	p1 =	sne.s32 s27, $0xFC00;
	s29 =	sand.u32 $0x80, s26;
	s28 =	sadd.s32 s28, s20;
	[tilespmem:s23+$0x3F0 ss:$0x9] =	vst.msk $0xffff, v5;
	v5 =	vld [tilespmem:s25+$0x50]  }
0x40: {  	s28 =	sadd.s32 s29, s28;
	[tilespmem:s23+$0x510 ss:$0x9] =	vst.msk $0xffff, v4;
	v4 =	vld [tilespmem:s25+$0x60]  }
0x41: {  	s25 =	sadd.s32 $0x80, s25;
	v7 =	vld.idx.msk [tilespmem:v0+s28+$0x400 ss:$0x1], $0xffff;
	[tilespmem:s23+$0x5A0 ss:$0x9] =	vst.msk $0xffff, v3  }
0x42: {  	v3 =	vld [tilespmem:s25+$0xFFFFFBF0];
	[tilespmem:s23+$0x630 ss:$0x9] =	vst.msk $0xffff, v1  }
0x43: {  	v1 =	vld [tilespmem:s25+$0xFFFFFC00];
	[tilespmem:s23+$0x6C0 ss:$0x9] =	vst.msk $0xffff, v2  }
0x44: {  	v2 =	vld [tilespmem:s25+$0xFFFFFC10];
	[tilespmem:s23+$0x750 ss:$0x9] =	vst.msk $0xffff, v6  }
0x45: {  	s28 =	sshra.s32 s24, $0x2;
	s24 =	smov.u32 s27;
	v6 =	vld [tilespmem:s25+$0xFFFFFC20];
	[tilespmem:s23+$0x7E0 ss:$0x9] =	vst.msk $0xffff, v5  }
0x46: {  	v8 =	vld [tilespmem:s25+$0xFFFFFC30];
	[tilespmem:s23+$0x870 ss:$0x9] =	vst.msk $0xffff, v4;
	s23 =	sadd.s32 s28, s18  }
0x47: {  	v9 =	vld [tilespmem:s25+$0xFFFFFC40];
	[tilespmem:s23+$0x480 ss:$0x9] =	vst.msk $0xffff, v7  }
0x48: {  	[tilespmem:s23+$0x0 ss:$0x9] =	vst.msk $0xffff, v3;
	v7 =	vld [tilespmem:s25+$0xFFFFFC50]  }
0x49: {  	[tilespmem:s23+$0x90 ss:$0x9] =	vst.msk $0xffff, v1;
	v5 =	vld [tilespmem:s25+$0xFFFFFC60]  }
.Ltmp3:
0x4a: {  	[tilespmem:s23+$0x120 ss:$0x9] =	vst.msk $0xffff, v2;
	v4 =	vld [tilespmem:s25+$0x0];
	(pc) =	sbr.rel @p1 .LBB1_4-.Ltmp3, $4  }
0x4b: {  	[tilespmem:s23+$0x1B0 ss:$0x9] =	vst.msk $0xffff, v6;
	v3 =	vld [tilespmem:s25+$0x10]  }
0x4c: {  	[tilespmem:s23+$0x240 ss:$0x9] =	vst.msk $0xffff, v8;
	v1 =	vld [tilespmem:s25+$0x20]  }
0x4d: {  	s26 =	sadd.s32 $0x80, s26;
	[tilespmem:s23+$0x2D0 ss:$0x9] =	vst.msk $0xffff, v9;
	v2 =	vld [tilespmem:s25+$0x30]  }
0x4e: {  	s27 =	sadd.s32 $0x2400, s27;
	s28 =	sand.u32 $0x300, s26;
	[tilespmem:s23+$0x360 ss:$0x9] =	vst.msk $0xffff, v7;
	v6 =	vld [tilespmem:s25+$0x40]  }
0x4f: {  	[tilespmem:s23+$0x3F0 ss:$0x9] =	vst.msk $0xffff, v5  }
0x50: {  	v47 =	vld [tilespmem:s25+$0x50];
	[tilespmem:s23+$0x510 ss:$0x9] =	vst.msk $0xffff, v4  }
0x51: {  	v48 =	vld [tilespmem:s25+$0x60];
	s31 =	sadd.s32 $0x80, s25;
	[tilespmem:s23+$0x5A0 ss:$0x9] =	vst.msk $0xffff, v3  }
0x52: {  	v49 =	vld [tilespmem:s31+$0xFFFFFBF0];
	[tilespmem:s23+$0x630 ss:$0x9] =	vst.msk $0xffff, v1  }
0x53: {  	v50 =	vld [tilespmem:s31+$0xFFFFFC00];
	[tilespmem:s23+$0x6C0 ss:$0x9] =	vst.msk $0xffff, v2  }
0x54: {  	v51 =	vld [tilespmem:s31+$0xFFFFFC10];
	[tilespmem:s23+$0x750 ss:$0x9] =	vst.msk $0xffff, v6  }
0x55: {  	s24 =	sshra.s32 s24, $0x2;
	v52 =	vld [tilespmem:s31+$0xFFFFFC20];
	[tilespmem:s23+$0x7E0 ss:$0x9] =	vst.msk $0xffff, v47  }
0x56: {  	s24 =	sadd.s32 s24, s18;
	v53 =	vld [tilespmem:s31+$0xFFFFFC30];
	[tilespmem:s23+$0x870 ss:$0x9] =	vst.msk $0xffff, v48  }
0x57: {  	v54 =	vld [tilespmem:s31+$0xFFFFFC40];
	[tilespmem:s24+$0x0 ss:$0x9] =	vst.msk $0xffff, v49  }
0x58: {  	v55 =	vld [tilespmem:s31+$0xFFFFFC50];
	[tilespmem:s24+$0x90 ss:$0x9] =	vst.msk $0xffff, v50  }
0x59: {  	v56 =	vld [tilespmem:s31+$0xFFFFFC60];
	[tilespmem:s24+$0x120 ss:$0x9] =	vst.msk $0xffff, v51  }
0x5a: {  	v57 =	vld [tilespmem:s31+$0x0];
	[tilespmem:s24+$0x1B0 ss:$0x9] =	vst.msk $0xffff, v52  }
0x5b: {  	v58 =	vld [tilespmem:s31+$0x10];
	[tilespmem:s24+$0x240 ss:$0x9] =	vst.msk $0xffff, v53  }
0x5c: {  	v59 =	vld [tilespmem:s31+$0x20];
	[tilespmem:s24+$0x2D0 ss:$0x9] =	vst.msk $0xffff, v54  }
0x5d: {  	v60 =	vld [tilespmem:s31+$0x30];
	[tilespmem:s24+$0x360 ss:$0x9] =	vst.msk $0xffff, v55  }
0x5e: {  	v61 =	vld [tilespmem:s31+$0x40];
	[tilespmem:s24+$0x3F0 ss:$0x9] =	vst.msk $0xffff, v56  }
0x5f: {  	s26 =	sand.u32 $0x80, s26;
	s27 =	sadd.s32 s28, s20;
	v62 =	vld [tilespmem:s31+$0x50];
	[tilespmem:s24+$0x510 ss:$0x9] =	vst.msk $0xffff, v57  }
0x60: {  	s22 =	sadd.s32 $0x1, s22;
	s26 =	sadd.s32 s26, s27;
	v63 =	vld [tilespmem:s31+$0x60];
	[tilespmem:s24+$0x5A0 ss:$0x9] =	vst.msk $0xffff, v58  }
0x61: {  	p1 =	sne.s32 s22, $0x8;
	v0 =	vld.idx.msk [tilespmem:v0+s26+$0x400 ss:$0x1], $0xffff;
	[tilespmem:s24+$0x630 ss:$0x9] =	vst.msk $0xffff, v59  }
.Ltmp4:
0x62: {  	[tilespmem:s24+$0x6C0 ss:$0x9] =	vst.msk $0xffff, v60;
	(pc) =	sbr.rel @p1 .LBB1_3-.Ltmp4, $4  }
0x63: {  	[tilespmem:s24+$0x750 ss:$0x9] =	vst.msk $0xffff, v61  }
0x64: {  	[tilespmem:s24+$0x7E0 ss:$0x9] =	vst.msk $0xffff, v62  }
0x65: {  	[tilespmem:s24+$0x870 ss:$0x9] =	vst.msk $0xffff, v63  }
0x66: {  	s19 =	sadd.s32 $0x800, s19;
	s18 =	sadd.s32 $0x1, s18;
	[tilespmem:s24+$0x480 ss:$0x9] =	vst.msk $0xffff, v0  }
0x67: {  	s16 =	smul.u32 $0x120000, s16  }
0x68: {  	s18 =	sand.u32 $0xF80, s15  }
.Ltmp5:
0x69: {  	s14 =	sshll.u32 s14, $0xC;
	s16 =	sadd.s32 s4, s16;
	(pc) =	sbr.rel .LBB1_7-.Ltmp5, $4  }
0x6a: {  	s19 =	sshrl.u32 s15, $0x3;
	s30 =	sand.u32 $0x7, s15;
	s16 =	sadd.s32 s18, s16  }
0x6b: {  	s31 =	sand.u32 $0xF, s19;
	s15 =	sshll.u32 s30, $0x12;
	s14 =	sadd.s32 s14, s16  }
0x6c: {  	s15 =	sor.u32 $0x8, s15;
	s14 =	sadd.s32 s31, s14  }
0x6d: {  	[hbm4b:s14+s15] =	stream.strided.scatter [tilespmem:s17], [sflag:$0x2], $0x4000, s9, s15, $0x0;
	[tilespmem:$0x11000] =	vst v63  }
.LBB1_8:
0x6e: {  	_ =	sfence.sel $0x180000  }
0x6f: {  	s2 =	simm.s32 $0x1;
	[bflag:$0x0] =	sbarrier.arrive $0xFFFF  }
0x70: {  	s31 =	simm.s32 $0x2;
	[sflag:s2] =	ssyncpa.u1 $0x1  }
0x71: {  	[sflag:s31] =	ssyncpa.u1 $0x1  }
0x72: {  	p0 =	sne.s32 s0, $0x0;
	_ =	strace $0x90000074  }
0x73: {  	s0 =	sadd.s32 @!p0 $0x100000, s1;
	[bflag:$0x2] =	sbarrier.arrive $0xFFFF  }
0x74: {  	[sflag:s0] =	ssyncadd.tile.s32 @!p0 $0x1;
	_ =	shalt  }
.Lfunc_end1:
_tile_overlayer_lowered:
.L_overlay_start_2:
0x75: {  	(tag) =	ssettag $0x2  }
0x76: {  	s0 =	rddreg [dreg:$0x0];
	s2 =	stileid.u32  }
0x77: {  	s1 =	rddreg [dreg:$0x1];
	p0 =	sne.s32 s2, $0x0  }
0x78: {  	s3 =	rddreg [dreg:$0x2];
	[bflag:$0x3] =	sbarrier.arrive $0xFFFF;
	s2 =	simm.s32 @!p0 $0x1C01  }
0x79: {  	[timem:s3], [sflag:s2] =	dma.local @!p0 [hbm:s0], s1  }
0x7a: {  	s0 =	simm.s32 @!p0 $0x1  }
0x7b: {  	_ =	swait.ge @!p0 [sflag:s0], s1  }
0x7c: {  	s1 =	ssub.s32 @!p0 $0x0, s1;
	[sflag:s0] =	ssyncset.done @!p0 $0x0  }
0x7d: {  	[sflag:s0] =	ssyncadd.s32 @!p0 s1  }
0x7e: {  	[bflag:$0x3] =	sbarrier.arrive $0xFFFF  }
0x7f: {  	_ =	shalt  }

// kernel: sparse-core-data-format-call.3.cloned.1.call-start
scs
called_computation.3_lowered:
.L_overlay_start_0:
0x0: {  	s2 =	sld [smem:$0x3FD9]  }
0x1: {  	s3 =	sld [smem:$0x3FFE];
	_ =	sdelay $0x1  }
0x2: {  	s1 =	srdreg.scid  }
0x3: {  	s0 =	sand.u32 $0x1, s1  }
0x4: {  	s18 =	sshll.u32 s0, $0xA;
	s2 =	sadd.s32 s3, s2  }
0x5: {  	s2 =	sadd.s32 s2, s18  }
0x6: {  	[smem:$0x3FA3] =	sst s2  }
0x7: {  	_ = 	snop  }
0x8: {  	(tm) =	ssettm $0x1  }
0x9: {  	s19 =	sld [smem:$0x3FFB];
	_ =	sdelay $0x3  }
0xa: {  	_ =	strace s19  }
0xb: {  	s2 =	sld [smem:$0x3FFC];
	_ =	sdelay $0x3  }
0xc: {  	_ =	strace s2  }
0xd: {  	s2 =	sld [smem:$0x3FFD];
	_ =	sdelay $0x3  }
0xe: {  	_ =	strace s2  }
0xf: {  	_ =	strace $0x8FFFFFFF  }
0x10: {  	s20 =	sld [smem:$0x3FDB];
	_ =	sdelay $0x1  }
0x11: {  	s21 =	simm.s32 $_scs_section_size  }
0x12: {  	s4 =	simm.s32 $_size__tile_overlayer_lowered;
	s5 =	simm.s32 $_tile_overlayer_lowered  }
0x13: {  	s6 =	simm.s32 $0x1BFF;
	s22 =	sshll.u32 s5, $0x1;
	s3 =	sadd.s32 s21, s20  }
0x14: {  	s23 =	simm.s32 $0x0;
	s4 =	sshll.u32 s4, $0x1;
	s5 =	sadd.s32 s22, s3  }
0x15: {  	[timem:s23], [sflag:s6] =	dma.local [hbm:s5], s4  }
0x16: {  	_ =	swait.ge [sflag:s6], s4  }
0x17: {  	s4 =	ssub.s32 $0x0, s4;
	[sflag:s6] =	ssyncset.done $0x0  }
0x18: {  	[sflag:s6] =	ssyncadd.s32 s4;
	_ =	sdelay $0x1  }
0x19: {  	s24 =	simm.s32 $0x1B8B  }
0x1a: {  	_ =	swait.ge [sflag:s24], $0x1  }
0x1b: {  	[sflag:s24] =	ssyncset.done $0x0  }
0x1c: {  	[sflag:s24] =	ssyncadd.s32 $0xFFFFFFFF  }
0x1d: {  	s4 =	sld [smem:$0x0]  }
0x1e: {  	s5 =	sand.u32 $0xFFFFFFFE, s1  }
0x1f: {  	p0 =	sne.s32 s1, s5  }
0x20: {  	s5 =	sshll.u32 @p0 s5, $0xE  }
0x21: {  	s5 =	sadd.s32 @p0 $0x11B8D, s5;
	s6 =	sshll.u32 @p0 s4, $0x11  }
0x22: {  	s5 =	sor.u32 @p0 s6, s5  }
0x23: {  	[sflag:s5] =	ssyncadd.remote.s32 @p0 $0x1;
	_ =	sdelay $0x1  }
0x24: {  	s5 =	simm.s32 @p0 $0x1B8D  }
0x25: {  	_ =	swait.eq @p0 [sflag:s5], $0x1  }
0x26: {  	[sflag:s5] =	ssyncadd.s32 @p0 $0xFFFFFFFF  }
0x27: {  	s6 =	sshll.u32 @!p0 s1, $0xE  }
0x28: {  	s6 =	sor.u32 @!p0 $0x4000, s6;
	s5 =	simm.s32 @!p0 $0x1B8D  }
0x29: {  	s4 =	sshll.u32 @!p0 s4, $0x11;
	s6 =	sadd.s32 @!p0 $0x11B8D, s6;
	_ =	swait.eq @!p0 [sflag:s5], $0x1  }
0x2a: {  	s4 =	sor.u32 @!p0 s4, s6;
	[sflag:s5] =	ssyncadd.s32 @!p0 $0xFFFFFFFF  }
0x2b: {  	s26 =	simm.s32 $0x1B8E;
	s25 =	sld [smem:$0x3FFE];
	[sflag:s4] =	ssyncadd.remote.s32 @!p0 $0x1  }
0x2c: {  	s27 =	simm.s32 $execute0_lowered;
	[smem:$0x3FD2] =	sst s26  }
0x2d: {  	s5 =	sshll.u32 s27, $0x1;
	_ =	strace $0x80000070;
	[dreg:$0x1] =	wrdreg $0xFFFFFFFF  }
0x2e: {  	s28 =	simm.s32 $_size_execute0_lowered;
	s3 =	sadd.s32 s3, s5;
	[dreg:$0x0] =	wrdreg $0x0  }
0x2f: {  	s5 =	sshll.u32 s28, $0x1;
	[dreg:$0x2] =	wrdreg s3  }
0x30: {  	[dreg:$0x3] =	wrdreg s5  }
0x31: {  	[dreg:$0x4] =	wrdreg $0xC0  }
0x32: {  	_ =	task [dreg:s23], $0x5FFFF  }
0x33: {  	[dreg:$0x1] =	wrdreg $0xFFFFFFFF  }
0x34: {  	[dreg:$0x0] =	wrdreg $0x60  }
0x35: {  	[dreg:$0x2] =	wrdreg s25  }
0x36: {  	[dreg:$0x3] =	wrdreg $0x9  }
0x37: {  	_ =	task.clear_ibuf [dreg:s23], $0x4FFFF;
	_ =	strace $0x90000070  }
0x38: {  	s29 =	simm.s32 $0x9;
	_ =	strace $0x80000072  }
0x39: {  	_ =	swait.ge [sflag:s29], $0x1  }
0x3a: {  	[sflag:s29] =	ssyncadd.s32 $0xFFFFFFFF  }
0x3b: {  	_ =	strace $0x90000072  }
0x3c: {  	_ =	sfence  }
0x3d: {  	s30 =	sld [smem:$0x0];
	_ =	sdelay $0x2  }
0x3e: {  	s31 =	sshll.u32 s1, $0xD;
	s1 =	sshrl.u32 s1, $0x2  }
0x3f: {  	s4 =	sand.u32 $0x4000, s31;
	s1 =	sadd.s32 s1, s30  }
0x40: {  	s0 =	sor.u32 s4, s0;
	s1 =	sshll.u32 s1, $0x11  }
0x41: {  	s0 =	sor.u32 s1, s0  }
0x42: {  	s0 =	sadd.s32 $0x8F2B, s0  }
0x43: {  	[sflag:s0] =	ssyncadd.remote.s32 $0x1  }
0x44: {  	_ =	sfence.sel $0xFFFF  }
0x45: {  	[dreg:$0x0] =	wrdreg $0xFFFFFFFF;
	(pc) =	sbr.abs _section_cstart, $3  }
0x46: {  	[dreg:$0x1] =	wrdreg $0xFFFFFFFF  }
0x47: {  	_ =	task.clear_ibuf [dreg:s23], $0x2FFFF;
	_ =	strace $0x9FFFFFFF  }
0x48: {  	(tm) =	ssettm $0x7FFFFFFF  }
0x49: {  	_ =	shalt  }
tec
execute0_lowered:
.L_overlay_start_1:
0x0: {  	(tag) =	ssettag $0x1  }
0x1: {  	s0 =	rddreg [dreg:$0x0]  }
0x2: {  	s1 =	srdreg.scid;
	_ =	strace $0x80000071;
	s3 =	stileid.u32  }
0x3: {  	s5 =	simm.s32 $0x1;
	s31 =	simm.s32 $0x2;
	s14 =	simm.s32 $0x0  }
0x4: {  	p0 =	por $0x0, $0x0;
	s15 =	simm.s32 $0x0;
	s10 =	simm.s32 $0x0  }
.Ltmp0:
0x5: {  	s11 =	simm.s32 $0x0;
	s1 =	sshll.u32 s1, $0x4;
	(pc) =	sbr.rel .LBB1_1-.Ltmp0, $4  }
0x6: {  	s2 =	sadd.s32 $0x30A00, s0;
	s0 =	sadd.s32 $0xEF3400, s0;
	s30 =	sand.u32 $0x10, s1  }
0x7: {  	s9 =	simm.s32 $0x0;
	[dreg:$0x2] =	wrdreg s0;
	s0 =	sor.u32 s3, s30  }
0x8: {  	s4 =	sand.u32 $0x7, s3;
	[sflag:s5] =	ssyncpa.u1 $0x0;
	s6 =	sshrl.u32 s0, $0x3  }
0x9: {  	[sflag:s31] =	ssyncpa.u1 $0x0;
	s13 =	smov.u32 s4;
	s12 =	smov.u32 s6  }
.LBB1_9:
0xa: {  	s0 =	smul.u32 $0x4100, s19  }
0xb: {  	s1 =	smul.u32 $0x90000, s11  }
0xc: {  	s3 =	smul.u32 $0x2400, s16  }
0xd: {  	s7 =	sshll.u32 s10, $0x4;
	s8 =	rddreg [dreg:$0x2];
	s30 =	simm.s32 $0x40  }
0xe: {  	s31 =	simm.s32 $0x8000;
	s7 =	sand.u32 $0xFF0, s7;
	s1 =	sadd.s32 s8, s1  }
0xf: {  	s3 =	sand.u32 $0x3FFFFC00, s3;
	s0 =	sor.u32 $0x8000, s0;
	s1 =	sadd.s32 s7, s1  }
0x10: {  	[hbm4b:s1+s30] =	stream.strided.scatter [tilespmem:s0], [sflag:$0x2], s3, s31, s30, $0x18;
	[tilespmem:$0x10200] =	vst v63  }
.LBB1_10:
0x11: {  	p1 =	slt.u32 s9, $0x2  }
0x12: {  	p2 =	sgt.s32 @!p1 s15, $0x7  }
0x13: {  	s0 =	smov.u32 s15;
	s3 =	smov.u32 s14;
	p2 =	por !p2, p1  }
0x14: {  	s1 =	sshra.s32 @!p1 s15, $0x1F;
	s0 =	simm.s32 @p2 $0x7;
	p2 =	sgt.s32 @!p1 s14, $0xFF  }
0x15: {  	s7 =	sshra.s32 @!p1 s14, $0x1F;
	s1 =	sand.u32 @!p1 s1, s15;
	p2 =	por !p2, p1  }
0x16: {  	s0 =	ssub.s32 @!p1 s0, s1;
	s1 =	sand.u32 @!p1 s7, s14;
	s3 =	simm.s32 @p2 $0xFF  }
0x17: {  	s7 =	sadd.s32 @!p1 $0xFFFFFFF9, s0;
	s1 =	ssub.s32 @!p1 s3, s1  }
0x18: {  	s0 =	ssub.s32 @!p1 $0x8, s0;
	p2 =	sgt.s32 @!p1 s7, $0x0;
	s1 =	sadd.s32 @!p1 $0xFFFFFF01, s1  }
0x19: {  	s0 =	smul.u32 @!p1 $0x90, s0;
	p3 =	sgt.s32 @!p1 s1, $0x0;
	s1 =	sshll.u32 @!p1 s1, $0x6  }
0x1a: {  	p2 =	por !p2, p1;
	s1 =	ssub.s32 @!p1 $0x40, s1;
	p3 =	por !p3, p1  }
0x1b: {  	s0 =	simm.s32 @!p2 $0x0;
	s1 =	simm.s32 @!p3 $0x0  }
0x1c: {  	s0 =	smul.u32 @!p1 s0, s1;
	s1 =	sadd.s32 $0x4, s12  }
0x1d: {  	s8 =	smov.u32 s13;
	s7 =	sadd.s32 $0x8, s13;
	p2 =	sgt.s32 s1, $0xFF  }
0x1e: {  	s8 =	smov.u32 @p2 s7  }
0x1f: {  	s9 =	sadd.s32 $0x1, s9;
	s1 =	smov.u32 @p2 s6;
	p2 =	sgt.s32 s8, $0x7  }
0x20: {  	s8 =	smov.u32 @p2 s4;
	p2 =	sne.s32 s9, $0x42  }
.Ltmp1:
0x21: {  	p0 =	por !p0, !p0;
	(pc) =	sbr.rel @!p2 .LBB1_11-.Ltmp1, $4  }
0x22: {  	s15 =	smov.u32 s11;
	s3 =	simm.s32 @!p1 $0x2;
	s0 =	sand.u32 @!p1 $0x3FFFFC00, s0  }
0x23: {  	s11 =	smov.u32 s13;
	s14 =	smov.u32 s10;
	_ =	swait.ge @!p1 [sflag:s3], s0  }
0x24: {  	s10 =	smov.u32 s12;
	s0 =	ssub.s32 @!p1 $0x0, s0;
	[sflag:s3] =	ssyncset.done @!p1 $0x0  }
0x25: {  	s12 =	smov.u32 s1;
	[sflag:s3] =	ssyncadd.s32 @!p1 s0;
	s13 =	smov.u32 s8  }
.LBB1_1:
0x26: {  	p1 =	sgt.u32 s9, $0x3F  }
0x27: {  	p2 =	sgt.s32 @!p1 s13, $0x7  }
0x28: {  	s0 =	smov.u32 s13;
	s16 =	smov.u32 s12;
	p2 =	por !p2, p1  }
0x29: {  	s1 =	sshra.s32 @!p1 s13, $0x1F;
	s0 =	simm.s32 @p2 $0x7;
	p2 =	sgt.s32 @!p1 s12, $0xFF  }
0x2a: {  	s17 =	sshra.s32 @!p1 s12, $0x1F;
	s1 =	sand.u32 @!p1 s1, s13;
	p2 =	por !p2, p1  }
0x2b: {  	s17 =	sand.u32 @!p1 s17, s12;
	s0 =	ssub.s32 @!p1 s0, s1;
	s16 =	simm.s32 @p2 $0xFF  }
0x2c: {  	s1 =	ssub.s32 @!p1 s16, s17;
	s16 =	sadd.s32 @!p1 $0xFFFFFFF9, s0  }
0x2d: {  	s0 =	ssub.s32 @!p1 $0x8, s0;
	s17 =	sadd.s32 @!p1 $0xFFFFFF01, s1;
	p2 =	sgt.s32 @!p1 s16, $0x0  }
0x2e: {  	s0 =	smul.u32 @!p1 $0xA000, s0;
	s1 =	ssub.s32 @!p1 $0x100, s1;
	p3 =	sgt.s32 @!p1 s17, $0x0  }
0x2f: {  	s16 =	smul.u32 @!p1 $0x50000, s13;
	p2 =	por !p2, p1;
	p3 =	por !p3, p1  }
0x30: {  	s17 =	smul.u32 @!p1 $0x500, s12;
	s0 =	simm.s32 @!p2 $0x0;
	s1 =	simm.s32 @!p3 $0x0  }
0x31: {  	s16 =	sadd.s32 @!p1 s2, s16;
	s0 =	smul.u32 @!p1 s1, s0;
	s1 =	sxor.u32 @!p1 $0xFFFFFFFF, s9  }
0x32: {  	s16 =	sadd.s32 @!p1 s17, s16;
	s1 =	sshll.u32 @!p1 s1, $0xE  }
0x33: {  	s17 =	simm.s32 @!p1 $0x0;
	s1 =	sand.u32 @!p1 $0x4000, s1;
	s0 =	sshrl.u32 @!p1 s0, $0x2  }
0x34: {  	[tilespmem:s1], [sflag:$0x1] =	stream.linear.gather @!p1 [hbm4b:s16+s17], s0, $0x38;
	[tilespmem:$0x10200] =	vst v63  }
0x35: {  	p1 =	seq.s32 s9, $0x0  }
0x36: {  	p2 =	seq.s32 @!p1 s9, $0x41  }
0x37: {  	p1 =	por p1, p2  }
.Ltmp2:
0x38: {  	_ = 	snop;
	(pc) =	sbr.rel @p1 .LBB1_10-.Ltmp2, $1  }
0x39: {  	_ =	sdelay $0x3  }
0x3a: {  	p1 =	sgt.s32 s11, $0x7  }
0x3b: {  	s0 =	smov.u32 s11;
	s1 =	sshra.s32 s11, $0x1F;
	s16 =	smov.u32 s10  }
0x3c: {  	s17 =	sshra.s32 s10, $0x1F;
	s0 =	simm.s32 @!p1 $0x7;
	p1 =	sgt.s32 s10, $0xFF  }
0x3d: {  	s1 =	sand.u32 s1, s11;
	s29 =	sand.u32 s17, s10;
	s16 =	simm.s32 @!p1 $0xFF  }
0x3e: {  	s0 =	ssub.s32 s0, s1;
	s1 =	ssub.s32 s16, s29  }
0x3f: {  	s30 =	sadd.s32 $0xFFFFFFF9, s0;
	s0 =	ssub.s32 $0x8, s0;
	s16 =	sadd.s32 $0xFFFFFF01, s1  }
0x40: {  	p1 =	sgt.s32 s30, $0x0;
	s1 =	ssub.s32 $0x100, s1;
	p2 =	sgt.s32 s16, $0x0  }
0x41: {  	s0 =	simm.s32 @p1 $0x0;
	s1 =	simm.s32 @p2 $0x0  }
0x42: {  	s16 =	smul.u32 s0, s1;
	s0 =	sadd.s32 $0x1, s11  }
0x43: {  	s1 =	sadd.s32 $0x1, s10;
	p1 =	slt.s32 s0, $0x8  }
0x44: {  	s18 =	smul.u32 $0xA000, s16;
	s0 =	simm.s32 @!p1 $0x8;
	p1 =	slt.s32 s1, $0x100  }
0x45: {  	s17 =	ssub.s32 s0, s11;
	s1 =	simm.s32 @!p1 $0x100  }
0x46: {  	s31 =	sshrl.u32 s18, $0x2;
	s18 =	ssub.s32 s1, s10;
	p1 =	slt.s32 s17, $0x1  }
0x47: {  	p2 =	slt.s32 @!p1 s18, $0x1  }
0x48: {  	p2 =	por p1, p2  }
.Ltmp3:
0x49: {  	_ = 	snop;
	(pc) =	sbr.rel @p2 .LBB1_9-.Ltmp3, $4  }
0x4a: {  	_ = 	snop  }
0x4b: {  	_ =	swait.ge [sflag:s5], s31  }
0x4c: {  	s0 =	ssub.s32 $0x0, s31;
	[sflag:s5] =	ssyncset.done $0x0  }
0x4d: {  	s19 =	sand.u32 $0x1, s9;
	[sflag:s5] =	ssyncadd.s32 s0  }
0x4e: {  	s0 =	simm.s32 $0x1  }
0x4f: {  	s0 =	simm.s32 @!p0 $0x0  }
0x50: {  	s0 =	smul.u32 $0x10400, s0;
	_ =	sdelay $0x1  }
0x51: {  	s0 =	sshrl.u32 s0, $0x2  }
0x52: {  	s21 =	sshll.u32 @!p1 s19, $0xE;
	s22 =	simm.s32 $0x0;
	s20 =	sor.u32 $0x8000, s0  }
.LBB1_4:
0x53: {  	s23 =	simm.s32 $0x0;
	s24 =	simm.s32 $0x0  }
.LBB1_5:
0x54: {  	s0 =	sadd.s32 s22, s24  }
0x55: {  	s0 =	sshll.u32 s0, $0xE  }
0x56: {  	s1 =	simm.s32 $0x0;
	v0 =	vmov s0  }
0x57: {  	s8 =	sand.u32 $0x3800, s1  }
0x58: {  	s25 =	sand.u32 $0x300, s1;
	s0 =	sadd.s32 s8, s21  }
0x59: {  	s26 =	sand.u32 $0x80, s1;
	s25 =	sadd.s32 s25, s0  }
0x5a: {  	s29 =	sadd.s32 s26, s25  }
0x5b: {  	s27 =	sand.u32 $0x7, s23;
	v6 =	vld.idx.msk [tilespmem:v0+s29+$0x70 ss:$0x1], $0xffff  }
0x5c: {  	s26 =	smul.u32 $0x104, s27;
	v4 =	vld.idx.msk [tilespmem:v0+s29+$0x0 ss:$0x1], $0xffff  }
0x5d: {  	s1 =	sand.u32 $0x380, s1;
	v3 =	vld.idx.msk [tilespmem:v0+s29+$0x10 ss:$0x1], $0xffff  }
0x5e: {  	s31 =	simm.s32 $0x100;
	s30 =	sadd.s32 s1, s0;
	s25 =	sshrl.u32 s26, $0x2;
	v1 =	vld.idx.msk [tilespmem:v0+s29+$0x20 ss:$0x1], $0xffff  }
0x5f: {  	s1 =	sand.u32 $0x3800, s31;
	s0 =	simm.s32 $0x8;
	s25 =	sadd.s32 s25, s20;
	v2 =	vld.idx.msk [tilespmem:v0+s29+$0x30 ss:$0x1], $0xffff  }
0x60: {  	s27 =	simm.s32 $0x4;
	s26 =	simm.s32 $0x80;
	v5 =	vld.idx.msk [tilespmem:v0+s29+$0x40 ss:$0x1], $0xffff;
	s28 =	sadd.s32 $0x0, s25  }
.LBB1_6:
0x61: {  	p1 =	sne.s32 s0, $0x9C;
	s7 =	sand.u32 $0x300, s26;
	s1 =	sadd.s32 s1, s21;
	v7 =	vld.idx.msk [tilespmem:v0+s29+$0x50 ss:$0x1], $0xffff;
	[tilespmem:s28+$0x1C70 ss:$0x41] =	vst.msk $0xffff, v6  }
0x62: {  	s8 =	sand.u32 $0x380, s26;
	s3 =	sand.u32 $0x80, s26;
	s7 =	sadd.s32 s7, s1;
	[tilespmem:s28+$0x0 ss:$0x41] =	vst.msk $0xffff, v4;
	v8 =	vld.idx.msk [tilespmem:v0+s29+$0x60 ss:$0x1], $0xffff  }
0x63: {  	s29 =	sadd.s32 s3, s7;
	[tilespmem:s28+$0x410 ss:$0x41] =	vst.msk $0xffff, v3;
	v9 =	vld.idx.msk [tilespmem:v0+s30+$0x400 ss:$0x1], $0xffff;
	s30 =	sadd.s32 s8, s1;
	s1 =	smov.u32 s27  }
0x64: {  	s27 =	smov.u32 s0;
	v6 =	vld.idx.msk [tilespmem:v0+s29+$0x70 ss:$0x1], $0xffff;
	[tilespmem:s28+$0x820 ss:$0x41] =	vst.msk $0xffff, v1  }
.Ltmp4:
0x65: {  	v4 =	vld.idx.msk [tilespmem:v0+s29+$0x0 ss:$0x1], $0xffff;
	[tilespmem:s28+$0xC30 ss:$0x41] =	vst.msk $0xffff, v2;
	(pc) =	sbr.rel @p1 .LBB1_6-.Ltmp4, $4  }
0x66: {  	v3 =	vld.idx.msk [tilespmem:v0+s29+$0x10 ss:$0x1], $0xffff;
	[tilespmem:s28+$0x1040 ss:$0x41] =	vst.msk $0xffff, v5  }
0x67: {  	v1 =	vld.idx.msk [tilespmem:v0+s29+$0x20 ss:$0x1], $0xffff;
	[tilespmem:s28+$0x1450 ss:$0x41] =	vst.msk $0xffff, v7  }
0x68: {  	s26 =	sadd.s32 $0x80, s26;
	s31 =	sadd.s32 $0x100, s31;
	s3 =	sshra.s32 s1, $0x2;
	v2 =	vld.idx.msk [tilespmem:v0+s29+$0x30 ss:$0x1], $0xffff;
	[tilespmem:s28+$0x1860 ss:$0x41] =	vst.msk $0xffff, v8  }
0x69: {  	s0 =	sadd.s32 $0x4, s0;
	s1 =	sand.u32 $0x3800, s31;
	v5 =	vld.idx.msk [tilespmem:v0+s29+$0x40 ss:$0x1], $0xffff;
	[tilespmem:s28+$0x2080 ss:$0x41] =	vst.msk $0xffff, v9;
	s28 =	sadd.s32 s3, s25  }
0x6a: {  	_ =	sdelay $0x2  }
0x6b: {  	[tilespmem:s28+$0x1C70 ss:$0x41] =	vst.msk $0xffff, v6  }
0x6c: {  	v52 =	vld.idx.msk [tilespmem:v0+s29+$0x50 ss:$0x1], $0xffff;
	[tilespmem:s28+$0x0 ss:$0x41] =	vst.msk $0xffff, v4  }
0x6d: {  	s0 =	sand.u32 $0x300, s26;
	s1 =	sadd.s32 s1, s21;
	v53 =	vld.idx.msk [tilespmem:v0+s29+$0x60 ss:$0x1], $0xffff;
	s7 =	sand.u32 $0x380, s26;
	[tilespmem:s28+$0x410 ss:$0x41] =	vst.msk $0xffff, v3  }
0x6e: {  	s3 =	sand.u32 $0x80, s26;
	v54 =	vld.idx.msk [tilespmem:v0+s30+$0x400 ss:$0x1], $0xffff;
	s0 =	sadd.s32 s0, s1;
	s1 =	sadd.s32 s7, s1;
	[tilespmem:s28+$0x820 ss:$0x41] =	vst.msk $0xffff, v1  }
0x6f: {  	s0 =	sadd.s32 s3, s0;
	v63 =	vld.idx.msk [tilespmem:v0+s1+$0x400 ss:$0x1], $0xffff;
	[tilespmem:s28+$0xC30 ss:$0x41] =	vst.msk $0xffff, v2  }
0x70: {  	v55 =	vld.idx.msk [tilespmem:v0+s0+$0x70 ss:$0x1], $0xffff;
	[tilespmem:s28+$0x1040 ss:$0x41] =	vst.msk $0xffff, v5  }
0x71: {  	v56 =	vld.idx.msk [tilespmem:v0+s0+$0x0 ss:$0x1], $0xffff;
	[tilespmem:s28+$0x1450 ss:$0x41] =	vst.msk $0xffff, v52  }
0x72: {  	s31 =	sshra.s32 s27, $0x2;
	v57 =	vld.idx.msk [tilespmem:v0+s0+$0x10 ss:$0x1], $0xffff;
	[tilespmem:s28+$0x1860 ss:$0x41] =	vst.msk $0xffff, v53  }
0x73: {  	s3 =	sadd.s32 s31, s25;
	v58 =	vld.idx.msk [tilespmem:v0+s0+$0x20 ss:$0x1], $0xffff;
	[tilespmem:s28+$0x2080 ss:$0x41] =	vst.msk $0xffff, v54  }
0x74: {  	v59 =	vld.idx.msk [tilespmem:v0+s0+$0x30 ss:$0x1], $0xffff;
	[tilespmem:s3+$0x2080 ss:$0x41] =	vst.msk $0xffff, v63  }
0x75: {  	v60 =	vld.idx.msk [tilespmem:v0+s0+$0x40 ss:$0x1], $0xffff;
	[tilespmem:s3+$0x1C70 ss:$0x41] =	vst.msk $0xffff, v55  }
0x76: {  	s24 =	sadd.s32 $0x1, s24;
	v61 =	vld.idx.msk [tilespmem:v0+s0+$0x50 ss:$0x1], $0xffff;
	[tilespmem:s3+$0x0 ss:$0x41] =	vst.msk $0xffff, v56  }
0x77: {  	p1 =	sne.s32 s24, s18;
	v62 =	vld.idx.msk [tilespmem:v0+s0+$0x60 ss:$0x1], $0xffff;
	[tilespmem:s3+$0x410 ss:$0x41] =	vst.msk $0xffff, v57  }
.Ltmp5:
0x78: {  	[tilespmem:s3+$0x820 ss:$0x41] =	vst.msk $0xffff, v58;
	(pc) =	sbr.rel @p1 .LBB1_5-.Ltmp5, $4  }
0x79: {  	[tilespmem:s3+$0xC30 ss:$0x41] =	vst.msk $0xffff, v59  }
0x7a: {  	[tilespmem:s3+$0x1040 ss:$0x41] =	vst.msk $0xffff, v60  }
0x7b: {  	[tilespmem:s3+$0x1450 ss:$0x41] =	vst.msk $0xffff, v61  }
0x7c: {  	s23 =	sadd.s32 $0x1, s23;
	[tilespmem:s3+$0x1860 ss:$0x41] =	vst.msk $0xffff, v62  }
0x7d: {  	s22 =	sadd.s32 $0x1, s22  }
0x7e: {  	p1 =	sne.s32 s22, s17  }
.Ltmp6:
0x7f: {  	_ = 	snop;
	(pc) =	sbr.rel @p1 .LBB1_4-.Ltmp6, $4  }
.Ltmp7:
0x80: {  	_ = 	snop;
	(pc) =	sbr.rel @!p1 .LBB1_9-.Ltmp7, $4  }
0x81: {  	_ = 	snop  }
0x82: {  	_ = 	snop  }
0x83: {  	s20 =	sadd.s32 $0x4100, s20  }
0x84: {  	_ = 	snop  }
.LBB1_11:
0x85: {  	_ =	sfence.sel $0x180000  }
0x86: {  	s0 =	simm.s32 $0x1;
	[bflag:$0x0] =	sbarrier.arrive $0xFFFF  }
0x87: {  	s30 =	simm.s32 $0x2;
	[sflag:s0] =	ssyncpa.u1 $0x1  }
0x88: {  	[sflag:s30] =	ssyncpa.u1 $0x1  }
0x89: {  	_ =	strace $0x90000071  }
0x8a: {  	s31 =	stileid.u32;
	[bflag:$0x2] =	sbarrier.arrive $0xFFFF  }
0x8b: {  	p0 =	sne.s32 s31, $0x0;
	s0 =	rddreg [dreg:$0x1]  }
0x8c: {  	s0 =	sadd.s32 @!p0 $0x100000, s0  }
0x8d: {  	[sflag:s0] =	ssyncadd.tile.s32 @!p0 $0x1;
	_ =	shalt  }
.Lfunc_end1:
_tile_overlayer_lowered:
.L_overlay_start_2:
0x8e: {  	(tag) =	ssettag $0x2  }
0x8f: {  	s0 =	rddreg [dreg:$0x0];
	s2 =	stileid.u32  }
0x90: {  	s1 =	rddreg [dreg:$0x1];
	p0 =	sne.s32 s2, $0x0  }
0x91: {  	s3 =	rddreg [dreg:$0x2];
	[bflag:$0x3] =	sbarrier.arrive $0xFFFF;
	s2 =	simm.s32 @!p0 $0x1C01  }
0x92: {  	[timem:s3], [sflag:s2] =	dma.local @!p0 [hbm:s0], s1  }
0x93: {  	s0 =	simm.s32 @!p0 $0x1  }
0x94: {  	_ =	swait.ge @!p0 [sflag:s0], s1  }
0x95: {  	s1 =	ssub.s32 @!p0 $0x0, s1;
	[sflag:s0] =	ssyncset.done @!p0 $0x0  }
0x96: {  	[sflag:s0] =	ssyncadd.s32 @!p0 s1  }
0x97: {  	[bflag:$0x3] =	sbarrier.arrive $0xFFFF  }
0x98: {  	_ =	shalt  }

// kernel: sparse-core-data-format-call.4.cloned.1.call-start
scs
called_computation.4_lowered:
.L_overlay_start_0:
0x0: {  	s1 =	sld [smem:$0x3FD9]  }
0x1: {  	s2 =	sld [smem:$0x3FFE];
	_ =	sdelay $0x1  }
0x2: {  	s3 =	srdreg.scid  }
0x3: {  	s0 =	sand.u32 $0x1, s3  }
0x4: {  	s17 =	sshll.u32 s0, $0xA;
	s1 =	sadd.s32 s2, s1  }
0x5: {  	s1 =	sadd.s32 s1, s17  }
0x6: {  	[smem:$0x3FA3] =	sst s1  }
0x7: {  	_ = 	snop  }
0x8: {  	(tm) =	ssettm $0x1  }
0x9: {  	s18 =	sld [smem:$0x3FFB];
	_ =	sdelay $0x3  }
0xa: {  	_ =	strace s18  }
0xb: {  	s1 =	sld [smem:$0x3FFC];
	_ =	sdelay $0x3  }
0xc: {  	_ =	strace s1  }
0xd: {  	s1 =	sld [smem:$0x3FFD];
	_ =	sdelay $0x3  }
0xe: {  	_ =	strace s1  }
0xf: {  	_ =	strace $0x8FFFFFFF  }
0x10: {  	s19 =	sld [smem:$0x3FDB];
	_ =	sdelay $0x1  }
0x11: {  	s20 =	simm.s32 $_scs_section_size  }
0x12: {  	s4 =	simm.s32 $_size__tile_overlayer_lowered;
	s5 =	simm.s32 $_tile_overlayer_lowered  }
0x13: {  	s23 =	simm.s32 $0x1BFF;
	s22 =	sshll.u32 s5, $0x1;
	s1 =	sadd.s32 s20, s19  }
0x14: {  	s6 =	simm.s32 $0x0;
	s21 =	sshll.u32 s4, $0x1;
	s4 =	sadd.s32 s22, s1  }
0x15: {  	[timem:s6], [sflag:s23] =	dma.local [hbm:s4], s21  }
0x16: {  	_ =	swait.ge [sflag:s23], s21  }
0x17: {  	s2 =	ssub.s32 $0x0, s21;
	[sflag:s23] =	ssyncset.done $0x0  }
0x18: {  	[sflag:s23] =	ssyncadd.s32 s2;
	_ =	sdelay $0x1  }
0x19: {  	s24 =	simm.s32 $0x1B8B  }
0x1a: {  	_ =	swait.ge [sflag:s24], $0x1  }
0x1b: {  	[sflag:s24] =	ssyncset.done $0x0  }
0x1c: {  	s26 =	simm.s32 $0x1B8E;
	s25 =	sld [smem:$0x3FFE];
	[sflag:s24] =	ssyncadd.s32 $0xFFFFFFFF  }
0x1d: {  	s27 =	simm.s32 $execute0_lowered;
	[smem:$0x3FD2] =	sst s26  }
0x1e: {  	s4 =	sshll.u32 s27, $0x1;
	_ =	strace $0x80000067;
	[dreg:$0x1] =	wrdreg $0xFFFFFFFF  }
0x1f: {  	s28 =	simm.s32 $_size_execute0_lowered;
	s1 =	sadd.s32 s1, s4;
	[dreg:$0x0] =	wrdreg $0x0  }
0x20: {  	s4 =	sshll.u32 s28, $0x1;
	[dreg:$0x2] =	wrdreg s1  }
0x21: {  	[dreg:$0x3] =	wrdreg s4  }
0x22: {  	[dreg:$0x4] =	wrdreg $0xC0  }
0x23: {  	_ =	task [dreg:s6], $0x5FFFF  }
0x24: {  	[dreg:$0x1] =	wrdreg $0xFFFFFFFF  }
0x25: {  	[dreg:$0x0] =	wrdreg $0x60  }
0x26: {  	[dreg:$0x2] =	wrdreg s25  }
0x27: {  	[dreg:$0x3] =	wrdreg $0x9  }
0x28: {  	_ =	task.clear_ibuf [dreg:s6], $0x4FFFF;
	_ =	strace $0x90000067  }
0x29: {  	s29 =	simm.s32 $0x9;
	_ =	strace $0x80000069  }
0x2a: {  	_ =	swait.ge [sflag:s29], $0x1  }
0x2b: {  	[sflag:s29] =	ssyncadd.s32 $0xFFFFFFFF  }
0x2c: {  	_ =	strace $0x90000069  }
0x2d: {  	_ =	sfence  }
0x2e: {  	s30 =	sld [smem:$0x0];
	_ =	sdelay $0x2  }
0x2f: {  	s31 =	sshll.u32 s3, $0xD;
	s3 =	sshrl.u32 s3, $0x2  }
0x30: {  	s2 =	sand.u32 $0x4000, s31;
	s1 =	sadd.s32 s3, s30  }
0x31: {  	s0 =	sor.u32 s2, s0;
	s1 =	sshll.u32 s1, $0x11  }
0x32: {  	s0 =	sor.u32 s1, s0  }
0x33: {  	s0 =	sadd.s32 $0x8F2B, s0  }
0x34: {  	[sflag:s0] =	ssyncadd.remote.s32 $0x1  }
0x35: {  	_ =	sfence.sel $0xFFFF  }
0x36: {  	[dreg:$0x0] =	wrdreg $0xFFFFFFFF;
	(pc) =	sbr.abs _section_cstart, $3  }
0x37: {  	[dreg:$0x1] =	wrdreg $0xFFFFFFFF  }
0x38: {  	_ =	task.clear_ibuf [dreg:s6], $0x2FFFF;
	_ =	strace $0x9FFFFFFF  }
0x39: {  	(tm) =	ssettm $0x7FFFFFFF  }
tec
execute0_lowered:
.L_overlay_start_1:
0x0: {  	(tag) =	ssettag $0x1  }
0x1: {  	s0 =	srdreg.scid  }
0x2: {  	s9 =	rddreg [dreg:$0x0];
	s1 =	sshll.u32 s0, $0x4  }
0x3: {  	s7 =	simm.s32 $0x1;
	s0 =	stileid.u32;
	s1 =	sand.u32 $0x10, s1  }
0x4: {  	s31 =	simm.s32 $0x2;
	s18 =	simm.s32 $0x0;
	s8 =	sor.u32 s0, s1  }
0x5: {  	s11 =	simm.s32 $0x80;
	s17 =	simm.s32 $0x0;
	s2 =	sshll.u32 s8, $0x4  }
0x6: {  	s16 =	simm.s32 $0x0;
	s19 =	simm.s32 $0x0;
	s2 =	sand.u32 $0x180, s2  }
0x7: {  	s12 =	simm.s32 $0x0;
	s13 =	simm.s32 $0x0;
	s6 =	ssub.s32 $0x200, s2  }
0x8: {  	s15 =	simm.s32 $0x0;
	s3 =	sadd.s32 $0x303400, s9;
	s5 =	sand.u32 $0x180, s6  }
0x9: {  	s4 =	sadd.s32 $0x5D3400, s9;
	s9 =	sadd.s32 $0x5D5400, s9;
	p0 =	sne.s32 s5, $0x0  }
.Ltmp0:
0xa: {  	s10 =	sshrl.u32 s6, $0x9;
	s7 =	simm.s32 @!p0 $0x0;
	(pc) =	sbr.rel .LBB1_1-.Ltmp0, $4  }
0xb: {  	s1 =	rddreg [dreg:$0x1];
	_ =	strace $0x80000068;
	s7 =	sadd.s32 s7, s10  }
0xc: {  	s8 =	sshll.u32 s8, $0x7;
	s5 =	simm.s32 $0x1;
	s7 =	smul.u32 $0x48, s7  }
0xd: {  	s8 =	sand.u32 $0xC00, s8;
	s6 =	sand.u32 $0x7, s0;
	[sflag:s5] =	ssyncpa.u1 $0x0  }
0xe: {  	s14 =	smov.u32 s6;
	[sflag:s31] =	ssyncpa.u1 $0x0;
	s10 =	sor.u32 $0x1, s7  }
.LBB1_7:
0xf: {  	s20 =	sadd.s32 $0x2, s12  }
0x10: {  	s16 =	sadd.s32 $0x40, s13;
	s21 =	smov.u32 s13;
	p1 =	sgt.s32 s20, $0x8F  }
0x11: {  	s21 =	smov.u32 @p1 s16  }
0x12: {  	s22 =	smov.u32 s14;
	s16 =	sadd.s32 $0x8, s14;
	p2 =	sgt.s32 s21, $0x27  }
0x13: {  	s22 =	smov.u32 @p2 s16  }
0x14: {  	s20 =	simm.s32 @p1 $0x0;
	p1 =	sgt.s32 s22, $0x7  }
0x15: {  	p0 =	slt.u32 s15, $0x2;
	s22 =	smov.u32 @p1 s6;
	p1 =	sne.s32 s15, s10  }
.Ltmp1:
0x16: {  	s18 =	simm.s32 @!p0 $0x2;
	(pc) =	sbr.rel @!p1 .LBB1_8-.Ltmp1, $4  }
0x17: {  	s17 =	smov.u32 s12;
	s19 =	smov.u32 s14;
	_ =	swait.ge @!p0 [sflag:s18], $0x4000  }
0x18: {  	[sflag:s18] =	ssyncset.done @!p0 $0x0;
	s12 =	smov.u32 s20;
	s21 =	simm.s32 @p2 $0x0  }
0x19: {  	s16 =	smov.u32 s13;
	[sflag:s18] =	ssyncadd.s32 @!p0 $0xFFFFC000;
	s18 =	smov.u32 s2  }
0x1a: {  	s13 =	smov.u32 s21;
	s15 =	sadd.s32 $0x1, s15;
	s14 =	smov.u32 s22  }
.LBB1_1:
0x1b: {  	p0 =	sge.u32 s15, s7;
	s23 =	smov.u32 s14;
	s31 =	sadd.s32 $0xFFFFFFFF, s15  }
0x1c: {  	s20 =	sshll.u32 @!p0 s12, $0x9;
	s21 =	sshll.u32 @!p0 s12, $0x7;
	s22 =	sxor.u32 @!p0 $0xFFFFFFFF, s15  }
0x1d: {  	p1 =	sgt.s32 @!p0 s14, $0x7;
	s24 =	sshra.s32 @!p0 s14, $0x1F;
	s25 =	sshra.s32 @!p0 s13, $0x1F  }
0x1e: {  	s20 =	sand.u32 @!p0 $0xFFFFF000, s20;
	s21 =	sand.u32 @!p0 $0x200, s21;
	p1 =	por !p1, p0  }
0x1f: {  	s24 =	sand.u32 @!p0 s24, s14;
	s25 =	sand.u32 @!p0 s25, s13;
	s20 =	sor.u32 @!p0 s8, s20  }
0x20: {  	s23 =	simm.s32 @p1 $0x7;
	p1 =	sgt.s32 @!p0 s13, $0xFFFFFFE8;
	s20 =	sor.u32 @!p0 s21, s20  }
0x21: {  	s23 =	ssub.s32 @!p0 s23, s24;
	p1 =	por !p1, p0;
	s24 =	smov.u32 s13  }
0x22: {  	s20 =	sshrl.u32 @!p0 s20, $0x9;
	s24 =	simm.s32 @p1 $0xFFFFFFE8;
	p1 =	sgt.s32 @!p0 s12, $0x8E  }
0x23: {  	s23 =	sadd.s32 @!p0 $0xFFFFFFF9, s23;
	s21 =	smulhi.u32 @!p0 $0x1C71C72, s20;
	s24 =	ssub.s32 @!p0 s24, s25  }
0x24: {  	p1 =	por !p1, p0;
	s25 =	smov.u32 s12;
	p2 =	sgt.s32 @!p0 s23, $0x0  }
0x25: {  	s23 =	sshll.u32 @!p0 s23, $0x7;
	s26 =	sadd.s32 @!p0 $0x18, s24;
	s25 =	simm.s32 @p1 $0x8E  }
0x26: {  	s24 =	ssub.s32 @!p0 $0x28, s24;
	p1 =	sgt.s32 @!p0 s26, $0x3F;
	s26 =	sshra.s32 @!p0 s12, $0x1F  }
0x27: {  	s23 =	ssub.s32 @!p0 $0x80, s23;
	p2 =	por !p2, p0;
	s26 =	sand.u32 @!p0 s26, s12  }
0x28: {  	s21 =	smul.u32 @!p0 $0x90, s21;
	p1 =	por !p1, p0;
	s25 =	ssub.s32 @!p0 s25, s26  }
0x29: {  	s23 =	simm.s32 @!p2 $0x0;
	s24 =	simm.s32 @!p1 $0x0;
	s26 =	sadd.s32 @!p0 $0xFFFFFF72, s25  }
0x2a: {  	s22 =	sshll.u32 @!p0 s22, $0xE;
	s23 =	smul.u32 @!p0 s24, s23;
	p1 =	sgt.s32 @!p0 s26, $0x1  }
0x2b: {  	s24 =	ssub.s32 @!p0 $0x90, s25;
	s25 =	smul.u32 @!p0 $0x5A000, s14;
	p1 =	por !p1, p0  }
0x2c: {  	s20 =	ssub.s32 @!p0 s20, s21;
	s21 =	smul.u32 @!p0 $0x2400, s13;
	s24 =	simm.s32 @!p1 $0x0  }
0x2d: {  	s25 =	sadd.s32 @!p0 s3, s25;
	s23 =	smul.u32 @!p0 s24, s23;
	s24 =	sshll.u32 @!p0 s12, $0x4  }
0x2e: {  	s22 =	sand.u32 @!p0 $0x4000, s22;
	s21 =	sadd.s32 @!p0 s21, s25;
	s24 =	sand.u32 @!p0 $0x30, s24  }
0x2f: {  	s20 =	sshll.u32 @!p0 s20, $0x6;
	s23 =	sand.u32 @!p0 $0x3FFFFF80, s23;
	s21 =	sadd.s32 @!p0 s24, s21  }
0x30: {  	s24 =	simm.s32 @!p0 $0x12000;
	s20 =	sadd.s32 @!p0 s20, s21;
	s21 =	simm.s32 @!p0 $0x100  }
0x31: {  	[tilespmem:s22], [sflag:$0x1] =	stream.strided.gather @!p0 [hbm4b:s20+s21], s23, s24, s21, $0x38;
	[tilespmem:$0x10200] =	vst v63  }
0x32: {  	p0 =	sge.u32 s31, s7  }
.Ltmp2:
0x33: {  	_ = 	snop;
	(pc) =	sbr.rel @p0 .LBB1_7-.Ltmp2, $1  }
0x34: {  	_ =	sdelay $0x3  }
0x35: {  	p0 =	sgt.s32 s19, $0x7  }
0x36: {  	s20 =	smov.u32 s19;
	s21 =	sshra.s32 s19, $0x1F;
	s22 =	sshra.s32 s16, $0x1F  }
0x37: {  	p1 =	sgt.s32 s17, $0x8E;
	s20 =	simm.s32 @!p0 $0x7;
	s21 =	sand.u32 s21, s19  }
0x38: {  	s24 =	sshra.s32 s17, $0x1F;
	p0 =	sgt.s32 s16, $0xFFFFFFE8;
	s20 =	ssub.s32 s20, s21  }
0x39: {  	s22 =	sand.u32 s22, s16;
	s21 =	smov.u32 s16;
	s20 =	sadd.s32 $0xFFFFFFF9, s20  }
0x3a: {  	s29 =	sand.u32 s24, s17;
	s21 =	simm.s32 @!p0 $0xFFFFFFE8;
	p0 =	sgt.s32 s20, $0x0  }
0x3b: {  	s21 =	ssub.s32 s21, s22;
	s22 =	smov.u32 s17;
	s20 =	sshll.u32 s20, $0x7  }
0x3c: {  	s23 =	sadd.s32 $0x18, s21;
	s22 =	simm.s32 @!p1 $0x8E;
	s21 =	ssub.s32 $0x28, s21  }
0x3d: {  	s20 =	ssub.s32 $0x80, s20;
	p1 =	sgt.s32 s23, $0x3F;
	s22 =	ssub.s32 s22, s29  }
0x3e: {  	s20 =	simm.s32 @p0 $0x0;
	s21 =	simm.s32 @p1 $0x0;
	s23 =	sadd.s32 $0xFFFFFF72, s22  }
0x3f: {  	s22 =	ssub.s32 $0x90, s22;
	p0 =	sgt.s32 s23, $0x1;
	s20 =	smul.u32 s21, s20  }
0x40: {  	s22 =	simm.s32 @p0 $0x0  }
0x41: {  	s20 =	smul.u32 s22, s20;
	_ =	sdelay $0x1  }
0x42: {  	s30 =	sand.u32 $0x1, s15;
	s20 =	sand.u32 $0x3FFFFF80, s20  }
0x43: {  	s31 =	smul.u32 $0x10400, s30;
	_ =	swait.ge [sflag:s5], s20  }
0x44: {  	s20 =	ssub.s32 $0x0, s20;
	[sflag:s5] =	ssyncset.done $0x0  }
0x45: {  	[sflag:s5] =	ssyncadd.s32 s20;
	s20 =	sshrl.u32 s31, $0x2  }
0x46: {  	s23 =	simm.s32 $0x0;
	s22 =	sshll.u32 s30, $0xE;
	s21 =	sor.u32 $0x8000, s20  }
.LBB1_3:
0x47: {  	s24 =	sshll.u32 s23, $0x8  }
0x48: {  	s24 =	sand.u32 $0x3FFFFF00, s24  }
0x49: {  	s24 =	sadd.s32 s24, s22  }
0x4a: {  	v0 =	vmov s24;
	_ =	sdelay $0x1  }
0x4b: {  	p0 =	por $0x1, $0x1;
	s24 =	simm.s32 $0x0  }
.LBB1_4:
0x4c: {  	s25 =	sshll.u32 s24, $0x7  }
0x4d: {  	s25 =	sand.u32 $0x3FFFFF80, s25  }
0x4e: {  	s31 =	smul.u32 $0x8200, s24;
	v1 =	vld.idx.msk [tilespmem:v0+s25+$0x0 ss:$0x1], $0xffff  }
0x4f: {  	v2 =	vld.idx.msk [tilespmem:v0+s25+$0x10 ss:$0x1], $0xffff  }
0x50: {  	s24 =	sshra.s32 s31, $0x2;
	v3 =	vld.idx.msk [tilespmem:v0+s25+$0x20 ss:$0x1], $0xffff  }
0x51: {  	v4 =	vld.idx.msk [tilespmem:v0+s25+$0x30 ss:$0x1], $0xffff;
	s24 =	sadd.s32 s24, s21  }
0x52: {  	v5 =	vld.idx.msk [tilespmem:v0+s25+$0x40 ss:$0x1], $0xffff;
	s24 =	sadd.s32 s23, s24  }
0x53: {  	[tilespmem:s24+$0x0 ss:$0x41] =	vst.msk $0xffff, v1;
	v1 =	vld.idx.msk [tilespmem:v0+s25+$0x50 ss:$0x1], $0xffff  }
0x54: {  	[tilespmem:s24+$0x410 ss:$0x41] =	vst.msk $0xffff, v2;
	v2 =	vld.idx.msk [tilespmem:v0+s25+$0x60 ss:$0x1], $0xffff  }
0x55: {  	p1 =	por p0, p0;
	[tilespmem:s24+$0x820 ss:$0x41] =	vst.msk $0xffff, v3;
	v3 =	vld.idx.msk [tilespmem:v0+s25+$0x70 ss:$0x1], $0xffff  }
.Ltmp3:
0x56: {  	[tilespmem:s24+$0xC30 ss:$0x41] =	vst.msk $0xffff, v4;
	(pc) =	sbr.rel @p1 .LBB1_4-.Ltmp3, $4  }
0x57: {  	[tilespmem:s24+$0x1040 ss:$0x41] =	vst.msk $0xffff, v5  }
0x58: {  	[tilespmem:s24+$0x1450 ss:$0x41] =	vst.msk $0xffff, v1  }
0x59: {  	[tilespmem:s24+$0x1860 ss:$0x41] =	vst.msk $0xffff, v2  }
0x5a: {  	p0 =	por $0x0, $0x0;
	[tilespmem:s24+$0x1C70 ss:$0x41] =	vst.msk $0xffff, v3;
	s24 =	simm.s32 $0x1  }
0x5b: {  	s23 =	sadd.s32 $0x1, s23  }
0x5c: {  	p0 =	sne.s32 s23, $0x40  }
.Ltmp4:
0x5d: {  	_ = 	snop;
	(pc) =	sbr.rel @p0 .LBB1_3-.Ltmp4, $1  }
0x5e: {  	_ =	sdelay $0x3  }
0x5f: {  	s19 =	smul.u32 $0x120000, s19  }
0x60: {  	s18 =	sshll.u32 s18, $0x4;
	s22 =	sand.u32 $0x1F80, s16;
	s17 =	sshll.u32 s17, $0xD  }
0x61: {  	s29 =	sshrl.u32 s16, $0x3;
	s30 =	sand.u32 $0x7, s16;
	s18 =	sadd.s32 s22, s18  }
0x62: {  	s22 =	sand.u32 $0xF, s29;
	s16 =	sshll.u32 s30, $0x12;
	s23 =	sadd.s32 s19, s17  }
0x63: {  	s18 =	sand.u32 $0x1F80, s18;
	s19 =	sadd.s32 s19, s9;
	s23 =	sadd.s32 s4, s23  }
.Ltmp5:
0x64: {  	s17 =	sadd.s32 s17, s19;
	s23 =	sadd.s32 s22, s23;
	(pc) =	sbr.rel .LBB1_7-.Ltmp5, $4  }
0x65: {  	s16 =	sor.u32 $0x40, s16;
	s17 =	sadd.s32 s22, s17;
	s23 =	sadd.s32 s18, s23  }
0x66: {  	[hbm4b:s23+s16] =	stream.strided.scatter [tilespmem:s21], [sflag:$0x2], $0x2000, s11, s16, $0x18;
	[tilespmem:$0x10200] =	vst v63  }
0x67: {  	s31 =	sadd.s32 $0xA080, s20;
	s17 =	sadd.s32 s18, s17  }
0x68: {  	[hbm4b:s17+s16] =	stream.strided.scatter [tilespmem:s31], [sflag:$0x2], $0x2000, s11, s16, $0x18;
	[tilespmem:$0x10200] =	vst v63  }
.LBB1_8:
0x69: {  	_ =	sfence.sel $0x180000  }
0x6a: {  	s2 =	simm.s32 $0x1;
	[bflag:$0x0] =	sbarrier.arrive $0xFFFF  }
0x6b: {  	s31 =	simm.s32 $0x2;
	[sflag:s2] =	ssyncpa.u1 $0x1  }
0x6c: {  	[sflag:s31] =	ssyncpa.u1 $0x1  }
0x6d: {  	p0 =	sne.s32 s0, $0x0;
	_ =	strace $0x90000068  }
0x6e: {  	s0 =	sadd.s32 @!p0 $0x100000, s1;
	[bflag:$0x2] =	sbarrier.arrive $0xFFFF  }
0x6f: {  	[sflag:s0] =	ssyncadd.tile.s32 @!p0 $0x1;
	_ =	shalt  }
.Lfunc_end1:
_tile_overlayer_lowered:
.L_overlay_start_2:
0x70: {  	(tag) =	ssettag $0x2  }
0x71: {  	s0 =	rddreg [dreg:$0x0];
	s2 =	stileid.u32  }
0x72: {  	s1 =	rddreg [dreg:$0x1];
	p0 =	sne.s32 s2, $0x0  }
0x73: {  	s3 =	rddreg [dreg:$0x2];
	[bflag:$0x3] =	sbarrier.arrive $0xFFFF;
	s2 =	simm.s32 @!p0 $0x1C01  }
0x74: {  	[timem:s3], [sflag:s2] =	dma.local @!p0 [hbm:s0], s1  }
0x75: {  	s0 =	simm.s32 @!p0 $0x1  }
0x76: {  	_ =	swait.ge @!p0 [sflag:s0], s1  }
0x77: {  	s1 =	ssub.s32 @!p0 $0x0, s1;
	[sflag:s0] =	ssyncset.done @!p0 $0x0  }
0x78: {  	[sflag:s0] =	ssyncadd.s32 @!p0 s1  }
0x79: {  	[bflag:$0x3] =	sbarrier.arrive $0xFFFF  }
0x7a: {  	_ =	shalt  }

// kernel: sparse-core-data-format-call.5.cloned.1.call-start
scs
called_computation.5_lowered:
.L_overlay_start_0:
0x0: {  	s2 =	sld [smem:$0x3FD9]  }
0x1: {  	s3 =	sld [smem:$0x3FFE];
	_ =	sdelay $0x1  }
0x2: {  	s1 =	srdreg.scid  }
0x3: {  	s0 =	sand.u32 $0x1, s1  }
0x4: {  	s18 =	sshll.u32 s0, $0xA;
	s2 =	sadd.s32 s3, s2  }
0x5: {  	s2 =	sadd.s32 s2, s18  }
0x6: {  	[smem:$0x3FA3] =	sst s2  }
0x7: {  	_ = 	snop  }
0x8: {  	(tm) =	ssettm $0x1  }
0x9: {  	s19 =	sld [smem:$0x3FFB];
	_ =	sdelay $0x3  }
0xa: {  	_ =	strace s19  }
0xb: {  	s2 =	sld [smem:$0x3FFC];
	_ =	sdelay $0x3  }
0xc: {  	_ =	strace s2  }
0xd: {  	s2 =	sld [smem:$0x3FFD];
	_ =	sdelay $0x3  }
0xe: {  	_ =	strace s2  }
0xf: {  	_ =	strace $0x8FFFFFFF  }
0x10: {  	s20 =	sld [smem:$0x3FDB];
	_ =	sdelay $0x1  }
0x11: {  	s21 =	simm.s32 $_scs_section_size  }
0x12: {  	s4 =	simm.s32 $_size__tile_overlayer_lowered;
	s5 =	simm.s32 $_tile_overlayer_lowered  }
0x13: {  	s6 =	simm.s32 $0x1BFF;
	s22 =	sshll.u32 s5, $0x1;
	s3 =	sadd.s32 s21, s20  }
0x14: {  	s23 =	simm.s32 $0x0;
	s4 =	sshll.u32 s4, $0x1;
	s5 =	sadd.s32 s22, s3  }
0x15: {  	[timem:s23], [sflag:s6] =	dma.local [hbm:s5], s4  }
0x16: {  	_ =	swait.ge [sflag:s6], s4  }
0x17: {  	s4 =	ssub.s32 $0x0, s4;
	[sflag:s6] =	ssyncset.done $0x0  }
0x18: {  	[sflag:s6] =	ssyncadd.s32 s4;
	_ =	sdelay $0x1  }
0x19: {  	s24 =	simm.s32 $0x1B8B  }
0x1a: {  	_ =	swait.ge [sflag:s24], $0x1  }
0x1b: {  	[sflag:s24] =	ssyncset.done $0x0  }
0x1c: {  	[sflag:s24] =	ssyncadd.s32 $0xFFFFFFFF  }
0x1d: {  	s4 =	sld [smem:$0x0]  }
0x1e: {  	s5 =	sand.u32 $0xFFFFFFFE, s1  }
0x1f: {  	p0 =	sne.s32 s1, s5  }
0x20: {  	s5 =	sshll.u32 @p0 s5, $0xE  }
0x21: {  	s5 =	sadd.s32 @p0 $0x11B8D, s5;
	s6 =	sshll.u32 @p0 s4, $0x11  }
0x22: {  	s5 =	sor.u32 @p0 s6, s5  }
0x23: {  	[sflag:s5] =	ssyncadd.remote.s32 @p0 $0x1;
	_ =	sdelay $0x1  }
0x24: {  	s5 =	simm.s32 @p0 $0x1B8D  }
0x25: {  	_ =	swait.eq @p0 [sflag:s5], $0x1  }
0x26: {  	[sflag:s5] =	ssyncadd.s32 @p0 $0xFFFFFFFF  }
0x27: {  	s6 =	sshll.u32 @!p0 s1, $0xE  }
0x28: {  	s6 =	sor.u32 @!p0 $0x4000, s6;
	s5 =	simm.s32 @!p0 $0x1B8D  }
0x29: {  	s4 =	sshll.u32 @!p0 s4, $0x11;
	s6 =	sadd.s32 @!p0 $0x11B8D, s6;
	_ =	swait.eq @!p0 [sflag:s5], $0x1  }
0x2a: {  	s4 =	sor.u32 @!p0 s4, s6;
	[sflag:s5] =	ssyncadd.s32 @!p0 $0xFFFFFFFF  }
0x2b: {  	s26 =	simm.s32 $0x1B8E;
	s25 =	sld [smem:$0x3FFE];
	[sflag:s4] =	ssyncadd.remote.s32 @!p0 $0x1  }
0x2c: {  	s27 =	simm.s32 $execute0_lowered;
	[smem:$0x3FD2] =	sst s26  }
0x2d: {  	s5 =	sshll.u32 s27, $0x1;
	_ =	strace $0x80000064;
	[dreg:$0x1] =	wrdreg $0xFFFFFFFF  }
0x2e: {  	s28 =	simm.s32 $_size_execute0_lowered;
	s3 =	sadd.s32 s3, s5;
	[dreg:$0x0] =	wrdreg $0x0  }
0x2f: {  	s5 =	sshll.u32 s28, $0x1;
	[dreg:$0x2] =	wrdreg s3  }
0x30: {  	[dreg:$0x3] =	wrdreg s5  }
0x31: {  	[dreg:$0x4] =	wrdreg $0xC0  }
0x32: {  	_ =	task [dreg:s23], $0x5FFFF  }
0x33: {  	[dreg:$0x1] =	wrdreg $0xFFFFFFFF  }
0x34: {  	[dreg:$0x0] =	wrdreg $0x60  }
0x35: {  	[dreg:$0x2] =	wrdreg s25  }
0x36: {  	[dreg:$0x3] =	wrdreg $0x9  }
0x37: {  	_ =	task.clear_ibuf [dreg:s23], $0x4FFFF;
	_ =	strace $0x90000064  }
0x38: {  	s29 =	simm.s32 $0x9;
	_ =	strace $0x80000066  }
0x39: {  	_ =	swait.ge [sflag:s29], $0x1  }
0x3a: {  	[sflag:s29] =	ssyncadd.s32 $0xFFFFFFFF  }
0x3b: {  	_ =	strace $0x90000066  }
0x3c: {  	_ =	sfence  }
0x3d: {  	s30 =	sld [smem:$0x0];
	_ =	sdelay $0x2  }
0x3e: {  	s31 =	sshll.u32 s1, $0xD;
	s1 =	sshrl.u32 s1, $0x2  }
0x3f: {  	s4 =	sand.u32 $0x4000, s31;
	s1 =	sadd.s32 s1, s30  }
0x40: {  	s0 =	sor.u32 s4, s0;
	s1 =	sshll.u32 s1, $0x11  }
0x41: {  	s0 =	sor.u32 s1, s0  }
0x42: {  	s0 =	sadd.s32 $0x8F2B, s0  }
0x43: {  	[sflag:s0] =	ssyncadd.remote.s32 $0x1  }
0x44: {  	_ =	sfence.sel $0xFFFF  }
0x45: {  	[dreg:$0x0] =	wrdreg $0xFFFFFFFF;
	(pc) =	sbr.abs _section_cstart, $3  }
0x46: {  	[dreg:$0x1] =	wrdreg $0xFFFFFFFF  }
0x47: {  	_ =	task.clear_ibuf [dreg:s23], $0x2FFFF;
	_ =	strace $0x9FFFFFFF  }
0x48: {  	(tm) =	ssettm $0x7FFFFFFF  }
0x49: {  	_ =	shalt  }
tec
execute0_lowered:
.L_overlay_start_1:
0x0: {  	(tag) =	ssettag $0x1  }
0x1: {  	s1 =	rddreg [dreg:$0x0]  }
0x2: {  	s0 =	rddreg [dreg:$0x1];
	s3 =	srdreg.scid  }
0x3: {  	_ =	strace $0x80000065;
	s5 =	simm.s32 $0x1;
	s7 =	simm.s32 $0x2  }
0x4: {  	s14 =	simm.s32 $0x0;
	p0 =	por $0x0, $0x0;
	s8 =	simm.s32 $0x10000  }
0x5: {  	s15 =	simm.s32 $0x0;
	s10 =	simm.s32 $0x0;
	s11 =	simm.s32 $0x0  }
.Ltmp0:
0x6: {  	s2 =	sadd.s32 $0x35800, s1;
	s4 =	sshll.u32 s3, $0x4;
	(pc) =	sbr.rel .LBB1_1-.Ltmp0, $4  }
0x7: {  	s3 =	sadd.s32 $0x1070A00, s1;
	s1 =	stileid.u32;
	s4 =	sand.u32 $0x10, s4  }
0x8: {  	s9 =	simm.s32 $0x0;
	[sflag:s5] =	ssyncpa.u1 $0x0;
	s6 =	sor.u32 s1, s4  }
0x9: {  	[sflag:s7] =	ssyncpa.u1 $0x0;
	s4 =	sand.u32 $0x7, s1;
	s6 =	sshrl.u32 s6, $0x3  }
0xa: {  	s7 =	simm.s32 $0x40;
	s13 =	smov.u32 s4;
	s12 =	smov.u32 s6  }
.LBB1_9:
0xb: {  	s18 =	smul.u32 $0x90000, s11  }
0xc: {  	s17 =	sand.u32 $0x1, s9;
	s16 =	smul.u32 $0x1200, s16  }
0xd: {  	s19 =	sshll.u32 s10, $0x4;
	s17 =	smul.u32 $0x2080, s17  }
0xe: {  	s19 =	sand.u32 $0x1FF0, s19;
	s18 =	sadd.s32 s3, s18  }
0xf: {  	s16 =	sand.u32 $0x3FFFFE00, s16;
	s17 =	sor.u32 $0x4000, s17;
	s18 =	sadd.s32 s19, s18  }
0x10: {  	[hbm4b:s18+s7] =	stream.strided.scatter [tilespmem:s17], [sflag:$0x2], s16, s8, s7, $0x18;
	[tilespmem:$0x8100] =	vst v63  }
.LBB1_10:
0x11: {  	p1 =	slt.u32 s9, $0x2  }
0x12: {  	p2 =	sgt.s32 @!p1 s15, $0x7  }
0x13: {  	s16 =	smov.u32 s15;
	s17 =	sshra.s32 @!p1 s15, $0x1F;
	p2 =	por !p2, p1  }
0x14: {  	s18 =	sshra.s32 @!p1 s14, $0x1F;
	s16 =	simm.s32 @p2 $0x7;
	p2 =	sgt.s32 @!p1 s14, $0x1FF  }
0x15: {  	s15 =	sand.u32 @!p1 s17, s15;
	s17 =	smov.u32 s14;
	p2 =	por !p2, p1  }
0x16: {  	s14 =	sand.u32 @!p1 s18, s14;
	s15 =	ssub.s32 @!p1 s16, s15;
	s17 =	simm.s32 @p2 $0x1FF  }
0x17: {  	s18 =	smov.u32 s13;
	s16 =	sadd.s32 @!p1 $0xFFFFFFF9, s15;
	s14 =	ssub.s32 @!p1 s17, s14  }
0x18: {  	s15 =	ssub.s32 @!p1 $0x8, s15;
	p2 =	sgt.s32 @!p1 s16, $0x0;
	s14 =	sadd.s32 @!p1 $0xFFFFFE01, s14  }
0x19: {  	s15 =	smul.u32 @!p1 $0x48, s15;
	p3 =	sgt.s32 @!p1 s14, $0x0;
	s14 =	sshll.u32 @!p1 s14, $0x6  }
0x1a: {  	p2 =	por !p2, p1;
	s14 =	ssub.s32 @!p1 $0x40, s14;
	p3 =	por !p3, p1  }
0x1b: {  	s16 =	sadd.s32 $0x4, s12;
	s15 =	simm.s32 @!p2 $0x0;
	s14 =	simm.s32 @!p3 $0x0  }
0x1c: {  	p2 =	sgt.s32 s16, $0x1FF;
	s14 =	smul.u32 @!p1 s15, s14;
	s15 =	sadd.s32 $0x8, s13  }
0x1d: {  	s18 =	smov.u32 @p2 s15  }
0x1e: {  	s9 =	sadd.s32 $0x1, s9;
	s16 =	smov.u32 @p2 s6;
	p2 =	sgt.s32 s18, $0x7  }
0x1f: {  	s18 =	smov.u32 @p2 s4;
	p2 =	sne.s32 s9, $0x82  }
.Ltmp1:
0x20: {  	p0 =	por !p0, !p0;
	(pc) =	sbr.rel @!p2 .LBB1_11-.Ltmp1, $4  }
0x21: {  	s17 =	simm.s32 @!p1 $0x2;
	s15 =	smov.u32 s11;
	s14 =	sand.u32 @!p1 $0x3FFFFE00, s14  }
0x22: {  	s11 =	smov.u32 s13;
	_ =	swait.ge @!p1 [sflag:s17], s14;
	s19 =	ssub.s32 @!p1 $0x0, s14  }
0x23: {  	s14 =	smov.u32 s10;
	s10 =	smov.u32 s12;
	[sflag:s17] =	ssyncset.done @!p1 $0x0  }
0x24: {  	s12 =	smov.u32 s16;
	s13 =	smov.u32 s18;
	[sflag:s17] =	ssyncadd.s32 @!p1 s19  }
.LBB1_1:
0x25: {  	p1 =	sgt.u32 s9, $0x7F  }
0x26: {  	p2 =	sgt.s32 @!p1 s13, $0x7  }
0x27: {  	s16 =	smov.u32 s13;
	s18 =	smov.u32 s12;
	p2 =	por !p2, p1  }
0x28: {  	s17 =	sshra.s32 @!p1 s13, $0x1F;
	s16 =	simm.s32 @p2 $0x7;
	p2 =	sgt.s32 @!p1 s12, $0x1FF  }
0x29: {  	s19 =	sshra.s32 @!p1 s12, $0x1F;
	s17 =	sand.u32 @!p1 s17, s13;
	p2 =	por !p2, p1  }
0x2a: {  	s19 =	sand.u32 @!p1 s19, s12;
	s16 =	ssub.s32 @!p1 s16, s17;
	s18 =	simm.s32 @p2 $0x1FF  }
0x2b: {  	s17 =	ssub.s32 @!p1 s18, s19;
	s18 =	sadd.s32 @!p1 $0xFFFFFFF9, s16  }
0x2c: {  	s16 =	ssub.s32 @!p1 $0x8, s16;
	s19 =	sadd.s32 @!p1 $0xFFFFFE01, s17;
	p2 =	sgt.s32 @!p1 s18, $0x0  }
0x2d: {  	s16 =	smul.u32 @!p1 $0x5000, s16;
	s17 =	ssub.s32 @!p1 $0x200, s17;
	p3 =	sgt.s32 @!p1 s19, $0x0  }
0x2e: {  	s18 =	smul.u32 @!p1 $0x50000, s13;
	p2 =	por !p2, p1;
	p3 =	por !p3, p1  }
0x2f: {  	s19 =	smul.u32 @!p1 $0x280, s12;
	s16 =	simm.s32 @!p2 $0x0;
	s17 =	simm.s32 @!p3 $0x0  }
0x30: {  	s18 =	sadd.s32 @!p1 s2, s18;
	s16 =	smul.u32 @!p1 s17, s16;
	s17 =	sxor.u32 @!p1 $0xFFFFFFFF, s9  }
0x31: {  	s18 =	sadd.s32 @!p1 s19, s18;
	s17 =	sshll.u32 @!p1 s17, $0xD  }
0x32: {  	s19 =	simm.s32 @!p1 $0x0;
	s17 =	sand.u32 @!p1 $0x2000, s17;
	s16 =	sshrl.u32 @!p1 s16, $0x2  }
0x33: {  	[tilespmem:s17], [sflag:$0x1] =	stream.linear.gather @!p1 [hbm4b:s18+s19], s16, $0x38;
	[tilespmem:$0x8100] =	vst v63  }
0x34: {  	p1 =	seq.s32 s9, $0x0  }
0x35: {  	p2 =	seq.s32 @!p1 s9, $0x81  }
0x36: {  	p1 =	por p1, p2  }
.Ltmp2:
0x37: {  	_ = 	snop;
	(pc) =	sbr.rel @p1 .LBB1_10-.Ltmp2, $1  }
0x38: {  	_ =	sdelay $0x3  }
0x39: {  	p1 =	sgt.s32 s11, $0x7  }
0x3a: {  	s16 =	smov.u32 s11;
	s17 =	sshra.s32 s11, $0x1F;
	s18 =	smov.u32 s10  }
0x3b: {  	s19 =	sshra.s32 s10, $0x1F;
	s16 =	simm.s32 @!p1 $0x7;
	p1 =	sgt.s32 s10, $0x1FF  }
0x3c: {  	s17 =	sand.u32 s17, s11;
	s29 =	sand.u32 s19, s10;
	s18 =	simm.s32 @!p1 $0x1FF  }
0x3d: {  	s16 =	ssub.s32 s16, s17;
	s17 =	ssub.s32 s18, s29  }
0x3e: {  	s30 =	sadd.s32 $0xFFFFFFF9, s16;
	s16 =	ssub.s32 $0x8, s16;
	s18 =	sadd.s32 $0xFFFFFE01, s17  }
0x3f: {  	p1 =	sgt.s32 s30, $0x0;
	s17 =	ssub.s32 $0x200, s17;
	p2 =	sgt.s32 s18, $0x0  }
0x40: {  	s16 =	simm.s32 @p1 $0x0;
	s17 =	simm.s32 @p2 $0x0  }
0x41: {  	s16 =	smul.u32 s16, s17;
	s17 =	sadd.s32 $0x1, s11  }
0x42: {  	s18 =	sadd.s32 $0x1, s10;
	p1 =	slt.s32 s17, $0x8  }
0x43: {  	s17 =	simm.s32 @!p1 $0x8;
	p1 =	slt.s32 s18, $0x200  }
0x44: {  	s17 =	ssub.s32 s17, s11;
	s18 =	simm.s32 @!p1 $0x200  }
0x45: {  	s18 =	ssub.s32 s18, s10;
	p1 =	slt.s32 s17, $0x1  }
0x46: {  	p2 =	slt.s32 @!p1 s18, $0x1  }
0x47: {  	s31 =	smul.u32 $0x5000, s16;
	p1 =	por p1, p2  }
.Ltmp3:
0x48: {  	_ = 	snop;
	(pc) =	sbr.rel @p1 .LBB1_9-.Ltmp3, $4  }
0x49: {  	s19 =	sshrl.u32 s31, $0x2  }
0x4a: {  	_ =	swait.ge [sflag:s5], s19  }
0x4b: {  	s19 =	ssub.s32 $0x0, s19;
	[sflag:s5] =	ssyncset.done $0x0  }
0x4c: {  	[sflag:s5] =	ssyncadd.s32 s19  }
0x4d: {  	s19 =	simm.s32 $0x1  }
0x4e: {  	s19 =	simm.s32 @!p0 $0x0  }
0x4f: {  	s20 =	smul.u32 $0x8200, s19;
	_ =	sdelay $0x1  }
0x50: {  	s21 =	sshll.u32 s19, $0xD;
	s20 =	sshrl.u32 s20, $0x2  }
0x51: {  	s19 =	sor.u32 $0x4000, s20;
	s20 =	sor.u32 $0x20, s21;
	s21 =	simm.s32 $0x0  }
.LBB1_4:
0x52: {  	s22 =	smov.u32 s20;
	s23 =	simm.s32 $0x0;
	s24 =	simm.s32 $0x0  }
.LBB1_5:
0x53: {  	s25 =	sand.u32 $0x7, s23  }
0x54: {  	v4 =	vld [tilespmem:s22+$0x20];
	s25 =	smul.u32 $0x104, s25  }
0x55: {  	v3 =	vld [tilespmem:s22+$0xFFFFFFF0]  }
0x56: {  	v0 =	vld [tilespmem:s22+$0x0];
	s25 =	sshrl.u32 s25, $0x2  }
0x57: {  	v1 =	vld [tilespmem:s22+$0x10];
	s26 =	sadd.s32 s25, s19  }
0x58: {  	v2 =	vld [tilespmem:s22+$0xFFFFFFE0];
	s25 =	sadd.s32 $0x0, s26  }
0x59: {  	s27 =	simm.s32 $0x4;
	s28 =	sadd.s32 $0x80, s22;
	[tilespmem:s25+$0x1040 ss:$0x41] =	vst.msk $0xffff, v4  }
.LBB1_6:
0x5a: {  	v4 =	vld [tilespmem:s28+$0x20];
	p1 =	sne.s32 s27, $0x9C;
	[tilespmem:s25+$0x410 ss:$0x41] =	vst.msk $0xffff, v3;
	s29 =	smov.u32 s27;
	s27 =	sadd.s32 $0x4, s27  }
.Ltmp4:
0x5b: {  	v3 =	vld [tilespmem:s28+$0xFFFFFFF0];
	[tilespmem:s25+$0x820 ss:$0x41] =	vst.msk $0xffff, v0;
	(pc) =	sbr.rel @p1 .LBB1_6-.Ltmp4, $4  }
0x5c: {  	v0 =	vld [tilespmem:s28+$0x0];
	[tilespmem:s25+$0xC30 ss:$0x41] =	vst.msk $0xffff, v1  }
0x5d: {  	s29 =	sshra.s32 s29, $0x2;
	v1 =	vld [tilespmem:s28+$0x10];
	[tilespmem:s25+$0x0 ss:$0x41] =	vst.msk $0xffff, v2  }
0x5e: {  	s25 =	sadd.s32 s29, s26;
	v2 =	vld [tilespmem:s28+$0xFFFFFFE0]  }
0x5f: {  	s28 =	sadd.s32 $0x80, s28;
	[tilespmem:s25+$0x1040 ss:$0x41] =	vst.msk $0xffff, v4  }
0x60: {  	s24 =	sadd.s32 $0x1, s24  }
0x61: {  	p1 =	sne.s32 s24, s18  }
.Ltmp5:
0x62: {  	_ = 	snop;
	(pc) =	sbr.rel @p1 .LBB1_5-.Ltmp5, $4  }
0x63: {  	[tilespmem:s25+$0x410 ss:$0x41] =	vst.msk $0xffff, v3  }
0x64: {  	[tilespmem:s25+$0x820 ss:$0x41] =	vst.msk $0xffff, v0  }
0x65: {  	[tilespmem:s25+$0xC30 ss:$0x41] =	vst.msk $0xffff, v1  }
0x66: {  	s23 =	sadd.s32 $0x1, s23;
	s22 =	sadd.s32 $0x2000, s22;
	[tilespmem:s25+$0x0 ss:$0x41] =	vst.msk $0xffff, v2  }
0x67: {  	s21 =	sadd.s32 $0x1, s21  }
0x68: {  	p1 =	sne.s32 s21, s17  }
.Ltmp6:
0x69: {  	_ = 	snop;
	(pc) =	sbr.rel @p1 .LBB1_4-.Ltmp6, $4  }
.Ltmp7:
0x6a: {  	_ = 	snop;
	(pc) =	sbr.rel @!p1 .LBB1_9-.Ltmp7, $4  }
0x6b: {  	_ = 	snop  }
0x6c: {  	_ = 	snop  }
0x6d: {  	s19 =	sadd.s32 $0x2080, s19;
	s20 =	sadd.s32 $0x2000, s20  }
0x6e: {  	_ = 	snop  }
.LBB1_11:
0x6f: {  	_ =	sfence.sel $0x180000  }
0x70: {  	s2 =	simm.s32 $0x1;
	[bflag:$0x0] =	sbarrier.arrive $0xFFFF  }
0x71: {  	s31 =	simm.s32 $0x2;
	[sflag:s2] =	ssyncpa.u1 $0x1  }
0x72: {  	[sflag:s31] =	ssyncpa.u1 $0x1  }
0x73: {  	p0 =	sne.s32 s1, $0x0;
	_ =	strace $0x90000065  }
0x74: {  	s0 =	sadd.s32 @!p0 $0x100000, s0;
	[bflag:$0x2] =	sbarrier.arrive $0xFFFF  }
0x75: {  	[sflag:s0] =	ssyncadd.tile.s32 @!p0 $0x1;
	_ =	shalt  }
.Lfunc_end1:
_tile_overlayer_lowered:
.L_overlay_start_2:
0x76: {  	(tag) =	ssettag $0x2  }
0x77: {  	s0 =	rddreg [dreg:$0x0];
	s2 =	stileid.u32  }
0x78: {  	s1 =	rddreg [dreg:$0x1];
	p0 =	sne.s32 s2, $0x0  }
0x79: {  	s3 =	rddreg [dreg:$0x2];
	[bflag:$0x3] =	sbarrier.arrive $0xFFFF;
	s2 =	simm.s32 @!p0 $0x1C01  }
0x7a: {  	[timem:s3], [sflag:s2] =	dma.local @!p0 [hbm:s0], s1  }
0x7b: {  	s0 =	simm.s32 @!p0 $0x1  }
0x7c: {  	_ =	swait.ge @!p0 [sflag:s0], s1  }
0x7d: {  	s1 =	ssub.s32 @!p0 $0x0, s1;
	[sflag:s0] =	ssyncset.done @!p0 $0x0  }
0x7e: {  	[sflag:s0] =	ssyncadd.s32 @!p0 s1  }
0x7f: {  	[bflag:$0x3] =	sbarrier.arrive $0xFFFF  }
0x80: {  	_ =	shalt  }

// kernel: sparse-core-data-format-call.6.cloned.1.call-start
scs
called_computation.6_lowered:
.L_overlay_start_0:
0x0: {  	s1 =	sld [smem:$0x3FD9]  }
0x1: {  	s2 =	sld [smem:$0x3FFE];
	_ =	sdelay $0x1  }
0x2: {  	s3 =	srdreg.scid  }
0x3: {  	s0 =	sand.u32 $0x1, s3  }
0x4: {  	s17 =	sshll.u32 s0, $0xA;
	s1 =	sadd.s32 s2, s1  }
0x5: {  	s1 =	sadd.s32 s1, s17  }
0x6: {  	[smem:$0x3FA3] =	sst s1  }
0x7: {  	_ = 	snop  }
0x8: {  	(tm) =	ssettm $0x1  }
0x9: {  	s18 =	sld [smem:$0x3FFB];
	_ =	sdelay $0x3  }
0xa: {  	_ =	strace s18  }
0xb: {  	s1 =	sld [smem:$0x3FFC];
	_ =	sdelay $0x3  }
0xc: {  	_ =	strace s1  }
0xd: {  	s1 =	sld [smem:$0x3FFD];
	_ =	sdelay $0x3  }
0xe: {  	_ =	strace s1  }
0xf: {  	_ =	strace $0x8FFFFFFF  }
0x10: {  	s19 =	sld [smem:$0x3FDB];
	_ =	sdelay $0x1  }
0x11: {  	s20 =	simm.s32 $_scs_section_size  }
0x12: {  	s4 =	simm.s32 $_size__tile_overlayer_lowered;
	s5 =	simm.s32 $_tile_overlayer_lowered  }
0x13: {  	s23 =	simm.s32 $0x1BFF;
	s22 =	sshll.u32 s5, $0x1;
	s1 =	sadd.s32 s20, s19  }
0x14: {  	s6 =	simm.s32 $0x0;
	s21 =	sshll.u32 s4, $0x1;
	s4 =	sadd.s32 s22, s1  }
0x15: {  	[timem:s6], [sflag:s23] =	dma.local [hbm:s4], s21  }
0x16: {  	_ =	swait.ge [sflag:s23], s21  }
0x17: {  	s2 =	ssub.s32 $0x0, s21;
	[sflag:s23] =	ssyncset.done $0x0  }
0x18: {  	[sflag:s23] =	ssyncadd.s32 s2;
	_ =	sdelay $0x1  }
0x19: {  	s24 =	simm.s32 $0x1B8B  }
0x1a: {  	_ =	swait.ge [sflag:s24], $0x1  }
0x1b: {  	[sflag:s24] =	ssyncset.done $0x0  }
0x1c: {  	s26 =	simm.s32 $0x1B8E;
	s25 =	sld [smem:$0x3FFE];
	[sflag:s24] =	ssyncadd.s32 $0xFFFFFFFF  }
0x1d: {  	s27 =	simm.s32 $execute0_lowered;
	[smem:$0x3FD2] =	sst s26  }
0x1e: {  	s4 =	sshll.u32 s27, $0x1;
	_ =	strace $0x80000058;
	[dreg:$0x1] =	wrdreg $0xFFFFFFFF  }
0x1f: {  	s28 =	simm.s32 $_size_execute0_lowered;
	s1 =	sadd.s32 s1, s4;
	[dreg:$0x0] =	wrdreg $0x0  }
0x20: {  	s4 =	sshll.u32 s28, $0x1;
	[dreg:$0x2] =	wrdreg s1  }
0x21: {  	[dreg:$0x3] =	wrdreg s4  }
0x22: {  	[dreg:$0x4] =	wrdreg $0xC0  }
0x23: {  	_ =	task [dreg:s6], $0x5FFFF  }
0x24: {  	[dreg:$0x1] =	wrdreg $0xFFFFFFFF  }
0x25: {  	[dreg:$0x0] =	wrdreg $0x60  }
0x26: {  	[dreg:$0x2] =	wrdreg s25  }
0x27: {  	[dreg:$0x3] =	wrdreg $0x9  }
0x28: {  	_ =	task.clear_ibuf [dreg:s6], $0x4FFFF;
	_ =	strace $0x90000058  }
0x29: {  	s29 =	simm.s32 $0x9;
	_ =	strace $0x8000005A  }
0x2a: {  	_ =	swait.ge [sflag:s29], $0x1  }
0x2b: {  	[sflag:s29] =	ssyncadd.s32 $0xFFFFFFFF  }
0x2c: {  	_ =	strace $0x9000005A  }
0x2d: {  	_ =	sfence  }
0x2e: {  	s30 =	sld [smem:$0x0];
	_ =	sdelay $0x2  }
0x2f: {  	s31 =	sshll.u32 s3, $0xD;
	s3 =	sshrl.u32 s3, $0x2  }
0x30: {  	s2 =	sand.u32 $0x4000, s31;
	s1 =	sadd.s32 s3, s30  }
0x31: {  	s0 =	sor.u32 s2, s0;
	s1 =	sshll.u32 s1, $0x11  }
0x32: {  	s0 =	sor.u32 s1, s0  }
0x33: {  	s0 =	sadd.s32 $0x8F2B, s0  }
0x34: {  	[sflag:s0] =	ssyncadd.remote.s32 $0x1  }
0x35: {  	_ =	sfence.sel $0xFFFF  }
0x36: {  	[dreg:$0x0] =	wrdreg $0xFFFFFFFF;
	(pc) =	sbr.abs _section_cstart, $3  }
0x37: {  	[dreg:$0x1] =	wrdreg $0xFFFFFFFF  }
0x38: {  	_ =	task.clear_ibuf [dreg:s6], $0x2FFFF;
	_ =	strace $0x9FFFFFFF  }
0x39: {  	(tm) =	ssettm $0x7FFFFFFF  }
tec
execute0_lowered:
.L_overlay_start_1:
0x0: {  	(tag) =	ssettag $0x1  }
0x1: {  	s0 =	stileid.u32;
	s1 =	srdreg.scid  }
0x2: {  	s8 =	rddreg [dreg:$0x0];
	s4 =	simm.s32 $0x1;
	s9 =	simm.s32 $0x2  }
0x3: {  	s19 =	simm.s32 $0x0;
	s2 =	sshll.u32 s0, $0x4;
	s1 =	sshll.u32 s1, $0x8  }
0x4: {  	s10 =	simm.s32 $0x12000;
	s11 =	simm.s32 $0x80;
	s1 =	sor.u32 s2, s1  }
0x5: {  	s18 =	simm.s32 $0x0;
	s17 =	simm.s32 $0x0;
	s2 =	sand.u32 $0x180, s1  }
0x6: {  	s20 =	simm.s32 $0x0;
	s13 =	simm.s32 $0x0;
	s3 =	ssub.s32 $0x400, s2  }
0x7: {  	s14 =	simm.s32 $0x0;
	s7 =	sand.u32 $0x7, s0;
	s31 =	sand.u32 $0x180, s3  }
0x8: {  	s16 =	simm.s32 $0x0;
	s15 =	smov.u32 s7;
	p0 =	sne.s32 s31, $0x0  }
.Ltmp0:
0x9: {  	s5 =	sshrl.u32 s3, $0x9;
	s4 =	simm.s32 @!p0 $0x0;
	(pc) =	sbr.rel .LBB1_1-.Ltmp0, $4  }
0xa: {  	s1 =	rddreg [dreg:$0x1];
	_ =	strace $0x80000059;
	s6 =	sadd.s32 s4, s5  }
0xb: {  	s12 =	smov.u32 s2;
	s5 =	simm.s32 $0x1;
	s6 =	smul.u32 $0x24, s6  }
0xc: {  	s3 =	sadd.s32 $0x4A0C00, s8;
	s4 =	sadd.s32 $0x770C00, s8;
	[sflag:s5] =	ssyncpa.u1 $0x0  }
0xd: {  	s8 =	sadd.s32 $0x774C00, s8;
	[sflag:s9] =	ssyncpa.u1 $0x0;
	s9 =	sor.u32 $0x1, s6  }
.LBB1_9:
0xe: {  	s21 =	sadd.s32 $0x200, s12  }
0xf: {  	s17 =	sadd.s32 $0x2, s13;
	s22 =	smov.u32 s13;
	p1 =	sgt.s32 s21, $0x3FF  }
0x10: {  	s22 =	smov.u32 @p1 s17  }
0x11: {  	s23 =	smov.u32 s14;
	s17 =	sadd.s32 $0x40, s14;
	p2 =	sgt.s32 s22, $0x47  }
0x12: {  	s23 =	smov.u32 @p2 s17  }
0x13: {  	s24 =	smov.u32 s15;
	s17 =	sadd.s32 $0x8, s15;
	p3 =	sgt.s32 s23, $0x27  }
0x14: {  	s24 =	smov.u32 @p3 s17  }
0x15: {  	p0 =	slt.u32 s16, $0x2;
	s21 =	smov.u32 @p1 s2;
	p1 =	sgt.s32 s24, $0x7  }
0x16: {  	s25 =	simm.s32 @!p0 $0x2;
	s24 =	smov.u32 @p1 s7;
	p1 =	sne.s32 s16, s9  }
.Ltmp1:
0x17: {  	s19 =	smov.u32 s12;
	_ =	swait.ge @!p0 [sflag:s25], $0x4000;
	(pc) =	sbr.rel @!p1 .LBB1_10-.Ltmp1, $4  }
0x18: {  	s18 =	smov.u32 s13;
	s20 =	smov.u32 s15;
	[sflag:s25] =	ssyncset.done @!p0 $0x0  }
0x19: {  	s12 =	smov.u32 s21;
	s22 =	simm.s32 @p2 $0x0;
	[sflag:s25] =	ssyncadd.s32 @!p0 $0xFFFFC000  }
0x1a: {  	s13 =	smov.u32 s22;
	s23 =	simm.s32 @p3 $0x0;
	s17 =	smov.u32 s14  }
0x1b: {  	s14 =	smov.u32 s23;
	s16 =	sadd.s32 $0x1, s16;
	s15 =	smov.u32 s24  }
.LBB1_1:
0x1c: {  	p0 =	sge.u32 s16, s6  }
.Ltmp2:
0x1d: {  	_ = 	snop;
	(pc) =	sbr.rel @p0 .LBB1_3-.Ltmp2, $1  }
0x1e: {  	_ =	sdelay $0x3  }
0x1f: {  	s21 =	sand.u32 $0x78, s12  }
0x20: {  	s22 =	sshll.u32 s13, $0xA;
	s23 =	sshll.u32 s13, $0x7;
	s24 =	sshll.u32 s12, $0x3  }
0x21: {  	p0 =	sgt.s32 s15, $0x7;
	s27 =	sshra.s32 s15, $0x1F;
	s25 =	smov.u32 s14  }
0x22: {  	s26 =	sshra.s32 s14, $0x1F;
	s29 =	sshra.s32 s13, $0x1F;
	s31 =	sshra.s32 s12, $0x1F  }
0x23: {  	s22 =	sand.u32 $0xFFFFE000, s22;
	s23 =	sand.u32 $0x380, s23;
	s28 =	sand.u32 s26, s14  }
0x24: {  	s30 =	sand.u32 s29, s13;
	s22 =	sadd.s32 s22, s24;
	s21 =	sor.u32 s21, s23  }
0x25: {  	s23 =	smov.u32 s15;
	s24 =	sand.u32 s27, s15;
	s22 =	sshrl.u32 s22, $0xA  }
0x26: {  	s23 =	simm.s32 @!p0 $0x7;
	p0 =	sgt.s32 s14, $0xFFFFFFE8;
	s21 =	sshrl.u32 s21, $0x3  }
0x27: {  	s23 =	ssub.s32 s23, s24;
	s25 =	simm.s32 @!p0 $0xFFFFFFE8;
	s26 =	smulhi.u32 $0x38E38E4, s22  }
0x28: {  	s27 =	sadd.s32 $0xFFFFFFF9, s23;
	s24 =	ssub.s32 s25, s28;
	s23 =	ssub.s32 $0x8, s23  }
0x29: {  	p0 =	sgt.s32 s27, $0x0;
	s25 =	sadd.s32 $0x18, s24;
	s26 =	smul.u32 $0x48, s26  }
0x2a: {  	s24 =	ssub.s32 $0x28, s24;
	s27 =	sand.u32 s31, s12;
	s31 =	smul.u32 $0x2400, s14  }
0x2b: {  	s23 =	simm.s32 @p0 $0x0;
	p0 =	sgt.s32 s25, $0x3F;
	s25 =	smov.u32 s13  }
0x2c: {  	s24 =	simm.s32 @p0 $0x0;
	p0 =	sgt.s32 s13, $0x46;
	s22 =	ssub.s32 s22, s26  }
0x2d: {  	s23 =	smul.u32 s23, s24;
	s25 =	simm.s32 @!p0 $0x46;
	p0 =	sgt.s32 s12, $0x380  }
0x2e: {  	s22 =	sshll.u32 s22, $0x7;
	s24 =	ssub.s32 s25, s30;
	s25 =	smov.u32 s12  }
0x2f: {  	s30 =	smul.u32 $0x5A000, s15;
	s28 =	sadd.s32 $0xFFFFFFBA, s24;
	s25 =	simm.s32 @!p0 $0x380  }
0x30: {  	s24 =	ssub.s32 $0x48, s24;
	p0 =	sgt.s32 s28, $0x1;
	s25 =	ssub.s32 s25, s27  }
0x31: {  	s28 =	sxor.u32 $0xFFFFFFFF, s16;
	s24 =	simm.s32 @p0 $0x0;
	s29 =	sadd.s32 $0xFFFFFC80, s25  }
0x32: {  	s23 =	smul.u32 s24, s23;
	p0 =	sgt.s32 s29, $0x7F;
	s24 =	ssub.s32 $0x400, s25  }
0x33: {  	s27 =	sshll.u32 s28, $0xE;
	s25 =	sadd.s32 s3, s30;
	s24 =	simm.s32 @p0 $0x0  }
0x34: {  	s29 =	sand.u32 $0x7, s12;
	s25 =	sadd.s32 s31, s25;
	s23 =	smul.u32 s24, s23  }
0x35: {  	s28 =	sand.u32 $0x4000, s27;
	s30 =	sshll.u32 s29, $0x12;
	s21 =	sadd.s32 s21, s25  }
0x36: {  	s31 =	sor.u32 $0x100, s30;
	s21 =	sadd.s32 s22, s21;
	s23 =	sand.u32 $0x3FFFFFFF, s23  }
0x37: {  	[tilespmem:s28], [sflag:$0x1] =	stream.strided.gather [hbm4b:s21+s31], s23, s10, s31, $0x38;
	[tilespmem:$0x10200] =	vst v63  }
.LBB1_3:
0x38: {  	s21 =	sadd.s32 $0xFFFFFFFF, s16  }
0x39: {  	p0 =	sge.u32 s21, s6  }
.Ltmp3:
0x3a: {  	_ = 	snop;
	(pc) =	sbr.rel @p0 .LBB1_9-.Ltmp3, $1  }
0x3b: {  	_ =	sdelay $0x3  }
0x3c: {  	p0 =	sgt.s32 s20, $0x7;
	s21 =	smov.u32 s20;
	s22 =	sshra.s32 s20, $0x1F  }
0x3d: {  	s23 =	smov.u32 s17;
	s24 =	sshra.s32 s17, $0x1F;
	s27 =	sshra.s32 s18, $0x1F  }
0x3e: {  	s21 =	simm.s32 @!p0 $0x7;
	s22 =	sand.u32 s22, s20;
	p0 =	sgt.s32 s17, $0xFFFFFFE8  }
0x3f: {  	s25 =	sand.u32 s24, s17;
	s21 =	ssub.s32 s21, s22;
	s23 =	simm.s32 @!p0 $0xFFFFFFE8  }
0x40: {  	s29 =	sshra.s32 s19, $0x1F;
	s26 =	sadd.s32 $0xFFFFFFF9, s21;
	s22 =	ssub.s32 s23, s25  }
0x41: {  	s21 =	ssub.s32 $0x8, s21;
	p0 =	sgt.s32 s26, $0x0;
	s23 =	sadd.s32 $0x18, s22  }
0x42: {  	s22 =	ssub.s32 $0x28, s22;
	s21 =	simm.s32 @p0 $0x0;
	p0 =	sgt.s32 s23, $0x3F  }
0x43: {  	s23 =	smov.u32 s18;
	s22 =	simm.s32 @p0 $0x0;
	p0 =	sgt.s32 s18, $0x46  }
0x44: {  	s28 =	sand.u32 s27, s18;
	s21 =	smul.u32 s21, s22;
	s23 =	simm.s32 @!p0 $0x46  }
0x45: {  	p0 =	sgt.s32 s19, $0x380;
	s22 =	ssub.s32 s23, s28;
	s23 =	smov.u32 s19  }
0x46: {  	s24 =	sand.u32 s29, s19;
	s25 =	sadd.s32 $0xFFFFFFBA, s22;
	s23 =	simm.s32 @!p0 $0x380  }
0x47: {  	s22 =	ssub.s32 $0x48, s22;
	p0 =	sgt.s32 s25, $0x1;
	s23 =	ssub.s32 s23, s24  }
0x48: {  	s22 =	simm.s32 @p0 $0x0;
	s24 =	sadd.s32 $0xFFFFFC80, s23  }
0x49: {  	s21 =	smul.u32 s22, s21;
	p0 =	sgt.s32 s24, $0x7F;
	s22 =	ssub.s32 $0x400, s23  }
0x4a: {  	s22 =	simm.s32 @p0 $0x0  }
0x4b: {  	s21 =	smul.u32 s22, s21;
	_ =	sdelay $0x1  }
0x4c: {  	s30 =	sand.u32 $0x1, s16;
	s21 =	sand.u32 $0x3FFFFFFF, s21  }
0x4d: {  	s31 =	smul.u32 $0x10400, s30;
	_ =	swait.ge [sflag:s5], s21  }
0x4e: {  	s21 =	ssub.s32 $0x0, s21;
	[sflag:s5] =	ssyncset.done $0x0  }
0x4f: {  	[sflag:s5] =	ssyncadd.s32 s21;
	s21 =	sshrl.u32 s31, $0x2  }
0x50: {  	s23 =	sshll.u32 s30, $0xE;
	s24 =	simm.s32 $0x0;
	s22 =	sor.u32 $0x8000, s21  }
.LBB1_5:
0x51: {  	s25 =	sshll.u32 s24, $0x8  }
0x52: {  	s25 =	sand.u32 $0x3FFFFF00, s25  }
0x53: {  	s25 =	sadd.s32 s25, s23  }
0x54: {  	v0 =	vmov s25;
	_ =	sdelay $0x1  }
0x55: {  	p0 =	por $0x1, $0x1;
	s25 =	simm.s32 $0x0  }
.LBB1_6:
0x56: {  	s26 =	sshll.u32 s25, $0x7  }
0x57: {  	s26 =	sand.u32 $0x3FFFFF80, s26  }
0x58: {  	s31 =	smul.u32 $0x8200, s25;
	v1 =	vld.idx.msk [tilespmem:v0+s26+$0x0 ss:$0x1], $0xffff  }
0x59: {  	v2 =	vld.idx.msk [tilespmem:v0+s26+$0x10 ss:$0x1], $0xffff  }
0x5a: {  	s25 =	sshra.s32 s31, $0x2;
	v3 =	vld.idx.msk [tilespmem:v0+s26+$0x20 ss:$0x1], $0xffff  }
0x5b: {  	v4 =	vld.idx.msk [tilespmem:v0+s26+$0x30 ss:$0x1], $0xffff;
	s25 =	sadd.s32 s25, s22  }
0x5c: {  	v5 =	vld.idx.msk [tilespmem:v0+s26+$0x40 ss:$0x1], $0xffff;
	s25 =	sadd.s32 s24, s25  }
0x5d: {  	[tilespmem:s25+$0x0 ss:$0x41] =	vst.msk $0xffff, v1;
	v1 =	vld.idx.msk [tilespmem:v0+s26+$0x50 ss:$0x1], $0xffff  }
0x5e: {  	[tilespmem:s25+$0x410 ss:$0x41] =	vst.msk $0xffff, v2;
	v2 =	vld.idx.msk [tilespmem:v0+s26+$0x60 ss:$0x1], $0xffff  }
0x5f: {  	p1 =	por p0, p0;
	[tilespmem:s25+$0x820 ss:$0x41] =	vst.msk $0xffff, v3;
	v3 =	vld.idx.msk [tilespmem:v0+s26+$0x70 ss:$0x1], $0xffff  }
.Ltmp4:
0x60: {  	[tilespmem:s25+$0xC30 ss:$0x41] =	vst.msk $0xffff, v4;
	(pc) =	sbr.rel @p1 .LBB1_6-.Ltmp4, $4  }
0x61: {  	[tilespmem:s25+$0x1040 ss:$0x41] =	vst.msk $0xffff, v5  }
0x62: {  	[tilespmem:s25+$0x1450 ss:$0x41] =	vst.msk $0xffff, v1  }
0x63: {  	[tilespmem:s25+$0x1860 ss:$0x41] =	vst.msk $0xffff, v2  }
0x64: {  	p0 =	por $0x0, $0x0;
	[tilespmem:s25+$0x1C70 ss:$0x41] =	vst.msk $0xffff, v3;
	s25 =	simm.s32 $0x1  }
0x65: {  	s24 =	sadd.s32 $0x1, s24  }
0x66: {  	p0 =	sne.s32 s24, $0x40  }
.Ltmp5:
0x67: {  	_ = 	snop;
	(pc) =	sbr.rel @p0 .LBB1_5-.Ltmp5, $1  }
0x68: {  	_ =	sdelay $0x3  }
0x69: {  	s19 =	sshll.u32 s19, $0x7;
	s23 =	sshll.u32 s17, $0x3;
	s20 =	smul.u32 $0x120000, s20  }
0x6a: {  	s18 =	sshll.u32 s18, $0xE;
	s28 =	sshrl.u32 s17, $0x3;
	s30 =	sand.u32 $0x7, s17  }
0x6b: {  	s24 =	sand.u32 $0x1FC00, s19;
	s23 =	sand.u32 $0x1FC00, s23;
	s19 =	sand.u32 $0x380, s19  }
0x6c: {  	s17 =	sshll.u32 s30, $0x12;
	s23 =	sadd.s32 s23, s24;
	s29 =	sadd.s32 s20, s18  }
0x6d: {  	s20 =	sadd.s32 s20, s8;
	s19 =	sor.u32 s19, s23;
	s23 =	sand.u32 $0xF, s28  }
0x6e: {  	s24 =	sadd.s32 s4, s29;
	s18 =	sadd.s32 s18, s20;
	s19 =	sshrl.u32 s19, $0x3  }
.Ltmp6:
0x6f: {  	s24 =	sadd.s32 s23, s24;
	s19 =	sand.u32 $0x3FF0, s19;
	(pc) =	sbr.rel .LBB1_9-.Ltmp6, $4  }
0x70: {  	s17 =	sor.u32 $0x40, s17;
	s18 =	sadd.s32 s23, s18;
	s24 =	sadd.s32 s19, s24  }
0x71: {  	[hbm4b:s24+s17] =	stream.strided.scatter [tilespmem:s22], [sflag:$0x2], $0x2000, s11, s17, $0x18;
	[tilespmem:$0x10200] =	vst v63  }
0x72: {  	s31 =	sadd.s32 $0xA080, s21;
	s18 =	sadd.s32 s19, s18  }
0x73: {  	[hbm4b:s18+s17] =	stream.strided.scatter [tilespmem:s31], [sflag:$0x2], $0x2000, s11, s17, $0x18;
	[tilespmem:$0x10200] =	vst v63  }
.LBB1_10:
0x74: {  	_ =	sfence.sel $0x180000  }
0x75: {  	s2 =	simm.s32 $0x1;
	[bflag:$0x0] =	sbarrier.arrive $0xFFFF  }
0x76: {  	s31 =	simm.s32 $0x2;
	[sflag:s2] =	ssyncpa.u1 $0x1  }
0x77: {  	[sflag:s31] =	ssyncpa.u1 $0x1  }
0x78: {  	p0 =	sne.s32 s0, $0x0;
	_ =	strace $0x90000059  }
0x79: {  	s0 =	sadd.s32 @!p0 $0x100000, s1;
	[bflag:$0x2] =	sbarrier.arrive $0xFFFF  }
0x7a: {  	[sflag:s0] =	ssyncadd.tile.s32 @!p0 $0x1;
	_ =	shalt  }
.Lfunc_end1:
_tile_overlayer_lowered:
.L_overlay_start_2:
0x7b: {  	(tag) =	ssettag $0x2  }
0x7c: {  	s0 =	rddreg [dreg:$0x0];
	s2 =	stileid.u32  }
0x7d: {  	s1 =	rddreg [dreg:$0x1];
	p0 =	sne.s32 s2, $0x0  }
0x7e: {  	s3 =	rddreg [dreg:$0x2];
	[bflag:$0x3] =	sbarrier.arrive $0xFFFF;
	s2 =	simm.s32 @!p0 $0x1C01  }
0x7f: {  	[timem:s3], [sflag:s2] =	dma.local @!p0 [hbm:s0], s1  }
0x80: {  	s0 =	simm.s32 @!p0 $0x1  }
0x81: {  	_ =	swait.ge @!p0 [sflag:s0], s1  }
0x82: {  	s1 =	ssub.s32 @!p0 $0x0, s1;
	[sflag:s0] =	ssyncset.done @!p0 $0x0  }
0x83: {  	[sflag:s0] =	ssyncadd.s32 @!p0 s1  }
0x84: {  	[bflag:$0x3] =	sbarrier.arrive $0xFFFF  }
0x85: {  	_ =	shalt  }

// kernel: sparse-core-data-format-call.7.cloned.1.call-start
scs
called_computation.7_lowered:
.L_overlay_start_0:
0x0: {  	s2 =	sld [smem:$0x3FD9]  }
0x1: {  	s3 =	sld [smem:$0x3FFE];
	_ =	sdelay $0x1  }
0x2: {  	s1 =	srdreg.scid  }
0x3: {  	s0 =	sand.u32 $0x1, s1  }
0x4: {  	s18 =	sshll.u32 s0, $0xA;
	s2 =	sadd.s32 s3, s2  }
0x5: {  	s2 =	sadd.s32 s2, s18  }
0x6: {  	[smem:$0x3FA3] =	sst s2  }
0x7: {  	_ = 	snop  }
0x8: {  	(tm) =	ssettm $0x1  }
0x9: {  	s19 =	sld [smem:$0x3FFB];
	_ =	sdelay $0x3  }
0xa: {  	_ =	strace s19  }
0xb: {  	s2 =	sld [smem:$0x3FFC];
	_ =	sdelay $0x3  }
0xc: {  	_ =	strace s2  }
0xd: {  	s2 =	sld [smem:$0x3FFD];
	_ =	sdelay $0x3  }
0xe: {  	_ =	strace s2  }
0xf: {  	_ =	strace $0x8FFFFFFF  }
0x10: {  	s20 =	sld [smem:$0x3FDB];
	_ =	sdelay $0x1  }
0x11: {  	s21 =	simm.s32 $_scs_section_size  }
0x12: {  	s4 =	simm.s32 $_size__tile_overlayer_lowered;
	s5 =	simm.s32 $_tile_overlayer_lowered  }
0x13: {  	s6 =	simm.s32 $0x1BFF;
	s22 =	sshll.u32 s5, $0x1;
	s3 =	sadd.s32 s21, s20  }
0x14: {  	s23 =	simm.s32 $0x0;
	s4 =	sshll.u32 s4, $0x1;
	s5 =	sadd.s32 s22, s3  }
0x15: {  	[timem:s23], [sflag:s6] =	dma.local [hbm:s5], s4  }
0x16: {  	_ =	swait.ge [sflag:s6], s4  }
0x17: {  	s4 =	ssub.s32 $0x0, s4;
	[sflag:s6] =	ssyncset.done $0x0  }
0x18: {  	[sflag:s6] =	ssyncadd.s32 s4;
	_ =	sdelay $0x1  }
0x19: {  	s24 =	simm.s32 $0x1B8B  }
0x1a: {  	_ =	swait.ge [sflag:s24], $0x1  }
0x1b: {  	[sflag:s24] =	ssyncset.done $0x0  }
0x1c: {  	[sflag:s24] =	ssyncadd.s32 $0xFFFFFFFF  }
0x1d: {  	s4 =	sld [smem:$0x0]  }
0x1e: {  	s5 =	sand.u32 $0xFFFFFFFE, s1  }
0x1f: {  	p0 =	sne.s32 s1, s5  }
0x20: {  	s5 =	sshll.u32 @p0 s5, $0xE  }
0x21: {  	s5 =	sadd.s32 @p0 $0x11B8D, s5;
	s6 =	sshll.u32 @p0 s4, $0x11  }
0x22: {  	s5 =	sor.u32 @p0 s6, s5  }
0x23: {  	[sflag:s5] =	ssyncadd.remote.s32 @p0 $0x1;
	_ =	sdelay $0x1  }
0x24: {  	s5 =	simm.s32 @p0 $0x1B8D  }
0x25: {  	_ =	swait.eq @p0 [sflag:s5], $0x1  }
0x26: {  	[sflag:s5] =	ssyncadd.s32 @p0 $0xFFFFFFFF  }
0x27: {  	s6 =	sshll.u32 @!p0 s1, $0xE  }
0x28: {  	s6 =	sor.u32 @!p0 $0x4000, s6;
	s5 =	simm.s32 @!p0 $0x1B8D  }
0x29: {  	s4 =	sshll.u32 @!p0 s4, $0x11;
	s6 =	sadd.s32 @!p0 $0x11B8D, s6;
	_ =	swait.eq @!p0 [sflag:s5], $0x1  }
0x2a: {  	s4 =	sor.u32 @!p0 s4, s6;
	[sflag:s5] =	ssyncadd.s32 @!p0 $0xFFFFFFFF  }
0x2b: {  	s26 =	simm.s32 $0x1B8E;
	s25 =	sld [smem:$0x3FFE];
	[sflag:s4] =	ssyncadd.remote.s32 @!p0 $0x1  }
0x2c: {  	s27 =	simm.s32 $execute0_lowered;
	[smem:$0x3FD2] =	sst s26  }
0x2d: {  	s5 =	sshll.u32 s27, $0x1;
	_ =	strace $0x80000052;
	[dreg:$0x1] =	wrdreg $0xFFFFFFFF  }
0x2e: {  	s28 =	simm.s32 $_size_execute0_lowered;
	s3 =	sadd.s32 s3, s5;
	[dreg:$0x0] =	wrdreg $0x0  }
0x2f: {  	s5 =	sshll.u32 s28, $0x1;
	[dreg:$0x2] =	wrdreg s3  }
0x30: {  	[dreg:$0x3] =	wrdreg s5  }
0x31: {  	[dreg:$0x4] =	wrdreg $0xC0  }
0x32: {  	_ =	task [dreg:s23], $0x5FFFF  }
0x33: {  	[dreg:$0x1] =	wrdreg $0xFFFFFFFF  }
0x34: {  	[dreg:$0x0] =	wrdreg $0x60  }
0x35: {  	[dreg:$0x2] =	wrdreg s25  }
0x36: {  	[dreg:$0x3] =	wrdreg $0x9  }
0x37: {  	_ =	task.clear_ibuf [dreg:s23], $0x4FFFF;
	_ =	strace $0x90000052  }
0x38: {  	s29 =	simm.s32 $0x9;
	_ =	strace $0x80000054  }
0x39: {  	_ =	swait.ge [sflag:s29], $0x1  }
0x3a: {  	[sflag:s29] =	ssyncadd.s32 $0xFFFFFFFF  }
0x3b: {  	_ =	strace $0x90000054  }
0x3c: {  	_ =	sfence  }
0x3d: {  	s30 =	sld [smem:$0x0];
	_ =	sdelay $0x2  }
0x3e: {  	s31 =	sshll.u32 s1, $0xD;
	s1 =	sshrl.u32 s1, $0x2  }
0x3f: {  	s4 =	sand.u32 $0x4000, s31;
	s1 =	sadd.s32 s1, s30  }
0x40: {  	s0 =	sor.u32 s4, s0;
	s1 =	sshll.u32 s1, $0x11  }
0x41: {  	s0 =	sor.u32 s1, s0  }
0x42: {  	s0 =	sadd.s32 $0x8F2B, s0  }
0x43: {  	[sflag:s0] =	ssyncadd.remote.s32 $0x1  }
0x44: {  	_ =	sfence.sel $0xFFFF  }
0x45: {  	[dreg:$0x0] =	wrdreg $0xFFFFFFFF;
	(pc) =	sbr.abs _section_cstart, $3  }
0x46: {  	[dreg:$0x1] =	wrdreg $0xFFFFFFFF  }
0x47: {  	_ =	task.clear_ibuf [dreg:s23], $0x2FFFF;
	_ =	strace $0x9FFFFFFF  }
0x48: {  	(tm) =	ssettm $0x7FFFFFFF  }
0x49: {  	_ =	shalt  }
tec
execute0_lowered:
.L_overlay_start_1:
0x0: {  	(tag) =	ssettag $0x1  }
0x1: {  	s1 =	rddreg [dreg:$0x0]  }
0x2: {  	s0 =	rddreg [dreg:$0x1];
	s3 =	srdreg.scid  }
0x3: {  	_ =	strace $0x80000053;
	s5 =	simm.s32 $0x1;
	s7 =	simm.s32 $0x2  }
0x4: {  	s14 =	simm.s32 $0x0;
	p0 =	por $0x0, $0x0;
	s8 =	simm.s32 $0x20000  }
0x5: {  	s15 =	simm.s32 $0x0;
	s10 =	simm.s32 $0x0;
	s11 =	simm.s32 $0x0  }
.Ltmp0:
0x6: {  	s2 =	sadd.s32 $0x4A0C00, s1;
	s4 =	sshll.u32 s3, $0x4;
	(pc) =	sbr.rel .LBB1_1-.Ltmp0, $4  }
0x7: {  	s3 =	sadd.s32 $0x9A0C00, s1;
	s1 =	stileid.u32;
	s4 =	sand.u32 $0x10, s4  }
0x8: {  	s9 =	simm.s32 $0x0;
	[sflag:s5] =	ssyncpa.u1 $0x0;
	s6 =	sor.u32 s1, s4  }
0x9: {  	[sflag:s7] =	ssyncpa.u1 $0x0;
	s4 =	sand.u32 $0x7, s1;
	s6 =	sshrl.u32 s6, $0x3  }
0xa: {  	s7 =	simm.s32 $0x40;
	s13 =	smov.u32 s4;
	s12 =	smov.u32 s6  }
.LBB1_9:
0xb: {  	s18 =	smul.u32 $0x90000, s11  }
0xc: {  	s17 =	sand.u32 $0x1, s9;
	s16 =	smul.u32 $0x900, s16  }
0xd: {  	s19 =	sshll.u32 s10, $0x4;
	s17 =	smul.u32 $0x1040, s17  }
0xe: {  	s19 =	sand.u32 $0x3FF0, s19;
	s18 =	sadd.s32 s3, s18  }
0xf: {  	s16 =	sand.u32 $0x3FFFFF00, s16;
	s17 =	sor.u32 $0x2000, s17;
	s18 =	sadd.s32 s19, s18  }
0x10: {  	[hbm4b:s18+s7] =	stream.strided.scatter [tilespmem:s17], [sflag:$0x2], s16, s8, s7, $0x18;
	[tilespmem:$0x4080] =	vst v63  }
.LBB1_10:
0x11: {  	p1 =	slt.u32 s9, $0x2  }
0x12: {  	p2 =	sgt.s32 @!p1 s15, $0x7  }
0x13: {  	s16 =	smov.u32 s15;
	s17 =	sshra.s32 @!p1 s15, $0x1F;
	p2 =	por !p2, p1  }
0x14: {  	s18 =	sshra.s32 @!p1 s14, $0x1F;
	s16 =	simm.s32 @p2 $0x7;
	p2 =	sgt.s32 @!p1 s14, $0x3FF  }
0x15: {  	s15 =	sand.u32 @!p1 s17, s15;
	s17 =	smov.u32 s14;
	p2 =	por !p2, p1  }
0x16: {  	s14 =	sand.u32 @!p1 s18, s14;
	s15 =	ssub.s32 @!p1 s16, s15;
	s17 =	simm.s32 @p2 $0x3FF  }
0x17: {  	s18 =	smov.u32 s13;
	s16 =	sadd.s32 @!p1 $0xFFFFFFF9, s15;
	s14 =	ssub.s32 @!p1 s17, s14  }
0x18: {  	s15 =	ssub.s32 @!p1 $0x8, s15;
	p2 =	sgt.s32 @!p1 s16, $0x0;
	s14 =	sadd.s32 @!p1 $0xFFFFFC01, s14  }
0x19: {  	s15 =	smul.u32 @!p1 $0x24, s15;
	p3 =	sgt.s32 @!p1 s14, $0x0;
	s14 =	sshll.u32 @!p1 s14, $0x6  }
0x1a: {  	p2 =	por !p2, p1;
	s14 =	ssub.s32 @!p1 $0x40, s14;
	p3 =	por !p3, p1  }
0x1b: {  	s16 =	sadd.s32 $0x4, s12;
	s15 =	simm.s32 @!p2 $0x0;
	s14 =	simm.s32 @!p3 $0x0  }
0x1c: {  	p2 =	sgt.s32 s16, $0x3FF;
	s14 =	smul.u32 @!p1 s15, s14;
	s15 =	sadd.s32 $0x8, s13  }
0x1d: {  	s18 =	smov.u32 @p2 s15  }
0x1e: {  	s9 =	sadd.s32 $0x1, s9;
	s16 =	smov.u32 @p2 s6;
	p2 =	sgt.s32 s18, $0x7  }
0x1f: {  	s18 =	smov.u32 @p2 s4;
	p2 =	sne.s32 s9, $0x102  }
.Ltmp1:
0x20: {  	p0 =	por !p0, !p0;
	(pc) =	sbr.rel @!p2 .LBB1_11-.Ltmp1, $4  }
0x21: {  	s17 =	simm.s32 @!p1 $0x2;
	s15 =	smov.u32 s11;
	s14 =	sand.u32 @!p1 $0x3FFFFF00, s14  }
0x22: {  	s11 =	smov.u32 s13;
	_ =	swait.ge @!p1 [sflag:s17], s14;
	s19 =	ssub.s32 @!p1 $0x0, s14  }
0x23: {  	s14 =	smov.u32 s10;
	s10 =	smov.u32 s12;
	[sflag:s17] =	ssyncset.done @!p1 $0x0  }
0x24: {  	s12 =	smov.u32 s16;
	s13 =	smov.u32 s18;
	[sflag:s17] =	ssyncadd.s32 @!p1 s19  }
.LBB1_1:
0x25: {  	p1 =	sgt.u32 s9, $0xFF  }
0x26: {  	p2 =	sgt.s32 @!p1 s13, $0x7  }
0x27: {  	s16 =	smov.u32 s13;
	s18 =	smov.u32 s12;
	p2 =	por !p2, p1  }
0x28: {  	s17 =	sshra.s32 @!p1 s13, $0x1F;
	s16 =	simm.s32 @p2 $0x7;
	p2 =	sgt.s32 @!p1 s12, $0x3FF  }
0x29: {  	s19 =	sshra.s32 @!p1 s12, $0x1F;
	s17 =	sand.u32 @!p1 s17, s13;
	p2 =	por !p2, p1  }
0x2a: {  	s19 =	sand.u32 @!p1 s19, s12;
	s16 =	ssub.s32 @!p1 s16, s17;
	s18 =	simm.s32 @p2 $0x3FF  }
0x2b: {  	s17 =	ssub.s32 @!p1 s18, s19;
	s18 =	sadd.s32 @!p1 $0xFFFFFFF9, s16  }
0x2c: {  	s16 =	ssub.s32 @!p1 $0x8, s16;
	s19 =	sadd.s32 @!p1 $0xFFFFFC01, s17;
	p2 =	sgt.s32 @!p1 s18, $0x0  }
0x2d: {  	s16 =	smul.u32 @!p1 $0x2800, s16;
	s17 =	ssub.s32 @!p1 $0x400, s17;
	p3 =	sgt.s32 @!p1 s19, $0x0  }
0x2e: {  	s18 =	smul.u32 @!p1 $0xA0000, s13;
	p2 =	por !p2, p1;
	p3 =	por !p3, p1  }
0x2f: {  	s19 =	smul.u32 @!p1 $0x280, s12;
	s16 =	simm.s32 @!p2 $0x0;
	s17 =	simm.s32 @!p3 $0x0  }
0x30: {  	s18 =	sadd.s32 @!p1 s2, s18;
	s16 =	smul.u32 @!p1 s17, s16;
	s17 =	sxor.u32 @!p1 $0xFFFFFFFF, s9  }
0x31: {  	s20 =	simm.s32 @!p1 $0x80;
	s18 =	sadd.s32 @!p1 s19, s18;
	s17 =	sshll.u32 @!p1 s17, $0xC  }
0x32: {  	s19 =	simm.s32 @!p1 $0x40;
	s17 =	sand.u32 @!p1 $0x1000, s17;
	s16 =	sshrl.u32 @!p1 s16, $0x2  }
0x33: {  	[tilespmem:s17], [sflag:$0x1] =	stream.strided.gather @!p1 [hbm4b:s18+s19], s16, s20, s19, $0x38;
	[tilespmem:$0x4080] =	vst v63  }
0x34: {  	p1 =	seq.s32 s9, $0x0  }
0x35: {  	p2 =	seq.s32 @!p1 s9, $0x101  }
0x36: {  	p1 =	por p1, p2  }
.Ltmp2:
0x37: {  	_ = 	snop;
	(pc) =	sbr.rel @p1 .LBB1_10-.Ltmp2, $1  }
0x38: {  	_ =	sdelay $0x3  }
0x39: {  	p1 =	sgt.s32 s11, $0x7  }
0x3a: {  	s16 =	smov.u32 s11;
	s17 =	sshra.s32 s11, $0x1F;
	s18 =	smov.u32 s10  }
0x3b: {  	s19 =	sshra.s32 s10, $0x1F;
	s16 =	simm.s32 @!p1 $0x7;
	p1 =	sgt.s32 s10, $0x3FF  }
0x3c: {  	s17 =	sand.u32 s17, s11;
	s29 =	sand.u32 s19, s10;
	s18 =	simm.s32 @!p1 $0x3FF  }
0x3d: {  	s16 =	ssub.s32 s16, s17;
	s17 =	ssub.s32 s18, s29  }
0x3e: {  	s30 =	sadd.s32 $0xFFFFFFF9, s16;
	s16 =	ssub.s32 $0x8, s16;
	s18 =	sadd.s32 $0xFFFFFC01, s17  }
0x3f: {  	p1 =	sgt.s32 s30, $0x0;
	s17 =	ssub.s32 $0x400, s17;
	p2 =	sgt.s32 s18, $0x0  }
0x40: {  	s16 =	simm.s32 @p1 $0x0;
	s17 =	simm.s32 @p2 $0x0  }
0x41: {  	s16 =	smul.u32 s16, s17;
	s17 =	sadd.s32 $0x1, s11  }
0x42: {  	s18 =	sadd.s32 $0x1, s10;
	p1 =	slt.s32 s17, $0x8  }
0x43: {  	s17 =	simm.s32 @!p1 $0x8;
	p1 =	slt.s32 s18, $0x400  }
0x44: {  	s17 =	ssub.s32 s17, s11;
	s18 =	simm.s32 @!p1 $0x400  }
0x45: {  	s18 =	ssub.s32 s18, s10;
	p1 =	slt.s32 s17, $0x1  }
0x46: {  	p2 =	slt.s32 @!p1 s18, $0x1  }
0x47: {  	s31 =	smul.u32 $0x2800, s16;
	p1 =	por p1, p2  }
.Ltmp3:
0x48: {  	_ = 	snop;
	(pc) =	sbr.rel @p1 .LBB1_9-.Ltmp3, $4  }
0x49: {  	s19 =	sshrl.u32 s31, $0x2  }
0x4a: {  	_ =	swait.ge [sflag:s5], s19  }
0x4b: {  	s19 =	ssub.s32 $0x0, s19;
	[sflag:s5] =	ssyncset.done $0x0  }
0x4c: {  	[sflag:s5] =	ssyncadd.s32 s19  }
0x4d: {  	s19 =	simm.s32 $0x1  }
0x4e: {  	s19 =	simm.s32 @!p0 $0x0  }
0x4f: {  	s20 =	smul.u32 $0x4100, s19;
	_ =	sdelay $0x1  }
0x50: {  	s21 =	sshll.u32 s19, $0xC;
	s20 =	sshrl.u32 s20, $0x2  }
0x51: {  	s19 =	sor.u32 $0x2000, s20;
	s20 =	sor.u32 $0x10, s21;
	s21 =	simm.s32 $0x0  }
.LBB1_4:
0x52: {  	s22 =	smov.u32 s20;
	s23 =	simm.s32 $0x0;
	s24 =	simm.s32 $0x0  }
.LBB1_5:
0x53: {  	s25 =	sand.u32 $0x7, s23  }
0x54: {  	v2 =	vld [tilespmem:s22+$0x10];
	s25 =	smul.u32 $0x104, s25  }
0x55: {  	v1 =	vld [tilespmem:s22+$0x0]  }
0x56: {  	v0 =	vld [tilespmem:s22+$0xFFFFFFF0];
	s25 =	sshrl.u32 s25, $0x2  }
0x57: {  	s25 =	sadd.s32 s25, s19  }
0x58: {  	s27 =	sadd.s32 $0x0, s25  }
0x59: {  	s26 =	simm.s32 $0x4;
	s28 =	sadd.s32 $0x40, s22;
	[tilespmem:s27+$0x820 ss:$0x41] =	vst.msk $0xffff, v2  }
.LBB1_6:
0x5a: {  	v2 =	vld [tilespmem:s28+$0x10];
	p1 =	sne.s32 s26, $0x9C;
	[tilespmem:s27+$0x410 ss:$0x41] =	vst.msk $0xffff, v1;
	s29 =	smov.u32 s26;
	s26 =	sadd.s32 $0x4, s26  }
.Ltmp4:
0x5b: {  	v1 =	vld [tilespmem:s28+$0x0];
	[tilespmem:s27+$0x0 ss:$0x41] =	vst.msk $0xffff, v0;
	(pc) =	sbr.rel @p1 .LBB1_6-.Ltmp4, $4  }
0x5c: {  	v0 =	vld [tilespmem:s28+$0xFFFFFFF0]  }
0x5d: {  	s27 =	sshra.s32 s29, $0x2  }
0x5e: {  	s27 =	sadd.s32 s27, s25  }
0x5f: {  	s28 =	sadd.s32 $0x40, s28;
	[tilespmem:s27+$0x820 ss:$0x41] =	vst.msk $0xffff, v2  }
0x60: {  	s24 =	sadd.s32 $0x1, s24  }
0x61: {  	p1 =	sne.s32 s24, s18  }
.Ltmp5:
0x62: {  	_ = 	snop;
	(pc) =	sbr.rel @p1 .LBB1_5-.Ltmp5, $3  }
0x63: {  	_ =	sdelay $0x1  }
0x64: {  	[tilespmem:s27+$0x410 ss:$0x41] =	vst.msk $0xffff, v1  }
0x65: {  	s23 =	sadd.s32 $0x1, s23;
	s22 =	sadd.s32 $0x1000, s22;
	[tilespmem:s27+$0x0 ss:$0x41] =	vst.msk $0xffff, v0  }
0x66: {  	s21 =	sadd.s32 $0x1, s21  }
0x67: {  	p1 =	sne.s32 s21, s17  }
.Ltmp6:
0x68: {  	_ = 	snop;
	(pc) =	sbr.rel @p1 .LBB1_4-.Ltmp6, $4  }
.Ltmp7:
0x69: {  	_ = 	snop;
	(pc) =	sbr.rel @!p1 .LBB1_9-.Ltmp7, $4  }
0x6a: {  	_ = 	snop  }
0x6b: {  	_ = 	snop  }
0x6c: {  	s19 =	sadd.s32 $0x1040, s19;
	s20 =	sadd.s32 $0x1000, s20  }
0x6d: {  	_ = 	snop  }
.LBB1_11:
0x6e: {  	_ =	sfence.sel $0x180000  }
0x6f: {  	s2 =	simm.s32 $0x1;
	[bflag:$0x0] =	sbarrier.arrive $0xFFFF  }
0x70: {  	s31 =	simm.s32 $0x2;
	[sflag:s2] =	ssyncpa.u1 $0x1  }
0x71: {  	[sflag:s31] =	ssyncpa.u1 $0x1  }
0x72: {  	p0 =	sne.s32 s1, $0x0;
	_ =	strace $0x90000053  }
0x73: {  	s0 =	sadd.s32 @!p0 $0x100000, s0;
	[bflag:$0x2] =	sbarrier.arrive $0xFFFF  }
0x74: {  	[sflag:s0] =	ssyncadd.tile.s32 @!p0 $0x1;
	_ =	shalt  }
.Lfunc_end1:
_tile_overlayer_lowered:
.L_overlay_start_2:
0x75: {  	(tag) =	ssettag $0x2  }
0x76: {  	s0 =	rddreg [dreg:$0x0];
	s2 =	stileid.u32  }
0x77: {  	s1 =	rddreg [dreg:$0x1];
	p0 =	sne.s32 s2, $0x0  }
0x78: {  	s3 =	rddreg [dreg:$0x2];
	[bflag:$0x3] =	sbarrier.arrive $0xFFFF;
	s2 =	simm.s32 @!p0 $0x1C01  }
0x79: {  	[timem:s3], [sflag:s2] =	dma.local @!p0 [hbm:s0], s1  }
0x7a: {  	s0 =	simm.s32 @!p0 $0x1  }
0x7b: {  	_ =	swait.ge @!p0 [sflag:s0], s1  }
0x7c: {  	s1 =	ssub.s32 @!p0 $0x0, s1;
	[sflag:s0] =	ssyncset.done @!p0 $0x0  }
0x7d: {  	[sflag:s0] =	ssyncadd.s32 @!p0 s1  }
0x7e: {  	[bflag:$0x3] =	sbarrier.arrive $0xFFFF  }
0x7f: {  	_ =	shalt  }

// kernel: sparse-core-data-format-call.8.cloned.1.call-start
scs
called_computation.8_lowered:
.L_overlay_start_0:
0x0: {  	s2 =	sld [smem:$0x3FD9]  }
0x1: {  	s3 =	sld [smem:$0x3FFE];
	_ =	sdelay $0x1  }
0x2: {  	s1 =	srdreg.scid  }
0x3: {  	s0 =	sand.u32 $0x1, s1  }
0x4: {  	s18 =	sshll.u32 s0, $0xA;
	s2 =	sadd.s32 s3, s2  }
0x5: {  	s2 =	sadd.s32 s2, s18  }
0x6: {  	[smem:$0x3FA3] =	sst s2  }
0x7: {  	_ = 	snop  }
0x8: {  	(tm) =	ssettm $0x1  }
0x9: {  	s19 =	sld [smem:$0x3FFB];
	_ =	sdelay $0x3  }
0xa: {  	_ =	strace s19  }
0xb: {  	s2 =	sld [smem:$0x3FFC];
	_ =	sdelay $0x3  }
0xc: {  	_ =	strace s2  }
0xd: {  	s2 =	sld [smem:$0x3FFD];
	_ =	sdelay $0x3  }
0xe: {  	_ =	strace s2  }
0xf: {  	_ =	strace $0x8FFFFFFF  }
0x10: {  	s20 =	sld [smem:$0x3FDB];
	_ =	sdelay $0x1  }
0x11: {  	s21 =	simm.s32 $_scs_section_size  }
0x12: {  	s4 =	simm.s32 $_size__tile_overlayer_lowered;
	s5 =	simm.s32 $_tile_overlayer_lowered  }
0x13: {  	s6 =	simm.s32 $0x1BFF;
	s22 =	sshll.u32 s5, $0x1;
	s3 =	sadd.s32 s21, s20  }
0x14: {  	s23 =	simm.s32 $0x0;
	s4 =	sshll.u32 s4, $0x1;
	s5 =	sadd.s32 s22, s3  }
0x15: {  	[timem:s23], [sflag:s6] =	dma.local [hbm:s5], s4  }
0x16: {  	_ =	swait.ge [sflag:s6], s4  }
0x17: {  	s4 =	ssub.s32 $0x0, s4;
	[sflag:s6] =	ssyncset.done $0x0  }
0x18: {  	[sflag:s6] =	ssyncadd.s32 s4;
	_ =	sdelay $0x1  }
0x19: {  	s24 =	simm.s32 $0x1B8B  }
0x1a: {  	_ =	swait.ge [sflag:s24], $0x1  }
0x1b: {  	[sflag:s24] =	ssyncset.done $0x0  }
0x1c: {  	[sflag:s24] =	ssyncadd.s32 $0xFFFFFFFF  }
0x1d: {  	s4 =	sld [smem:$0x0]  }
0x1e: {  	s5 =	sand.u32 $0xFFFFFFFE, s1  }
0x1f: {  	p0 =	sne.s32 s1, s5  }
0x20: {  	s5 =	sshll.u32 @p0 s5, $0xE  }
0x21: {  	s5 =	sadd.s32 @p0 $0x11B8D, s5;
	s6 =	sshll.u32 @p0 s4, $0x11  }
0x22: {  	s5 =	sor.u32 @p0 s6, s5  }
0x23: {  	[sflag:s5] =	ssyncadd.remote.s32 @p0 $0x1;
	_ =	sdelay $0x1  }
0x24: {  	s5 =	simm.s32 @p0 $0x1B8D  }
0x25: {  	_ =	swait.eq @p0 [sflag:s5], $0x1  }
0x26: {  	[sflag:s5] =	ssyncadd.s32 @p0 $0xFFFFFFFF  }
0x27: {  	s6 =	sshll.u32 @!p0 s1, $0xE  }
0x28: {  	s6 =	sor.u32 @!p0 $0x4000, s6;
	s5 =	simm.s32 @!p0 $0x1B8D  }
0x29: {  	s4 =	sshll.u32 @!p0 s4, $0x11;
	s6 =	sadd.s32 @!p0 $0x11B8D, s6;
	_ =	swait.eq @!p0 [sflag:s5], $0x1  }
0x2a: {  	s4 =	sor.u32 @!p0 s4, s6;
	[sflag:s5] =	ssyncadd.s32 @!p0 $0xFFFFFFFF  }
0x2b: {  	s26 =	simm.s32 $0x1B8E;
	s25 =	sld [smem:$0x3FFE];
	[sflag:s4] =	ssyncadd.remote.s32 @!p0 $0x1  }
0x2c: {  	s27 =	simm.s32 $execute0_lowered;
	[smem:$0x3FD2] =	sst s26  }
0x2d: {  	s5 =	sshll.u32 s27, $0x1;
	_ =	strace $0x80000055;
	[dreg:$0x1] =	wrdreg $0xFFFFFFFF  }
0x2e: {  	s28 =	simm.s32 $_size_execute0_lowered;
	s3 =	sadd.s32 s3, s5;
	[dreg:$0x0] =	wrdreg $0x0  }
0x2f: {  	s5 =	sshll.u32 s28, $0x1;
	[dreg:$0x2] =	wrdreg s3  }
0x30: {  	[dreg:$0x3] =	wrdreg s5  }
0x31: {  	[dreg:$0x4] =	wrdreg $0xC0  }
0x32: {  	_ =	task [dreg:s23], $0x5FFFF  }
0x33: {  	[dreg:$0x1] =	wrdreg $0xFFFFFFFF  }
0x34: {  	[dreg:$0x0] =	wrdreg $0x60  }
0x35: {  	[dreg:$0x2] =	wrdreg s25  }
0x36: {  	[dreg:$0x3] =	wrdreg $0xA  }
0x37: {  	_ =	task.clear_ibuf [dreg:s23], $0x4FFFF;
	_ =	strace $0x90000055  }
0x38: {  	s29 =	simm.s32 $0xA;
	_ =	strace $0x80000057  }
0x39: {  	_ =	swait.ge [sflag:s29], $0x1  }
0x3a: {  	[sflag:s29] =	ssyncadd.s32 $0xFFFFFFFF  }
0x3b: {  	_ =	strace $0x90000057  }
0x3c: {  	_ =	sfence  }
0x3d: {  	s30 =	sld [smem:$0x0];
	_ =	sdelay $0x2  }
0x3e: {  	s31 =	sshll.u32 s1, $0xD;
	s1 =	sshrl.u32 s1, $0x2  }
0x3f: {  	s4 =	sand.u32 $0x4000, s31;
	s1 =	sadd.s32 s1, s30  }
0x40: {  	s0 =	sor.u32 s4, s0;
	s1 =	sshll.u32 s1, $0x11  }
0x41: {  	s0 =	sor.u32 s1, s0  }
0x42: {  	s0 =	sadd.s32 $0x8F2B, s0  }
0x43: {  	[sflag:s0] =	ssyncadd.remote.s32 $0x1  }
0x44: {  	_ =	sfence.sel $0xFFFF  }
0x45: {  	[dreg:$0x0] =	wrdreg $0xFFFFFFFF;
	(pc) =	sbr.abs _section_cstart, $3  }
0x46: {  	[dreg:$0x1] =	wrdreg $0xFFFFFFFF  }
0x47: {  	_ =	task.clear_ibuf [dreg:s23], $0x2FFFF;
	_ =	strace $0x9FFFFFFF  }
0x48: {  	(tm) =	ssettm $0x7FFFFFFF  }
0x49: {  	_ =	shalt  }
tec
execute0_lowered:
.L_overlay_start_1:
0x0: {  	(tag) =	ssettag $0x1  }
0x1: {  	s0 =	stileid.u32  }
0x2: {  	s1 =	srdreg.scid;
	s8 =	rddreg [dreg:$0x0];
	s6 =	simm.s32 $0x1  }
0x3: {  	s5 =	simm.s32 $0x1;
	s9 =	simm.s32 $0x2;
	s20 =	simm.s32 $0x0  }
0x4: {  	s10 =	simm.s32 $0x6000;
	s2 =	sshll.u32 s0, $0x4;
	s1 =	sshll.u32 s1, $0x8  }
0x5: {  	s11 =	simm.s32 $0x80;
	s19 =	simm.s32 $0x0;
	s1 =	sor.u32 s2, s1  }
0x6: {  	s18 =	simm.s32 $0x0;
	s21 =	simm.s32 $0x0;
	s2 =	sand.u32 $0x180, s1  }
0x7: {  	s22 =	simm.s32 $0x0;
	s12 =	simm.s32 $0x0;
	s4 =	ssub.s32 $0x400, s2  }
0x8: {  	s14 =	simm.s32 $0x0;
	s15 =	simm.s32 $0x0;
	s3 =	sand.u32 $0x180, s4  }
0x9: {  	s1 =	rddreg [dreg:$0x1];
	_ =	strace $0x80000056;
	p0 =	sne.s32 s3, $0x0  }
.Ltmp0:
0xa: {  	s7 =	sshrl.u32 s4, $0x9;
	s6 =	simm.s32 @!p0 $0x0;
	(pc) =	sbr.rel .LBB1_1-.Ltmp0, $4  }
0xb: {  	s17 =	simm.s32 $0x0;
	[sflag:s5] =	ssyncpa.u1 $0x0;
	s6 =	sadd.s32 s6, s7  }
0xc: {  	s13 =	smov.u32 s2;
	s4 =	sadd.s32 $0x10F0C00, s8;
	s6 =	smul.u32 $0x24, s6  }
0xd: {  	[sflag:s9] =	ssyncpa.u1 $0x0;
	s3 =	sadd.s32 $0xE20C00, s8;
	s7 =	sand.u32 $0x7, s0  }
0xe: {  	s8 =	sadd.s32 $0x10F4C00, s8;
	s16 =	smov.u32 s7;
	s9 =	sor.u32 $0x1, s6  }
.LBB1_9:
0xf: {  	s23 =	sadd.s32 $0x200, s13  }
0x10: {  	s18 =	sadd.s32 $0x2, s12;
	s24 =	smov.u32 s12;
	p1 =	sgt.s32 s23, $0x3FF  }
0x11: {  	s24 =	smov.u32 @p1 s18  }
0x12: {  	s25 =	smov.u32 s14;
	s18 =	sadd.s32 $0x40, s14;
	p2 =	sgt.s32 s24, $0x17  }
0x13: {  	s25 =	smov.u32 @p2 s18  }
0x14: {  	s18 =	simm.s32 $0x1;
	p3 =	sgt.s32 s25, $0x27  }
0x15: {  	s18 =	simm.s32 @!p3 $0x0  }
0x16: {  	p0 =	slt.u32 s17, $0x2;
	s26 =	sadd.s32 s18, s15  }
0x17: {  	s27 =	smov.u32 s16;
	s18 =	sadd.s32 $0x8, s16;
	p4 =	sgt.s32 s26, $0x2  }
0x18: {  	s20 =	smov.u32 s13;
	s19 =	smov.u32 s12;
	s27 =	smov.u32 @p4 s18  }
0x19: {  	s21 =	smov.u32 s15;
	s23 =	smov.u32 @p1 s2;
	p1 =	sgt.s32 s27, $0x7  }
0x1a: {  	s28 =	simm.s32 @!p0 $0x2;
	s27 =	smov.u32 @p1 s7;
	p1 =	sne.s32 s17, s9  }
.Ltmp1:
0x1b: {  	s22 =	smov.u32 s16;
	_ =	swait.ge @!p0 [sflag:s28], $0x4000;
	(pc) =	sbr.rel @!p1 .LBB1_10-.Ltmp1, $4  }
0x1c: {  	[sflag:s28] =	ssyncset.done @!p0 $0x0;
	s13 =	smov.u32 s23;
	s24 =	simm.s32 @p2 $0x0  }
0x1d: {  	[sflag:s28] =	ssyncadd.s32 @!p0 $0xFFFFC000;
	s12 =	smov.u32 s24;
	s25 =	simm.s32 @p3 $0x0  }
0x1e: {  	s26 =	simm.s32 @p4 $0x0;
	s18 =	smov.u32 s14;
	s14 =	smov.u32 s25  }
0x1f: {  	s15 =	smov.u32 s26;
	s17 =	sadd.s32 $0x1, s17;
	s16 =	smov.u32 s27  }
.LBB1_1:
0x20: {  	p0 =	sge.u32 s17, s6  }
.Ltmp2:
0x21: {  	_ = 	snop;
	(pc) =	sbr.rel @p0 .LBB1_3-.Ltmp2, $1  }
0x22: {  	_ =	sdelay $0x3  }
0x23: {  	s24 =	sand.u32 $0x78, s13;
	s25 =	sshll.u32 s12, $0xA  }
0x24: {  	s26 =	sshll.u32 s13, $0x3;
	s27 =	sshll.u32 s12, $0x7;
	p0 =	sgt.s32 s16, $0x7  }
0x25: {  	s30 =	sshra.s32 s16, $0x1F;
	s28 =	smov.u32 s15;
	s25 =	sand.u32 $0xFFFFE000, s25  }
0x26: {  	s29 =	sand.u32 $0x380, s27;
	s27 =	smov.u32 s16;
	s25 =	sadd.s32 s25, s26  }
0x27: {  	s24 =	sor.u32 s24, s29;
	s27 =	simm.s32 @!p0 $0x7;
	s26 =	sand.u32 s30, s16  }
0x28: {  	p0 =	sgt.s32 s15, $0x2;
	s29 =	sshra.s32 s15, $0x1F;
	s26 =	ssub.s32 s27, s26  }
0x29: {  	s28 =	simm.s32 @!p0 $0x2;
	s31 =	sand.u32 s29, s15;
	s25 =	sshrl.u32 s25, $0xA  }
0x2a: {  	s30 =	sadd.s32 $0xFFFFFFF9, s26;
	s27 =	ssub.s32 s28, s31;
	s26 =	ssub.s32 $0x8, s26  }
0x2b: {  	s31 =	sshra.s32 s14, $0x1F;
	p0 =	sgt.s32 s30, $0x0;
	s28 =	sadd.s32 $0xFFFFFFFE, s27  }
0x2c: {  	s27 =	ssub.s32 $0x3, s27;
	s26 =	simm.s32 @p0 $0x0;
	p0 =	sgt.s32 s28, $0x0  }
0x2d: {  	s28 =	smov.u32 s14;
	s27 =	simm.s32 @p0 $0x0;
	p0 =	sgt.s32 s14, $0xFFFFFFE8  }
0x2e: {  	s30 =	sand.u32 s31, s14;
	s31 =	sshra.s32 s12, $0x1F;
	s28 =	simm.s32 @!p0 $0xFFFFFFE8  }
0x2f: {  	s29 =	sand.u32 s31, s12;
	s26 =	smul.u32 s26, s27;
	s27 =	ssub.s32 s28, s30  }
0x30: {  	p0 =	sgt.s32 s12, $0x16;
	s28 =	smov.u32 s12;
	s30 =	sadd.s32 $0x18, s27  }
0x31: {  	s28 =	simm.s32 @!p0 $0x16;
	s27 =	ssub.s32 $0x28, s27;
	p0 =	sgt.s32 s30, $0x3F  }
0x32: {  	s28 =	ssub.s32 s28, s29;
	s29 =	smulhi.u32 $0xAAAAAAB, s25;
	s27 =	simm.s32 @p0 $0x0  }
0x33: {  	s23 =	sxor.u32 $0xFFFFFFFF, s17;
	s31 =	sadd.s32 $0xFFFFFFEA, s28;
	s26 =	smul.u32 s27, s26  }
0x34: {  	p0 =	sgt.s32 s31, $0x1;
	s27 =	ssub.s32 $0x18, s28;
	s28 =	smov.u32 s13  }
0x35: {  	s31 =	sshra.s32 s13, $0x1F;
	s27 =	simm.s32 @p0 $0x0;
	p0 =	sgt.s32 s13, $0x380  }
0x36: {  	s29 =	smul.u32 $0x18, s29;
	s30 =	sand.u32 s31, s13;
	s28 =	simm.s32 @!p0 $0x380  }
0x37: {  	s23 =	sshll.u32 s23, $0xE;
	s31 =	smul.u32 $0xC00, s14;
	s30 =	ssub.s32 s28, s30  }
0x38: {  	s25 =	ssub.s32 s25, s29;
	s29 =	smul.u32 $0x5A000, s16;
	s28 =	sadd.s32 $0xFFFFFC80, s30  }
0x39: {  	s23 =	sand.u32 $0x4000, s23;
	p0 =	sgt.s32 s28, $0x7F;
	s28 =	smul.u32 $0x1E000, s15  }
0x3a: {  	s26 =	smul.u32 s27, s26;
	s27 =	ssub.s32 $0x400, s30;
	s29 =	sadd.s32 s3, s29  }
0x3b: {  	s24 =	sshrl.u32 s24, $0x3;
	s27 =	simm.s32 @p0 $0x0;
	s28 =	sadd.s32 s28, s29  }
0x3c: {  	s26 =	smul.u32 s27, s26;
	s29 =	sand.u32 $0x7, s13;
	s27 =	sadd.s32 s31, s28  }
0x3d: {  	s25 =	sshll.u32 s25, $0x7;
	s30 =	sshll.u32 s29, $0x12;
	s24 =	sadd.s32 s24, s27  }
0x3e: {  	s26 =	sand.u32 $0x3FFFFFFF, s26;
	s31 =	sor.u32 $0x100, s30;
	s24 =	sadd.s32 s25, s24  }
0x3f: {  	[tilespmem:s23], [sflag:$0x1] =	stream.strided.gather [hbm4b:s24+s31], s26, s10, s31, $0x38;
	[tilespmem:$0x10200] =	vst v63  }
.LBB1_3:
0x40: {  	s23 =	sadd.s32 $0xFFFFFFFF, s17  }
0x41: {  	p0 =	sge.u32 s23, s6  }
.Ltmp3:
0x42: {  	_ = 	snop;
	(pc) =	sbr.rel @p0 .LBB1_9-.Ltmp3, $1  }
0x43: {  	_ =	sdelay $0x3  }
0x44: {  	p0 =	sgt.s32 s22, $0x7;
	s23 =	smov.u32 s22;
	s24 =	sshra.s32 s22, $0x1F  }
0x45: {  	s23 =	simm.s32 @!p0 $0x7;
	s24 =	sand.u32 s24, s22  }
0x46: {  	p1 =	sgt.s32 s21, $0x2;
	s25 =	sshra.s32 s21, $0x1F;
	s23 =	ssub.s32 s23, s24  }
0x47: {  	s26 =	sshra.s32 s18, $0x1F;
	s31 =	sshra.s32 s19, $0x1F;
	s24 =	sadd.s32 $0xFFFFFFF9, s23  }
0x48: {  	s28 =	sshra.s32 s20, $0x1F;
	p0 =	sgt.s32 s24, $0x0;
	s24 =	smov.u32 s21  }
0x49: {  	s25 =	sand.u32 s25, s21;
	s26 =	sand.u32 s26, s18;
	s24 =	simm.s32 @!p1 $0x2  }
0x4a: {  	p1 =	sgt.s32 s18, $0xFFFFFFE8;
	s24 =	ssub.s32 s24, s25;
	s25 =	smov.u32 s18  }
0x4b: {  	s23 =	ssub.s32 $0x8, s23;
	s27 =	sadd.s32 $0xFFFFFFFE, s24;
	s25 =	simm.s32 @!p1 $0xFFFFFFE8  }
0x4c: {  	s24 =	ssub.s32 $0x3, s24;
	p1 =	sgt.s32 s27, $0x0;
	s25 =	ssub.s32 s25, s26  }
0x4d: {  	s23 =	simm.s32 @p0 $0x0;
	s24 =	simm.s32 @p1 $0x0;
	s26 =	sadd.s32 $0x18, s25  }
0x4e: {  	s23 =	smul.u32 s23, s24;
	p0 =	sgt.s32 s26, $0x3F;
	s24 =	ssub.s32 $0x28, s25  }
0x4f: {  	s25 =	smov.u32 s19;
	s24 =	simm.s32 @p0 $0x0;
	p0 =	sgt.s32 s19, $0x16  }
0x50: {  	s27 =	sand.u32 s31, s19;
	s23 =	smul.u32 s24, s23;
	s25 =	simm.s32 @!p0 $0x16  }
0x51: {  	p0 =	sgt.s32 s20, $0x380;
	s24 =	ssub.s32 s25, s27;
	s25 =	smov.u32 s20  }
0x52: {  	s26 =	sand.u32 s28, s20;
	s29 =	sadd.s32 $0xFFFFFFEA, s24;
	s25 =	simm.s32 @!p0 $0x380  }
0x53: {  	s24 =	ssub.s32 $0x18, s24;
	p0 =	sgt.s32 s29, $0x1;
	s25 =	ssub.s32 s25, s26  }
0x54: {  	s24 =	simm.s32 @p0 $0x0;
	s26 =	sadd.s32 $0xFFFFFC80, s25  }
0x55: {  	s23 =	smul.u32 s24, s23;
	p0 =	sgt.s32 s26, $0x7F;
	s24 =	ssub.s32 $0x400, s25  }
0x56: {  	s24 =	simm.s32 @p0 $0x0  }
0x57: {  	s23 =	smul.u32 s24, s23;
	_ =	sdelay $0x1  }
0x58: {  	s30 =	sand.u32 $0x1, s17;
	s23 =	sand.u32 $0x3FFFFFFF, s23  }
0x59: {  	s31 =	smul.u32 $0x10400, s30;
	_ =	swait.ge [sflag:s5], s23  }
0x5a: {  	s23 =	ssub.s32 $0x0, s23;
	[sflag:s5] =	ssyncset.done $0x0  }
0x5b: {  	[sflag:s5] =	ssyncadd.s32 s23;
	s23 =	sshrl.u32 s31, $0x2  }
0x5c: {  	s25 =	sshll.u32 s30, $0xE;
	s26 =	simm.s32 $0x0;
	s24 =	sor.u32 $0x8000, s23  }
.LBB1_5:
0x5d: {  	s27 =	sshll.u32 s26, $0x8  }
0x5e: {  	s27 =	sand.u32 $0x3FFFFF00, s27  }
0x5f: {  	s27 =	sadd.s32 s27, s25  }
0x60: {  	v0 =	vmov s27;
	_ =	sdelay $0x1  }
0x61: {  	p0 =	por $0x1, $0x1;
	s27 =	simm.s32 $0x0  }
.LBB1_6:
0x62: {  	s28 =	sshll.u32 s27, $0x7  }
0x63: {  	s28 =	sand.u32 $0x3FFFFF80, s28  }
0x64: {  	s27 =	smul.u32 $0x8200, s27;
	v1 =	vld.idx.msk [tilespmem:v0+s28+$0x0 ss:$0x1], $0xffff  }
0x65: {  	v2 =	vld.idx.msk [tilespmem:v0+s28+$0x10 ss:$0x1], $0xffff  }
0x66: {  	s27 =	sshra.s32 s27, $0x2;
	v3 =	vld.idx.msk [tilespmem:v0+s28+$0x20 ss:$0x1], $0xffff  }
0x67: {  	v4 =	vld.idx.msk [tilespmem:v0+s28+$0x30 ss:$0x1], $0xffff;
	s27 =	sadd.s32 s27, s24  }
0x68: {  	v5 =	vld.idx.msk [tilespmem:v0+s28+$0x40 ss:$0x1], $0xffff;
	s27 =	sadd.s32 s26, s27  }
0x69: {  	[tilespmem:s27+$0x0 ss:$0x41] =	vst.msk $0xffff, v1;
	v1 =	vld.idx.msk [tilespmem:v0+s28+$0x50 ss:$0x1], $0xffff  }
0x6a: {  	[tilespmem:s27+$0x410 ss:$0x41] =	vst.msk $0xffff, v2;
	v2 =	vld.idx.msk [tilespmem:v0+s28+$0x60 ss:$0x1], $0xffff  }
0x6b: {  	p1 =	por p0, p0;
	[tilespmem:s27+$0x820 ss:$0x41] =	vst.msk $0xffff, v3;
	v3 =	vld.idx.msk [tilespmem:v0+s28+$0x70 ss:$0x1], $0xffff  }
.Ltmp4:
0x6c: {  	[tilespmem:s27+$0xC30 ss:$0x41] =	vst.msk $0xffff, v4;
	(pc) =	sbr.rel @p1 .LBB1_6-.Ltmp4, $4  }
0x6d: {  	[tilespmem:s27+$0x1040 ss:$0x41] =	vst.msk $0xffff, v5  }
0x6e: {  	[tilespmem:s27+$0x1450 ss:$0x41] =	vst.msk $0xffff, v1  }
0x6f: {  	[tilespmem:s27+$0x1860 ss:$0x41] =	vst.msk $0xffff, v2  }
0x70: {  	p0 =	por $0x0, $0x0;
	[tilespmem:s27+$0x1C70 ss:$0x41] =	vst.msk $0xffff, v3;
	s27 =	simm.s32 $0x1  }
0x71: {  	s26 =	sadd.s32 $0x1, s26  }
0x72: {  	p0 =	sne.s32 s26, $0x40  }
.Ltmp5:
0x73: {  	_ = 	snop;
	(pc) =	sbr.rel @p0 .LBB1_5-.Ltmp5, $1  }
0x74: {  	_ =	sdelay $0x3  }
0x75: {  	s20 =	sshll.u32 s20, $0x7;
	s22 =	smul.u32 $0x120000, s22  }
0x76: {  	s25 =	sshll.u32 s18, $0x3;
	s21 =	smul.u32 $0x60000, s21;
	s19 =	sshll.u32 s19, $0xE  }
0x77: {  	s28 =	sshrl.u32 s18, $0x3;
	s30 =	sand.u32 $0x7, s18;
	s26 =	sand.u32 $0x1FC00, s20  }
0x78: {  	s25 =	sand.u32 $0x1FC00, s25;
	s20 =	sand.u32 $0x380, s20;
	s18 =	sshll.u32 s30, $0x12  }
0x79: {  	s25 =	sadd.s32 s25, s26;
	s21 =	sadd.s32 s22, s21;
	s22 =	sand.u32 $0xF, s28  }
0x7a: {  	s20 =	sor.u32 s20, s25;
	s29 =	sadd.s32 s21, s19;
	s21 =	sadd.s32 s21, s8  }
0x7b: {  	s20 =	sshrl.u32 s20, $0x3;
	s25 =	sadd.s32 s4, s29;
	s19 =	sadd.s32 s19, s21  }
.Ltmp6:
0x7c: {  	s20 =	sand.u32 $0x3FF0, s20;
	s25 =	sadd.s32 s22, s25;
	(pc) =	sbr.rel .LBB1_9-.Ltmp6, $4  }
0x7d: {  	s18 =	sor.u32 $0x40, s18;
	s19 =	sadd.s32 s22, s19;
	s25 =	sadd.s32 s20, s25  }
0x7e: {  	[hbm4b:s25+s18] =	stream.strided.scatter [tilespmem:s24], [sflag:$0x2], $0x2000, s11, s18, $0x18;
	[tilespmem:$0x10200] =	vst v63  }
0x7f: {  	s31 =	sadd.s32 $0xA080, s23;
	s19 =	sadd.s32 s20, s19  }
0x80: {  	[hbm4b:s19+s18] =	stream.strided.scatter [tilespmem:s31], [sflag:$0x2], $0x2000, s11, s18, $0x18;
	[tilespmem:$0x10200] =	vst v63  }
.LBB1_10:
0x81: {  	_ =	sfence.sel $0x180000  }
0x82: {  	s2 =	simm.s32 $0x1;
	[bflag:$0x0] =	sbarrier.arrive $0xFFFF  }
0x83: {  	s31 =	simm.s32 $0x2;
	[sflag:s2] =	ssyncpa.u1 $0x1  }
0x84: {  	[sflag:s31] =	ssyncpa.u1 $0x1  }
0x85: {  	p0 =	sne.s32 s0, $0x0;
	_ =	strace $0x90000056  }
0x86: {  	s0 =	sadd.s32 @!p0 $0x100000, s1;
	[bflag:$0x2] =	sbarrier.arrive $0xFFFF  }
0x87: {  	[sflag:s0] =	ssyncadd.tile.s32 @!p0 $0x1;
	_ =	shalt  }
.Lfunc_end1:
_tile_overlayer_lowered:
.L_overlay_start_2:
0x88: {  	(tag) =	ssettag $0x2  }
0x89: {  	s0 =	rddreg [dreg:$0x0];
	s2 =	stileid.u32  }
0x8a: {  	s1 =	rddreg [dreg:$0x1];
	p0 =	sne.s32 s2, $0x0  }
0x8b: {  	s3 =	rddreg [dreg:$0x2];
	[bflag:$0x3] =	sbarrier.arrive $0xFFFF;
	s2 =	simm.s32 @!p0 $0x1C01  }
0x8c: {  	[timem:s3], [sflag:s2] =	dma.local @!p0 [hbm:s0], s1  }
0x8d: {  	s0 =	simm.s32 @!p0 $0x1  }
0x8e: {  	_ =	swait.ge @!p0 [sflag:s0], s1  }
0x8f: {  	s1 =	ssub.s32 @!p0 $0x0, s1;
	[sflag:s0] =	ssyncset.done @!p0 $0x0  }
0x90: {  	[sflag:s0] =	ssyncadd.s32 @!p0 s1  }
0x91: {  	[bflag:$0x3] =	sbarrier.arrive $0xFFFF  }
0x92: {  	_ =	shalt  }

// kernel: sparse-core-data-format-call.9.cloned.1.call-start
scs
called_computation.9_lowered:
.L_overlay_start_0:
0x0: {  	s1 =	sld [smem:$0x3FD9]  }
0x1: {  	s2 =	sld [smem:$0x3FFE];
	_ =	sdelay $0x1  }
0x2: {  	s3 =	srdreg.scid  }
0x3: {  	s0 =	sand.u32 $0x1, s3  }
0x4: {  	s17 =	sshll.u32 s0, $0xA;
	s1 =	sadd.s32 s2, s1  }
0x5: {  	s1 =	sadd.s32 s1, s17  }
0x6: {  	[smem:$0x3FA3] =	sst s1  }
0x7: {  	_ = 	snop  }
0x8: {  	(tm) =	ssettm $0x1  }
0x9: {  	s18 =	sld [smem:$0x3FFB];
	_ =	sdelay $0x3  }
0xa: {  	_ =	strace s18  }
0xb: {  	s1 =	sld [smem:$0x3FFC];
	_ =	sdelay $0x3  }
0xc: {  	_ =	strace s1  }
0xd: {  	s1 =	sld [smem:$0x3FFD];
	_ =	sdelay $0x3  }
0xe: {  	_ =	strace s1  }
0xf: {  	_ =	strace $0x8FFFFFFF  }
0x10: {  	s19 =	sld [smem:$0x3FDB];
	_ =	sdelay $0x1  }
0x11: {  	s20 =	simm.s32 $_scs_section_size  }
0x12: {  	s4 =	simm.s32 $_size__tile_overlayer_lowered;
	s5 =	simm.s32 $_tile_overlayer_lowered  }
0x13: {  	s23 =	simm.s32 $0x1BFF;
	s22 =	sshll.u32 s5, $0x1;
	s1 =	sadd.s32 s20, s19  }
0x14: {  	s6 =	simm.s32 $0x0;
	s21 =	sshll.u32 s4, $0x1;
	s4 =	sadd.s32 s22, s1  }
0x15: {  	[timem:s6], [sflag:s23] =	dma.local [hbm:s4], s21  }
0x16: {  	_ =	swait.ge [sflag:s23], s21  }
0x17: {  	s2 =	ssub.s32 $0x0, s21;
	[sflag:s23] =	ssyncset.done $0x0  }
0x18: {  	[sflag:s23] =	ssyncadd.s32 s2;
	_ =	sdelay $0x1  }
0x19: {  	s24 =	simm.s32 $0x1B8B  }
0x1a: {  	_ =	swait.ge [sflag:s24], $0x1  }
0x1b: {  	[sflag:s24] =	ssyncset.done $0x0  }
0x1c: {  	s26 =	simm.s32 $0x1B8E;
	s25 =	sld [smem:$0x3FFE];
	[sflag:s24] =	ssyncadd.s32 $0xFFFFFFFF  }
0x1d: {  	s27 =	simm.s32 $execute0_lowered;
	[smem:$0x3FD2] =	sst s26  }
0x1e: {  	s4 =	sshll.u32 s27, $0x1;
	_ =	strace $0x80000049;
	[dreg:$0x1] =	wrdreg $0xFFFFFFFF  }
0x1f: {  	s28 =	simm.s32 $_size_execute0_lowered;
	s1 =	sadd.s32 s1, s4;
	[dreg:$0x0] =	wrdreg $0x0  }
0x20: {  	s4 =	sshll.u32 s28, $0x1;
	[dreg:$0x2] =	wrdreg s1  }
0x21: {  	[dreg:$0x3] =	wrdreg s4  }
0x22: {  	[dreg:$0x4] =	wrdreg $0xC0  }
0x23: {  	_ =	task [dreg:s6], $0x5FFFF  }
0x24: {  	[dreg:$0x1] =	wrdreg $0xFFFFFFFF  }
0x25: {  	[dreg:$0x0] =	wrdreg $0x60  }
0x26: {  	[dreg:$0x2] =	wrdreg s25  }
0x27: {  	[dreg:$0x3] =	wrdreg $0x9  }
0x28: {  	_ =	task.clear_ibuf [dreg:s6], $0x4FFFF;
	_ =	strace $0x90000049  }
0x29: {  	s29 =	simm.s32 $0x9;
	_ =	strace $0x8000004B  }
0x2a: {  	_ =	swait.ge [sflag:s29], $0x1  }
0x2b: {  	[sflag:s29] =	ssyncadd.s32 $0xFFFFFFFF  }
0x2c: {  	_ =	strace $0x9000004B  }
0x2d: {  	_ =	sfence  }
0x2e: {  	s30 =	sld [smem:$0x0];
	_ =	sdelay $0x2  }
0x2f: {  	s31 =	sshll.u32 s3, $0xD;
	s3 =	sshrl.u32 s3, $0x2  }
0x30: {  	s2 =	sand.u32 $0x4000, s31;
	s1 =	sadd.s32 s3, s30  }
0x31: {  	s0 =	sor.u32 s2, s0;
	s1 =	sshll.u32 s1, $0x11  }
0x32: {  	s0 =	sor.u32 s1, s0  }
0x33: {  	s0 =	sadd.s32 $0x8F2B, s0  }
0x34: {  	[sflag:s0] =	ssyncadd.remote.s32 $0x1  }
0x35: {  	_ =	sfence.sel $0xFFFF  }
0x36: {  	[dreg:$0x0] =	wrdreg $0xFFFFFFFF;
	(pc) =	sbr.abs _section_cstart, $3  }
0x37: {  	[dreg:$0x1] =	wrdreg $0xFFFFFFFF  }
0x38: {  	_ =	task.clear_ibuf [dreg:s6], $0x2FFFF;
	_ =	strace $0x9FFFFFFF  }
0x39: {  	(tm) =	ssettm $0x7FFFFFFF  }
tec
execute0_lowered:
.L_overlay_start_1:
0x0: {  	(tag) =	ssettag $0x1  }
0x1: {  	s0 =	stileid.u32;
	s1 =	srdreg.scid  }
0x2: {  	s4 =	rddreg [dreg:$0x0];
	s7 =	simm.s32 $0x1;
	s31 =	simm.s32 $0x2  }
0x3: {  	s16 =	simm.s32 $0x0;
	s2 =	sshll.u32 s0, $0x4;
	s1 =	sshll.u32 s1, $0x8  }
0x4: {  	s9 =	simm.s32 $0x2000;
	s14 =	simm.s32 $0x0;
	s1 =	sor.u32 s2, s1  }
0x5: {  	s15 =	simm.s32 $0x0;
	s10 =	simm.s32 $0x0;
	s2 =	sand.u32 $0x180, s1  }
0x6: {  	s13 =	simm.s32 $0x0;
	s3 =	sadd.s32 $0x60800, s4;
	s5 =	ssub.s32 $0x400, s2  }
0x7: {  	s4 =	sadd.s32 $0x260800, s4;
	s1 =	rddreg [dreg:$0x1];
	s6 =	sand.u32 $0x180, s5  }
.Ltmp0:
0x8: {  	_ =	strace $0x8000004A;
	p0 =	sne.s32 s6, $0x0;
	(pc) =	sbr.rel .LBB1_1-.Ltmp0, $4  }
0x9: {  	s11 =	smov.u32 s2;
	s8 =	sshrl.u32 s5, $0x9;
	s7 =	simm.s32 @!p0 $0x0  }
0xa: {  	s5 =	sand.u32 $0x7, s0;
	s6 =	simm.s32 $0x1;
	s7 =	sadd.s32 s7, s8  }
0xb: {  	s12 =	smov.u32 s5;
	[sflag:s6] =	ssyncpa.u1 $0x0;
	s7 =	sshll.u32 s7, $0x4  }
0xc: {  	p0 =	por $0x0, $0x0;
	[sflag:s31] =	ssyncpa.u1 $0x0;
	s8 =	sor.u32 $0x1, s7  }
.LBB1_4:
0xd: {  	v5 =	vld [tilespmem:s20+$0xFFFFFFD0];
	[tilespmem:s19+$0x2040 ss:$0x81] =	vst.msk $0xffff, v1  }
0xe: {  	v58 =	vld [tilespmem:s20+$0xFFFFFFE0];
	[tilespmem:s19+$0x2850 ss:$0x81] =	vst.msk $0xffff, v2  }
0xf: {  	s21 =	sshra.s32 s21, $0x2;
	v59 =	vld [tilespmem:s20+$0xFFFFFFF0];
	[tilespmem:s19+$0x3060 ss:$0x81] =	vst.msk $0xffff, v3  }
0x10: {  	v60 =	vld [tilespmem:s20+$0x0];
	[tilespmem:s19+$0x0 ss:$0x81] =	vst.msk $0xffff, v0;
	s18 =	sadd.s32 s21, s18  }
0x11: {  	v61 =	vld [tilespmem:s20+$0x10];
	[tilespmem:s18+$0x3870 ss:$0x81] =	vst.msk $0xffff, v4  }
0x12: {  	v62 =	vld [tilespmem:s20+$0x20];
	s26 =	sshll.u32 s16, $0xA;
	s27 =	sshll.u32 s14, $0x3;
	[tilespmem:s18+$0x810 ss:$0x81] =	vst.msk $0xffff, v5  }
0x13: {  	v63 =	vld [tilespmem:s20+$0xFFFFFFC0];
	s29 =	sshll.u32 s16, $0x7;
	s30 =	sand.u32 $0x78, s14;
	s15 =	sshll.u32 s15, $0x12;
	[tilespmem:s18+$0x1020 ss:$0x81] =	vst.msk $0xffff, v58  }
0x14: {  	s19 =	sand.u32 $0x1FE000, s26;
	s28 =	sand.u32 $0x1FFC00, s27;
	s16 =	sand.u32 $0x380, s29;
	[tilespmem:s18+$0x1830 ss:$0x81] =	vst.msk $0xffff, v59  }
0x15: {  	s31 =	sand.u32 $0x7, s14;
	s19 =	sadd.s32 s28, s19;
	s16 =	sor.u32 s30, s16;
	[tilespmem:s18+$0x2040 ss:$0x81] =	vst.msk $0xffff, v60  }
0x16: {  	s15 =	sadd.s32 s4, s15;
	s19 =	sshrl.u32 s19, $0x3;
	s16 =	sshrl.u32 s16, $0x3;
	[tilespmem:s18+$0x2850 ss:$0x81] =	vst.msk $0xffff, v61  }
0x17: {  	s14 =	sshll.u32 s31, $0x12;
	s19 =	sand.u32 $0x3FF80, s19;
	s15 =	sadd.s32 s16, s15;
	[tilespmem:s18+$0x3060 ss:$0x81] =	vst.msk $0xffff, v62  }
0x18: {  	s14 =	sor.u32 $0x400, s14;
	[tilespmem:s18+$0x0 ss:$0x81] =	vst.msk $0xffff, v63;
	s15 =	sadd.s32 s19, s15  }
0x19: {  	[hbm4b:s15+s14] =	stream.strided.scatter [tilespmem:s17], [sflag:$0x2], $0x4000, s9, s14, $0x20;
	[tilespmem:$0x10100] =	vst v63  }
.LBB1_5:
0x1a: {  	s17 =	sadd.s32 $0x80, s10  }
0x1b: {  	s14 =	sadd.s32 $0x200, s11;
	s18 =	smov.u32 s11;
	p2 =	sgt.s32 s17, $0x7FF  }
0x1c: {  	s18 =	smov.u32 @p2 s14  }
0x1d: {  	s20 =	smov.u32 s12;
	s14 =	sadd.s32 $0x8, s12;
	p3 =	sgt.s32 s18, $0x3FF  }
0x1e: {  	s20 =	smov.u32 @p3 s14  }
0x1f: {  	s17 =	simm.s32 @p2 $0x0;
	p2 =	sgt.s32 s20, $0x7  }
0x20: {  	p1 =	slt.u32 s13, $0x2;
	s20 =	smov.u32 @p2 s5;
	p2 =	sne.s32 s13, s8  }
.Ltmp1:
0x21: {  	s19 =	simm.s32 @!p1 $0x2;
	(pc) =	sbr.rel @!p2 .LBB1_6-.Ltmp1, $4  }
0x22: {  	s16 =	smov.u32 s10;
	s15 =	smov.u32 s12;
	_ =	swait.ge @!p1 [sflag:s19], $0x4000  }
0x23: {  	p0 =	por !p0, !p0;
	[sflag:s19] =	ssyncset.done @!p1 $0x0;
	s10 =	smov.u32 s17  }
0x24: {  	s18 =	smov.u32 @p3 s2;
	s14 =	smov.u32 s11;
	[sflag:s19] =	ssyncadd.s32 @!p1 $0xFFFFC000  }
0x25: {  	s11 =	smov.u32 s18;
	s13 =	sadd.s32 $0x1, s13;
	s12 =	smov.u32 s20  }
.LBB1_1:
0x26: {  	p1 =	sge.u32 s13, s7;
	s31 =	sadd.s32 $0xFFFFFFFF, s13  }
0x27: {  	s17 =	sxor.u32 @!p1 $0xFFFFFFFF, s13;
	s18 =	sand.u32 @!p1 $0x78, s10;
	s19 =	sshll.u32 @!p1 s11, $0xB  }
0x28: {  	s20 =	sshll.u32 @!p1 s11, $0x7;
	s21 =	sshll.u32 @!p1 s10, $0x3;
	s17 =	sshll.u32 @!p1 s17, $0xE  }
0x29: {  	s19 =	sand.u32 @!p1 $0x1FC000, s19;
	s20 =	sand.u32 @!p1 $0x380, s20;
	s17 =	sand.u32 @!p1 $0x4000, s17  }
0x2a: {  	s19 =	sadd.s32 @!p1 s19, s21;
	s21 =	sand.u32 @!p1 $0x400, s21;
	s18 =	sor.u32 @!p1 s20, s18  }
0x2b: {  	s20 =	sshll.u32 @!p1 s12, $0x12;
	s18 =	sor.u32 @!p1 s21, s18;
	s19 =	sshrl.u32 @!p1 s19, $0x3  }
0x2c: {  	s20 =	sadd.s32 @!p1 s3, s20;
	s21 =	sand.u32 @!p1 $0x7, s10;
	s19 =	sand.u32 @!p1 $0x3FF00, s19  }
0x2d: {  	s18 =	sshrl.u32 @!p1 s18, $0x3;
	s19 =	sadd.s32 @!p1 s19, s20;
	s20 =	sshll.u32 @!p1 s21, $0x12  }
0x2e: {  	s18 =	sadd.s32 @!p1 s18, s19;
	s19 =	sor.u32 @!p1 $0x400, s20;
	s20 =	simm.s32 @!p1 $0x4000  }
0x2f: {  	[tilespmem:s17], [sflag:$0x1] =	stream.strided.gather @!p1 [hbm4b:s18+s19], $0x4000, s20, s19, $0x38;
	[tilespmem:$0x10100] =	vst v63  }
0x30: {  	p1 =	sge.u32 s31, s7  }
.Ltmp2:
0x31: {  	_ = 	snop;
	(pc) =	sbr.rel @p1 .LBB1_5-.Ltmp2, $1  }
0x32: {  	_ =	sdelay $0x3  }
0x33: {  	s17 =	simm.s32 $0x1  }
0x34: {  	_ =	swait.ge [sflag:s6], $0x4000;
	s17 =	simm.s32 @!p0 $0x0  }
0x35: {  	[sflag:s6] =	ssyncset.done $0x0;
	s18 =	sshll.u32 s17, $0xE  }
0x36: {  	[sflag:s6] =	ssyncadd.s32 $0xFFFFC000;
	s20 =	sor.u32 $0x40, s18  }
0x37: {  	s17 =	smul.u32 $0x10200, s17;
	v0 =	vld [tilespmem:s20+$0x30]  }
0x38: {  	v3 =	vld [tilespmem:s20+$0xFFFFFFD0]  }
0x39: {  	s17 =	sshrl.u32 s17, $0x2;
	v4 =	vld [tilespmem:s20+$0xFFFFFFE0]  }
0x3a: {  	v5 =	vld [tilespmem:s20+$0xFFFFFFF0];
	s18 =	sor.u32 $0x8000, s17  }
0x3b: {  	s31 =	sand.u32 $0x1, s13;
	v1 =	vld [tilespmem:s20+$0x0];
	s19 =	sadd.s32 $0x0, s18  }
0x3c: {  	v2 =	vld [tilespmem:s20+$0x10];
	s17 =	smul.u32 $0x10200, s31;
	[tilespmem:s19+$0x3870 ss:$0x81] =	vst.msk $0xffff, v0  }
0x3d: {  	[tilespmem:s19+$0x810 ss:$0x81] =	vst.msk $0xffff, v3;
	v3 =	vld [tilespmem:s20+$0x20]  }
0x3e: {  	s17 =	sshrl.u32 s17, $0x2;
	v0 =	vld [tilespmem:s20+$0xFFFFFFC0];
	[tilespmem:s19+$0x1020 ss:$0x81] =	vst.msk $0xffff, v4;
	s20 =	sadd.s32 $0x80, s20  }
0x3f: {  	s21 =	simm.s32 $0x4;
	s22 =	simm.s32 $0x8;
	s17 =	sor.u32 $0x8000, s17;
	[tilespmem:s19+$0x1830 ss:$0x81] =	vst.msk $0xffff, v5;
	v4 =	vld [tilespmem:s20+$0x30]  }
.LBB1_3:
0x40: {  	p1 =	sne.s32 s22, $0x1FC;
	v5 =	vld [tilespmem:s20+$0xFFFFFFD0];
	[tilespmem:s19+$0x2040 ss:$0x81] =	vst.msk $0xffff, v1  }
0x41: {  	v6 =	vld [tilespmem:s20+$0xFFFFFFE0];
	[tilespmem:s19+$0x2850 ss:$0x81] =	vst.msk $0xffff, v2  }
0x42: {  	s23 =	sshra.s32 s21, $0x2;
	s21 =	smov.u32 s22;
	v7 =	vld [tilespmem:s20+$0xFFFFFFF0];
	[tilespmem:s19+$0x3060 ss:$0x81] =	vst.msk $0xffff, v3  }
.Ltmp3:
0x43: {  	v1 =	vld [tilespmem:s20+$0x0];
	[tilespmem:s19+$0x0 ss:$0x81] =	vst.msk $0xffff, v0;
	s19 =	sadd.s32 s23, s18;
	(pc) =	sbr.rel @p1 .LBB1_3-.Ltmp3, $4  }
0x44: {  	v2 =	vld [tilespmem:s20+$0x10];
	[tilespmem:s19+$0x3870 ss:$0x81] =	vst.msk $0xffff, v4  }
0x45: {  	[tilespmem:s19+$0x810 ss:$0x81] =	vst.msk $0xffff, v5;
	v3 =	vld [tilespmem:s20+$0x20]  }
0x46: {  	v0 =	vld [tilespmem:s20+$0xFFFFFFC0];
	[tilespmem:s19+$0x1020 ss:$0x81] =	vst.msk $0xffff, v6;
	s20 =	sadd.s32 $0x80, s20  }
0x47: {  	s22 =	sadd.s32 $0x4, s22;
	v4 =	vld [tilespmem:s20+$0x30];
	[tilespmem:s19+$0x1830 ss:$0x81] =	vst.msk $0xffff, v7  }
.Ltmp4:
0x48: {  	_ = 	snop;
	(pc) =	sbr.rel .LBB1_4-.Ltmp4, $1  }
0x49: {  	_ =	sdelay $0x3  }
.LBB1_6:
0x4a: {  	_ =	sfence.sel $0x180000  }
0x4b: {  	s2 =	simm.s32 $0x1;
	[bflag:$0x0] =	sbarrier.arrive $0xFFFF  }
0x4c: {  	s31 =	simm.s32 $0x2;
	[sflag:s2] =	ssyncpa.u1 $0x1  }
0x4d: {  	[sflag:s31] =	ssyncpa.u1 $0x1  }
0x4e: {  	p0 =	sne.s32 s0, $0x0;
	_ =	strace $0x9000004A  }
0x4f: {  	s0 =	sadd.s32 @!p0 $0x100000, s1;
	[bflag:$0x2] =	sbarrier.arrive $0xFFFF  }
0x50: {  	[sflag:s0] =	ssyncadd.tile.s32 @!p0 $0x1;
	_ =	shalt  }
.Lfunc_end1:
_tile_overlayer_lowered:
.L_overlay_start_2:
0x51: {  	(tag) =	ssettag $0x2  }
0x52: {  	s0 =	rddreg [dreg:$0x0];
	s2 =	stileid.u32  }
0x53: {  	s1 =	rddreg [dreg:$0x1];
	p0 =	sne.s32 s2, $0x0  }
0x54: {  	s3 =	rddreg [dreg:$0x2];
	[bflag:$0x3] =	sbarrier.arrive $0xFFFF;
	s2 =	simm.s32 @!p0 $0x1C01  }
0x55: {  	[timem:s3], [sflag:s2] =	dma.local @!p0 [hbm:s0], s1  }
0x56: {  	s0 =	simm.s32 @!p0 $0x1  }
0x57: {  	_ =	swait.ge @!p0 [sflag:s0], s1  }
0x58: {  	s1 =	ssub.s32 @!p0 $0x0, s1;
	[sflag:s0] =	ssyncset.done @!p0 $0x0  }
0x59: {  	[sflag:s0] =	ssyncadd.s32 @!p0 s1  }
0x5a: {  	[bflag:$0x3] =	sbarrier.arrive $0xFFFF  }
0x5b: {  	_ =	shalt  }

// kernel: sparse-core-data-format-call.cloned.1.call-start
scs
called_computation_lowered:
.L_overlay_start_0:
0x0: {  	s1 =	sld [smem:$0x3FD9]  }
0x1: {  	s2 =	sld [smem:$0x3FFE];
	_ =	sdelay $0x1  }
0x2: {  	s3 =	srdreg.scid  }
0x3: {  	s0 =	sand.u32 $0x1, s3  }
0x4: {  	s17 =	sshll.u32 s0, $0xA;
	s1 =	sadd.s32 s2, s1  }
0x5: {  	s1 =	sadd.s32 s1, s17  }
0x6: {  	[smem:$0x3FA3] =	sst s1  }
0x7: {  	_ = 	snop  }
0x8: {  	(tm) =	ssettm $0x1  }
0x9: {  	s18 =	sld [smem:$0x3FFB];
	_ =	sdelay $0x3  }
0xa: {  	_ =	strace s18  }
0xb: {  	s1 =	sld [smem:$0x3FFC];
	_ =	sdelay $0x3  }
0xc: {  	_ =	strace s1  }
0xd: {  	s1 =	sld [smem:$0x3FFD];
	_ =	sdelay $0x3  }
0xe: {  	_ =	strace s1  }
0xf: {  	_ =	strace $0x8FFFFFFF  }
0x10: {  	s19 =	sld [smem:$0x3FDB];
	_ =	sdelay $0x1  }
0x11: {  	s20 =	simm.s32 $_scs_section_size  }
0x12: {  	s4 =	simm.s32 $_size__tile_overlayer_lowered;
	s5 =	simm.s32 $_tile_overlayer_lowered  }
0x13: {  	s23 =	simm.s32 $0x1BFF;
	s22 =	sshll.u32 s5, $0x1;
	s1 =	sadd.s32 s20, s19  }
0x14: {  	s6 =	simm.s32 $0x0;
	s21 =	sshll.u32 s4, $0x1;
	s4 =	sadd.s32 s22, s1  }
0x15: {  	[timem:s6], [sflag:s23] =	dma.local [hbm:s4], s21  }
0x16: {  	_ =	swait.ge [sflag:s23], s21  }
0x17: {  	s2 =	ssub.s32 $0x0, s21;
	[sflag:s23] =	ssyncset.done $0x0  }
0x18: {  	[sflag:s23] =	ssyncadd.s32 s2;
	_ =	sdelay $0x1  }
0x19: {  	s24 =	simm.s32 $0x1B8B  }
0x1a: {  	_ =	swait.ge [sflag:s24], $0x1  }
0x1b: {  	[sflag:s24] =	ssyncset.done $0x0  }
0x1c: {  	s26 =	simm.s32 $0x1B8E;
	s25 =	sld [smem:$0x3FFE];
	[sflag:s24] =	ssyncadd.s32 $0xFFFFFFFF  }
0x1d: {  	s27 =	simm.s32 $execute0_lowered;
	[smem:$0x3FD2] =	sst s26  }
0x1e: {  	s4 =	sshll.u32 s27, $0x1;
	_ =	strace $0x8000007C;
	[dreg:$0x1] =	wrdreg $0xFFFFFFFF  }
0x1f: {  	s28 =	simm.s32 $_size_execute0_lowered;
	s1 =	sadd.s32 s1, s4;
	[dreg:$0x0] =	wrdreg $0x0  }
0x20: {  	s4 =	sshll.u32 s28, $0x1;
	[dreg:$0x2] =	wrdreg s1  }
0x21: {  	[dreg:$0x3] =	wrdreg s4  }
0x22: {  	[dreg:$0x4] =	wrdreg $0xC0  }
0x23: {  	_ =	task [dreg:s6], $0x5FFFF  }
0x24: {  	[dreg:$0x1] =	wrdreg $0xFFFFFFFF  }
0x25: {  	[dreg:$0x0] =	wrdreg $0x60  }
0x26: {  	[dreg:$0x2] =	wrdreg s25  }
0x27: {  	[dreg:$0x3] =	wrdreg $0x9  }
0x28: {  	_ =	task.clear_ibuf [dreg:s6], $0x4FFFF;
	_ =	strace $0x9000007C  }
0x29: {  	s29 =	simm.s32 $0x9;
	_ =	strace $0x8000007E  }
0x2a: {  	_ =	swait.ge [sflag:s29], $0x1  }
0x2b: {  	[sflag:s29] =	ssyncadd.s32 $0xFFFFFFFF  }
0x2c: {  	_ =	strace $0x9000007E  }
0x2d: {  	_ =	sfence  }
0x2e: {  	s30 =	sld [smem:$0x0];
	_ =	sdelay $0x2  }
0x2f: {  	s31 =	sshll.u32 s3, $0xD;
	s3 =	sshrl.u32 s3, $0x2  }
0x30: {  	s2 =	sand.u32 $0x4000, s31;
	s1 =	sadd.s32 s3, s30  }
0x31: {  	s0 =	sor.u32 s2, s0;
	s1 =	sshll.u32 s1, $0x11  }
0x32: {  	s0 =	sor.u32 s1, s0  }
0x33: {  	s0 =	sadd.s32 $0x8F2B, s0  }
0x34: {  	[sflag:s0] =	ssyncadd.remote.s32 $0x1  }
0x35: {  	_ =	sfence.sel $0xFFFF  }
0x36: {  	[dreg:$0x0] =	wrdreg $0xFFFFFFFF;
	(pc) =	sbr.abs _section_cstart, $3  }
0x37: {  	[dreg:$0x1] =	wrdreg $0xFFFFFFFF  }
0x38: {  	_ =	task.clear_ibuf [dreg:s6], $0x2FFFF;
	_ =	strace $0x9FFFFFFF  }
0x39: {  	(tm) =	ssettm $0x7FFFFFFF  }
tec
execute0_lowered:
.L_overlay_start_1:
0x0: {  	(tag) =	ssettag $0x1  }
0x1: {  	s1 =	srdreg.scid  }
0x2: {  	s0 =	stileid.u32;
	s4 =	rddreg [dreg:$0x0];
	s1 =	sshll.u32 s1, $0x4  }
0x3: {  	s5 =	simm.s32 $0x1;
	s8 =	simm.s32 $0x2;
	s1 =	sor.u32 s0, s1  }
0x4: {  	s14 =	simm.s32 $0x0;
	s9 =	simm.s32 $0x80;
	s2 =	sand.u32 $0x18, s1  }
0x5: {  	s15 =	simm.s32 $0x0;
	s16 =	simm.s32 $0x0;
	s3 =	ssub.s32 $0x28, s2  }
0x6: {  	s10 =	simm.s32 $0x0;
	s7 =	sand.u32 $0x7, s0;
	s31 =	sand.u32 $0x18, s3  }
0x7: {  	s13 =	simm.s32 $0x0;
	s12 =	smov.u32 s7;
	p0 =	sne.s32 s31, $0x0  }
.Ltmp0:
0x8: {  	s6 =	sshrl.u32 s3, $0x5;
	s5 =	simm.s32 @!p0 $0x0;
	(pc) =	sbr.rel .LBB1_1-.Ltmp0, $4  }
0x9: {  	s1 =	rddreg [dreg:$0x1];
	_ =	strace $0x8000007D;
	s6 =	sadd.s32 s5, s6  }
0xa: {  	s11 =	smov.u32 s2;
	s5 =	simm.s32 $0x1;
	s6 =	smul.u32 $0x24, s6  }
0xb: {  	s3 =	sadd.s32 $0x2D0000, s4;
	s4 =	sadd.s32 $0x1260A00, s4;
	[sflag:s5] =	ssyncpa.u1 $0x0  }
0xc: {  	p0 =	por $0x0, $0x0;
	[sflag:s8] =	ssyncpa.u1 $0x0;
	s8 =	sor.u32 $0x1, s6  }
.LBB1_7:
0xd: {  	s17 =	sadd.s32 $0x10, s10  }
0xe: {  	s14 =	sadd.s32 $0x20, s11;
	s18 =	smov.u32 s11;
	p2 =	sgt.s32 s17, $0x23F  }
0xf: {  	s18 =	smov.u32 @p2 s14  }
0x10: {  	s20 =	smov.u32 s12;
	s14 =	sadd.s32 $0x8, s12;
	p3 =	sgt.s32 s18, $0x27  }
0x11: {  	s20 =	smov.u32 @p3 s14  }
0x12: {  	s17 =	simm.s32 @p2 $0x0;
	p2 =	sgt.s32 s20, $0x7  }
0x13: {  	p1 =	slt.u32 s13, $0x2;
	s20 =	smov.u32 @p2 s7;
	p2 =	sne.s32 s13, s8  }
.Ltmp1:
0x14: {  	s19 =	simm.s32 @!p1 $0x2;
	(pc) =	sbr.rel @!p2 .LBB1_8-.Ltmp1, $4  }
0x15: {  	s15 =	smov.u32 s11;
	s16 =	smov.u32 s12;
	_ =	swait.ge @!p1 [sflag:s19], $0x4000  }
0x16: {  	p0 =	por !p0, !p0;
	[sflag:s19] =	ssyncset.done @!p1 $0x0;
	s18 =	smov.u32 @p3 s2  }
0x17: {  	s14 =	smov.u32 s10;
	[sflag:s19] =	ssyncadd.s32 @!p1 $0xFFFFC000;
	s10 =	smov.u32 s17  }
0x18: {  	s11 =	smov.u32 s18;
	s13 =	sadd.s32 $0x1, s13;
	s12 =	smov.u32 s20  }
.LBB1_1:
0x19: {  	p1 =	sge.u32 s13, s6  }
0x1a: {  	s17 =	sand.u32 @!p1 $0x1FFFFFF, s10  }
0x1b: {  	s18 =	smulhi.u32 @!p1 $0xE38E39, s17  }
0x1c: {  	s19 =	smul.u32 @!p1 $0x5A000, s12  }
0x1d: {  	s21 =	smul.u32 @!p1 $0x2400, s11;
	s18 =	sshrl.u32 @!p1 s18, $0x1  }
0x1e: {  	s18 =	smul.u32 @!p1 $0x240, s18  }
0x1f: {  	s31 =	sadd.s32 $0xFFFFFFFF, s13;
	s19 =	sadd.s32 @!p1 s3, s19  }
0x20: {  	s20 =	sxor.u32 @!p1 $0xFFFFFFFF, s13;
	s19 =	sadd.s32 @!p1 s21, s19;
	s17 =	ssub.s32 @!p1 s17, s18  }
0x21: {  	s18 =	sshll.u32 @!p1 s20, $0xE;
	s20 =	simm.s32 @!p1 $0x12000;
	s17 =	sshll.u32 @!p1 s17, $0x4  }
0x22: {  	s18 =	sand.u32 @!p1 $0x4000, s18;
	s17 =	sadd.s32 @!p1 s17, s19;
	s19 =	simm.s32 @!p1 $0x800  }
0x23: {  	[tilespmem:s18], [sflag:$0x1] =	stream.strided.gather @!p1 [hbm4b:s17+s19], $0x4000, s20, s19, $0x38;
	[tilespmem:$0x11000] =	vst v63  }
0x24: {  	p1 =	sge.u32 s31, s6  }
.Ltmp2:
0x25: {  	_ = 	snop;
	(pc) =	sbr.rel @p1 .LBB1_7-.Ltmp2, $1  }
0x26: {  	_ =	sdelay $0x3  }
0x27: {  	s17 =	simm.s32 $0x1;
	s19 =	sand.u32 $0x1, s13  }
0x28: {  	_ =	swait.ge [sflag:s5], $0x4000;
	s17 =	simm.s32 @!p0 $0x0;
	s20 =	smul.u32 $0x12000, s19  }
0x29: {  	[sflag:s5] =	ssyncset.done $0x0;
	s18 =	smul.u32 $0x12000, s17  }
0x2a: {  	s17 =	sshll.u32 s17, $0xE;
	[sflag:s5] =	ssyncadd.s32 $0xFFFFC000  }
0x2b: {  	s19 =	sor.u32 $0x40, s17;
	s31 =	sshrl.u32 s20, $0x2;
	s18 =	sshrl.u32 s18, $0x2  }
0x2c: {  	s20 =	simm.s32 $0x0;
	s17 =	sor.u32 $0x8000, s31;
	s18 =	sor.u32 $0x8000, s18  }
.LBB1_3:
0x2d: {  	v0 =	vld [tilespmem:s19+$0x30]  }
0x2e: {  	v1 =	vld [tilespmem:s19+$0xFFFFFFD0]  }
0x2f: {  	v5 =	vld [tilespmem:s19+$0xFFFFFFE0]  }
0x30: {  	v6 =	vld [tilespmem:s19+$0xFFFFFFF0]  }
0x31: {  	s21 =	sadd.s32 $0x0, s18;
	v2 =	vld [tilespmem:s19+$0x0]  }
0x32: {  	v3 =	vld [tilespmem:s19+$0x10];
	[tilespmem:s21+$0x3F0 ss:$0x9] =	vst.msk $0xffff, v0  }
0x33: {  	v4 =	vld [tilespmem:s19+$0x20];
	[tilespmem:s21+$0x90 ss:$0x9] =	vst.msk $0xffff, v1  }
0x34: {  	s22 =	sadd.s32 $0x80, s19;
	v0 =	vld [tilespmem:s19+$0xFFFFFFC0];
	[tilespmem:s21+$0x120 ss:$0x9] =	vst.msk $0xffff, v5  }
0x35: {  	s23 =	simm.s32 $0x1200;
	s24 =	simm.s32 $0x2400;
	v1 =	vld [tilespmem:s22+$0x30];
	[tilespmem:s21+$0x1B0 ss:$0x9] =	vst.msk $0xffff, v6  }
.LBB1_4:
0x36: {  	p1 =	sne.s32 s24, $0x10E00;
	v5 =	vld [tilespmem:s22+$0xFFFFFFD0];
	[tilespmem:s21+$0x240 ss:$0x9] =	vst.msk $0xffff, v2  }
0x37: {  	v6 =	vld [tilespmem:s22+$0xFFFFFFE0];
	[tilespmem:s21+$0x2D0 ss:$0x9] =	vst.msk $0xffff, v3  }
0x38: {  	s25 =	sshra.s32 s23, $0x2;
	s23 =	smov.u32 s24;
	v7 =	vld [tilespmem:s22+$0xFFFFFFF0];
	[tilespmem:s21+$0x360 ss:$0x9] =	vst.msk $0xffff, v4  }
.Ltmp3:
0x39: {  	v2 =	vld [tilespmem:s22+$0x0];
	[tilespmem:s21+$0x0 ss:$0x9] =	vst.msk $0xffff, v0;
	s21 =	sadd.s32 s25, s18;
	(pc) =	sbr.rel @p1 .LBB1_4-.Ltmp3, $4  }
0x3a: {  	v3 =	vld [tilespmem:s22+$0x10];
	[tilespmem:s21+$0x3F0 ss:$0x9] =	vst.msk $0xffff, v1  }
0x3b: {  	[tilespmem:s21+$0x90 ss:$0x9] =	vst.msk $0xffff, v5;
	v4 =	vld [tilespmem:s22+$0x20]  }
0x3c: {  	v0 =	vld [tilespmem:s22+$0xFFFFFFC0];
	[tilespmem:s21+$0x120 ss:$0x9] =	vst.msk $0xffff, v6;
	s22 =	sadd.s32 $0x80, s22  }
0x3d: {  	s24 =	sadd.s32 $0x1200, s24;
	v1 =	vld [tilespmem:s22+$0x30];
	[tilespmem:s21+$0x1B0 ss:$0x9] =	vst.msk $0xffff, v7  }
0x3e: {  	v5 =	vld [tilespmem:s22+$0xFFFFFFD0];
	[tilespmem:s21+$0x240 ss:$0x9] =	vst.msk $0xffff, v2  }
0x3f: {  	v58 =	vld [tilespmem:s22+$0xFFFFFFE0];
	[tilespmem:s21+$0x2D0 ss:$0x9] =	vst.msk $0xffff, v3  }
0x40: {  	s23 =	sshra.s32 s23, $0x2;
	v59 =	vld [tilespmem:s22+$0xFFFFFFF0];
	[tilespmem:s21+$0x360 ss:$0x9] =	vst.msk $0xffff, v4  }
0x41: {  	v60 =	vld [tilespmem:s22+$0x0];
	s23 =	sadd.s32 s23, s18;
	[tilespmem:s21+$0x0 ss:$0x9] =	vst.msk $0xffff, v0  }
0x42: {  	v61 =	vld [tilespmem:s22+$0x10];
	[tilespmem:s23+$0x3F0 ss:$0x9] =	vst.msk $0xffff, v1  }
0x43: {  	v62 =	vld [tilespmem:s22+$0x20];
	s20 =	sadd.s32 $0x1, s20;
	[tilespmem:s23+$0x90 ss:$0x9] =	vst.msk $0xffff, v5  }
0x44: {  	v63 =	vld [tilespmem:s22+$0xFFFFFFC0];
	p1 =	sne.s32 s20, $0x8;
	[tilespmem:s23+$0x120 ss:$0x9] =	vst.msk $0xffff, v58  }
.Ltmp4:
0x45: {  	[tilespmem:s23+$0x1B0 ss:$0x9] =	vst.msk $0xffff, v59;
	(pc) =	sbr.rel @p1 .LBB1_3-.Ltmp4, $4  }
0x46: {  	[tilespmem:s23+$0x240 ss:$0x9] =	vst.msk $0xffff, v60  }
0x47: {  	[tilespmem:s23+$0x2D0 ss:$0x9] =	vst.msk $0xffff, v61  }
0x48: {  	[tilespmem:s23+$0x360 ss:$0x9] =	vst.msk $0xffff, v62  }
0x49: {  	s19 =	sadd.s32 $0x800, s19;
	s18 =	sadd.s32 $0x1, s18;
	[tilespmem:s23+$0x0 ss:$0x9] =	vst.msk $0xffff, v63  }
0x4a: {  	s16 =	smul.u32 $0x120000, s16  }
0x4b: {  	s18 =	sand.u32 $0x780, s15  }
.Ltmp5:
0x4c: {  	s14 =	sshll.u32 s14, $0xB;
	s16 =	sadd.s32 s4, s16;
	(pc) =	sbr.rel .LBB1_7-.Ltmp5, $4  }
0x4d: {  	s19 =	sshrl.u32 s15, $0x3;
	s30 =	sand.u32 $0x7, s15;
	s16 =	sadd.s32 s18, s16  }
0x4e: {  	s31 =	sand.u32 $0xF, s19;
	s15 =	sshll.u32 s30, $0x12;
	s14 =	sadd.s32 s14, s16  }
0x4f: {  	s15 =	sor.u32 $0x8, s15;
	s14 =	sadd.s32 s31, s14  }
0x50: {  	[hbm4b:s14+s15] =	stream.strided.scatter [tilespmem:s17], [sflag:$0x2], $0x4000, s9, s15, $0x0;
	[tilespmem:$0x11000] =	vst v63  }
.LBB1_8:
0x51: {  	_ =	sfence.sel $0x180000  }
0x52: {  	s2 =	simm.s32 $0x1;
	[bflag:$0x0] =	sbarrier.arrive $0xFFFF  }
0x53: {  	s31 =	simm.s32 $0x2;
	[sflag:s2] =	ssyncpa.u1 $0x1  }
0x54: {  	[sflag:s31] =	ssyncpa.u1 $0x1  }
0x55: {  	p0 =	sne.s32 s0, $0x0;
	_ =	strace $0x9000007D  }
0x56: {  	s0 =	sadd.s32 @!p0 $0x100000, s1;
	[bflag:$0x2] =	sbarrier.arrive $0xFFFF  }
0x57: {  	[sflag:s0] =	ssyncadd.tile.s32 @!p0 $0x1;
	_ =	shalt  }
.Lfunc_end1:
_tile_overlayer_lowered:
.L_overlay_start_2:
0x58: {  	(tag) =	ssettag $0x2  }
0x59: {  	s0 =	rddreg [dreg:$0x0];
	s2 =	stileid.u32  }
0x5a: {  	s1 =	rddreg [dreg:$0x1];
	p0 =	sne.s32 s2, $0x0  }
0x5b: {  	s3 =	rddreg [dreg:$0x2];
	[bflag:$0x3] =	sbarrier.arrive $0xFFFF;
	s2 =	simm.s32 @!p0 $0x1C01  }
0x5c: {  	[timem:s3], [sflag:s2] =	dma.local @!p0 [hbm:s0], s1  }
0x5d: {  	s0 =	simm.s32 @!p0 $0x1  }
0x5e: {  	_ =	swait.ge @!p0 [sflag:s0], s1  }
0x5f: {  	s1 =	ssub.s32 @!p0 $0x0, s1;
	[sflag:s0] =	ssyncset.done @!p0 $0x0  }
0x60: {  	[sflag:s0] =	ssyncadd.s32 @!p0 s1  }
0x61: {  	[bflag:$0x3] =	sbarrier.arrive $0xFFFF  }
0x62: {  	_ =	shalt  }

</sc_bundles>
